<compile_context>
chip_gen: v7x
topology: tpu7x:2x2x1
jax: 0.10.2.dev20260603
libtpu: 0.0.44.dev20260713+nightly
codegen_flags: <defaults>
</compile_context>

<pallas_src>
import functools

import jax
import jax.numpy as jnp
import numpy as np
from jax import lax
from jax.experimental import pallas as pl
from jax.experimental.pallas import tpu as pltpu
from jax.experimental.pallas import tpu_sc as plsc

N = 100000
F = 128
NUM_SEG = 16
RATIO = 4

NC = 2
NS = 16
NW = NC * NS
L = 16

R = 400
N_SC = 36000
NB = N_SC // R

TC_CHUNK = 4000
N_TC = N - N_SC
TC_STEPS = N_TC // TC_CHUNK


def _sc_segment_sum(x, batch):
    mesh = plsc.VectorSubcoreMesh(core_axis_name="c", subcore_axis_name="s")

    @functools.partial(
        pl.kernel,
        mesh=mesh,
        out_type=jax.ShapeDtypeStruct((NW, NUM_SEG, F), jnp.float32),
        compiler_params=pltpu.CompilerParams(needs_layout_passes=False),
        scratch_types=[
            pltpu.VMEM((2 * R, F), jnp.float32),
            pltpu.VMEM((2 * R,), jnp.int32),
            pltpu.VMEM((NUM_SEG, F), jnp.float32),
            pltpu.SemaphoreType.DMA,
            pltpu.SemaphoreType.DMA,
        ],
    )
    def body(x_hbm, b_hbm, out_hbm, xb, bb, acc, sem0, sem1):
        wid = lax.axis_index("s") * NC + lax.axis_index("c")
        iota = lax.broadcasted_iota(jnp.int32, (L,), 0)
        zeros = jnp.zeros((L,), jnp.float32)
        sems = (sem0, sem1)

        def zero_body(i, _):
            for c in range(F // L):
                acc[i, pl.ds(c * L, L)] = zeros
            return 0

        lax.fori_loop(0, NUM_SEG, zero_body, 0)

        def dma_start(b, s):
            pltpu.async_copy(x_hbm.at[pl.ds(b * R, R), :],
                             xb.at[pl.ds(s * R, R), :], sems[s])
            pltpu.async_copy(b_hbm.at[pl.ds(b * R, R)],
                             bb.at[pl.ds(s * R, R)], sems[s])

        def dma_wait(b, s):
            pltpu.make_async_copy(
                x_hbm.at[pl.ds(b * R, R), :],
                xb.at[pl.ds(s * R, R), :], sems[s]).wait()
            pltpu.make_async_copy(
                b_hbm.at[pl.ds(b * R, R)],
                bb.at[pl.ds(s * R, R)], sems[s]).wait()

        def _tree_group_sum(row0, c):
            v = [xb[row0 + j, pl.ds(c * L, L)] for j in range(L)]
            while len(v) > 1:
                v = [v[i] + v[i + 1] for i in range(0, len(v), 2)]
            return v[0]

        def compute(base):
            bhead = bb[pl.ds(base, L)]
            btail = bb[pl.ds(base + R - L, L)]
            block_uniform = jnp.all(bhead == btail)

            @pl.when(block_uniform)
            def _uniform_block():
                def gb(g, carry):
                    return tuple(
                        carry[c] + _tree_group_sum(base + g * L, c)
                        for c in range(F // L))

                tot = lax.fori_loop(
                    0, R // L, gb,
                    tuple(jnp.zeros((L,), jnp.float32) for _ in range(F // L)))
                for c in range(F // L):
                    plsc.addupdate_scatter(acc, [bhead, iota + c * L], tot[c])

            @pl.when(jnp.logical_not(block_uniform))
            def _mixed_block():
                def group_body(g, _):
                    row0 = base + g * L
                    bvec = bb[pl.ds(row0, L)]
                    b0 = bvec.at[jnp.zeros((L,), jnp.int32)].get(
                        mode="promise_in_bounds")
                    uniform = jnp.all(bvec == b0)

                    @pl.when(uniform)
                    def _fast():
                        for c in range(F // L):
                            v = _tree_group_sum(row0, c)
                            plsc.addupdate_scatter(acc, [bvec, iota + c * L], v)

                    @pl.when(jnp.logical_not(uniform))
                    def _slow():
                        def row_body(j, _):
                            bj = bvec.at[jnp.full((L,), 0, jnp.int32) + j].get(
                                mode="promise_in_bounds")
                            for c in range(F // L):
                                v = xb[row0 + j, pl.ds(c * L, L)]
                                plsc.addupdate_scatter(
                                    acc, [bj, iota + c * L], v)
                            return 0

                        lax.fori_loop(0, L, row_body, 0)

                    return 0

                lax.fori_loop(0, R // L, group_body, 0)

        nblk = (NB - 1 - wid) // NW + 1
        dma_start(wid, 0)

        def blk_body(k, _):
            b = wid + NW * k
            par = lax.rem(k, 2)
            has_next = b + NW < NB

            @pl.when(has_next & (par == 0))
            def _p0():
                dma_start(b + NW, 1)

            @pl.when(has_next & (par == 1))
            def _p1():
                dma_start(b + NW, 0)

            @pl.when(par == 0)
            def _w0():
                dma_wait(b, 0)

            @pl.when(par == 1)
            def _w1():
                dma_wait(b, 1)

            compute(par * R)
            return 0

        lax.fori_loop(0, nblk, blk_body, 0)

        pltpu.sync_copy(acc, out_hbm.at[wid])

    return body(x, batch)


def _tc_partial(x, batch3):

    def body(b_ref, x_ref, out_ref):
        i = pl.program_id(0)

        @pl.when(i == 0)
        def _init():
            out_ref[...] = jnp.zeros_like(out_ref)

        seg = lax.broadcasted_iota(jnp.int32, (NUM_SEG, TC_CHUNK), 0)
        oh = (b_ref[0, 0, :][None, :] == seg).astype(jnp.float32)
        out_ref[...] += lax.dot_general(
            oh, x_ref[...], (((1,), (0,)), ((), ())),
            preferred_element_type=jnp.float32)

    return pl.pallas_call(
        body,
        grid=(TC_STEPS,),
        in_specs=[
            pl.BlockSpec((1, 1, TC_CHUNK),
                         lambda i: (N_SC // TC_CHUNK + i, 0, 0)),
            pl.BlockSpec((TC_CHUNK, F), lambda i: (N_SC // TC_CHUNK + i, 0)),
        ],
        out_specs=pl.BlockSpec((NUM_SEG, F), lambda i: (0, 0)),
        out_shape=jax.ShapeDtypeStruct((NUM_SEG, F), jnp.float32),
    )(batch3, x)


def _tc_combine(sc_partials, tc_partial, seed_nodes, W_rel, W_root, b_rel2):

    def body(p_ref, t_ref, seed_ref, wrel_ref, wroot_ref, brel_ref, out_ref):
        S = jnp.sum(p_ref[...], axis=0) + t_ref[...]
        A = lax.dot_general(S, wrel_ref[...], (((1,), (1,)), ((), ())),
                            preferred_element_type=jnp.float32)
        B = lax.dot_general(seed_ref[...], wroot_ref[...], (((1,), (1,)), ((), ())),
                            preferred_element_type=jnp.float32)
        o3 = A[:, None, :] + B[None, :, :] + brel_ref[...][None, :, :]
        out_ref[...] = o3.reshape(NUM_SEG * RATIO, F)

    return pl.pallas_call(
        body,
        out_shape=jax.ShapeDtypeStruct((NUM_SEG * RATIO, F), jnp.float32),
    )(sc_partials, tc_partial, seed_nodes, W_rel, W_root, b_rel2)


def kernel(x, batch, seed_nodes, W_rel, W_root, b_rel):
    sc_partials = _sc_segment_sum(x, batch)
    tc_part = _tc_partial(x, batch.reshape(N // TC_CHUNK, 1, TC_CHUNK))
    out = _tc_combine(sc_partials, tc_part, seed_nodes, W_rel, W_root,
                      b_rel.reshape(1, F))
    new_batchidx = jnp.asarray(
        np.repeat(np.arange(NUM_SEG, dtype=np.int32), RATIO))
    return out, new_batchidx

# --- scband reference (transcript-rebuilt; emitter-appended) ---
"""Pipeline reference for scband-bipartite-pooling-51170240365321 (READ-ONLY COPY).

The authoritative reference and input builder live on the scoring server;
editing this copy changes nothing except your own understanding.
"""

import jax, jax.numpy as jnp
import numpy as np

N = 100000
F = 128
RATIO = 4
NUM_GRAPHS = 16


def setup_inputs(seed: int = 0) -> dict:
    key = jax.random.key(seed)
    k1, k2, k3, k4, k5 = jax.random.split(key, 5)
    x = jax.random.normal(k1, (N, F), dtype=jnp.float32)
    batch = jnp.sort(jax.random.randint(k2, (N,), 0, NUM_GRAPHS)).astype(jnp.int32)
    # learned parameters
    seed_nodes = jax.random.normal(k3, (RATIO, F), dtype=jnp.float32)  # Parameter, normal_() init
    # GraphConv(128, 128, aggr='add') parameters: lin_rel (with bias) + lin_root (no bias)
    scale = 1.0 / np.sqrt(F)
    W_rel = jax.random.uniform(k4, (F, F), dtype=jnp.float32, minval=-scale, maxval=scale)
    W_root = jax.random.uniform(k5, (F, F), dtype=jnp.float32, minval=-scale, maxval=scale)
    b_rel = jnp.zeros((F,), dtype=jnp.float32)
    return {"x": x, "batch": batch, "seed_nodes": seed_nodes, "W_rel": W_rel, "W_root": W_root, "b_rel": b_rel}


def reference(x, batch, seed_nodes, W_rel, W_root, b_rel):
    batch = batch.astype(jnp.int32)
    batch_size = NUM_GRAPHS
    ratio = seed_nodes.shape[0]
    n = x.shape[0]
    # x_aggrs = seed_nodes.repeat(batch_size, 1)
    x_aggrs = jnp.tile(seed_nodes, (batch_size, 1))
    # dense bipartite edge list
    source = jnp.repeat(jnp.arange(n, dtype=jnp.int32), ratio)
    target = jnp.tile(jnp.arange(ratio, dtype=jnp.int32), n) + jnp.repeat(batch, ratio) * ratio
    # GraphConv bipartite message passing: out = lin_rel(sum_{j->i} x_j) + lin_root(x_aggrs_i)
    msgs = x[source]
    agg = jnp.zeros((batch_size * ratio, x.shape[1]), dtype=x.dtype).at[target].add(msgs)
    out = agg @ W_rel.T + b_rel + x_aggrs @ W_root.T
    new_batchidx = jnp.repeat(jnp.arange(batch_size, dtype=jnp.int32), ratio)
    return out, new_batchidx

if __name__ == "__main__":
    import jax
    _d = setup_inputs()
    print(jax.jit(kernel)(*tuple(_d.values())))

</pallas_src>

<mosaic_0001>
#map = affine_map<(d0, d1) -> (0, 0)>
#map1 = affine_map<(d0, d1) -> (0)>
#map2 = affine_map<(d0, d1) -> (0, 0, 0)>
module attributes {stable_mosaic.version = 14 : i64} {
  func.func @body(%arg0: i32, %arg1: i32, %arg2: memref<100000x128xf32, #tpu.memory_space<hbm>>, %arg3: memref<100000xi32, #tpu.memory_space<hbm>>, %arg4: memref<32x16x128xf32, #tpu.memory_space<hbm>>, %arg5: memref<800x128xf32, #tpu.memory_space<vmem>>, %arg6: memref<800xi32, #tpu.memory_space<vmem>>, %arg7: memref<16x128xf32, #tpu.memory_space<vmem>>, %arg8: memref<!tpu.dma_semaphore, #tpu.memory_space<semaphore_mem>>, %arg9: memref<!tpu.dma_semaphore, #tpu.memory_space<semaphore_mem>>) attributes {dimension_semantics = [#tpu.dimension_semantics<core_parallel>, #tpu.dimension_semantics<subcore_parallel>], iteration_bounds = array<i64: 2, 16>, scalar_prefetch = 0 : i64, scratch_operands = 5 : i64, tpu.core_type = #tpu.core_type<sc_vector_subcore>, window_params = [{transform_indices = #map}, {transform_indices = #map1}, {transform_indices = #map2}]} {
    %mul3A = arith.constant 2 : i32
    %mul3A_0 = arith.muli %arg1, %mul3A : i32
    %add3A = arith.addi %mul3A_0, %arg0 : i32
    %iota3A = tpu.iota {dimensions = array<i32: 0>} : vector<16xi32>
    %broadcast_in_dim3A = arith.constant 0.000000e+00 : f32
    %broadcast_in_dim3A_1 = vector.broadcast %broadcast_in_dim3A : f32 to vector<16xf32>
    %scan3A = arith.constant 0 : i32
    %scan3A_2 = arith.constant 0 : i32
    %scan3A_3 = arith.constant 16 : i32
    %scan3A_4 = arith.addi %scan3A_2, %scan3A_3 : i32
    %scan3A_5 = arith.constant 1 : i32
    %scan3A_6 = scf.for %scan3A_58 = %scan3A_2 to %scan3A_4 step %scan3A_5 iter_args(%scan3A_59 = %scan3A) -> (i32)  : i32 {
      %swap3A = arith.index_cast %scan3A_58 : i32 to index
      %swap3A_60 = arith.constant 0 : index
      %swap3A_61 = tpu.vector_load %arg7[%swap3A, %swap3A_60] {strides = array<i32>} : memref<16x128xf32, #tpu.memory_space<vmem>>, vector<16xf32>,
      tpu.vector_store %arg7[%swap3A, %swap3A_60], %broadcast_in_dim3A_1 {strides = array<i32>} : memref<16x128xf32, #tpu.memory_space<vmem>>, vector<16xf32>,
      %swap3A_62 = arith.index_cast %scan3A_58 : i32 to index
      %swap3A_63 = arith.constant 16 : index
      %swap3A_64 = tpu.vector_load %arg7[%swap3A_62, %swap3A_63] {strides = array<i32>} : memref<16x128xf32, #tpu.memory_space<vmem>>, vector<16xf32>,
      tpu.vector_store %arg7[%swap3A_62, %swap3A_63], %broadcast_in_dim3A_1 {strides = array<i32>} : memref<16x128xf32, #tpu.memory_space<vmem>>, vector<16xf32>,
      %swap3A_65 = arith.index_cast %scan3A_58 : i32 to index
      %swap3A_66 = arith.constant 32 : index
      %swap3A_67 = tpu.vector_load %arg7[%swap3A_65, %swap3A_66] {strides = array<i32>} : memref<16x128xf32, #tpu.memory_space<vmem>>, vector<16xf32>,
      tpu.vector_store %arg7[%swap3A_65, %swap3A_66], %broadcast_in_dim3A_1 {strides = array<i32>} : memref<16x128xf32, #tpu.memory_space<vmem>>, vector<16xf32>,
      %swap3A_68 = arith.index_cast %scan3A_58 : i32 to index
      %swap3A_69 = arith.constant 48 : index
      %swap3A_70 = tpu.vector_load %arg7[%swap3A_68, %swap3A_69] {strides = array<i32>} : memref<16x128xf32, #tpu.memory_space<vmem>>, vector<16xf32>,
      tpu.vector_store %arg7[%swap3A_68, %swap3A_69], %broadcast_in_dim3A_1 {strides = array<i32>} : memref<16x128xf32, #tpu.memory_space<vmem>>, vector<16xf32>,
      %swap3A_71 = arith.index_cast %scan3A_58 : i32 to index
      %swap3A_72 = arith.constant 64 : index
      %swap3A_73 = tpu.vector_load %arg7[%swap3A_71, %swap3A_72] {strides = array<i32>} : memref<16x128xf32, #tpu.memory_space<vmem>>, vector<16xf32>,
      tpu.vector_store %arg7[%swap3A_71, %swap3A_72], %broadcast_in_dim3A_1 {strides = array<i32>} : memref<16x128xf32, #tpu.memory_space<vmem>>, vector<16xf32>,
      %swap3A_74 = arith.index_cast %scan3A_58 : i32 to index
      %swap3A_75 = arith.constant 80 : index
      %swap3A_76 = tpu.vector_load %arg7[%swap3A_74, %swap3A_75] {strides = array<i32>} : memref<16x128xf32, #tpu.memory_space<vmem>>, vector<16xf32>,
      tpu.vector_store %arg7[%swap3A_74, %swap3A_75], %broadcast_in_dim3A_1 {strides = array<i32>} : memref<16x128xf32, #tpu.memory_space<vmem>>, vector<16xf32>,
      %swap3A_77 = arith.index_cast %scan3A_58 : i32 to index
      %swap3A_78 = arith.constant 96 : index
      %swap3A_79 = tpu.vector_load %arg7[%swap3A_77, %swap3A_78] {strides = array<i32>} : memref<16x128xf32, #tpu.memory_space<vmem>>, vector<16xf32>,
      tpu.vector_store %arg7[%swap3A_77, %swap3A_78], %broadcast_in_dim3A_1 {strides = array<i32>} : memref<16x128xf32, #tpu.memory_space<vmem>>, vector<16xf32>,
      %swap3A_80 = arith.index_cast %scan3A_58 : i32 to index
      %swap3A_81 = arith.constant 112 : index
      %swap3A_82 = tpu.vector_load %arg7[%swap3A_80, %swap3A_81] {strides = array<i32>} : memref<16x128xf32, #tpu.memory_space<vmem>>, vector<16xf32>,
      tpu.vector_store %arg7[%swap3A_80, %swap3A_81], %broadcast_in_dim3A_1 {strides = array<i32>} : memref<16x128xf32, #tpu.memory_space<vmem>>, vector<16xf32>,
      %scan3A_83 = arith.constant 0 : i32
      scf.yield %scan3A_83 : i32
    }
    %scan3A_7 = arith.constant 16 : i32
    %sub3A = arith.constant 89 : i32
    %sub3A_8 = arith.subi %sub3A, %add3A : i32
    %jit3A = arith.constant 32 : i32
    %div3A = arith.divsi %sub3A_8, %jit3A : i32
    %sign3A = arith.constant 0 : i32
    %sign3A_9 = arith.cmpi sgt, %sub3A_8, %sign3A : i32
    %sign3A_10 = arith.extui %sign3A_9 : i1 to i32
    %sign3A_11 = arith.constant 0 : i32
    %sign3A_12 = arith.cmpi slt, %sub3A_8, %sign3A_11 : i32
    %sign3A_13 = arith.extui %sign3A_12 : i1 to i32
    %sign3A_14 = arith.subi %sign3A_10, %sign3A_13 : i32
    %sign3A_15 = arith.constant 0 : i32
    %sign3A_16 = arith.cmpi sgt, %jit3A, %sign3A_15 : i32
    %sign3A_17 = arith.extui %sign3A_16 : i1 to i32
    %sign3A_18 = arith.constant 0 : i32
    %sign3A_19 = arith.cmpi slt, %jit3A, %sign3A_18 : i32
    %sign3A_20 = arith.extui %sign3A_19 : i1 to i32
    %sign3A_21 = arith.subi %sign3A_17, %sign3A_20 : i32
    %ne3A = arith.cmpi ne, %sign3A_14, %sign3A_21 : i32
    %rem3A = arith.remsi %sub3A_8, %jit3A : i32
    %ne3A_22 = arith.constant 0 : i32
    %ne3A_23 = arith.cmpi ne, %rem3A, %ne3A_22 : i32
    %and3A = arith.andi %ne3A, %ne3A_23 : i1
    %sub3A_24 = arith.constant 1 : i32
    %sub3A_25 = arith.subi %div3A, %sub3A_24 : i32
    %select_n3A = arith.select %and3A, %sub3A_25, %div3A : i32
    %add3A_26 = arith.constant 1 : i32
    %add3A_27 = arith.addi %select_n3A, %add3A_26 : i32
    %mul3A_28 = arith.constant 400 : i32
    %mul3A_29 = arith.muli %add3A, %mul3A_28 : i32
    %dma_start3A = arith.constant 0 : i32
    %dma_start3A_30 = arith.constant 0 : i32
    %dma_start3A_31 = tpu.memref_slice %arg5[%dma_start3A, %dma_start3A_30] : memref<800x128xf32, #tpu.memory_space<vmem>> -> memref<400x128xf32, #tpu.memory_space<vmem>>
    %dma_start3A_32 = arith.constant 0 : i32
    %dma_start3A_33 = tpu.memref_slice %arg2[%mul3A_29, %dma_start3A_32] : memref<100000x128xf32, #tpu.memory_space<hbm>> -> memref<400x128xf32, #tpu.memory_space<hbm>>
    %dma_start3A_34 = arith.constant 0 : i32
    %dma_start3A_35 = arith.constant 0 : i32
    %dma_start3A_36 = tpu.memref_slice %arg5[%dma_start3A_34, %dma_start3A_35] : memref<800x128xf32, #tpu.memory_space<vmem>> -> memref<400x128xf32, #tpu.memory_space<vmem>>
    %dma_start3A_37 = arith.constant 0 : i32
    %dma_start3A_38 = tpu.memref_slice %arg2[%mul3A_29, %dma_start3A_37] : memref<100000x128xf32, #tpu.memory_space<hbm>> -> memref<400x128xf32, #tpu.memory_space<hbm>>
    tpu.enqueue_dma source(%dma_start3A_38 : memref<400x128xf32, #tpu.memory_space<hbm>>) target(%dma_start3A_36 : memref<400x128xf32, #tpu.memory_space<vmem>>) target_semaphore(%arg8 : memref<!tpu.dma_semaphore, #tpu.memory_space<semaphore_mem>>)
    %mul3A_39 = arith.constant 400 : i32
    %mul3A_40 = arith.muli %add3A, %mul3A_39 : i32
    %dma_start3A_41 = arith.constant 0 : i32
    %dma_start3A_42 = tpu.memref_slice %arg6[%dma_start3A_41] : memref<800xi32, #tpu.memory_space<vmem>> -> memref<400xi32, #tpu.memory_space<vmem>>
    %dma_start3A_43 = tpu.memref_slice %arg3[%mul3A_40] : memref<100000xi32, #tpu.memory_space<hbm>> -> memref<400xi32, #tpu.memory_space<hbm>>
    %dma_start3A_44 = arith.constant 0 : i32
    %dma_start3A_45 = tpu.memref_slice %arg6[%dma_start3A_44] : memref<800xi32, #tpu.memory_space<vmem>> -> memref<400xi32, #tpu.memory_space<vmem>>
    %dma_start3A_46 = tpu.memref_slice %arg3[%mul3A_40] : memref<100000xi32, #tpu.memory_space<hbm>> -> memref<400xi32, #tpu.memory_space<hbm>>
    tpu.enqueue_dma source(%dma_start3A_46 : memref<400xi32, #tpu.memory_space<hbm>>) target(%dma_start3A_45 : memref<400xi32, #tpu.memory_space<vmem>>) target_semaphore(%arg8 : memref<!tpu.dma_semaphore, #tpu.memory_space<semaphore_mem>>)
    %while3A = arith.constant 0 : i32
    %while3A_47 = arith.constant 0 : i32
    %while3A_48 = arith.subi %add3A_27, %while3A : i32
    %while3A_49 = arith.addi %while3A, %while3A_48 : i32
    %while3A_50 = arith.constant 1 : i32
    %while3A_51 = arith.divsi %while3A_48, %while3A_50 : i32
    %while3A_52 = arith.muli %while3A_51, %while3A_50 : i32
    %while3A_53 = arith.addi %while3A, %while3A_52 : i32
    %while3A_54 = arith.constant 1 : i32
    %while3A_55 = scf.for %while3A_58 = %while3A to %while3A_53 step %while3A_54 iter_args(%while3A_59 = %while3A_47) -> (i32)  : i32 {
      %mul3A_60 = arith.constant 32 : i32
      %mul3A_61 = arith.muli %mul3A_60, %while3A_58 : i32
      %add3A_62 = arith.addi %add3A, %mul3A_61 : i32
      %rem3A_63 = arith.constant 2 : i32
      %rem3A_64 = arith.remsi %while3A_58, %rem3A_63 : i32
      %add3A_65 = arith.constant 32 : i32
      %add3A_66 = arith.addi %add3A_62, %add3A_65 : i32
      %lt3A = arith.constant 90 : i32
      %lt3A_67 = arith.cmpi slt, %add3A_66, %lt3A : i32
      %eq3A = arith.constant 0 : i32
      %eq3A_68 = arith.cmpi eq, %rem3A_64, %eq3A : i32
      %and3A_69 = arith.andi %lt3A_67, %eq3A_68 : i1
      %convert_element_type3A = arith.extui %and3A_69 : i1 to i32
      %cond3A = arith.constant 0 : i32
      %cond3A_70 = arith.cmpi ne, %convert_element_type3A, %cond3A : i32
      scf.if %cond3A_70 {
        %add3A_115 = arith.constant 32 : i32
        %add3A_116 = arith.addi %add3A_62, %add3A_115 : i32
        %mul3A_117 = arith.constant 400 : i32
        %mul3A_118 = arith.muli %add3A_116, %mul3A_117 : i32
        %dma_start3A_119 = arith.constant 400 : i32
        %dma_start3A_120 = arith.constant 0 : i32
        %dma_start3A_121 = tpu.memref_slice %arg5[%dma_start3A_119, %dma_start3A_120] : memref<800x128xf32, #tpu.memory_space<vmem>> -> memref<400x128xf32, #tpu.memory_space<vmem>>
        %dma_start3A_122 = arith.constant 0 : i32
        %dma_start3A_123 = tpu.memref_slice %arg2[%mul3A_118, %dma_start3A_122] : memref<100000x128xf32, #tpu.memory_space<hbm>> -> memref<400x128xf32, #tpu.memory_space<hbm>>
        %dma_start3A_124 = arith.constant 400 : i32
        %dma_start3A_125 = arith.constant 0 : i32
        %dma_start3A_126 = tpu.memref_slice %arg5[%dma_start3A_124, %dma_start3A_125] : memref<800x128xf32, #tpu.memory_space<vmem>> -> memref<400x128xf32, #tpu.memory_space<vmem>>
        %dma_start3A_127 = arith.constant 0 : i32
        %dma_start3A_128 = tpu.memref_slice %arg2[%mul3A_118, %dma_start3A_127] : memref<100000x128xf32, #tpu.memory_space<hbm>> -> memref<400x128xf32, #tpu.memory_space<hbm>>
        tpu.enqueue_dma source(%dma_start3A_128 : memref<400x128xf32, #tpu.memory_space<hbm>>) target(%dma_start3A_126 : memref<400x128xf32, #tpu.memory_space<vmem>>) target_semaphore(%arg9 : memref<!tpu.dma_semaphore, #tpu.memory_space<semaphore_mem>>)
        %mul3A_129 = arith.constant 400 : i32
        %mul3A_130 = arith.muli %add3A_116, %mul3A_129 : i32
        %dma_start3A_131 = arith.constant 400 : i32
        %dma_start3A_132 = tpu.memref_slice %arg6[%dma_start3A_131] : memref<800xi32, #tpu.memory_space<vmem>> -> memref<400xi32, #tpu.memory_space<vmem>>
        %dma_start3A_133 = tpu.memref_slice %arg3[%mul3A_130] : memref<100000xi32, #tpu.memory_space<hbm>> -> memref<400xi32, #tpu.memory_space<hbm>>
        %dma_start3A_134 = arith.constant 400 : i32
        %dma_start3A_135 = tpu.memref_slice %arg6[%dma_start3A_134] : memref<800xi32, #tpu.memory_space<vmem>> -> memref<400xi32, #tpu.memory_space<vmem>>
        %dma_start3A_136 = tpu.memref_slice %arg3[%mul3A_130] : memref<100000xi32, #tpu.memory_space<hbm>> -> memref<400xi32, #tpu.memory_space<hbm>>
        tpu.enqueue_dma source(%dma_start3A_136 : memref<400xi32, #tpu.memory_space<hbm>>) target(%dma_start3A_135 : memref<400xi32, #tpu.memory_space<vmem>>) target_semaphore(%arg9 : memref<!tpu.dma_semaphore, #tpu.memory_space<semaphore_mem>>)
      } else {
      }
      %eq3A_71 = arith.constant 1 : i32
      %eq3A_72 = arith.cmpi eq, %rem3A_64, %eq3A_71 : i32
      %and3A_73 = arith.andi %lt3A_67, %eq3A_72 : i1
      %convert_element_type3A_74 = arith.extui %and3A_73 : i1 to i32
      %cond3A_75 = arith.constant 0 : i32
      %cond3A_76 = arith.cmpi ne, %convert_element_type3A_74, %cond3A_75 : i32
      scf.if %cond3A_76 {
        %add3A_115 = arith.constant 32 : i32
        %add3A_116 = arith.addi %add3A_62, %add3A_115 : i32
        %mul3A_117 = arith.constant 400 : i32
        %mul3A_118 = arith.muli %add3A_116, %mul3A_117 : i32
        %dma_start3A_119 = arith.constant 0 : i32
        %dma_start3A_120 = arith.constant 0 : i32
        %dma_start3A_121 = tpu.memref_slice %arg5[%dma_start3A_119, %dma_start3A_120] : memref<800x128xf32, #tpu.memory_space<vmem>> -> memref<400x128xf32, #tpu.memory_space<vmem>>
        %dma_start3A_122 = arith.constant 0 : i32
        %dma_start3A_123 = tpu.memref_slice %arg2[%mul3A_118, %dma_start3A_122] : memref<100000x128xf32, #tpu.memory_space<hbm>> -> memref<400x128xf32, #tpu.memory_space<hbm>>
        %dma_start3A_124 = arith.constant 0 : i32
        %dma_start3A_125 = arith.constant 0 : i32
        %dma_start3A_126 = tpu.memref_slice %arg5[%dma_start3A_124, %dma_start3A_125] : memref<800x128xf32, #tpu.memory_space<vmem>> -> memref<400x128xf32, #tpu.memory_space<vmem>>
        %dma_start3A_127 = arith.constant 0 : i32
        %dma_start3A_128 = tpu.memref_slice %arg2[%mul3A_118, %dma_start3A_127] : memref<100000x128xf32, #tpu.memory_space<hbm>> -> memref<400x128xf32, #tpu.memory_space<hbm>>
        tpu.enqueue_dma source(%dma_start3A_128 : memref<400x128xf32, #tpu.memory_space<hbm>>) target(%dma_start3A_126 : memref<400x128xf32, #tpu.memory_space<vmem>>) target_semaphore(%arg8 : memref<!tpu.dma_semaphore, #tpu.memory_space<semaphore_mem>>)
        %mul3A_129 = arith.constant 400 : i32
        %mul3A_130 = arith.muli %add3A_116, %mul3A_129 : i32
        %dma_start3A_131 = arith.constant 0 : i32
        %dma_start3A_132 = tpu.memref_slice %arg6[%dma_start3A_131] : memref<800xi32, #tpu.memory_space<vmem>> -> memref<400xi32, #tpu.memory_space<vmem>>
        %dma_start3A_133 = tpu.memref_slice %arg3[%mul3A_130] : memref<100000xi32, #tpu.memory_space<hbm>> -> memref<400xi32, #tpu.memory_space<hbm>>
        %dma_start3A_134 = arith.constant 0 : i32
        %dma_start3A_135 = tpu.memref_slice %arg6[%dma_start3A_134] : memref<800xi32, #tpu.memory_space<vmem>> -> memref<400xi32, #tpu.memory_space<vmem>>
        %dma_start3A_136 = tpu.memref_slice %arg3[%mul3A_130] : memref<100000xi32, #tpu.memory_space<hbm>> -> memref<400xi32, #tpu.memory_space<hbm>>
        tpu.enqueue_dma source(%dma_start3A_136 : memref<400xi32, #tpu.memory_space<hbm>>) target(%dma_start3A_135 : memref<400xi32, #tpu.memory_space<vmem>>) target_semaphore(%arg8 : memref<!tpu.dma_semaphore, #tpu.memory_space<semaphore_mem>>)
      } else {
      }
      %eq3A_77 = arith.constant 0 : i32
      %eq3A_78 = arith.cmpi eq, %rem3A_64, %eq3A_77 : i32
      %convert_element_type3A_79 = arith.extui %eq3A_78 : i1 to i32
      %cond3A_80 = arith.constant 0 : i32
      %cond3A_81 = arith.cmpi ne, %convert_element_type3A_79, %cond3A_80 : i32
      scf.if %cond3A_81 {
        %mul3A_115 = arith.constant 400 : i32
        %mul3A_116 = arith.muli %add3A_62, %mul3A_115 : i32
        %dma_wait3A = arith.constant 0 : i32
        %dma_wait3A_117 = arith.constant 0 : i32
        %dma_wait3A_118 = tpu.memref_slice %arg5[%dma_wait3A, %dma_wait3A_117] : memref<800x128xf32, #tpu.memory_space<vmem>> -> memref<400x128xf32, #tpu.memory_space<vmem>>
        %dma_wait3A_119 = arith.constant 0 : i32
        %dma_wait3A_120 = tpu.memref_slice %arg2[%mul3A_116, %dma_wait3A_119] : memref<100000x128xf32, #tpu.memory_space<hbm>> -> memref<400x128xf32, #tpu.memory_space<hbm>>
        %dma_wait3A_121 = arith.constant 0 : i32
        %dma_wait3A_122 = arith.constant 0 : i32
        %dma_wait3A_123 = tpu.memref_slice %arg5[%dma_wait3A_121, %dma_wait3A_122] : memref<800x128xf32, #tpu.memory_space<vmem>> -> memref<400x128xf32, #tpu.memory_space<vmem>>
        %dma_wait3A_124 = arith.constant 0 : i32
        %dma_wait3A_125 = tpu.memref_slice %arg2[%mul3A_116, %dma_wait3A_124] : memref<100000x128xf32, #tpu.memory_space<hbm>> -> memref<400x128xf32, #tpu.memory_space<hbm>>
        tpu.wait_dma2 semaphore(%arg8 : memref<!tpu.dma_semaphore, #tpu.memory_space<semaphore_mem>>) src(%dma_wait3A_125 : memref<400x128xf32, #tpu.memory_space<hbm>>) dst(%dma_wait3A_123 : memref<400x128xf32, #tpu.memory_space<vmem>>)
        %mul3A_126 = arith.constant 400 : i32
        %mul3A_127 = arith.muli %add3A_62, %mul3A_126 : i32
        %dma_wait3A_128 = arith.constant 0 : i32
        %dma_wait3A_129 = tpu.memref_slice %arg6[%dma_wait3A_128] : memref<800xi32, #tpu.memory_space<vmem>> -> memref<400xi32, #tpu.memory_space<vmem>>
        %dma_wait3A_130 = tpu.memref_slice %arg3[%mul3A_127] : memref<100000xi32, #tpu.memory_space<hbm>> -> memref<400xi32, #tpu.memory_space<hbm>>
        %dma_wait3A_131 = arith.constant 0 : i32
        %dma_wait3A_132 = tpu.memref_slice %arg6[%dma_wait3A_131] : memref<800xi32, #tpu.memory_space<vmem>> -> memref<400xi32, #tpu.memory_space<vmem>>
        %dma_wait3A_133 = tpu.memref_slice %arg3[%mul3A_127] : memref<100000xi32, #tpu.memory_space<hbm>> -> memref<400xi32, #tpu.memory_space<hbm>>
        tpu.wait_dma2 semaphore(%arg8 : memref<!tpu.dma_semaphore, #tpu.memory_space<semaphore_mem>>) src(%dma_wait3A_133 : memref<400xi32, #tpu.memory_space<hbm>>) dst(%dma_wait3A_132 : memref<400xi32, #tpu.memory_space<vmem>>)
      } else {
      }
      %eq3A_82 = arith.constant 1 : i32
      %eq3A_83 = arith.cmpi eq, %rem3A_64, %eq3A_82 : i32
      %convert_element_type3A_84 = arith.extui %eq3A_83 : i1 to i32
      %cond3A_85 = arith.constant 0 : i32
      %cond3A_86 = arith.cmpi ne, %convert_element_type3A_84, %cond3A_85 : i32
      scf.if %cond3A_86 {
        %mul3A_115 = arith.constant 400 : i32
        %mul3A_116 = arith.muli %add3A_62, %mul3A_115 : i32
        %dma_wait3A = arith.constant 400 : i32
        %dma_wait3A_117 = arith.constant 0 : i32
        %dma_wait3A_118 = tpu.memref_slice %arg5[%dma_wait3A, %dma_wait3A_117] : memref<800x128xf32, #tpu.memory_space<vmem>> -> memref<400x128xf32, #tpu.memory_space<vmem>>
        %dma_wait3A_119 = arith.constant 0 : i32
        %dma_wait3A_120 = tpu.memref_slice %arg2[%mul3A_116, %dma_wait3A_119] : memref<100000x128xf32, #tpu.memory_space<hbm>> -> memref<400x128xf32, #tpu.memory_space<hbm>>
        %dma_wait3A_121 = arith.constant 400 : i32
        %dma_wait3A_122 = arith.constant 0 : i32
        %dma_wait3A_123 = tpu.memref_slice %arg5[%dma_wait3A_121, %dma_wait3A_122] : memref<800x128xf32, #tpu.memory_space<vmem>> -> memref<400x128xf32, #tpu.memory_space<vmem>>
        %dma_wait3A_124 = arith.constant 0 : i32
        %dma_wait3A_125 = tpu.memref_slice %arg2[%mul3A_116, %dma_wait3A_124] : memref<100000x128xf32, #tpu.memory_space<hbm>> -> memref<400x128xf32, #tpu.memory_space<hbm>>
        tpu.wait_dma2 semaphore(%arg9 : memref<!tpu.dma_semaphore, #tpu.memory_space<semaphore_mem>>) src(%dma_wait3A_125 : memref<400x128xf32, #tpu.memory_space<hbm>>) dst(%dma_wait3A_123 : memref<400x128xf32, #tpu.memory_space<vmem>>)
        %mul3A_126 = arith.constant 400 : i32
        %mul3A_127 = arith.muli %add3A_62, %mul3A_126 : i32
        %dma_wait3A_128 = arith.constant 400 : i32
        %dma_wait3A_129 = tpu.memref_slice %arg6[%dma_wait3A_128] : memref<800xi32, #tpu.memory_space<vmem>> -> memref<400xi32, #tpu.memory_space<vmem>>
        %dma_wait3A_130 = tpu.memref_slice %arg3[%mul3A_127] : memref<100000xi32, #tpu.memory_space<hbm>> -> memref<400xi32, #tpu.memory_space<hbm>>
        %dma_wait3A_131 = arith.constant 400 : i32
        %dma_wait3A_132 = tpu.memref_slice %arg6[%dma_wait3A_131] : memref<800xi32, #tpu.memory_space<vmem>> -> memref<400xi32, #tpu.memory_space<vmem>>
        %dma_wait3A_133 = tpu.memref_slice %arg3[%mul3A_127] : memref<100000xi32, #tpu.memory_space<hbm>> -> memref<400xi32, #tpu.memory_space<hbm>>
        tpu.wait_dma2 semaphore(%arg9 : memref<!tpu.dma_semaphore, #tpu.memory_space<semaphore_mem>>) src(%dma_wait3A_133 : memref<400xi32, #tpu.memory_space<hbm>>) dst(%dma_wait3A_132 : memref<400xi32, #tpu.memory_space<vmem>>)
      } else {
      }
      %mul3A_87 = arith.constant 400 : i32
      %mul3A_88 = arith.muli %rem3A_64, %mul3A_87 : i32
      %get3A = arith.index_cast %mul3A_88 : i32 to index
      %get3A_89 = tpu.vector_load %arg6[%get3A] {strides = array<i32>} : memref<800xi32, #tpu.memory_space<vmem>>, vector<16xi32>,
      %add3A_90 = arith.constant 400 : i32
      %add3A_91 = arith.addi %mul3A_88, %add3A_90 : i32
      %sub3A_92 = arith.constant 16 : i32
      %sub3A_93 = arith.subi %add3A_91, %sub3A_92 : i32
      %get3A_94 = arith.index_cast %sub3A_93 : i32 to index
      %get3A_95 = tpu.vector_load %arg6[%get3A_94] {strides = array<i32>} : memref<800xi32, #tpu.memory_space<vmem>>, vector<16xi32>,
      %eq3A_96 = arith.cmpi eq, %get3A_89, %get3A_95 : vector<16xi32>
      %reduce_and3A = arith.constant 1.000000e+00 : f32
      %reduce_and3A_97 = arith.constant 0.000000e+00 : f32
      %reduce_and3A_98 = vector.broadcast %reduce_and3A : f32 to vector<16xf32>
      %reduce_and3A_99 = vector.broadcast %reduce_and3A_97 : f32 to vector<16xf32>
      %reduce_and3A_100 = arith.select %eq3A_96, %reduce_and3A_98, %reduce_and3A_99 : vector<16xi1>, vector<16xf32>
      %reduce_and3A_101 = arith.constant true
      %reduce_and3A_102 = vector.broadcast %reduce_and3A_101 : i1 to vector<16xi1>
      %reduce_and3A_103 = tpu.scan <min>, %reduce_and3A_100 masked %reduce_and3A_102 : vector<16xf32>, vector<16xi1> -> vector<16xf32>
      %reduce_and3A_104 = vector.extract %reduce_and3A_103[15] : f32 from vector<16xf32>
      %reduce_and3A_105 = arith.constant 0.000000e+00 : f32
      %reduce_and3A_106 = arith.cmpf ogt, %reduce_and3A_104, %reduce_and3A_105 : f32
      %convert_element_type3A_107 = arith.extui %reduce_and3A_106 : i1 to i32
      %cond3A_108 = arith.constant 0 : i32
      %cond3A_109 = arith.cmpi ne, %convert_element_type3A_107, %cond3A_108 : i32
      scf.if %cond3A_109 {
        %broadcast_in_dim3A_115 = arith.constant 0.000000e+00 : f32
        %broadcast_in_dim3A_116 = vector.broadcast %broadcast_in_dim3A_115 : f32 to vector<16xf32>
        %broadcast_in_dim3A_117 = arith.constant 0.000000e+00 : f32
        %broadcast_in_dim3A_118 = vector.broadcast %broadcast_in_dim3A_117 : f32 to vector<16xf32>
        %broadcast_in_dim3A_119 = arith.constant 0.000000e+00 : f32
        %broadcast_in_dim3A_120 = vector.broadcast %broadcast_in_dim3A_119 : f32 to vector<16xf32>
        %broadcast_in_dim3A_121 = arith.constant 0.000000e+00 : f32
        %broadcast_in_dim3A_122 = vector.broadcast %broadcast_in_dim3A_121 : f32 to vector<16xf32>
        %broadcast_in_dim3A_123 = arith.constant 0.000000e+00 : f32
        %broadcast_in_dim3A_124 = vector.broadcast %broadcast_in_dim3A_123 : f32 to vector<16xf32>
        %broadcast_in_dim3A_125 = arith.constant 0.000000e+00 : f32
        %broadcast_in_dim3A_126 = vector.broadcast %broadcast_in_dim3A_125 : f32 to vector<16xf32>
        %broadcast_in_dim3A_127 = arith.constant 0.000000e+00 : f32
        %broadcast_in_dim3A_128 = vector.broadcast %broadcast_in_dim3A_127 : f32 to vector<16xf32>
        %broadcast_in_dim3A_129 = arith.constant 0.000000e+00 : f32
        %broadcast_in_dim3A_130 = vector.broadcast %broadcast_in_dim3A_129 : f32 to vector<16xf32>
        %scan3A_131 = arith.constant 0 : i32
        %scan3A_132 = arith.constant 25 : i32
        %scan3A_133 = arith.addi %scan3A_131, %scan3A_132 : i32
        %scan3A_134 = arith.constant 1 : i32
        %scan3A_135:8 = scf.for %scan3A_161 = %scan3A_131 to %scan3A_133 step %scan3A_134 iter_args(%scan3A_162 = %broadcast_in_dim3A_116, %scan3A_163 = %broadcast_in_dim3A_118, %scan3A_164 = %broadcast_in_dim3A_120, %scan3A_165 = %broadcast_in_dim3A_122, %scan3A_166 = %broadcast_in_dim3A_124, %scan3A_167 = %broadcast_in_dim3A_126, %scan3A_168 = %broadcast_in_dim3A_128, %scan3A_169 = %broadcast_in_dim3A_130) -> (vector<16xf32>, vector<16xf32>, vector<16xf32>, vector<16xf32>, vector<16xf32>, vector<16xf32>, vector<16xf32>, vector<16xf32>)  : i32 {
          %mul3A_170 = arith.constant 16 : i32
          %mul3A_171 = arith.muli %scan3A_161, %mul3A_170 : i32
          %add3A_172 = arith.addi %mul3A_88, %mul3A_171 : i32
          %add3A_173 = arith.constant 0 : i32
          %add3A_174 = arith.addi %add3A_172, %add3A_173 : i32
          %get3A_175 = arith.index_cast %add3A_174 : i32 to index
          %get3A_176 = arith.constant 0 : index
          %get3A_177 = tpu.vector_load %arg5[%get3A_175, %get3A_176] {strides = array<i32>} : memref<800x128xf32, #tpu.memory_space<vmem>>, vector<16xf32>,
          %add3A_178 = arith.constant 1 : i32
          %add3A_179 = arith.addi %add3A_172, %add3A_178 : i32
          %get3A_180 = arith.index_cast %add3A_179 : i32 to index
          %get3A_181 = arith.constant 0 : index
          %get3A_182 = tpu.vector_load %arg5[%get3A_180, %get3A_181] {strides = array<i32>} : memref<800x128xf32, #tpu.memory_space<vmem>>, vector<16xf32>,
          %add3A_183 = arith.constant 2 : i32
          %add3A_184 = arith.addi %add3A_172, %add3A_183 : i32
          %get3A_185 = arith.index_cast %add3A_184 : i32 to index
          %get3A_186 = arith.constant 0 : index
          %get3A_187 = tpu.vector_load %arg5[%get3A_185, %get3A_186] {strides = array<i32>} : memref<800x128xf32, #tpu.memory_space<vmem>>, vector<16xf32>,
          %add3A_188 = arith.constant 3 : i32
          %add3A_189 = arith.addi %add3A_172, %add3A_188 : i32
          %get3A_190 = arith.index_cast %add3A_189 : i32 to index
          %get3A_191 = arith.constant 0 : index
          %get3A_192 = tpu.vector_load %arg5[%get3A_190, %get3A_191] {strides = array<i32>} : memref<800x128xf32, #tpu.memory_space<vmem>>, vector<16xf32>,
          %add3A_193 = arith.constant 4 : i32
          %add3A_194 = arith.addi %add3A_172, %add3A_193 : i32
          %get3A_195 = arith.index_cast %add3A_194 : i32 to index
          %get3A_196 = arith.constant 0 : index
          %get3A_197 = tpu.vector_load %arg5[%get3A_195, %get3A_196] {strides = array<i32>} : memref<800x128xf32, #tpu.memory_space<vmem>>, vector<16xf32>,
          %add3A_198 = arith.constant 5 : i32
          %add3A_199 = arith.addi %add3A_172, %add3A_198 : i32
          %get3A_200 = arith.index_cast %add3A_199 : i32 to index
          %get3A_201 = arith.constant 0 : index
          %get3A_202 = tpu.vector_load %arg5[%get3A_200, %get3A_201] {strides = array<i32>} : memref<800x128xf32, #tpu.memory_space<vmem>>, vector<16xf32>,
          %add3A_203 = arith.constant 6 : i32
          %add3A_204 = arith.addi %add3A_172, %add3A_203 : i32
          %get3A_205 = arith.index_cast %add3A_204 : i32 to index
          %get3A_206 = arith.constant 0 : index
          %get3A_207 = tpu.vector_load %arg5[%get3A_205, %get3A_206] {strides = array<i32>} : memref<800x128xf32, #tpu.memory_space<vmem>>, vector<16xf32>,
          %add3A_208 = arith.constant 7 : i32
          %add3A_209 = arith.addi %add3A_172, %add3A_208 : i32
          %get3A_210 = arith.index_cast %add3A_209 : i32 to index
          %get3A_211 = arith.constant 0 : index
          %get3A_212 = tpu.vector_load %arg5[%get3A_210, %get3A_211] {strides = array<i32>} : memref<800x128xf32, #tpu.memory_space<vmem>>, vector<16xf32>,
          %add3A_213 = arith.constant 8 : i32
          %add3A_214 = arith.addi %add3A_172, %add3A_213 : i32
          %get3A_215 = arith.index_cast %add3A_214 : i32 to index
          %get3A_216 = arith.constant 0 : index
          %get3A_217 = tpu.vector_load %arg5[%get3A_215, %get3A_216] {strides = array<i32>} : memref<800x128xf32, #tpu.memory_space<vmem>>, vector<16xf32>,
          %add3A_218 = arith.constant 9 : i32
          %add3A_219 = arith.addi %add3A_172, %add3A_218 : i32
          %get3A_220 = arith.index_cast %add3A_219 : i32 to index
          %get3A_221 = arith.constant 0 : index
          %get3A_222 = tpu.vector_load %arg5[%get3A_220, %get3A_221] {strides = array<i32>} : memref<800x128xf32, #tpu.memory_space<vmem>>, vector<16xf32>,
          %add3A_223 = arith.constant 10 : i32
          %add3A_224 = arith.addi %add3A_172, %add3A_223 : i32
          %get3A_225 = arith.index_cast %add3A_224 : i32 to index
          %get3A_226 = arith.constant 0 : index
          %get3A_227 = tpu.vector_load %arg5[%get3A_225, %get3A_226] {strides = array<i32>} : memref<800x128xf32, #tpu.memory_space<vmem>>, vector<16xf32>,
          %add3A_228 = arith.constant 11 : i32
          %add3A_229 = arith.addi %add3A_172, %add3A_228 : i32
          %get3A_230 = arith.index_cast %add3A_229 : i32 to index
          %get3A_231 = arith.constant 0 : index
          %get3A_232 = tpu.vector_load %arg5[%get3A_230, %get3A_231] {strides = array<i32>} : memref<800x128xf32, #tpu.memory_space<vmem>>, vector<16xf32>,
          %add3A_233 = arith.constant 12 : i32
          %add3A_234 = arith.addi %add3A_172, %add3A_233 : i32
          %get3A_235 = arith.index_cast %add3A_234 : i32 to index
          %get3A_236 = arith.constant 0 : index
          %get3A_237 = tpu.vector_load %arg5[%get3A_235, %get3A_236] {strides = array<i32>} : memref<800x128xf32, #tpu.memory_space<vmem>>, vector<16xf32>,
          %add3A_238 = arith.constant 13 : i32
          %add3A_239 = arith.addi %add3A_172, %add3A_238 : i32
          %get3A_240 = arith.index_cast %add3A_239 : i32 to index
          %get3A_241 = arith.constant 0 : index
          %get3A_242 = tpu.vector_load %arg5[%get3A_240, %get3A_241] {strides = array<i32>} : memref<800x128xf32, #tpu.memory_space<vmem>>, vector<16xf32>,
          %add3A_243 = arith.constant 14 : i32
          %add3A_244 = arith.addi %add3A_172, %add3A_243 : i32
          %get3A_245 = arith.index_cast %add3A_244 : i32 to index
          %get3A_246 = arith.constant 0 : index
          %get3A_247 = tpu.vector_load %arg5[%get3A_245, %get3A_246] {strides = array<i32>} : memref<800x128xf32, #tpu.memory_space<vmem>>, vector<16xf32>,
          %add3A_248 = arith.constant 15 : i32
          %add3A_249 = arith.addi %add3A_172, %add3A_248 : i32
          %get3A_250 = arith.index_cast %add3A_249 : i32 to index
          %get3A_251 = arith.constant 0 : index
          %get3A_252 = tpu.vector_load %arg5[%get3A_250, %get3A_251] {strides = array<i32>} : memref<800x128xf32, #tpu.memory_space<vmem>>, vector<16xf32>,
          %add3A_253 = arith.addf %get3A_177, %get3A_182 : vector<16xf32>
          %add3A_254 = arith.addf %get3A_187, %get3A_192 : vector<16xf32>
          %add3A_255 = arith.addf %get3A_197, %get3A_202 : vector<16xf32>
          %add3A_256 = arith.addf %get3A_207, %get3A_212 : vector<16xf32>
          %add3A_257 = arith.addf %get3A_217, %get3A_222 : vector<16xf32>
          %add3A_258 = arith.addf %get3A_227, %get3A_232 : vector<16xf32>
          %add3A_259 = arith.addf %get3A_237, %get3A_242 : vector<16xf32>
          %add3A_260 = arith.addf %get3A_247, %get3A_252 : vector<16xf32>
          %add3A_261 = arith.addf %add3A_253, %add3A_254 : vector<16xf32>
          %add3A_262 = arith.addf %add3A_255, %add3A_256 : vector<16xf32>
          %add3A_263 = arith.addf %add3A_257, %add3A_258 : vector<16xf32>
          %add3A_264 = arith.addf %add3A_259, %add3A_260 : vector<16xf32>
          %add3A_265 = arith.addf %add3A_261, %add3A_262 : vector<16xf32>
          %add3A_266 = arith.addf %add3A_263, %add3A_264 : vector<16xf32>
          %add3A_267 = arith.addf %add3A_265, %add3A_266 : vector<16xf32>
          %add3A_268 = arith.addf %scan3A_162, %add3A_267 : vector<16xf32>
          %mul3A_269 = arith.constant 16 : i32
          %mul3A_270 = arith.muli %scan3A_161, %mul3A_269 : i32
          %add3A_271 = arith.addi %mul3A_88, %mul3A_270 : i32
          %add3A_272 = arith.constant 0 : i32
          %add3A_273 = arith.addi %add3A_271, %add3A_272 : i32
          %get3A_274 = arith.index_cast %add3A_273 : i32 to index
          %get3A_275 = arith.constant 16 : index
          %get3A_276 = tpu.vector_load %arg5[%get3A_274, %get3A_275] {strides = array<i32>} : memref<800x128xf32, #tpu.memory_space<vmem>>, vector<16xf32>,
          %add3A_277 = arith.constant 1 : i32
          %add3A_278 = arith.addi %add3A_271, %add3A_277 : i32
          %get3A_279 = arith.index_cast %add3A_278 : i32 to index
          %get3A_280 = arith.constant 16 : index
          %get3A_281 = tpu.vector_load %arg5[%get3A_279, %get3A_280] {strides = array<i32>} : memref<800x128xf32, #tpu.memory_space<vmem>>, vector<16xf32>,
          %add3A_282 = arith.constant 2 : i32
          %add3A_283 = arith.addi %add3A_271, %add3A_282 : i32
          %get3A_284 = arith.index_cast %add3A_283 : i32 to index
          %get3A_285 = arith.constant 16 : index
          %get3A_286 = tpu.vector_load %arg5[%get3A_284, %get3A_285] {strides = array<i32>} : memref<800x128xf32, #tpu.memory_space<vmem>>, vector<16xf32>,
          %add3A_287 = arith.constant 3 : i32
          %add3A_288 = arith.addi %add3A_271, %add3A_287 : i32
          %get3A_289 = arith.index_cast %add3A_288 : i32 to index
          %get3A_290 = arith.constant 16 : index
          %get3A_291 = tpu.vector_load %arg5[%get3A_289, %get3A_290] {strides = array<i32>} : memref<800x128xf32, #tpu.memory_space<vmem>>, vector<16xf32>,
          %add3A_292 = arith.constant 4 : i32
          %add3A_293 = arith.addi %add3A_271, %add3A_292 : i32
          %get3A_294 = arith.index_cast %add3A_293 : i32 to index
          %get3A_295 = arith.constant 16 : index
          %get3A_296 = tpu.vector_load %arg5[%get3A_294, %get3A_295] {strides = array<i32>} : memref<800x128xf32, #tpu.memory_space<vmem>>, vector<16xf32>,
          %add3A_297 = arith.constant 5 : i32
          %add3A_298 = arith.addi %add3A_271, %add3A_297 : i32
          %get3A_299 = arith.index_cast %add3A_298 : i32 to index
          %get3A_300 = arith.constant 16 : index
          %get3A_301 = tpu.vector_load %arg5[%get3A_299, %get3A_300] {strides = array<i32>} : memref<800x128xf32, #tpu.memory_space<vmem>>, vector<16xf32>,
          %add3A_302 = arith.constant 6 : i32
          %add3A_303 = arith.addi %add3A_271, %add3A_302 : i32
          %get3A_304 = arith.index_cast %add3A_303 : i32 to index
          %get3A_305 = arith.constant 16 : index
          %get3A_306 = tpu.vector_load %arg5[%get3A_304, %get3A_305] {strides = array<i32>} : memref<800x128xf32, #tpu.memory_space<vmem>>, vector<16xf32>,
          %add3A_307 = arith.constant 7 : i32
          %add3A_308 = arith.addi %add3A_271, %add3A_307 : i32
          %get3A_309 = arith.index_cast %add3A_308 : i32 to index
          %get3A_310 = arith.constant 16 : index
          %get3A_311 = tpu.vector_load %arg5[%get3A_309, %get3A_310] {strides = array<i32>} : memref<800x128xf32, #tpu.memory_space<vmem>>, vector<16xf32>,
          %add3A_312 = arith.constant 8 : i32
          %add3A_313 = arith.addi %add3A_271, %add3A_312 : i32
          %get3A_314 = arith.index_cast %add3A_313 : i32 to index
          %get3A_315 = arith.constant 16 : index
          %get3A_316 = tpu.vector_load %arg5[%get3A_314, %get3A_315] {strides = array<i32>} : memref<800x128xf32, #tpu.memory_space<vmem>>, vector<16xf32>,
          %add3A_317 = arith.constant 9 : i32
          %add3A_318 = arith.addi %add3A_271, %add3A_317 : i32
          %get3A_319 = arith.index_cast %add3A_318 : i32 to index
          %get3A_320 = arith.constant 16 : index
          %get3A_321 = tpu.vector_load %arg5[%get3A_319, %get3A_320] {strides = array<i32>} : memref<800x128xf32, #tpu.memory_space<vmem>>, vector<16xf32>,
          %add3A_322 = arith.constant 10 : i32
          %add3A_323 = arith.addi %add3A_271, %add3A_322 : i32
          %get3A_324 = arith.index_cast %add3A_323 : i32 to index
          %get3A_325 = arith.constant 16 : index
          %get3A_326 = tpu.vector_load %arg5[%get3A_324, %get3A_325] {strides = array<i32>} : memref<800x128xf32, #tpu.memory_space<vmem>>, vector<16xf32>,
          %add3A_327 = arith.constant 11 : i32
          %add3A_328 = arith.addi %add3A_271, %add3A_327 : i32
          %get3A_329 = arith.index_cast %add3A_328 : i32 to index
          %get3A_330 = arith.constant 16 : index
          %get3A_331 = tpu.vector_load %arg5[%get3A_329, %get3A_330] {strides = array<i32>} : memref<800x128xf32, #tpu.memory_space<vmem>>, vector<16xf32>,
          %add3A_332 = arith.constant 12 : i32
          %add3A_333 = arith.addi %add3A_271, %add3A_332 : i32
          %get3A_334 = arith.index_cast %add3A_333 : i32 to index
          %get3A_335 = arith.constant 16 : index
          %get3A_336 = tpu.vector_load %arg5[%get3A_334, %get3A_335] {strides = array<i32>} : memref<800x128xf32, #tpu.memory_space<vmem>>, vector<16xf32>,
          %add3A_337 = arith.constant 13 : i32
          %add3A_338 = arith.addi %add3A_271, %add3A_337 : i32
          %get3A_339 = arith.index_cast %add3A_338 : i32 to index
          %get3A_340 = arith.constant 16 : index
          %get3A_341 = tpu.vector_load %arg5[%get3A_339, %get3A_340] {strides = array<i32>} : memref<800x128xf32, #tpu.memory_space<vmem>>, vector<16xf32>,
          %add3A_342 = arith.constant 14 : i32
          %add3A_343 = arith.addi %add3A_271, %add3A_342 : i32
          %get3A_344 = arith.index_cast %add3A_343 : i32 to index
          %get3A_345 = arith.constant 16 : index
          %get3A_346 = tpu.vector_load %arg5[%get3A_344, %get3A_345] {strides = array<i32>} : memref<800x128xf32, #tpu.memory_space<vmem>>, vector<16xf32>,
          %add3A_347 = arith.constant 15 : i32
          %add3A_348 = arith.addi %add3A_271, %add3A_347 : i32
          %get3A_349 = arith.index_cast %add3A_348 : i32 to index
          %get3A_350 = arith.constant 16 : index
          %get3A_351 = tpu.vector_load %arg5[%get3A_349, %get3A_350] {strides = array<i32>} : memref<800x128xf32, #tpu.memory_space<vmem>>, vector<16xf32>,
          %add3A_352 = arith.addf %get3A_276, %get3A_281 : vector<16xf32>
          %add3A_353 = arith.addf %get3A_286, %get3A_291 : vector<16xf32>
          %add3A_354 = arith.addf %get3A_296, %get3A_301 : vector<16xf32>
          %add3A_355 = arith.addf %get3A_306, %get3A_311 : vector<16xf32>
          %add3A_356 = arith.addf %get3A_316, %get3A_321 : vector<16xf32>
          %add3A_357 = arith.addf %get3A_326, %get3A_331 : vector<16xf32>
          %add3A_358 = arith.addf %get3A_336, %get3A_341 : vector<16xf32>
          %add3A_359 = arith.addf %get3A_346, %get3A_351 : vector<16xf32>
          %add3A_360 = arith.addf %add3A_352, %add3A_353 : vector<16xf32>
          %add3A_361 = arith.addf %add3A_354, %add3A_355 : vector<16xf32>
          %add3A_362 = arith.addf %add3A_356, %add3A_357 : vector<16xf32>
          %add3A_363 = arith.addf %add3A_358, %add3A_359 : vector<16xf32>
          %add3A_364 = arith.addf %add3A_360, %add3A_361 : vector<16xf32>
          %add3A_365 = arith.addf %add3A_362, %add3A_363 : vector<16xf32>
          %add3A_366 = arith.addf %add3A_364, %add3A_365 : vector<16xf32>
          %add3A_367 = arith.addf %scan3A_163, %add3A_366 : vector<16xf32>
          %mul3A_368 = arith.constant 16 : i32
          %mul3A_369 = arith.muli %scan3A_161, %mul3A_368 : i32
          %add3A_370 = arith.addi %mul3A_88, %mul3A_369 : i32
          %add3A_371 = arith.constant 0 : i32
          %add3A_372 = arith.addi %add3A_370, %add3A_371 : i32
          %get3A_373 = arith.index_cast %add3A_372 : i32 to index
          %get3A_374 = arith.constant 32 : index
          %get3A_375 = tpu.vector_load %arg5[%get3A_373, %get3A_374] {strides = array<i32>} : memref<800x128xf32, #tpu.memory_space<vmem>>, vector<16xf32>,
          %add3A_376 = arith.constant 1 : i32
          %add3A_377 = arith.addi %add3A_370, %add3A_376 : i32
          %get3A_378 = arith.index_cast %add3A_377 : i32 to index
          %get3A_379 = arith.constant 32 : index
          %get3A_380 = tpu.vector_load %arg5[%get3A_378, %get3A_379] {strides = array<i32>} : memref<800x128xf32, #tpu.memory_space<vmem>>, vector<16xf32>,
          %add3A_381 = arith.constant 2 : i32
          %add3A_382 = arith.addi %add3A_370, %add3A_381 : i32
          %get3A_383 = arith.index_cast %add3A_382 : i32 to index
          %get3A_384 = arith.constant 32 : index
          %get3A_385 = tpu.vector_load %arg5[%get3A_383, %get3A_384] {strides = array<i32>} : memref<800x128xf32, #tpu.memory_space<vmem>>, vector<16xf32>,
          %add3A_386 = arith.constant 3 : i32
          %add3A_387 = arith.addi %add3A_370, %add3A_386 : i32
          %get3A_388 = arith.index_cast %add3A_387 : i32 to index
          %get3A_389 = arith.constant 32 : index
          %get3A_390 = tpu.vector_load %arg5[%get3A_388, %get3A_389] {strides = array<i32>} : memref<800x128xf32, #tpu.memory_space<vmem>>, vector<16xf32>,
          %add3A_391 = arith.constant 4 : i32
          %add3A_392 = arith.addi %add3A_370, %add3A_391 : i32
          %get3A_393 = arith.index_cast %add3A_392 : i32 to index
          %get3A_394 = arith.constant 32 : index
          %get3A_395 = tpu.vector_load %arg5[%get3A_393, %get3A_394] {strides = array<i32>} : memref<800x128xf32, #tpu.memory_space<vmem>>, vector<16xf32>,
          %add3A_396 = arith.constant 5 : i32
          %add3A_397 = arith.addi %add3A_370, %add3A_396 : i32
          %get3A_398 = arith.index_cast %add3A_397 : i32 to index
          %get3A_399 = arith.constant 32 : index
          %get3A_400 = tpu.vector_load %arg5[%get3A_398, %get3A_399] {strides = array<i32>} : memref<800x128xf32, #tpu.memory_space<vmem>>, vector<16xf32>,
          %add3A_401 = arith.constant 6 : i32
          %add3A_402 = arith.addi %add3A_370, %add3A_401 : i32
          %get3A_403 = arith.index_cast %add3A_402 : i32 to index
          %get3A_404 = arith.constant 32 : index
          %get3A_405 = tpu.vector_load %arg5[%get3A_403, %get3A_404] {strides = array<i32>} : memref<800x128xf32, #tpu.memory_space<vmem>>, vector<16xf32>,
          %add3A_406 = arith.constant 7 : i32
          %add3A_407 = arith.addi %add3A_370, %add3A_406 : i32
          %get3A_408 = arith.index_cast %add3A_407 : i32 to index
          %get3A_409 = arith.constant 32 : index
          %get3A_410 = tpu.vector_load %arg5[%get3A_408, %get3A_409] {strides = array<i32>} : memref<800x128xf32, #tpu.memory_space<vmem>>, vector<16xf32>,
          %add3A_411 = arith.constant 8 : i32
          %add3A_412 = arith.addi %add3A_370, %add3A_411 : i32
          %get3A_413 = arith.index_cast %add3A_412 : i32 to index
          %get3A_414 = arith.constant 32 : index
          %get3A_415 = tpu.vector_load %arg5[%get3A_413, %get3A_414] {strides = array<i32>} : memref<800x128xf32, #tpu.memory_space<vmem>>, vector<16xf32>,
          %add3A_416 = arith.constant 9 : i32
          %add3A_417 = arith.addi %add3A_370, %add3A_416 : i32
          %get3A_418 = arith.index_cast %add3A_417 : i32 to index
          %get3A_419 = arith.constant 32 : index
          %get3A_420 = tpu.vector_load %arg5[%get3A_418, %get3A_419] {strides = array<i32>} : memref<800x128xf32, #tpu.memory_space<vmem>>, vector<16xf32>,
          %add3A_421 = arith.constant 10 : i32
          %add3A_422 = arith.addi %add3A_370, %add3A_421 : i32
          %get3A_423 = arith.index_cast %add3A_422 : i32 to index
          %get3A_424 = arith.constant 32 : index
          %get3A_425 = tpu.vector_load %arg5[%get3A_423, %get3A_424] {strides = array<i32>} : memref<800x128xf32, #tpu.memory_space<vmem>>, vector<16xf32>,
          %add3A_426 = arith.constant 11 : i32
          %add3A_427 = arith.addi %add3A_370, %add3A_426 : i32
          %get3A_428 = arith.index_cast %add3A_427 : i32 to index
          %get3A_429 = arith.constant 32 : index
          %get3A_430 = tpu.vector_load %arg5[%get3A_428, %get3A_429] {strides = array<i32>} : memref<800x128xf32, #tpu.memory_space<vmem>>, vector<16xf32>,
          %add3A_431 = arith.constant 12 : i32
          %add3A_432 = arith.addi %add3A_370, %add3A_431 : i32
          %get3A_433 = arith.index_cast %add3A_432 : i32 to index
          %get3A_434 = arith.constant 32 : index
          %get3A_435 = tpu.vector_load %arg5[%get3A_433, %get3A_434] {strides = array<i32>} : memref<800x128xf32, #tpu.memory_space<vmem>>, vector<16xf32>,
          %add3A_436 = arith.constant 13 : i32
          %add3A_437 = arith.addi %add3A_370, %add3A_436 : i32
          %get3A_438 = arith.index_cast %add3A_437 : i32 to index
          %get3A_439 = arith.constant 32 : index
          %get3A_440 = tpu.vector_load %arg5[%get3A_438, %get3A_439] {strides = array<i32>} : memref<800x128xf32, #tpu.memory_space<vmem>>, vector<16xf32>,
          %add3A_441 = arith.constant 14 : i32
          %add3A_442 = arith.addi %add3A_370, %add3A_441 : i32
          %get3A_443 = arith.index_cast %add3A_442 : i32 to index
          %get3A_444 = arith.constant 32 : index
          %get3A_445 = tpu.vector_load %arg5[%get3A_443, %get3A_444] {strides = array<i32>} : memref<800x128xf32, #tpu.memory_space<vmem>>, vector<16xf32>,
          %add3A_446 = arith.constant 15 : i32
          %add3A_447 = arith.addi %add3A_370, %add3A_446 : i32
          %get3A_448 = arith.index_cast %add3A_447 : i32 to index
          %get3A_449 = arith.constant 32 : index
          %get3A_450 = tpu.vector_load %arg5[%get3A_448, %get3A_449] {strides = array<i32>} : memref<800x128xf32, #tpu.memory_space<vmem>>, vector<16xf32>,
          %add3A_451 = arith.addf %get3A_375, %get3A_380 : vector<16xf32>
          %add3A_452 = arith.addf %get3A_385, %get3A_390 : vector<16xf32>
          %add3A_453 = arith.addf %get3A_395, %get3A_400 : vector<16xf32>
          %add3A_454 = arith.addf %get3A_405, %get3A_410 : vector<16xf32>
          %add3A_455 = arith.addf %get3A_415, %get3A_420 : vector<16xf32>
          %add3A_456 = arith.addf %get3A_425, %get3A_430 : vector<16xf32>
          %add3A_457 = arith.addf %get3A_435, %get3A_440 : vector<16xf32>
          %add3A_458 = arith.addf %get3A_445, %get3A_450 : vector<16xf32>
          %add3A_459 = arith.addf %add3A_451, %add3A_452 : vector<16xf32>
          %add3A_460 = arith.addf %add3A_453, %add3A_454 : vector<16xf32>
          %add3A_461 = arith.addf %add3A_455, %add3A_456 : vector<16xf32>
          %add3A_462 = arith.addf %add3A_457, %add3A_458 : vector<16xf32>
          %add3A_463 = arith.addf %add3A_459, %add3A_460 : vector<16xf32>
          %add3A_464 = arith.addf %add3A_461, %add3A_462 : vector<16xf32>
          %add3A_465 = arith.addf %add3A_463, %add3A_464 : vector<16xf32>
          %add3A_466 = arith.addf %scan3A_164, %add3A_465 : vector<16xf32>
          %mul3A_467 = arith.constant 16 : i32
          %mul3A_468 = arith.muli %scan3A_161, %mul3A_467 : i32
          %add3A_469 = arith.addi %mul3A_88, %mul3A_468 : i32
          %add3A_470 = arith.constant 0 : i32
          %add3A_471 = arith.addi %add3A_469, %add3A_470 : i32
          %get3A_472 = arith.index_cast %add3A_471 : i32 to index
          %get3A_473 = arith.constant 48 : index
          %get3A_474 = tpu.vector_load %arg5[%get3A_472, %get3A_473] {strides = array<i32>} : memref<800x128xf32, #tpu.memory_space<vmem>>, vector<16xf32>,
          %add3A_475 = arith.constant 1 : i32
          %add3A_476 = arith.addi %add3A_469, %add3A_475 : i32
          %get3A_477 = arith.index_cast %add3A_476 : i32 to index
          %get3A_478 = arith.constant 48 : index
          %get3A_479 = tpu.vector_load %arg5[%get3A_477, %get3A_478] {strides = array<i32>} : memref<800x128xf32, #tpu.memory_space<vmem>>, vector<16xf32>,
          %add3A_480 = arith.constant 2 : i32
          %add3A_481 = arith.addi %add3A_469, %add3A_480 : i32
          %get3A_482 = arith.index_cast %add3A_481 : i32 to index
          %get3A_483 = arith.constant 48 : index
          %get3A_484 = tpu.vector_load %arg5[%get3A_482, %get3A_483] {strides = array<i32>} : memref<800x128xf32, #tpu.memory_space<vmem>>, vector<16xf32>,
          %add3A_485 = arith.constant 3 : i32
          %add3A_486 = arith.addi %add3A_469, %add3A_485 : i32
          %get3A_487 = arith.index_cast %add3A_486 : i32 to index
          %get3A_488 = arith.constant 48 : index
          %get3A_489 = tpu.vector_load %arg5[%get3A_487, %get3A_488] {strides = array<i32>} : memref<800x128xf32, #tpu.memory_space<vmem>>, vector<16xf32>,
          %add3A_490 = arith.constant 4 : i32
          %add3A_491 = arith.addi %add3A_469, %add3A_490 : i32
          %get3A_492 = arith.index_cast %add3A_491 : i32 to index
          %get3A_493 = arith.constant 48 : index
          %get3A_494 = tpu.vector_load %arg5[%get3A_492, %get3A_493] {strides = array<i32>} : memref<800x128xf32, #tpu.memory_space<vmem>>, vector<16xf32>,
          %add3A_495 = arith.constant 5 : i32
          %add3A_496 = arith.addi %add3A_469, %add3A_495 : i32
          %get3A_497 = arith.index_cast %add3A_496 : i32 to index
          %get3A_498 = arith.constant 48 : index
          %get3A_499 = tpu.vector_load %arg5[%get3A_497, %get3A_498] {strides = array<i32>} : memref<800x128xf32, #tpu.memory_space<vmem>>, vector<16xf32>,
          %add3A_500 = arith.constant 6 : i32
          %add3A_501 = arith.addi %add3A_469, %add3A_500 : i32
          %get3A_502 = arith.index_cast %add3A_501 : i32 to index
          %get3A_503 = arith.constant 48 : index
          %get3A_504 = tpu.vector_load %arg5[%get3A_502, %get3A_503] {strides = array<i32>} : memref<800x128xf32, #tpu.memory_space<vmem>>, vector<16xf32>,
          %add3A_505 = arith.constant 7 : i32
          %add3A_506 = arith.addi %add3A_469, %add3A_505 : i32
          %get3A_507 = arith.index_cast %add3A_506 : i32 to index
          %get3A_508 = arith.constant 48 : index
          %get3A_509 = tpu.vector_load %arg5[%get3A_507, %get3A_508] {strides = array<i32>} : memref<800x128xf32, #tpu.memory_space<vmem>>, vector<16xf32>,
          %add3A_510 = arith.constant 8 : i32
          %add3A_511 = arith.addi %add3A_469, %add3A_510 : i32
          %get3A_512 = arith.index_cast %add3A_511 : i32 to index
          %get3A_513 = arith.constant 48 : index
          %get3A_514 = tpu.vector_load %arg5[%get3A_512, %get3A_513] {strides = array<i32>} : memref<800x128xf32, #tpu.memory_space<vmem>>, vector<16xf32>,
          %add3A_515 = arith.constant 9 : i32
          %add3A_516 = arith.addi %add3A_469, %add3A_515 : i32
          %get3A_517 = arith.index_cast %add3A_516 : i32 to index
          %get3A_518 = arith.constant 48 : index
          %get3A_519 = tpu.vector_load %arg5[%get3A_517, %get3A_518] {strides = array<i32>} : memref<800x128xf32, #tpu.memory_space<vmem>>, vector<16xf32>,
          %add3A_520 = arith.constant 10 : i32
          %add3A_521 = arith.addi %add3A_469, %add3A_520 : i32
          %get3A_522 = arith.index_cast %add3A_521 : i32 to index
          %get3A_523 = arith.constant 48 : index
          %get3A_524 = tpu.vector_load %arg5[%get3A_522, %get3A_523] {strides = array<i32>} : memref<800x128xf32, #tpu.memory_space<vmem>>, vector<16xf32>,
          %add3A_525 = arith.constant 11 : i32
          %add3A_526 = arith.addi %add3A_469, %add3A_525 : i32
          %get3A_527 = arith.index_cast %add3A_526 : i32 to index
          %get3A_528 = arith.constant 48 : index
          %get3A_529 = tpu.vector_load %arg5[%get3A_527, %get3A_528] {strides = array<i32>} : memref<800x128xf32, #tpu.memory_space<vmem>>, vector<16xf32>,
          %add3A_530 = arith.constant 12 : i32
          %add3A_531 = arith.addi %add3A_469, %add3A_530 : i32
          %get3A_532 = arith.index_cast %add3A_531 : i32 to index
          %get3A_533 = arith.constant 48 : index
          %get3A_534 = tpu.vector_load %arg5[%get3A_532, %get3A_533] {strides = array<i32>} : memref<800x128xf32, #tpu.memory_space<vmem>>, vector<16xf32>,
          %add3A_535 = arith.constant 13 : i32
          %add3A_536 = arith.addi %add3A_469, %add3A_535 : i32
          %get3A_537 = arith.index_cast %add3A_536 : i32 to index
          %get3A_538 = arith.constant 48 : index
          %get3A_539 = tpu.vector_load %arg5[%get3A_537, %get3A_538] {strides = array<i32>} : memref<800x128xf32, #tpu.memory_space<vmem>>, vector<16xf32>,
          %add3A_540 = arith.constant 14 : i32
          %add3A_541 = arith.addi %add3A_469, %add3A_540 : i32
          %get3A_542 = arith.index_cast %add3A_541 : i32 to index
          %get3A_543 = arith.constant 48 : index
          %get3A_544 = tpu.vector_load %arg5[%get3A_542, %get3A_543] {strides = array<i32>} : memref<800x128xf32, #tpu.memory_space<vmem>>, vector<16xf32>,
          %add3A_545 = arith.constant 15 : i32
          %add3A_546 = arith.addi %add3A_469, %add3A_545 : i32
          %get3A_547 = arith.index_cast %add3A_546 : i32 to index
          %get3A_548 = arith.constant 48 : index
          %get3A_549 = tpu.vector_load %arg5[%get3A_547, %get3A_548] {strides = array<i32>} : memref<800x128xf32, #tpu.memory_space<vmem>>, vector<16xf32>,
          %add3A_550 = arith.addf %get3A_474, %get3A_479 : vector<16xf32>
          %add3A_551 = arith.addf %get3A_484, %get3A_489 : vector<16xf32>
          %add3A_552 = arith.addf %get3A_494, %get3A_499 : vector<16xf32>
          %add3A_553 = arith.addf %get3A_504, %get3A_509 : vector<16xf32>
          %add3A_554 = arith.addf %get3A_514, %get3A_519 : vector<16xf32>
          %add3A_555 = arith.addf %get3A_524, %get3A_529 : vector<16xf32>
          %add3A_556 = arith.addf %get3A_534, %get3A_539 : vector<16xf32>
          %add3A_557 = arith.addf %get3A_544, %get3A_549 : vector<16xf32>
          %add3A_558 = arith.addf %add3A_550, %add3A_551 : vector<16xf32>
          %add3A_559 = arith.addf %add3A_552, %add3A_553 : vector<16xf32>
          %add3A_560 = arith.addf %add3A_554, %add3A_555 : vector<16xf32>
          %add3A_561 = arith.addf %add3A_556, %add3A_557 : vector<16xf32>
          %add3A_562 = arith.addf %add3A_558, %add3A_559 : vector<16xf32>
          %add3A_563 = arith.addf %add3A_560, %add3A_561 : vector<16xf32>
          %add3A_564 = arith.addf %add3A_562, %add3A_563 : vector<16xf32>
          %add3A_565 = arith.addf %scan3A_165, %add3A_564 : vector<16xf32>
          %mul3A_566 = arith.constant 16 : i32
          %mul3A_567 = arith.muli %scan3A_161, %mul3A_566 : i32
          %add3A_568 = arith.addi %mul3A_88, %mul3A_567 : i32
          %add3A_569 = arith.constant 0 : i32
          %add3A_570 = arith.addi %add3A_568, %add3A_569 : i32
          %get3A_571 = arith.index_cast %add3A_570 : i32 to index
          %get3A_572 = arith.constant 64 : index
          %get3A_573 = tpu.vector_load %arg5[%get3A_571, %get3A_572] {strides = array<i32>} : memref<800x128xf32, #tpu.memory_space<vmem>>, vector<16xf32>,
          %add3A_574 = arith.constant 1 : i32
          %add3A_575 = arith.addi %add3A_568, %add3A_574 : i32
          %get3A_576 = arith.index_cast %add3A_575 : i32 to index
          %get3A_577 = arith.constant 64 : index
          %get3A_578 = tpu.vector_load %arg5[%get3A_576, %get3A_577] {strides = array<i32>} : memref<800x128xf32, #tpu.memory_space<vmem>>, vector<16xf32>,
          %add3A_579 = arith.constant 2 : i32
          %add3A_580 = arith.addi %add3A_568, %add3A_579 : i32
          %get3A_581 = arith.index_cast %add3A_580 : i32 to index
          %get3A_582 = arith.constant 64 : index
          %get3A_583 = tpu.vector_load %arg5[%get3A_581, %get3A_582] {strides = array<i32>} : memref<800x128xf32, #tpu.memory_space<vmem>>, vector<16xf32>,
          %add3A_584 = arith.constant 3 : i32
          %add3A_585 = arith.addi %add3A_568, %add3A_584 : i32
          %get3A_586 = arith.index_cast %add3A_585 : i32 to index
          %get3A_587 = arith.constant 64 : index
          %get3A_588 = tpu.vector_load %arg5[%get3A_586, %get3A_587] {strides = array<i32>} : memref<800x128xf32, #tpu.memory_space<vmem>>, vector<16xf32>,
          %add3A_589 = arith.constant 4 : i32
          %add3A_590 = arith.addi %add3A_568, %add3A_589 : i32
          %get3A_591 = arith.index_cast %add3A_590 : i32 to index
          %get3A_592 = arith.constant 64 : index
          %get3A_593 = tpu.vector_load %arg5[%get3A_591, %get3A_592] {strides = array<i32>} : memref<800x128xf32, #tpu.memory_space<vmem>>, vector<16xf32>,
          %add3A_594 = arith.constant 5 : i32
          %add3A_595 = arith.addi %add3A_568, %add3A_594 : i32
          %get3A_596 = arith.index_cast %add3A_595 : i32 to index
          %get3A_597 = arith.constant 64 : index
          %get3A_598 = tpu.vector_load %arg5[%get3A_596, %get3A_597] {strides = array<i32>} : memref<800x128xf32, #tpu.memory_space<vmem>>, vector<16xf32>,
          %add3A_599 = arith.constant 6 : i32
          %add3A_600 = arith.addi %add3A_568, %add3A_599 : i32
          %get3A_601 = arith.index_cast %add3A_600 : i32 to index
          %get3A_602 = arith.constant 64 : index
          %get3A_603 = tpu.vector_load %arg5[%get3A_601, %get3A_602] {strides = array<i32>} : memref<800x128xf32, #tpu.memory_space<vmem>>, vector<16xf32>,
          %add3A_604 = arith.constant 7 : i32
          %add3A_605 = arith.addi %add3A_568, %add3A_604 : i32
          %get3A_606 = arith.index_cast %add3A_605 : i32 to index
          %get3A_607 = arith.constant 64 : index
          %get3A_608 = tpu.vector_load %arg5[%get3A_606, %get3A_607] {strides = array<i32>} : memref<800x128xf32, #tpu.memory_space<vmem>>, vector<16xf32>,
          %add3A_609 = arith.constant 8 : i32
          %add3A_610 = arith.addi %add3A_568, %add3A_609 : i32
          %get3A_611 = arith.index_cast %add3A_610 : i32 to index
          %get3A_612 = arith.constant 64 : index
          %get3A_613 = tpu.vector_load %arg5[%get3A_611, %get3A_612] {strides = array<i32>} : memref<800x128xf32, #tpu.memory_space<vmem>>, vector<16xf32>,
          %add3A_614 = arith.constant 9 : i32
          %add3A_615 = arith.addi %add3A_568, %add3A_614 : i32
          %get3A_616 = arith.index_cast %add3A_615 : i32 to index
          %get3A_617 = arith.constant 64 : index
          %get3A_618 = tpu.vector_load %arg5[%get3A_616, %get3A_617] {strides = array<i32>} : memref<800x128xf32, #tpu.memory_space<vmem>>, vector<16xf32>,
          %add3A_619 = arith.constant 10 : i32
          %add3A_620 = arith.addi %add3A_568, %add3A_619 : i32
          %get3A_621 = arith.index_cast %add3A_620 : i32 to index
          %get3A_622 = arith.constant 64 : index
          %get3A_623 = tpu.vector_load %arg5[%get3A_621, %get3A_622] {strides = array<i32>} : memref<800x128xf32, #tpu.memory_space<vmem>>, vector<16xf32>,
          %add3A_624 = arith.constant 11 : i32
          %add3A_625 = arith.addi %add3A_568, %add3A_624 : i32
          %get3A_626 = arith.index_cast %add3A_625 : i32 to index
          %get3A_627 = arith.constant 64 : index
          %get3A_628 = tpu.vector_load %arg5[%get3A_626, %get3A_627] {strides = array<i32>} : memref<800x128xf32, #tpu.memory_space<vmem>>, vector<16xf32>,
          %add3A_629 = arith.constant 12 : i32
          %add3A_630 = arith.addi %add3A_568, %add3A_629 : i32
          %get3A_631 = arith.index_cast %add3A_630 : i32 to index
          %get3A_632 = arith.constant 64 : index
          %get3A_633 = tpu.vector_load %arg5[%get3A_631, %get3A_632] {strides = array<i32>} : memref<800x128xf32, #tpu.memory_space<vmem>>, vector<16xf32>,
          %add3A_634 = arith.constant 13 : i32
          %add3A_635 = arith.addi %add3A_568, %add3A_634 : i32
          %get3A_636 = arith.index_cast %add3A_635 : i32 to index
          %get3A_637 = arith.constant 64 : index
          %get3A_638 = tpu.vector_load %arg5[%get3A_636, %get3A_637] {strides = array<i32>} : memref<800x128xf32, #tpu.memory_space<vmem>>, vector<16xf32>,
          %add3A_639 = arith.constant 14 : i32
          %add3A_640 = arith.addi %add3A_568, %add3A_639 : i32
          %get3A_641 = arith.index_cast %add3A_640 : i32 to index
          %get3A_642 = arith.constant 64 : index
          %get3A_643 = tpu.vector_load %arg5[%get3A_641, %get3A_642] {strides = array<i32>} : memref<800x128xf32, #tpu.memory_space<vmem>>, vector<16xf32>,
          %add3A_644 = arith.constant 15 : i32
          %add3A_645 = arith.addi %add3A_568, %add3A_644 : i32
          %get3A_646 = arith.index_cast %add3A_645 : i32 to index
          %get3A_647 = arith.constant 64 : index
          %get3A_648 = tpu.vector_load %arg5[%get3A_646, %get3A_647] {strides = array<i32>} : memref<800x128xf32, #tpu.memory_space<vmem>>, vector<16xf32>,
          %add3A_649 = arith.addf %get3A_573, %get3A_578 : vector<16xf32>
          %add3A_650 = arith.addf %get3A_583, %get3A_588 : vector<16xf32>
          %add3A_651 = arith.addf %get3A_593, %get3A_598 : vector<16xf32>
          %add3A_652 = arith.addf %get3A_603, %get3A_608 : vector<16xf32>
          %add3A_653 = arith.addf %get3A_613, %get3A_618 : vector<16xf32>
          %add3A_654 = arith.addf %get3A_623, %get3A_628 : vector<16xf32>
          %add3A_655 = arith.addf %get3A_633, %get3A_638 : vector<16xf32>
          %add3A_656 = arith.addf %get3A_643, %get3A_648 : vector<16xf32>
          %add3A_657 = arith.addf %add3A_649, %add3A_650 : vector<16xf32>
          %add3A_658 = arith.addf %add3A_651, %add3A_652 : vector<16xf32>
          %add3A_659 = arith.addf %add3A_653, %add3A_654 : vector<16xf32>
          %add3A_660 = arith.addf %add3A_655, %add3A_656 : vector<16xf32>
          %add3A_661 = arith.addf %add3A_657, %add3A_658 : vector<16xf32>
          %add3A_662 = arith.addf %add3A_659, %add3A_660 : vector<16xf32>
          %add3A_663 = arith.addf %add3A_661, %add3A_662 : vector<16xf32>
          %add3A_664 = arith.addf %scan3A_166, %add3A_663 : vector<16xf32>
          %mul3A_665 = arith.constant 16 : i32
          %mul3A_666 = arith.muli %scan3A_161, %mul3A_665 : i32
          %add3A_667 = arith.addi %mul3A_88, %mul3A_666 : i32
          %add3A_668 = arith.constant 0 : i32
          %add3A_669 = arith.addi %add3A_667, %add3A_668 : i32
          %get3A_670 = arith.index_cast %add3A_669 : i32 to index
          %get3A_671 = arith.constant 80 : index
          %get3A_672 = tpu.vector_load %arg5[%get3A_670, %get3A_671] {strides = array<i32>} : memref<800x128xf32, #tpu.memory_space<vmem>>, vector<16xf32>,
          %add3A_673 = arith.constant 1 : i32
          %add3A_674 = arith.addi %add3A_667, %add3A_673 : i32
          %get3A_675 = arith.index_cast %add3A_674 : i32 to index
          %get3A_676 = arith.constant 80 : index
          %get3A_677 = tpu.vector_load %arg5[%get3A_675, %get3A_676] {strides = array<i32>} : memref<800x128xf32, #tpu.memory_space<vmem>>, vector<16xf32>,
          %add3A_678 = arith.constant 2 : i32
          %add3A_679 = arith.addi %add3A_667, %add3A_678 : i32
          %get3A_680 = arith.index_cast %add3A_679 : i32 to index
          %get3A_681 = arith.constant 80 : index
          %get3A_682 = tpu.vector_load %arg5[%get3A_680, %get3A_681] {strides = array<i32>} : memref<800x128xf32, #tpu.memory_space<vmem>>, vector<16xf32>,
          %add3A_683 = arith.constant 3 : i32
          %add3A_684 = arith.addi %add3A_667, %add3A_683 : i32
          %get3A_685 = arith.index_cast %add3A_684 : i32 to index
          %get3A_686 = arith.constant 80 : index
          %get3A_687 = tpu.vector_load %arg5[%get3A_685, %get3A_686] {strides = array<i32>} : memref<800x128xf32, #tpu.memory_space<vmem>>, vector<16xf32>,
          %add3A_688 = arith.constant 4 : i32
          %add3A_689 = arith.addi %add3A_667, %add3A_688 : i32
          %get3A_690 = arith.index_cast %add3A_689 : i32 to index
          %get3A_691 = arith.constant 80 : index
          %get3A_692 = tpu.vector_load %arg5[%get3A_690, %get3A_691] {strides = array<i32>} : memref<800x128xf32, #tpu.memory_space<vmem>>, vector<16xf32>,
          %add3A_693 = arith.constant 5 : i32
          %add3A_694 = arith.addi %add3A_667, %add3A_693 : i32
          %get3A_695 = arith.index_cast %add3A_694 : i32 to index
          %get3A_696 = arith.constant 80 : index
          %get3A_697 = tpu.vector_load %arg5[%get3A_695, %get3A_696] {strides = array<i32>} : memref<800x128xf32, #tpu.memory_space<vmem>>, vector<16xf32>,
          %add3A_698 = arith.constant 6 : i32
          %add3A_699 = arith.addi %add3A_667, %add3A_698 : i32
          %get3A_700 = arith.index_cast %add3A_699 : i32 to index
          %get3A_701 = arith.constant 80 : index
          %get3A_702 = tpu.vector_load %arg5[%get3A_700, %get3A_701] {strides = array<i32>} : memref<800x128xf32, #tpu.memory_space<vmem>>, vector<16xf32>,
          %add3A_703 = arith.constant 7 : i32
          %add3A_704 = arith.addi %add3A_667, %add3A_703 : i32
          %get3A_705 = arith.index_cast %add3A_704 : i32 to index
          %get3A_706 = arith.constant 80 : index
          %get3A_707 = tpu.vector_load %arg5[%get3A_705, %get3A_706] {strides = array<i32>} : memref<800x128xf32, #tpu.memory_space<vmem>>, vector<16xf32>,
          %add3A_708 = arith.constant 8 : i32
          %add3A_709 = arith.addi %add3A_667, %add3A_708 : i32
          %get3A_710 = arith.index_cast %add3A_709 : i32 to index
          %get3A_711 = arith.constant 80 : index
          %get3A_712 = tpu.vector_load %arg5[%get3A_710, %get3A_711] {strides = array<i32>} : memref<800x128xf32, #tpu.memory_space<vmem>>, vector<16xf32>,
          %add3A_713 = arith.constant 9 : i32
          %add3A_714 = arith.addi %add3A_667, %add3A_713 : i32
          %get3A_715 = arith.index_cast %add3A_714 : i32 to index
          %get3A_716 = arith.constant 80 : index
          %get3A_717 = tpu.vector_load %arg5[%get3A_715, %get3A_716] {strides = array<i32>} : memref<800x128xf32, #tpu.memory_space<vmem>>, vector<16xf32>,
          %add3A_718 = arith.constant 10 : i32
          %add3A_719 = arith.addi %add3A_667, %add3A_718 : i32
          %get3A_720 = arith.index_cast %add3A_719 : i32 to index
          %get3A_721 = arith.constant 80 : index
          %get3A_722 = tpu.vector_load %arg5[%get3A_720, %get3A_721] {strides = array<i32>} : memref<800x128xf32, #tpu.memory_space<vmem>>, vector<16xf32>,
          %add3A_723 = arith.constant 11 : i32
          %add3A_724 = arith.addi %add3A_667, %add3A_723 : i32
          %get3A_725 = arith.index_cast %add3A_724 : i32 to index
          %get3A_726 = arith.constant 80 : index
          %get3A_727 = tpu.vector_load %arg5[%get3A_725, %get3A_726] {strides = array<i32>} : memref<800x128xf32, #tpu.memory_space<vmem>>, vector<16xf32>,
          %add3A_728 = arith.constant 12 : i32
          %add3A_729 = arith.addi %add3A_667, %add3A_728 : i32
          %get3A_730 = arith.index_cast %add3A_729 : i32 to index
          %get3A_731 = arith.constant 80 : index
          %get3A_732 = tpu.vector_load %arg5[%get3A_730, %get3A_731] {strides = array<i32>} : memref<800x128xf32, #tpu.memory_space<vmem>>, vector<16xf32>,
          %add3A_733 = arith.constant 13 : i32
          %add3A_734 = arith.addi %add3A_667, %add3A_733 : i32
          %get3A_735 = arith.index_cast %add3A_734 : i32 to index
          %get3A_736 = arith.constant 80 : index
          %get3A_737 = tpu.vector_load %arg5[%get3A_735, %get3A_736] {strides = array<i32>} : memref<800x128xf32, #tpu.memory_space<vmem>>, vector<16xf32>,
          %add3A_738 = arith.constant 14 : i32
          %add3A_739 = arith.addi %add3A_667, %add3A_738 : i32
          %get3A_740 = arith.index_cast %add3A_739 : i32 to index
          %get3A_741 = arith.constant 80 : index
          %get3A_742 = tpu.vector_load %arg5[%get3A_740, %get3A_741] {strides = array<i32>} : memref<800x128xf32, #tpu.memory_space<vmem>>, vector<16xf32>,
          %add3A_743 = arith.constant 15 : i32
          %add3A_744 = arith.addi %add3A_667, %add3A_743 : i32
          %get3A_745 = arith.index_cast %add3A_744 : i32 to index
          %get3A_746 = arith.constant 80 : index
          %get3A_747 = tpu.vector_load %arg5[%get3A_745, %get3A_746] {strides = array<i32>} : memref<800x128xf32, #tpu.memory_space<vmem>>, vector<16xf32>,
          %add3A_748 = arith.addf %get3A_672, %get3A_677 : vector<16xf32>
          %add3A_749 = arith.addf %get3A_682, %get3A_687 : vector<16xf32>
          %add3A_750 = arith.addf %get3A_692, %get3A_697 : vector<16xf32>
          %add3A_751 = arith.addf %get3A_702, %get3A_707 : vector<16xf32>
          %add3A_752 = arith.addf %get3A_712, %get3A_717 : vector<16xf32>
          %add3A_753 = arith.addf %get3A_722, %get3A_727 : vector<16xf32>
          %add3A_754 = arith.addf %get3A_732, %get3A_737 : vector<16xf32>
          %add3A_755 = arith.addf %get3A_742, %get3A_747 : vector<16xf32>
          %add3A_756 = arith.addf %add3A_748, %add3A_749 : vector<16xf32>
          %add3A_757 = arith.addf %add3A_750, %add3A_751 : vector<16xf32>
          %add3A_758 = arith.addf %add3A_752, %add3A_753 : vector<16xf32>
          %add3A_759 = arith.addf %add3A_754, %add3A_755 : vector<16xf32>
          %add3A_760 = arith.addf %add3A_756, %add3A_757 : vector<16xf32>
          %add3A_761 = arith.addf %add3A_758, %add3A_759 : vector<16xf32>
          %add3A_762 = arith.addf %add3A_760, %add3A_761 : vector<16xf32>
          %add3A_763 = arith.addf %scan3A_167, %add3A_762 : vector<16xf32>
          %mul3A_764 = arith.constant 16 : i32
          %mul3A_765 = arith.muli %scan3A_161, %mul3A_764 : i32
          %add3A_766 = arith.addi %mul3A_88, %mul3A_765 : i32
          %add3A_767 = arith.constant 0 : i32
          %add3A_768 = arith.addi %add3A_766, %add3A_767 : i32
          %get3A_769 = arith.index_cast %add3A_768 : i32 to index
          %get3A_770 = arith.constant 96 : index
          %get3A_771 = tpu.vector_load %arg5[%get3A_769, %get3A_770] {strides = array<i32>} : memref<800x128xf32, #tpu.memory_space<vmem>>, vector<16xf32>,
          %add3A_772 = arith.constant 1 : i32
          %add3A_773 = arith.addi %add3A_766, %add3A_772 : i32
          %get3A_774 = arith.index_cast %add3A_773 : i32 to index
          %get3A_775 = arith.constant 96 : index
          %get3A_776 = tpu.vector_load %arg5[%get3A_774, %get3A_775] {strides = array<i32>} : memref<800x128xf32, #tpu.memory_space<vmem>>, vector<16xf32>,
          %add3A_777 = arith.constant 2 : i32
          %add3A_778 = arith.addi %add3A_766, %add3A_777 : i32
          %get3A_779 = arith.index_cast %add3A_778 : i32 to index
          %get3A_780 = arith.constant 96 : index
          %get3A_781 = tpu.vector_load %arg5[%get3A_779, %get3A_780] {strides = array<i32>} : memref<800x128xf32, #tpu.memory_space<vmem>>, vector<16xf32>,
          %add3A_782 = arith.constant 3 : i32
          %add3A_783 = arith.addi %add3A_766, %add3A_782 : i32
          %get3A_784 = arith.index_cast %add3A_783 : i32 to index
          %get3A_785 = arith.constant 96 : index
          %get3A_786 = tpu.vector_load %arg5[%get3A_784, %get3A_785] {strides = array<i32>} : memref<800x128xf32, #tpu.memory_space<vmem>>, vector<16xf32>,
          %add3A_787 = arith.constant 4 : i32
          %add3A_788 = arith.addi %add3A_766, %add3A_787 : i32
          %get3A_789 = arith.index_cast %add3A_788 : i32 to index
          %get3A_790 = arith.constant 96 : index
          %get3A_791 = tpu.vector_load %arg5[%get3A_789, %get3A_790] {strides = array<i32>} : memref<800x128xf32, #tpu.memory_space<vmem>>, vector<16xf32>,
          %add3A_792 = arith.constant 5 : i32
          %add3A_793 = arith.addi %add3A_766, %add3A_792 : i32
          %get3A_794 = arith.index_cast %add3A_793 : i32 to index
          %get3A_795 = arith.constant 96 : index
          %get3A_796 = tpu.vector_load %arg5[%get3A_794, %get3A_795] {strides = array<i32>} : memref<800x128xf32, #tpu.memory_space<vmem>>, vector<16xf32>,
          %add3A_797 = arith.constant 6 : i32
          %add3A_798 = arith.addi %add3A_766, %add3A_797 : i32
          %get3A_799 = arith.index_cast %add3A_798 : i32 to index
          %get3A_800 = arith.constant 96 : index
          %get3A_801 = tpu.vector_load %arg5[%get3A_799, %get3A_800] {strides = array<i32>} : memref<800x128xf32, #tpu.memory_space<vmem>>, vector<16xf32>,
          %add3A_802 = arith.constant 7 : i32
          %add3A_803 = arith.addi %add3A_766, %add3A_802 : i32
          %get3A_804 = arith.index_cast %add3A_803 : i32 to index
          %get3A_805 = arith.constant 96 : index
          %get3A_806 = tpu.vector_load %arg5[%get3A_804, %get3A_805] {strides = array<i32>} : memref<800x128xf32, #tpu.memory_space<vmem>>, vector<16xf32>,
          %add3A_807 = arith.constant 8 : i32
          %add3A_808 = arith.addi %add3A_766, %add3A_807 : i32
          %get3A_809 = arith.index_cast %add3A_808 : i32 to index
          %get3A_810 = arith.constant 96 : index
          %get3A_811 = tpu.vector_load %arg5[%get3A_809, %get3A_810] {strides = array<i32>} : memref<800x128xf32, #tpu.memory_space<vmem>>, vector<16xf32>,
          %add3A_812 = arith.constant 9 : i32
          %add3A_813 = arith.addi %add3A_766, %add3A_812 : i32
          %get3A_814 = arith.index_cast %add3A_813 : i32 to index
          %get3A_815 = arith.constant 96 : index
          %get3A_816 = tpu.vector_load %arg5[%get3A_814, %get3A_815] {strides = array<i32>} : memref<800x128xf32, #tpu.memory_space<vmem>>, vector<16xf32>,
          %add3A_817 = arith.constant 10 : i32
          %add3A_818 = arith.addi %add3A_766, %add3A_817 : i32
          %get3A_819 = arith.index_cast %add3A_818 : i32 to index
          %get3A_820 = arith.constant 96 : index
          %get3A_821 = tpu.vector_load %arg5[%get3A_819, %get3A_820] {strides = array<i32>} : memref<800x128xf32, #tpu.memory_space<vmem>>, vector<16xf32>,
          %add3A_822 = arith.constant 11 : i32
          %add3A_823 = arith.addi %add3A_766, %add3A_822 : i32
          %get3A_824 = arith.index_cast %add3A_823 : i32 to index
          %get3A_825 = arith.constant 96 : index
          %get3A_826 = tpu.vector_load %arg5[%get3A_824, %get3A_825] {strides = array<i32>} : memref<800x128xf32, #tpu.memory_space<vmem>>, vector<16xf32>,
          %add3A_827 = arith.constant 12 : i32
          %add3A_828 = arith.addi %add3A_766, %add3A_827 : i32
          %get3A_829 = arith.index_cast %add3A_828 : i32 to index
          %get3A_830 = arith.constant 96 : index
          %get3A_831 = tpu.vector_load %arg5[%get3A_829, %get3A_830] {strides = array<i32>} : memref<800x128xf32, #tpu.memory_space<vmem>>, vector<16xf32>,
          %add3A_832 = arith.constant 13 : i32
          %add3A_833 = arith.addi %add3A_766, %add3A_832 : i32
          %get3A_834 = arith.index_cast %add3A_833 : i32 to index
          %get3A_835 = arith.constant 96 : index
          %get3A_836 = tpu.vector_load %arg5[%get3A_834, %get3A_835] {strides = array<i32>} : memref<800x128xf32, #tpu.memory_space<vmem>>, vector<16xf32>,
          %add3A_837 = arith.constant 14 : i32
          %add3A_838 = arith.addi %add3A_766, %add3A_837 : i32
          %get3A_839 = arith.index_cast %add3A_838 : i32 to index
          %get3A_840 = arith.constant 96 : index
          %get3A_841 = tpu.vector_load %arg5[%get3A_839, %get3A_840] {strides = array<i32>} : memref<800x128xf32, #tpu.memory_space<vmem>>, vector<16xf32>,
          %add3A_842 = arith.constant 15 : i32
          %add3A_843 = arith.addi %add3A_766, %add3A_842 : i32
          %get3A_844 = arith.index_cast %add3A_843 : i32 to index
          %get3A_845 = arith.constant 96 : index
          %get3A_846 = tpu.vector_load %arg5[%get3A_844, %get3A_845] {strides = array<i32>} : memref<800x128xf32, #tpu.memory_space<vmem>>, vector<16xf32>,
          %add3A_847 = arith.addf %get3A_771, %get3A_776 : vector<16xf32>
          %add3A_848 = arith.addf %get3A_781, %get3A_786 : vector<16xf32>
          %add3A_849 = arith.addf %get3A_791, %get3A_796 : vector<16xf32>
          %add3A_850 = arith.addf %get3A_801, %get3A_806 : vector<16xf32>
          %add3A_851 = arith.addf %get3A_811, %get3A_816 : vector<16xf32>
          %add3A_852 = arith.addf %get3A_821, %get3A_826 : vector<16xf32>
          %add3A_853 = arith.addf %get3A_831, %get3A_836 : vector<16xf32>
          %add3A_854 = arith.addf %get3A_841, %get3A_846 : vector<16xf32>
          %add3A_855 = arith.addf %add3A_847, %add3A_848 : vector<16xf32>
          %add3A_856 = arith.addf %add3A_849, %add3A_850 : vector<16xf32>
          %add3A_857 = arith.addf %add3A_851, %add3A_852 : vector<16xf32>
          %add3A_858 = arith.addf %add3A_853, %add3A_854 : vector<16xf32>
          %add3A_859 = arith.addf %add3A_855, %add3A_856 : vector<16xf32>
          %add3A_860 = arith.addf %add3A_857, %add3A_858 : vector<16xf32>
          %add3A_861 = arith.addf %add3A_859, %add3A_860 : vector<16xf32>
          %add3A_862 = arith.addf %scan3A_168, %add3A_861 : vector<16xf32>
          %mul3A_863 = arith.constant 16 : i32
          %mul3A_864 = arith.muli %scan3A_161, %mul3A_863 : i32
          %add3A_865 = arith.addi %mul3A_88, %mul3A_864 : i32
          %add3A_866 = arith.constant 0 : i32
          %add3A_867 = arith.addi %add3A_865, %add3A_866 : i32
          %get3A_868 = arith.index_cast %add3A_867 : i32 to index
          %get3A_869 = arith.constant 112 : index
          %get3A_870 = tpu.vector_load %arg5[%get3A_868, %get3A_869] {strides = array<i32>} : memref<800x128xf32, #tpu.memory_space<vmem>>, vector<16xf32>,
          %add3A_871 = arith.constant 1 : i32
          %add3A_872 = arith.addi %add3A_865, %add3A_871 : i32
          %get3A_873 = arith.index_cast %add3A_872 : i32 to index
          %get3A_874 = arith.constant 112 : index
          %get3A_875 = tpu.vector_load %arg5[%get3A_873, %get3A_874] {strides = array<i32>} : memref<800x128xf32, #tpu.memory_space<vmem>>, vector<16xf32>,
          %add3A_876 = arith.constant 2 : i32
          %add3A_877 = arith.addi %add3A_865, %add3A_876 : i32
          %get3A_878 = arith.index_cast %add3A_877 : i32 to index
          %get3A_879 = arith.constant 112 : index
          %get3A_880 = tpu.vector_load %arg5[%get3A_878, %get3A_879] {strides = array<i32>} : memref<800x128xf32, #tpu.memory_space<vmem>>, vector<16xf32>,
          %add3A_881 = arith.constant 3 : i32
          %add3A_882 = arith.addi %add3A_865, %add3A_881 : i32
          %get3A_883 = arith.index_cast %add3A_882 : i32 to index
          %get3A_884 = arith.constant 112 : index
          %get3A_885 = tpu.vector_load %arg5[%get3A_883, %get3A_884] {strides = array<i32>} : memref<800x128xf32, #tpu.memory_space<vmem>>, vector<16xf32>,
          %add3A_886 = arith.constant 4 : i32
          %add3A_887 = arith.addi %add3A_865, %add3A_886 : i32
          %get3A_888 = arith.index_cast %add3A_887 : i32 to index
          %get3A_889 = arith.constant 112 : index
          %get3A_890 = tpu.vector_load %arg5[%get3A_888, %get3A_889] {strides = array<i32>} : memref<800x128xf32, #tpu.memory_space<vmem>>, vector<16xf32>,
          %add3A_891 = arith.constant 5 : i32
          %add3A_892 = arith.addi %add3A_865, %add3A_891 : i32
          %get3A_893 = arith.index_cast %add3A_892 : i32 to index
          %get3A_894 = arith.constant 112 : index
          %get3A_895 = tpu.vector_load %arg5[%get3A_893, %get3A_894] {strides = array<i32>} : memref<800x128xf32, #tpu.memory_space<vmem>>, vector<16xf32>,
          %add3A_896 = arith.constant 6 : i32
          %add3A_897 = arith.addi %add3A_865, %add3A_896 : i32
          %get3A_898 = arith.index_cast %add3A_897 : i32 to index
          %get3A_899 = arith.constant 112 : index
          %get3A_900 = tpu.vector_load %arg5[%get3A_898, %get3A_899] {strides = array<i32>} : memref<800x128xf32, #tpu.memory_space<vmem>>, vector<16xf32>,
          %add3A_901 = arith.constant 7 : i32
          %add3A_902 = arith.addi %add3A_865, %add3A_901 : i32
          %get3A_903 = arith.index_cast %add3A_902 : i32 to index
          %get3A_904 = arith.constant 112 : index
          %get3A_905 = tpu.vector_load %arg5[%get3A_903, %get3A_904] {strides = array<i32>} : memref<800x128xf32, #tpu.memory_space<vmem>>, vector<16xf32>,
          %add3A_906 = arith.constant 8 : i32
          %add3A_907 = arith.addi %add3A_865, %add3A_906 : i32
          %get3A_908 = arith.index_cast %add3A_907 : i32 to index
          %get3A_909 = arith.constant 112 : index
          %get3A_910 = tpu.vector_load %arg5[%get3A_908, %get3A_909] {strides = array<i32>} : memref<800x128xf32, #tpu.memory_space<vmem>>, vector<16xf32>,
          %add3A_911 = arith.constant 9 : i32
          %add3A_912 = arith.addi %add3A_865, %add3A_911 : i32
          %get3A_913 = arith.index_cast %add3A_912 : i32 to index
          %get3A_914 = arith.constant 112 : index
          %get3A_915 = tpu.vector_load %arg5[%get3A_913, %get3A_914] {strides = array<i32>} : memref<800x128xf32, #tpu.memory_space<vmem>>, vector<16xf32>,
          %add3A_916 = arith.constant 10 : i32
          %add3A_917 = arith.addi %add3A_865, %add3A_916 : i32
          %get3A_918 = arith.index_cast %add3A_917 : i32 to index
          %get3A_919 = arith.constant 112 : index
          %get3A_920 = tpu.vector_load %arg5[%get3A_918, %get3A_919] {strides = array<i32>} : memref<800x128xf32, #tpu.memory_space<vmem>>, vector<16xf32>,
          %add3A_921 = arith.constant 11 : i32
          %add3A_922 = arith.addi %add3A_865, %add3A_921 : i32
          %get3A_923 = arith.index_cast %add3A_922 : i32 to index
          %get3A_924 = arith.constant 112 : index
          %get3A_925 = tpu.vector_load %arg5[%get3A_923, %get3A_924] {strides = array<i32>} : memref<800x128xf32, #tpu.memory_space<vmem>>, vector<16xf32>,
          %add3A_926 = arith.constant 12 : i32
          %add3A_927 = arith.addi %add3A_865, %add3A_926 : i32
          %get3A_928 = arith.index_cast %add3A_927 : i32 to index
          %get3A_929 = arith.constant 112 : index
          %get3A_930 = tpu.vector_load %arg5[%get3A_928, %get3A_929] {strides = array<i32>} : memref<800x128xf32, #tpu.memory_space<vmem>>, vector<16xf32>,
          %add3A_931 = arith.constant 13 : i32
          %add3A_932 = arith.addi %add3A_865, %add3A_931 : i32
          %get3A_933 = arith.index_cast %add3A_932 : i32 to index
          %get3A_934 = arith.constant 112 : index
          %get3A_935 = tpu.vector_load %arg5[%get3A_933, %get3A_934] {strides = array<i32>} : memref<800x128xf32, #tpu.memory_space<vmem>>, vector<16xf32>,
          %add3A_936 = arith.constant 14 : i32
          %add3A_937 = arith.addi %add3A_865, %add3A_936 : i32
          %get3A_938 = arith.index_cast %add3A_937 : i32 to index
          %get3A_939 = arith.constant 112 : index
          %get3A_940 = tpu.vector_load %arg5[%get3A_938, %get3A_939] {strides = array<i32>} : memref<800x128xf32, #tpu.memory_space<vmem>>, vector<16xf32>,
          %add3A_941 = arith.constant 15 : i32
          %add3A_942 = arith.addi %add3A_865, %add3A_941 : i32
          %get3A_943 = arith.index_cast %add3A_942 : i32 to index
          %get3A_944 = arith.constant 112 : index
          %get3A_945 = tpu.vector_load %arg5[%get3A_943, %get3A_944] {strides = array<i32>} : memref<800x128xf32, #tpu.memory_space<vmem>>, vector<16xf32>,
          %add3A_946 = arith.addf %get3A_870, %get3A_875 : vector<16xf32>
          %add3A_947 = arith.addf %get3A_880, %get3A_885 : vector<16xf32>
          %add3A_948 = arith.addf %get3A_890, %get3A_895 : vector<16xf32>
          %add3A_949 = arith.addf %get3A_900, %get3A_905 : vector<16xf32>
          %add3A_950 = arith.addf %get3A_910, %get3A_915 : vector<16xf32>
          %add3A_951 = arith.addf %get3A_920, %get3A_925 : vector<16xf32>
          %add3A_952 = arith.addf %get3A_930, %get3A_935 : vector<16xf32>
          %add3A_953 = arith.addf %get3A_940, %get3A_945 : vector<16xf32>
          %add3A_954 = arith.addf %add3A_946, %add3A_947 : vector<16xf32>
          %add3A_955 = arith.addf %add3A_948, %add3A_949 : vector<16xf32>
          %add3A_956 = arith.addf %add3A_950, %add3A_951 : vector<16xf32>
          %add3A_957 = arith.addf %add3A_952, %add3A_953 : vector<16xf32>
          %add3A_958 = arith.addf %add3A_954, %add3A_955 : vector<16xf32>
          %add3A_959 = arith.addf %add3A_956, %add3A_957 : vector<16xf32>
          %add3A_960 = arith.addf %add3A_958, %add3A_959 : vector<16xf32>
          %add3A_961 = arith.addf %scan3A_169, %add3A_960 : vector<16xf32>
          scf.yield %add3A_268, %add3A_367, %add3A_466, %add3A_565, %add3A_664, %add3A_763, %add3A_862, %add3A_961 : vector<16xf32>, vector<16xf32>, vector<16xf32>, vector<16xf32>, vector<16xf32>, vector<16xf32>, vector<16xf32>, vector<16xf32>
        }
        %scan3A_136 = arith.constant 25 : i32
        %add3A_137 = arith.constant 0 : i32
        %add3A_138 = vector.broadcast %add3A_137 : i32 to vector<16xi32>
        %add3A_139 = arith.addi %iota3A, %add3A_138 : vector<16xi32>
        tpu.vector_store_idx %arg7[%get3A_89, %add3A_139], %scan3A_135#0 {add = true} : memref<16x128xf32, #tpu.memory_space<vmem>>[vector<16xi32>, vector<16xi32>], vector<16xf32>,
        %add3A_140 = arith.constant 16 : i32
        %add3A_141 = vector.broadcast %add3A_140 : i32 to vector<16xi32>
        %add3A_142 = arith.addi %iota3A, %add3A_141 : vector<16xi32>
        tpu.vector_store_idx %arg7[%get3A_89, %add3A_142], %scan3A_135#1 {add = true} : memref<16x128xf32, #tpu.memory_space<vmem>>[vector<16xi32>, vector<16xi32>], vector<16xf32>,
        %add3A_143 = arith.constant 32 : i32
        %add3A_144 = vector.broadcast %add3A_143 : i32 to vector<16xi32>
        %add3A_145 = arith.addi %iota3A, %add3A_144 : vector<16xi32>
        tpu.vector_store_idx %arg7[%get3A_89, %add3A_145], %scan3A_135#2 {add = true} : memref<16x128xf32, #tpu.memory_space<vmem>>[vector<16xi32>, vector<16xi32>], vector<16xf32>,
        %add3A_146 = arith.constant 48 : i32
        %add3A_147 = vector.broadcast %add3A_146 : i32 to vector<16xi32>
        %add3A_148 = arith.addi %iota3A, %add3A_147 : vector<16xi32>
        tpu.vector_store_idx %arg7[%get3A_89, %add3A_148], %scan3A_135#3 {add = true} : memref<16x128xf32, #tpu.memory_space<vmem>>[vector<16xi32>, vector<16xi32>], vector<16xf32>,
        %add3A_149 = arith.constant 64 : i32
        %add3A_150 = vector.broadcast %add3A_149 : i32 to vector<16xi32>
        %add3A_151 = arith.addi %iota3A, %add3A_150 : vector<16xi32>
        tpu.vector_store_idx %arg7[%get3A_89, %add3A_151], %scan3A_135#4 {add = true} : memref<16x128xf32, #tpu.memory_space<vmem>>[vector<16xi32>, vector<16xi32>], vector<16xf32>,
        %add3A_152 = arith.constant 80 : i32
        %add3A_153 = vector.broadcast %add3A_152 : i32 to vector<16xi32>
        %add3A_154 = arith.addi %iota3A, %add3A_153 : vector<16xi32>
        tpu.vector_store_idx %arg7[%get3A_89, %add3A_154], %scan3A_135#5 {add = true} : memref<16x128xf32, #tpu.memory_space<vmem>>[vector<16xi32>, vector<16xi32>], vector<16xf32>,
        %add3A_155 = arith.constant 96 : i32
        %add3A_156 = vector.broadcast %add3A_155 : i32 to vector<16xi32>
        %add3A_157 = arith.addi %iota3A, %add3A_156 : vector<16xi32>
        tpu.vector_store_idx %arg7[%get3A_89, %add3A_157], %scan3A_135#6 {add = true} : memref<16x128xf32, #tpu.memory_space<vmem>>[vector<16xi32>, vector<16xi32>], vector<16xf32>,
        %add3A_158 = arith.constant 112 : i32
        %add3A_159 = vector.broadcast %add3A_158 : i32 to vector<16xi32>
        %add3A_160 = arith.addi %iota3A, %add3A_159 : vector<16xi32>
        tpu.vector_store_idx %arg7[%get3A_89, %add3A_160], %scan3A_135#7 {add = true} : memref<16x128xf32, #tpu.memory_space<vmem>>[vector<16xi32>, vector<16xi32>], vector<16xf32>,
      } else {
      }
      %not3A = arith.constant true
      %not3A_110 = arith.xori %reduce_and3A_106, %not3A : i1
      %convert_element_type3A_111 = arith.extui %not3A_110 : i1 to i32
      %cond3A_112 = arith.constant 0 : i32
      %cond3A_113 = arith.cmpi ne, %convert_element_type3A_111, %cond3A_112 : i32
      scf.if %cond3A_113 {
        %scan3A_115 = arith.constant 0 : i32
        %scan3A_116 = arith.constant 0 : i32
        %scan3A_117 = arith.constant 25 : i32
        %scan3A_118 = arith.addi %scan3A_116, %scan3A_117 : i32
        %scan3A_119 = arith.constant 1 : i32
        %scan3A_120 = scf.for %scan3A_122 = %scan3A_116 to %scan3A_118 step %scan3A_119 iter_args(%scan3A_123 = %scan3A_115) -> (i32)  : i32 {
          %mul3A_124 = arith.constant 16 : i32
          %mul3A_125 = arith.muli %scan3A_122, %mul3A_124 : i32
          %add3A_126 = arith.addi %mul3A_88, %mul3A_125 : i32
          %get3A_127 = arith.index_cast %add3A_126 : i32 to index
          %get3A_128 = tpu.vector_load %arg6[%get3A_127] {strides = array<i32>} : memref<800xi32, #tpu.memory_space<vmem>>, vector<16xi32>,
          %broadcast_in_dim3A_129 = arith.constant 0 : i32
          %broadcast_in_dim3A_130 = vector.broadcast %broadcast_in_dim3A_129 : i32 to vector<16xi32>
          %lt3A_131 = arith.constant 0 : i32
          %lt3A_132 = vector.broadcast %lt3A_131 : i32 to vector<16xi32>
          %lt3A_133 = arith.cmpi slt, %broadcast_in_dim3A_130, %lt3A_132 : vector<16xi32>
          %add3A_134 = arith.constant 16 : i32
          %add3A_135 = vector.broadcast %add3A_134 : i32 to vector<16xi32>
          %add3A_136 = arith.addi %broadcast_in_dim3A_130, %add3A_135 : vector<16xi32>
          %select_n3A_137 = arith.select %lt3A_133, %add3A_136, %broadcast_in_dim3A_130 : vector<16xi1>, vector<16xi32>
          %broadcast_in_dim3A_138 = vector.shape_cast %select_n3A_137 : vector<16xi32> to vector<16x1xi32>
          %gather3A = vector.shape_cast %broadcast_in_dim3A_138 : vector<16x1xi32> to vector<16xi32>
          %gather3A_139 = tpu.dynamic_gather %get3A_128[%gather3A] in [0] : vector<16xi32>, vector<16xi32> -> vector<16xi32>
          %eq3A_140 = arith.cmpi eq, %get3A_128, %gather3A_139 : vector<16xi32>
          %reduce_and3A_141 = arith.constant 1.000000e+00 : f32
          %reduce_and3A_142 = arith.constant 0.000000e+00 : f32
          %reduce_and3A_143 = vector.broadcast %reduce_and3A_141 : f32 to vector<16xf32>
          %reduce_and3A_144 = vector.broadcast %reduce_and3A_142 : f32 to vector<16xf32>
          %reduce_and3A_145 = arith.select %eq3A_140, %reduce_and3A_143, %reduce_and3A_144 : vector<16xi1>, vector<16xf32>
          %reduce_and3A_146 = arith.constant true
          %reduce_and3A_147 = vector.broadcast %reduce_and3A_146 : i1 to vector<16xi1>
          %reduce_and3A_148 = tpu.scan <min>, %reduce_and3A_145 masked %reduce_and3A_147 : vector<16xf32>, vector<16xi1> -> vector<16xf32>
          %reduce_and3A_149 = vector.extract %reduce_and3A_148[15] : f32 from vector<16xf32>
          %reduce_and3A_150 = arith.constant 0.000000e+00 : f32
          %reduce_and3A_151 = arith.cmpf ogt, %reduce_and3A_149, %reduce_and3A_150 : f32
          %convert_element_type3A_152 = arith.extui %reduce_and3A_151 : i1 to i32
          %cond3A_153 = arith.constant 0 : i32
          %cond3A_154 = arith.cmpi ne, %convert_element_type3A_152, %cond3A_153 : i32
          scf.if %cond3A_154 {
            %add3A_161 = arith.constant 0 : i32
            %add3A_162 = arith.addi %add3A_126, %add3A_161 : i32
            %get3A_163 = arith.index_cast %add3A_162 : i32 to index
            %get3A_164 = arith.constant 0 : index
            %get3A_165 = tpu.vector_load %arg5[%get3A_163, %get3A_164] {strides = array<i32>} : memref<800x128xf32, #tpu.memory_space<vmem>>, vector<16xf32>,
            %add3A_166 = arith.constant 1 : i32
            %add3A_167 = arith.addi %add3A_126, %add3A_166 : i32
            %get3A_168 = arith.index_cast %add3A_167 : i32 to index
            %get3A_169 = arith.constant 0 : index
            %get3A_170 = tpu.vector_load %arg5[%get3A_168, %get3A_169] {strides = array<i32>} : memref<800x128xf32, #tpu.memory_space<vmem>>, vector<16xf32>,
            %add3A_171 = arith.constant 2 : i32
            %add3A_172 = arith.addi %add3A_126, %add3A_171 : i32
            %get3A_173 = arith.index_cast %add3A_172 : i32 to index
            %get3A_174 = arith.constant 0 : index
            %get3A_175 = tpu.vector_load %arg5[%get3A_173, %get3A_174] {strides = array<i32>} : memref<800x128xf32, #tpu.memory_space<vmem>>, vector<16xf32>,
            %add3A_176 = arith.constant 3 : i32
            %add3A_177 = arith.addi %add3A_126, %add3A_176 : i32
            %get3A_178 = arith.index_cast %add3A_177 : i32 to index
            %get3A_179 = arith.constant 0 : index
            %get3A_180 = tpu.vector_load %arg5[%get3A_178, %get3A_179] {strides = array<i32>} : memref<800x128xf32, #tpu.memory_space<vmem>>, vector<16xf32>,
            %add3A_181 = arith.constant 4 : i32
            %add3A_182 = arith.addi %add3A_126, %add3A_181 : i32
            %get3A_183 = arith.index_cast %add3A_182 : i32 to index
            %get3A_184 = arith.constant 0 : index
            %get3A_185 = tpu.vector_load %arg5[%get3A_183, %get3A_184] {strides = array<i32>} : memref<800x128xf32, #tpu.memory_space<vmem>>, vector<16xf32>,
            %add3A_186 = arith.constant 5 : i32
            %add3A_187 = arith.addi %add3A_126, %add3A_186 : i32
            %get3A_188 = arith.index_cast %add3A_187 : i32 to index
            %get3A_189 = arith.constant 0 : index
            %get3A_190 = tpu.vector_load %arg5[%get3A_188, %get3A_189] {strides = array<i32>} : memref<800x128xf32, #tpu.memory_space<vmem>>, vector<16xf32>,
            %add3A_191 = arith.constant 6 : i32
            %add3A_192 = arith.addi %add3A_126, %add3A_191 : i32
            %get3A_193 = arith.index_cast %add3A_192 : i32 to index
            %get3A_194 = arith.constant 0 : index
            %get3A_195 = tpu.vector_load %arg5[%get3A_193, %get3A_194] {strides = array<i32>} : memref<800x128xf32, #tpu.memory_space<vmem>>, vector<16xf32>,
            %add3A_196 = arith.constant 7 : i32
            %add3A_197 = arith.addi %add3A_126, %add3A_196 : i32
            %get3A_198 = arith.index_cast %add3A_197 : i32 to index
            %get3A_199 = arith.constant 0 : index
            %get3A_200 = tpu.vector_load %arg5[%get3A_198, %get3A_199] {strides = array<i32>} : memref<800x128xf32, #tpu.memory_space<vmem>>, vector<16xf32>,
            %add3A_201 = arith.constant 8 : i32
            %add3A_202 = arith.addi %add3A_126, %add3A_201 : i32
            %get3A_203 = arith.index_cast %add3A_202 : i32 to index
            %get3A_204 = arith.constant 0 : index
            %get3A_205 = tpu.vector_load %arg5[%get3A_203, %get3A_204] {strides = array<i32>} : memref<800x128xf32, #tpu.memory_space<vmem>>, vector<16xf32>,
            %add3A_206 = arith.constant 9 : i32
            %add3A_207 = arith.addi %add3A_126, %add3A_206 : i32
            %get3A_208 = arith.index_cast %add3A_207 : i32 to index
            %get3A_209 = arith.constant 0 : index
            %get3A_210 = tpu.vector_load %arg5[%get3A_208, %get3A_209] {strides = array<i32>} : memref<800x128xf32, #tpu.memory_space<vmem>>, vector<16xf32>,
            %add3A_211 = arith.constant 10 : i32
            %add3A_212 = arith.addi %add3A_126, %add3A_211 : i32
            %get3A_213 = arith.index_cast %add3A_212 : i32 to index
            %get3A_214 = arith.constant 0 : index
            %get3A_215 = tpu.vector_load %arg5[%get3A_213, %get3A_214] {strides = array<i32>} : memref<800x128xf32, #tpu.memory_space<vmem>>, vector<16xf32>,
            %add3A_216 = arith.constant 11 : i32
            %add3A_217 = arith.addi %add3A_126, %add3A_216 : i32
            %get3A_218 = arith.index_cast %add3A_217 : i32 to index
            %get3A_219 = arith.constant 0 : index
            %get3A_220 = tpu.vector_load %arg5[%get3A_218, %get3A_219] {strides = array<i32>} : memref<800x128xf32, #tpu.memory_space<vmem>>, vector<16xf32>,
            %add3A_221 = arith.constant 12 : i32
            %add3A_222 = arith.addi %add3A_126, %add3A_221 : i32
            %get3A_223 = arith.index_cast %add3A_222 : i32 to index
            %get3A_224 = arith.constant 0 : index
            %get3A_225 = tpu.vector_load %arg5[%get3A_223, %get3A_224] {strides = array<i32>} : memref<800x128xf32, #tpu.memory_space<vmem>>, vector<16xf32>,
            %add3A_226 = arith.constant 13 : i32
            %add3A_227 = arith.addi %add3A_126, %add3A_226 : i32
            %get3A_228 = arith.index_cast %add3A_227 : i32 to index
            %get3A_229 = arith.constant 0 : index
            %get3A_230 = tpu.vector_load %arg5[%get3A_228, %get3A_229] {strides = array<i32>} : memref<800x128xf32, #tpu.memory_space<vmem>>, vector<16xf32>,
            %add3A_231 = arith.constant 14 : i32
            %add3A_232 = arith.addi %add3A_126, %add3A_231 : i32
            %get3A_233 = arith.index_cast %add3A_232 : i32 to index
            %get3A_234 = arith.constant 0 : index
            %get3A_235 = tpu.vector_load %arg5[%get3A_233, %get3A_234] {strides = array<i32>} : memref<800x128xf32, #tpu.memory_space<vmem>>, vector<16xf32>,
            %add3A_236 = arith.constant 15 : i32
            %add3A_237 = arith.addi %add3A_126, %add3A_236 : i32
            %get3A_238 = arith.index_cast %add3A_237 : i32 to index
            %get3A_239 = arith.constant 0 : index
            %get3A_240 = tpu.vector_load %arg5[%get3A_238, %get3A_239] {strides = array<i32>} : memref<800x128xf32, #tpu.memory_space<vmem>>, vector<16xf32>,
            %add3A_241 = arith.addf %get3A_165, %get3A_170 : vector<16xf32>
            %add3A_242 = arith.addf %get3A_175, %get3A_180 : vector<16xf32>
            %add3A_243 = arith.addf %get3A_185, %get3A_190 : vector<16xf32>
            %add3A_244 = arith.addf %get3A_195, %get3A_200 : vector<16xf32>
            %add3A_245 = arith.addf %get3A_205, %get3A_210 : vector<16xf32>
            %add3A_246 = arith.addf %get3A_215, %get3A_220 : vector<16xf32>
            %add3A_247 = arith.addf %get3A_225, %get3A_230 : vector<16xf32>
            %add3A_248 = arith.addf %get3A_235, %get3A_240 : vector<16xf32>
            %add3A_249 = arith.addf %add3A_241, %add3A_242 : vector<16xf32>
            %add3A_250 = arith.addf %add3A_243, %add3A_244 : vector<16xf32>
            %add3A_251 = arith.addf %add3A_245, %add3A_246 : vector<16xf32>
            %add3A_252 = arith.addf %add3A_247, %add3A_248 : vector<16xf32>
            %add3A_253 = arith.addf %add3A_249, %add3A_250 : vector<16xf32>
            %add3A_254 = arith.addf %add3A_251, %add3A_252 : vector<16xf32>
            %add3A_255 = arith.addf %add3A_253, %add3A_254 : vector<16xf32>
            %add3A_256 = arith.constant 0 : i32
            %add3A_257 = vector.broadcast %add3A_256 : i32 to vector<16xi32>
            %add3A_258 = arith.addi %iota3A, %add3A_257 : vector<16xi32>
            tpu.vector_store_idx %arg7[%get3A_128, %add3A_258], %add3A_255 {add = true} : memref<16x128xf32, #tpu.memory_space<vmem>>[vector<16xi32>, vector<16xi32>], vector<16xf32>,
            %add3A_259 = arith.constant 0 : i32
            %add3A_260 = arith.addi %add3A_126, %add3A_259 : i32
            %get3A_261 = arith.index_cast %add3A_260 : i32 to index
            %get3A_262 = arith.constant 16 : index
            %get3A_263 = tpu.vector_load %arg5[%get3A_261, %get3A_262] {strides = array<i32>} : memref<800x128xf32, #tpu.memory_space<vmem>>, vector<16xf32>,
            %add3A_264 = arith.constant 1 : i32
            %add3A_265 = arith.addi %add3A_126, %add3A_264 : i32
            %get3A_266 = arith.index_cast %add3A_265 : i32 to index
            %get3A_267 = arith.constant 16 : index
            %get3A_268 = tpu.vector_load %arg5[%get3A_266, %get3A_267] {strides = array<i32>} : memref<800x128xf32, #tpu.memory_space<vmem>>, vector<16xf32>,
            %add3A_269 = arith.constant 2 : i32
            %add3A_270 = arith.addi %add3A_126, %add3A_269 : i32
            %get3A_271 = arith.index_cast %add3A_270 : i32 to index
            %get3A_272 = arith.constant 16 : index
            %get3A_273 = tpu.vector_load %arg5[%get3A_271, %get3A_272] {strides = array<i32>} : memref<800x128xf32, #tpu.memory_space<vmem>>, vector<16xf32>,
            %add3A_274 = arith.constant 3 : i32
            %add3A_275 = arith.addi %add3A_126, %add3A_274 : i32
            %get3A_276 = arith.index_cast %add3A_275 : i32 to index
            %get3A_277 = arith.constant 16 : index
            %get3A_278 = tpu.vector_load %arg5[%get3A_276, %get3A_277] {strides = array<i32>} : memref<800x128xf32, #tpu.memory_space<vmem>>, vector<16xf32>,
            %add3A_279 = arith.constant 4 : i32
            %add3A_280 = arith.addi %add3A_126, %add3A_279 : i32
            %get3A_281 = arith.index_cast %add3A_280 : i32 to index
            %get3A_282 = arith.constant 16 : index
            %get3A_283 = tpu.vector_load %arg5[%get3A_281, %get3A_282] {strides = array<i32>} : memref<800x128xf32, #tpu.memory_space<vmem>>, vector<16xf32>,
            %add3A_284 = arith.constant 5 : i32
            %add3A_285 = arith.addi %add3A_126, %add3A_284 : i32
            %get3A_286 = arith.index_cast %add3A_285 : i32 to index
            %get3A_287 = arith.constant 16 : index
            %get3A_288 = tpu.vector_load %arg5[%get3A_286, %get3A_287] {strides = array<i32>} : memref<800x128xf32, #tpu.memory_space<vmem>>, vector<16xf32>,
            %add3A_289 = arith.constant 6 : i32
            %add3A_290 = arith.addi %add3A_126, %add3A_289 : i32
            %get3A_291 = arith.index_cast %add3A_290 : i32 to index
            %get3A_292 = arith.constant 16 : index
            %get3A_293 = tpu.vector_load %arg5[%get3A_291, %get3A_292] {strides = array<i32>} : memref<800x128xf32, #tpu.memory_space<vmem>>, vector<16xf32>,
            %add3A_294 = arith.constant 7 : i32
            %add3A_295 = arith.addi %add3A_126, %add3A_294 : i32
            %get3A_296 = arith.index_cast %add3A_295 : i32 to index
            %get3A_297 = arith.constant 16 : index
            %get3A_298 = tpu.vector_load %arg5[%get3A_296, %get3A_297] {strides = array<i32>} : memref<800x128xf32, #tpu.memory_space<vmem>>, vector<16xf32>,
            %add3A_299 = arith.constant 8 : i32
            %add3A_300 = arith.addi %add3A_126, %add3A_299 : i32
            %get3A_301 = arith.index_cast %add3A_300 : i32 to index
            %get3A_302 = arith.constant 16 : index
            %get3A_303 = tpu.vector_load %arg5[%get3A_301, %get3A_302] {strides = array<i32>} : memref<800x128xf32, #tpu.memory_space<vmem>>, vector<16xf32>,
            %add3A_304 = arith.constant 9 : i32
            %add3A_305 = arith.addi %add3A_126, %add3A_304 : i32
            %get3A_306 = arith.index_cast %add3A_305 : i32 to index
            %get3A_307 = arith.constant 16 : index
            %get3A_308 = tpu.vector_load %arg5[%get3A_306, %get3A_307] {strides = array<i32>} : memref<800x128xf32, #tpu.memory_space<vmem>>, vector<16xf32>,
            %add3A_309 = arith.constant 10 : i32
            %add3A_310 = arith.addi %add3A_126, %add3A_309 : i32
            %get3A_311 = arith.index_cast %add3A_310 : i32 to index
            %get3A_312 = arith.constant 16 : index
            %get3A_313 = tpu.vector_load %arg5[%get3A_311, %get3A_312] {strides = array<i32>} : memref<800x128xf32, #tpu.memory_space<vmem>>, vector<16xf32>,
            %add3A_314 = arith.constant 11 : i32
            %add3A_315 = arith.addi %add3A_126, %add3A_314 : i32
            %get3A_316 = arith.index_cast %add3A_315 : i32 to index
            %get3A_317 = arith.constant 16 : index
            %get3A_318 = tpu.vector_load %arg5[%get3A_316, %get3A_317] {strides = array<i32>} : memref<800x128xf32, #tpu.memory_space<vmem>>, vector<16xf32>,
            %add3A_319 = arith.constant 12 : i32
            %add3A_320 = arith.addi %add3A_126, %add3A_319 : i32
            %get3A_321 = arith.index_cast %add3A_320 : i32 to index
            %get3A_322 = arith.constant 16 : index
            %get3A_323 = tpu.vector_load %arg5[%get3A_321, %get3A_322] {strides = array<i32>} : memref<800x128xf32, #tpu.memory_space<vmem>>, vector<16xf32>,
            %add3A_324 = arith.constant 13 : i32
            %add3A_325 = arith.addi %add3A_126, %add3A_324 : i32
            %get3A_326 = arith.index_cast %add3A_325 : i32 to index
            %get3A_327 = arith.constant 16 : index
            %get3A_328 = tpu.vector_load %arg5[%get3A_326, %get3A_327] {strides = array<i32>} : memref<800x128xf32, #tpu.memory_space<vmem>>, vector<16xf32>,
            %add3A_329 = arith.constant 14 : i32
            %add3A_330 = arith.addi %add3A_126, %add3A_329 : i32
            %get3A_331 = arith.index_cast %add3A_330 : i32 to index
            %get3A_332 = arith.constant 16 : index
            %get3A_333 = tpu.vector_load %arg5[%get3A_331, %get3A_332] {strides = array<i32>} : memref<800x128xf32, #tpu.memory_space<vmem>>, vector<16xf32>,
            %add3A_334 = arith.constant 15 : i32
            %add3A_335 = arith.addi %add3A_126, %add3A_334 : i32
            %get3A_336 = arith.index_cast %add3A_335 : i32 to index
            %get3A_337 = arith.constant 16 : index
            %get3A_338 = tpu.vector_load %arg5[%get3A_336, %get3A_337] {strides = array<i32>} : memref<800x128xf32, #tpu.memory_space<vmem>>, vector<16xf32>,
            %add3A_339 = arith.addf %get3A_263, %get3A_268 : vector<16xf32>
            %add3A_340 = arith.addf %get3A_273, %get3A_278 : vector<16xf32>
            %add3A_341 = arith.addf %get3A_283, %get3A_288 : vector<16xf32>
            %add3A_342 = arith.addf %get3A_293, %get3A_298 : vector<16xf32>
            %add3A_343 = arith.addf %get3A_303, %get3A_308 : vector<16xf32>
            %add3A_344 = arith.addf %get3A_313, %get3A_318 : vector<16xf32>
            %add3A_345 = arith.addf %get3A_323, %get3A_328 : vector<16xf32>
            %add3A_346 = arith.addf %get3A_333, %get3A_338 : vector<16xf32>
            %add3A_347 = arith.addf %add3A_339, %add3A_340 : vector<16xf32>
            %add3A_348 = arith.addf %add3A_341, %add3A_342 : vector<16xf32>
            %add3A_349 = arith.addf %add3A_343, %add3A_344 : vector<16xf32>
            %add3A_350 = arith.addf %add3A_345, %add3A_346 : vector<16xf32>
            %add3A_351 = arith.addf %add3A_347, %add3A_348 : vector<16xf32>
            %add3A_352 = arith.addf %add3A_349, %add3A_350 : vector<16xf32>
            %add3A_353 = arith.addf %add3A_351, %add3A_352 : vector<16xf32>
            %add3A_354 = arith.constant 16 : i32
            %add3A_355 = vector.broadcast %add3A_354 : i32 to vector<16xi32>
            %add3A_356 = arith.addi %iota3A, %add3A_355 : vector<16xi32>
            tpu.vector_store_idx %arg7[%get3A_128, %add3A_356], %add3A_353 {add = true} : memref<16x128xf32, #tpu.memory_space<vmem>>[vector<16xi32>, vector<16xi32>], vector<16xf32>,
            %add3A_357 = arith.constant 0 : i32
            %add3A_358 = arith.addi %add3A_126, %add3A_357 : i32
            %get3A_359 = arith.index_cast %add3A_358 : i32 to index
            %get3A_360 = arith.constant 32 : index
            %get3A_361 = tpu.vector_load %arg5[%get3A_359, %get3A_360] {strides = array<i32>} : memref<800x128xf32, #tpu.memory_space<vmem>>, vector<16xf32>,
            %add3A_362 = arith.constant 1 : i32
            %add3A_363 = arith.addi %add3A_126, %add3A_362 : i32
            %get3A_364 = arith.index_cast %add3A_363 : i32 to index
            %get3A_365 = arith.constant 32 : index
            %get3A_366 = tpu.vector_load %arg5[%get3A_364, %get3A_365] {strides = array<i32>} : memref<800x128xf32, #tpu.memory_space<vmem>>, vector<16xf32>,
            %add3A_367 = arith.constant 2 : i32
            %add3A_368 = arith.addi %add3A_126, %add3A_367 : i32
            %get3A_369 = arith.index_cast %add3A_368 : i32 to index
            %get3A_370 = arith.constant 32 : index
            %get3A_371 = tpu.vector_load %arg5[%get3A_369, %get3A_370] {strides = array<i32>} : memref<800x128xf32, #tpu.memory_space<vmem>>, vector<16xf32>,
            %add3A_372 = arith.constant 3 : i32
            %add3A_373 = arith.addi %add3A_126, %add3A_372 : i32
            %get3A_374 = arith.index_cast %add3A_373 : i32 to index
            %get3A_375 = arith.constant 32 : index
            %get3A_376 = tpu.vector_load %arg5[%get3A_374, %get3A_375] {strides = array<i32>} : memref<800x128xf32, #tpu.memory_space<vmem>>, vector<16xf32>,
            %add3A_377 = arith.constant 4 : i32
            %add3A_378 = arith.addi %add3A_126, %add3A_377 : i32
            %get3A_379 = arith.index_cast %add3A_378 : i32 to index
            %get3A_380 = arith.constant 32 : index
            %get3A_381 = tpu.vector_load %arg5[%get3A_379, %get3A_380] {strides = array<i32>} : memref<800x128xf32, #tpu.memory_space<vmem>>, vector<16xf32>,
            %add3A_382 = arith.constant 5 : i32
            %add3A_383 = arith.addi %add3A_126, %add3A_382 : i32
            %get3A_384 = arith.index_cast %add3A_383 : i32 to index
            %get3A_385 = arith.constant 32 : index
            %get3A_386 = tpu.vector_load %arg5[%get3A_384, %get3A_385] {strides = array<i32>} : memref<800x128xf32, #tpu.memory_space<vmem>>, vector<16xf32>,
            %add3A_387 = arith.constant 6 : i32
            %add3A_388 = arith.addi %add3A_126, %add3A_387 : i32
            %get3A_389 = arith.index_cast %add3A_388 : i32 to index
            %get3A_390 = arith.constant 32 : index
            %get3A_391 = tpu.vector_load %arg5[%get3A_389, %get3A_390] {strides = array<i32>} : memref<800x128xf32, #tpu.memory_space<vmem>>, vector<16xf32>,
            %add3A_392 = arith.constant 7 : i32
            %add3A_393 = arith.addi %add3A_126, %add3A_392 : i32
            %get3A_394 = arith.index_cast %add3A_393 : i32 to index
            %get3A_395 = arith.constant 32 : index
            %get3A_396 = tpu.vector_load %arg5[%get3A_394, %get3A_395] {strides = array<i32>} : memref<800x128xf32, #tpu.memory_space<vmem>>, vector<16xf32>,
            %add3A_397 = arith.constant 8 : i32
            %add3A_398 = arith.addi %add3A_126, %add3A_397 : i32
            %get3A_399 = arith.index_cast %add3A_398 : i32 to index
            %get3A_400 = arith.constant 32 : index
            %get3A_401 = tpu.vector_load %arg5[%get3A_399, %get3A_400] {strides = array<i32>} : memref<800x128xf32, #tpu.memory_space<vmem>>, vector<16xf32>,
            %add3A_402 = arith.constant 9 : i32
            %add3A_403 = arith.addi %add3A_126, %add3A_402 : i32
            %get3A_404 = arith.index_cast %add3A_403 : i32 to index
            %get3A_405 = arith.constant 32 : index
            %get3A_406 = tpu.vector_load %arg5[%get3A_404, %get3A_405] {strides = array<i32>} : memref<800x128xf32, #tpu.memory_space<vmem>>, vector<16xf32>,
            %add3A_407 = arith.constant 10 : i32
            %add3A_408 = arith.addi %add3A_126, %add3A_407 : i32
            %get3A_409 = arith.index_cast %add3A_408 : i32 to index
            %get3A_410 = arith.constant 32 : index
            %get3A_411 = tpu.vector_load %arg5[%get3A_409, %get3A_410] {strides = array<i32>} : memref<800x128xf32, #tpu.memory_space<vmem>>, vector<16xf32>,
            %add3A_412 = arith.constant 11 : i32
            %add3A_413 = arith.addi %add3A_126, %add3A_412 : i32
            %get3A_414 = arith.index_cast %add3A_413 : i32 to index
            %get3A_415 = arith.constant 32 : index
            %get3A_416 = tpu.vector_load %arg5[%get3A_414, %get3A_415] {strides = array<i32>} : memref<800x128xf32, #tpu.memory_space<vmem>>, vector<16xf32>,
            %add3A_417 = arith.constant 12 : i32
            %add3A_418 = arith.addi %add3A_126, %add3A_417 : i32
            %get3A_419 = arith.index_cast %add3A_418 : i32 to index
            %get3A_420 = arith.constant 32 : index
            %get3A_421 = tpu.vector_load %arg5[%get3A_419, %get3A_420] {strides = array<i32>} : memref<800x128xf32, #tpu.memory_space<vmem>>, vector<16xf32>,
            %add3A_422 = arith.constant 13 : i32
            %add3A_423 = arith.addi %add3A_126, %add3A_422 : i32
            %get3A_424 = arith.index_cast %add3A_423 : i32 to index
            %get3A_425 = arith.constant 32 : index
            %get3A_426 = tpu.vector_load %arg5[%get3A_424, %get3A_425] {strides = array<i32>} : memref<800x128xf32, #tpu.memory_space<vmem>>, vector<16xf32>,
            %add3A_427 = arith.constant 14 : i32
            %add3A_428 = arith.addi %add3A_126, %add3A_427 : i32
            %get3A_429 = arith.index_cast %add3A_428 : i32 to index
            %get3A_430 = arith.constant 32 : index
            %get3A_431 = tpu.vector_load %arg5[%get3A_429, %get3A_430] {strides = array<i32>} : memref<800x128xf32, #tpu.memory_space<vmem>>, vector<16xf32>,
            %add3A_432 = arith.constant 15 : i32
            %add3A_433 = arith.addi %add3A_126, %add3A_432 : i32
            %get3A_434 = arith.index_cast %add3A_433 : i32 to index
            %get3A_435 = arith.constant 32 : index
            %get3A_436 = tpu.vector_load %arg5[%get3A_434, %get3A_435] {strides = array<i32>} : memref<800x128xf32, #tpu.memory_space<vmem>>, vector<16xf32>,
            %add3A_437 = arith.addf %get3A_361, %get3A_366 : vector<16xf32>
            %add3A_438 = arith.addf %get3A_371, %get3A_376 : vector<16xf32>
            %add3A_439 = arith.addf %get3A_381, %get3A_386 : vector<16xf32>
            %add3A_440 = arith.addf %get3A_391, %get3A_396 : vector<16xf32>
            %add3A_441 = arith.addf %get3A_401, %get3A_406 : vector<16xf32>
            %add3A_442 = arith.addf %get3A_411, %get3A_416 : vector<16xf32>
            %add3A_443 = arith.addf %get3A_421, %get3A_426 : vector<16xf32>
            %add3A_444 = arith.addf %get3A_431, %get3A_436 : vector<16xf32>
            %add3A_445 = arith.addf %add3A_437, %add3A_438 : vector<16xf32>
            %add3A_446 = arith.addf %add3A_439, %add3A_440 : vector<16xf32>
            %add3A_447 = arith.addf %add3A_441, %add3A_442 : vector<16xf32>
            %add3A_448 = arith.addf %add3A_443, %add3A_444 : vector<16xf32>
            %add3A_449 = arith.addf %add3A_445, %add3A_446 : vector<16xf32>
            %add3A_450 = arith.addf %add3A_447, %add3A_448 : vector<16xf32>
            %add3A_451 = arith.addf %add3A_449, %add3A_450 : vector<16xf32>
            %add3A_452 = arith.constant 32 : i32
            %add3A_453 = vector.broadcast %add3A_452 : i32 to vector<16xi32>
            %add3A_454 = arith.addi %iota3A, %add3A_453 : vector<16xi32>
            tpu.vector_store_idx %arg7[%get3A_128, %add3A_454], %add3A_451 {add = true} : memref<16x128xf32, #tpu.memory_space<vmem>>[vector<16xi32>, vector<16xi32>], vector<16xf32>,
            %add3A_455 = arith.constant 0 : i32
            %add3A_456 = arith.addi %add3A_126, %add3A_455 : i32
            %get3A_457 = arith.index_cast %add3A_456 : i32 to index
            %get3A_458 = arith.constant 48 : index
            %get3A_459 = tpu.vector_load %arg5[%get3A_457, %get3A_458] {strides = array<i32>} : memref<800x128xf32, #tpu.memory_space<vmem>>, vector<16xf32>,
            %add3A_460 = arith.constant 1 : i32
            %add3A_461 = arith.addi %add3A_126, %add3A_460 : i32
            %get3A_462 = arith.index_cast %add3A_461 : i32 to index
            %get3A_463 = arith.constant 48 : index
            %get3A_464 = tpu.vector_load %arg5[%get3A_462, %get3A_463] {strides = array<i32>} : memref<800x128xf32, #tpu.memory_space<vmem>>, vector<16xf32>,
            %add3A_465 = arith.constant 2 : i32
            %add3A_466 = arith.addi %add3A_126, %add3A_465 : i32
            %get3A_467 = arith.index_cast %add3A_466 : i32 to index
            %get3A_468 = arith.constant 48 : index
            %get3A_469 = tpu.vector_load %arg5[%get3A_467, %get3A_468] {strides = array<i32>} : memref<800x128xf32, #tpu.memory_space<vmem>>, vector<16xf32>,
            %add3A_470 = arith.constant 3 : i32
            %add3A_471 = arith.addi %add3A_126, %add3A_470 : i32
            %get3A_472 = arith.index_cast %add3A_471 : i32 to index
            %get3A_473 = arith.constant 48 : index
            %get3A_474 = tpu.vector_load %arg5[%get3A_472, %get3A_473] {strides = array<i32>} : memref<800x128xf32, #tpu.memory_space<vmem>>, vector<16xf32>,
            %add3A_475 = arith.constant 4 : i32
            %add3A_476 = arith.addi %add3A_126, %add3A_475 : i32
            %get3A_477 = arith.index_cast %add3A_476 : i32 to index
            %get3A_478 = arith.constant 48 : index
            %get3A_479 = tpu.vector_load %arg5[%get3A_477, %get3A_478] {strides = array<i32>} : memref<800x128xf32, #tpu.memory_space<vmem>>, vector<16xf32>,
            %add3A_480 = arith.constant 5 : i32
            %add3A_481 = arith.addi %add3A_126, %add3A_480 : i32
            %get3A_482 = arith.index_cast %add3A_481 : i32 to index
            %get3A_483 = arith.constant 48 : index
            %get3A_484 = tpu.vector_load %arg5[%get3A_482, %get3A_483] {strides = array<i32>} : memref<800x128xf32, #tpu.memory_space<vmem>>, vector<16xf32>,
            %add3A_485 = arith.constant 6 : i32
            %add3A_486 = arith.addi %add3A_126, %add3A_485 : i32
            %get3A_487 = arith.index_cast %add3A_486 : i32 to index
            %get3A_488 = arith.constant 48 : index
            %get3A_489 = tpu.vector_load %arg5[%get3A_487, %get3A_488] {strides = array<i32>} : memref<800x128xf32, #tpu.memory_space<vmem>>, vector<16xf32>,
            %add3A_490 = arith.constant 7 : i32
            %add3A_491 = arith.addi %add3A_126, %add3A_490 : i32
            %get3A_492 = arith.index_cast %add3A_491 : i32 to index
            %get3A_493 = arith.constant 48 : index
            %get3A_494 = tpu.vector_load %arg5[%get3A_492, %get3A_493] {strides = array<i32>} : memref<800x128xf32, #tpu.memory_space<vmem>>, vector<16xf32>,
            %add3A_495 = arith.constant 8 : i32
            %add3A_496 = arith.addi %add3A_126, %add3A_495 : i32
            %get3A_497 = arith.index_cast %add3A_496 : i32 to index
            %get3A_498 = arith.constant 48 : index
            %get3A_499 = tpu.vector_load %arg5[%get3A_497, %get3A_498] {strides = array<i32>} : memref<800x128xf32, #tpu.memory_space<vmem>>, vector<16xf32>,
            %add3A_500 = arith.constant 9 : i32
            %add3A_501 = arith.addi %add3A_126, %add3A_500 : i32
            %get3A_502 = arith.index_cast %add3A_501 : i32 to index
            %get3A_503 = arith.constant 48 : index
            %get3A_504 = tpu.vector_load %arg5[%get3A_502, %get3A_503] {strides = array<i32>} : memref<800x128xf32, #tpu.memory_space<vmem>>, vector<16xf32>,
            %add3A_505 = arith.constant 10 : i32
            %add3A_506 = arith.addi %add3A_126, %add3A_505 : i32
            %get3A_507 = arith.index_cast %add3A_506 : i32 to index
            %get3A_508 = arith.constant 48 : index
            %get3A_509 = tpu.vector_load %arg5[%get3A_507, %get3A_508] {strides = array<i32>} : memref<800x128xf32, #tpu.memory_space<vmem>>, vector<16xf32>,
            %add3A_510 = arith.constant 11 : i32
            %add3A_511 = arith.addi %add3A_126, %add3A_510 : i32
            %get3A_512 = arith.index_cast %add3A_511 : i32 to index
            %get3A_513 = arith.constant 48 : index
            %get3A_514 = tpu.vector_load %arg5[%get3A_512, %get3A_513] {strides = array<i32>} : memref<800x128xf32, #tpu.memory_space<vmem>>, vector<16xf32>,
            %add3A_515 = arith.constant 12 : i32
            %add3A_516 = arith.addi %add3A_126, %add3A_515 : i32
            %get3A_517 = arith.index_cast %add3A_516 : i32 to index
            %get3A_518 = arith.constant 48 : index
            %get3A_519 = tpu.vector_load %arg5[%get3A_517, %get3A_518] {strides = array<i32>} : memref<800x128xf32, #tpu.memory_space<vmem>>, vector<16xf32>,
            %add3A_520 = arith.constant 13 : i32
            %add3A_521 = arith.addi %add3A_126, %add3A_520 : i32
            %get3A_522 = arith.index_cast %add3A_521 : i32 to index
            %get3A_523 = arith.constant 48 : index
            %get3A_524 = tpu.vector_load %arg5[%get3A_522, %get3A_523] {strides = array<i32>} : memref<800x128xf32, #tpu.memory_space<vmem>>, vector<16xf32>,
            %add3A_525 = arith.constant 14 : i32
            %add3A_526 = arith.addi %add3A_126, %add3A_525 : i32
            %get3A_527 = arith.index_cast %add3A_526 : i32 to index
            %get3A_528 = arith.constant 48 : index
            %get3A_529 = tpu.vector_load %arg5[%get3A_527, %get3A_528] {strides = array<i32>} : memref<800x128xf32, #tpu.memory_space<vmem>>, vector<16xf32>,
            %add3A_530 = arith.constant 15 : i32
            %add3A_531 = arith.addi %add3A_126, %add3A_530 : i32
            %get3A_532 = arith.index_cast %add3A_531 : i32 to index
            %get3A_533 = arith.constant 48 : index
            %get3A_534 = tpu.vector_load %arg5[%get3A_532, %get3A_533] {strides = array<i32>} : memref<800x128xf32, #tpu.memory_space<vmem>>, vector<16xf32>,
            %add3A_535 = arith.addf %get3A_459, %get3A_464 : vector<16xf32>
            %add3A_536 = arith.addf %get3A_469, %get3A_474 : vector<16xf32>
            %add3A_537 = arith.addf %get3A_479, %get3A_484 : vector<16xf32>
            %add3A_538 = arith.addf %get3A_489, %get3A_494 : vector<16xf32>
            %add3A_539 = arith.addf %get3A_499, %get3A_504 : vector<16xf32>
            %add3A_540 = arith.addf %get3A_509, %get3A_514 : vector<16xf32>
            %add3A_541 = arith.addf %get3A_519, %get3A_524 : vector<16xf32>
            %add3A_542 = arith.addf %get3A_529, %get3A_534 : vector<16xf32>
            %add3A_543 = arith.addf %add3A_535, %add3A_536 : vector<16xf32>
            %add3A_544 = arith.addf %add3A_537, %add3A_538 : vector<16xf32>
            %add3A_545 = arith.addf %add3A_539, %add3A_540 : vector<16xf32>
            %add3A_546 = arith.addf %add3A_541, %add3A_542 : vector<16xf32>
            %add3A_547 = arith.addf %add3A_543, %add3A_544 : vector<16xf32>
            %add3A_548 = arith.addf %add3A_545, %add3A_546 : vector<16xf32>
            %add3A_549 = arith.addf %add3A_547, %add3A_548 : vector<16xf32>
            %add3A_550 = arith.constant 48 : i32
            %add3A_551 = vector.broadcast %add3A_550 : i32 to vector<16xi32>
            %add3A_552 = arith.addi %iota3A, %add3A_551 : vector<16xi32>
            tpu.vector_store_idx %arg7[%get3A_128, %add3A_552], %add3A_549 {add = true} : memref<16x128xf32, #tpu.memory_space<vmem>>[vector<16xi32>, vector<16xi32>], vector<16xf32>,
            %add3A_553 = arith.constant 0 : i32
            %add3A_554 = arith.addi %add3A_126, %add3A_553 : i32
            %get3A_555 = arith.index_cast %add3A_554 : i32 to index
            %get3A_556 = arith.constant 64 : index
            %get3A_557 = tpu.vector_load %arg5[%get3A_555, %get3A_556] {strides = array<i32>} : memref<800x128xf32, #tpu.memory_space<vmem>>, vector<16xf32>,
            %add3A_558 = arith.constant 1 : i32
            %add3A_559 = arith.addi %add3A_126, %add3A_558 : i32
            %get3A_560 = arith.index_cast %add3A_559 : i32 to index
            %get3A_561 = arith.constant 64 : index
            %get3A_562 = tpu.vector_load %arg5[%get3A_560, %get3A_561] {strides = array<i32>} : memref<800x128xf32, #tpu.memory_space<vmem>>, vector<16xf32>,
            %add3A_563 = arith.constant 2 : i32
            %add3A_564 = arith.addi %add3A_126, %add3A_563 : i32
            %get3A_565 = arith.index_cast %add3A_564 : i32 to index
            %get3A_566 = arith.constant 64 : index
            %get3A_567 = tpu.vector_load %arg5[%get3A_565, %get3A_566] {strides = array<i32>} : memref<800x128xf32, #tpu.memory_space<vmem>>, vector<16xf32>,
            %add3A_568 = arith.constant 3 : i32
            %add3A_569 = arith.addi %add3A_126, %add3A_568 : i32
            %get3A_570 = arith.index_cast %add3A_569 : i32 to index
            %get3A_571 = arith.constant 64 : index
            %get3A_572 = tpu.vector_load %arg5[%get3A_570, %get3A_571] {strides = array<i32>} : memref<800x128xf32, #tpu.memory_space<vmem>>, vector<16xf32>,
            %add3A_573 = arith.constant 4 : i32
            %add3A_574 = arith.addi %add3A_126, %add3A_573 : i32
            %get3A_575 = arith.index_cast %add3A_574 : i32 to index
            %get3A_576 = arith.constant 64 : index
            %get3A_577 = tpu.vector_load %arg5[%get3A_575, %get3A_576] {strides = array<i32>} : memref<800x128xf32, #tpu.memory_space<vmem>>, vector<16xf32>,
            %add3A_578 = arith.constant 5 : i32
            %add3A_579 = arith.addi %add3A_126, %add3A_578 : i32
            %get3A_580 = arith.index_cast %add3A_579 : i32 to index
            %get3A_581 = arith.constant 64 : index
            %get3A_582 = tpu.vector_load %arg5[%get3A_580, %get3A_581] {strides = array<i32>} : memref<800x128xf32, #tpu.memory_space<vmem>>, vector<16xf32>,
            %add3A_583 = arith.constant 6 : i32
            %add3A_584 = arith.addi %add3A_126, %add3A_583 : i32
            %get3A_585 = arith.index_cast %add3A_584 : i32 to index
            %get3A_586 = arith.constant 64 : index
            %get3A_587 = tpu.vector_load %arg5[%get3A_585, %get3A_586] {strides = array<i32>} : memref<800x128xf32, #tpu.memory_space<vmem>>, vector<16xf32>,
            %add3A_588 = arith.constant 7 : i32
            %add3A_589 = arith.addi %add3A_126, %add3A_588 : i32
            %get3A_590 = arith.index_cast %add3A_589 : i32 to index
            %get3A_591 = arith.constant 64 : index
            %get3A_592 = tpu.vector_load %arg5[%get3A_590, %get3A_591] {strides = array<i32>} : memref<800x128xf32, #tpu.memory_space<vmem>>, vector<16xf32>,
            %add3A_593 = arith.constant 8 : i32
            %add3A_594 = arith.addi %add3A_126, %add3A_593 : i32
            %get3A_595 = arith.index_cast %add3A_594 : i32 to index
            %get3A_596 = arith.constant 64 : index
            %get3A_597 = tpu.vector_load %arg5[%get3A_595, %get3A_596] {strides = array<i32>} : memref<800x128xf32, #tpu.memory_space<vmem>>, vector<16xf32>,
            %add3A_598 = arith.constant 9 : i32
            %add3A_599 = arith.addi %add3A_126, %add3A_598 : i32
            %get3A_600 = arith.index_cast %add3A_599 : i32 to index
            %get3A_601 = arith.constant 64 : index
            %get3A_602 = tpu.vector_load %arg5[%get3A_600, %get3A_601] {strides = array<i32>} : memref<800x128xf32, #tpu.memory_space<vmem>>, vector<16xf32>,
            %add3A_603 = arith.constant 10 : i32
            %add3A_604 = arith.addi %add3A_126, %add3A_603 : i32
            %get3A_605 = arith.index_cast %add3A_604 : i32 to index
            %get3A_606 = arith.constant 64 : index
            %get3A_607 = tpu.vector_load %arg5[%get3A_605, %get3A_606] {strides = array<i32>} : memref<800x128xf32, #tpu.memory_space<vmem>>, vector<16xf32>,
            %add3A_608 = arith.constant 11 : i32
            %add3A_609 = arith.addi %add3A_126, %add3A_608 : i32
            %get3A_610 = arith.index_cast %add3A_609 : i32 to index
            %get3A_611 = arith.constant 64 : index
            %get3A_612 = tpu.vector_load %arg5[%get3A_610, %get3A_611] {strides = array<i32>} : memref<800x128xf32, #tpu.memory_space<vmem>>, vector<16xf32>,
            %add3A_613 = arith.constant 12 : i32
            %add3A_614 = arith.addi %add3A_126, %add3A_613 : i32
            %get3A_615 = arith.index_cast %add3A_614 : i32 to index
            %get3A_616 = arith.constant 64 : index
            %get3A_617 = tpu.vector_load %arg5[%get3A_615, %get3A_616] {strides = array<i32>} : memref<800x128xf32, #tpu.memory_space<vmem>>, vector<16xf32>,
            %add3A_618 = arith.constant 13 : i32
            %add3A_619 = arith.addi %add3A_126, %add3A_618 : i32
            %get3A_620 = arith.index_cast %add3A_619 : i32 to index
            %get3A_621 = arith.constant 64 : index
            %get3A_622 = tpu.vector_load %arg5[%get3A_620, %get3A_621] {strides = array<i32>} : memref<800x128xf32, #tpu.memory_space<vmem>>, vector<16xf32>,
            %add3A_623 = arith.constant 14 : i32
            %add3A_624 = arith.addi %add3A_126, %add3A_623 : i32
            %get3A_625 = arith.index_cast %add3A_624 : i32 to index
            %get3A_626 = arith.constant 64 : index
            %get3A_627 = tpu.vector_load %arg5[%get3A_625, %get3A_626] {strides = array<i32>} : memref<800x128xf32, #tpu.memory_space<vmem>>, vector<16xf32>,
            %add3A_628 = arith.constant 15 : i32
            %add3A_629 = arith.addi %add3A_126, %add3A_628 : i32
            %get3A_630 = arith.index_cast %add3A_629 : i32 to index
            %get3A_631 = arith.constant 64 : index
            %get3A_632 = tpu.vector_load %arg5[%get3A_630, %get3A_631] {strides = array<i32>} : memref<800x128xf32, #tpu.memory_space<vmem>>, vector<16xf32>,
            %add3A_633 = arith.addf %get3A_557, %get3A_562 : vector<16xf32>
            %add3A_634 = arith.addf %get3A_567, %get3A_572 : vector<16xf32>
            %add3A_635 = arith.addf %get3A_577, %get3A_582 : vector<16xf32>
            %add3A_636 = arith.addf %get3A_587, %get3A_592 : vector<16xf32>
            %add3A_637 = arith.addf %get3A_597, %get3A_602 : vector<16xf32>
            %add3A_638 = arith.addf %get3A_607, %get3A_612 : vector<16xf32>
            %add3A_639 = arith.addf %get3A_617, %get3A_622 : vector<16xf32>
            %add3A_640 = arith.addf %get3A_627, %get3A_632 : vector<16xf32>
            %add3A_641 = arith.addf %add3A_633, %add3A_634 : vector<16xf32>
            %add3A_642 = arith.addf %add3A_635, %add3A_636 : vector<16xf32>
            %add3A_643 = arith.addf %add3A_637, %add3A_638 : vector<16xf32>
            %add3A_644 = arith.addf %add3A_639, %add3A_640 : vector<16xf32>
            %add3A_645 = arith.addf %add3A_641, %add3A_642 : vector<16xf32>
            %add3A_646 = arith.addf %add3A_643, %add3A_644 : vector<16xf32>
            %add3A_647 = arith.addf %add3A_645, %add3A_646 : vector<16xf32>
            %add3A_648 = arith.constant 64 : i32
            %add3A_649 = vector.broadcast %add3A_648 : i32 to vector<16xi32>
            %add3A_650 = arith.addi %iota3A, %add3A_649 : vector<16xi32>
            tpu.vector_store_idx %arg7[%get3A_128, %add3A_650], %add3A_647 {add = true} : memref<16x128xf32, #tpu.memory_space<vmem>>[vector<16xi32>, vector<16xi32>], vector<16xf32>,
            %add3A_651 = arith.constant 0 : i32
            %add3A_652 = arith.addi %add3A_126, %add3A_651 : i32
            %get3A_653 = arith.index_cast %add3A_652 : i32 to index
            %get3A_654 = arith.constant 80 : index
            %get3A_655 = tpu.vector_load %arg5[%get3A_653, %get3A_654] {strides = array<i32>} : memref<800x128xf32, #tpu.memory_space<vmem>>, vector<16xf32>,
            %add3A_656 = arith.constant 1 : i32
            %add3A_657 = arith.addi %add3A_126, %add3A_656 : i32
            %get3A_658 = arith.index_cast %add3A_657 : i32 to index
            %get3A_659 = arith.constant 80 : index
            %get3A_660 = tpu.vector_load %arg5[%get3A_658, %get3A_659] {strides = array<i32>} : memref<800x128xf32, #tpu.memory_space<vmem>>, vector<16xf32>,
            %add3A_661 = arith.constant 2 : i32
            %add3A_662 = arith.addi %add3A_126, %add3A_661 : i32
            %get3A_663 = arith.index_cast %add3A_662 : i32 to index
            %get3A_664 = arith.constant 80 : index
            %get3A_665 = tpu.vector_load %arg5[%get3A_663, %get3A_664] {strides = array<i32>} : memref<800x128xf32, #tpu.memory_space<vmem>>, vector<16xf32>,
            %add3A_666 = arith.constant 3 : i32
            %add3A_667 = arith.addi %add3A_126, %add3A_666 : i32
            %get3A_668 = arith.index_cast %add3A_667 : i32 to index
            %get3A_669 = arith.constant 80 : index
            %get3A_670 = tpu.vector_load %arg5[%get3A_668, %get3A_669] {strides = array<i32>} : memref<800x128xf32, #tpu.memory_space<vmem>>, vector<16xf32>,
            %add3A_671 = arith.constant 4 : i32
            %add3A_672 = arith.addi %add3A_126, %add3A_671 : i32
            %get3A_673 = arith.index_cast %add3A_672 : i32 to index
            %get3A_674 = arith.constant 80 : index
            %get3A_675 = tpu.vector_load %arg5[%get3A_673, %get3A_674] {strides = array<i32>} : memref<800x128xf32, #tpu.memory_space<vmem>>, vector<16xf32>,
            %add3A_676 = arith.constant 5 : i32
            %add3A_677 = arith.addi %add3A_126, %add3A_676 : i32
            %get3A_678 = arith.index_cast %add3A_677 : i32 to index
            %get3A_679 = arith.constant 80 : index
            %get3A_680 = tpu.vector_load %arg5[%get3A_678, %get3A_679] {strides = array<i32>} : memref<800x128xf32, #tpu.memory_space<vmem>>, vector<16xf32>,
            %add3A_681 = arith.constant 6 : i32
            %add3A_682 = arith.addi %add3A_126, %add3A_681 : i32
            %get3A_683 = arith.index_cast %add3A_682 : i32 to index
            %get3A_684 = arith.constant 80 : index
            %get3A_685 = tpu.vector_load %arg5[%get3A_683, %get3A_684] {strides = array<i32>} : memref<800x128xf32, #tpu.memory_space<vmem>>, vector<16xf32>,
            %add3A_686 = arith.constant 7 : i32
            %add3A_687 = arith.addi %add3A_126, %add3A_686 : i32
            %get3A_688 = arith.index_cast %add3A_687 : i32 to index
            %get3A_689 = arith.constant 80 : index
            %get3A_690 = tpu.vector_load %arg5[%get3A_688, %get3A_689] {strides = array<i32>} : memref<800x128xf32, #tpu.memory_space<vmem>>, vector<16xf32>,
            %add3A_691 = arith.constant 8 : i32
            %add3A_692 = arith.addi %add3A_126, %add3A_691 : i32
            %get3A_693 = arith.index_cast %add3A_692 : i32 to index
            %get3A_694 = arith.constant 80 : index
            %get3A_695 = tpu.vector_load %arg5[%get3A_693, %get3A_694] {strides = array<i32>} : memref<800x128xf32, #tpu.memory_space<vmem>>, vector<16xf32>,
            %add3A_696 = arith.constant 9 : i32
            %add3A_697 = arith.addi %add3A_126, %add3A_696 : i32
            %get3A_698 = arith.index_cast %add3A_697 : i32 to index
            %get3A_699 = arith.constant 80 : index
            %get3A_700 = tpu.vector_load %arg5[%get3A_698, %get3A_699] {strides = array<i32>} : memref<800x128xf32, #tpu.memory_space<vmem>>, vector<16xf32>,
            %add3A_701 = arith.constant 10 : i32
            %add3A_702 = arith.addi %add3A_126, %add3A_701 : i32
            %get3A_703 = arith.index_cast %add3A_702 : i32 to index
            %get3A_704 = arith.constant 80 : index
            %get3A_705 = tpu.vector_load %arg5[%get3A_703, %get3A_704] {strides = array<i32>} : memref<800x128xf32, #tpu.memory_space<vmem>>, vector<16xf32>,
            %add3A_706 = arith.constant 11 : i32
            %add3A_707 = arith.addi %add3A_126, %add3A_706 : i32
            %get3A_708 = arith.index_cast %add3A_707 : i32 to index
            %get3A_709 = arith.constant 80 : index
            %get3A_710 = tpu.vector_load %arg5[%get3A_708, %get3A_709] {strides = array<i32>} : memref<800x128xf32, #tpu.memory_space<vmem>>, vector<16xf32>,
            %add3A_711 = arith.constant 12 : i32
            %add3A_712 = arith.addi %add3A_126, %add3A_711 : i32
            %get3A_713 = arith.index_cast %add3A_712 : i32 to index
            %get3A_714 = arith.constant 80 : index
            %get3A_715 = tpu.vector_load %arg5[%get3A_713, %get3A_714] {strides = array<i32>} : memref<800x128xf32, #tpu.memory_space<vmem>>, vector<16xf32>,
            %add3A_716 = arith.constant 13 : i32
            %add3A_717 = arith.addi %add3A_126, %add3A_716 : i32
            %get3A_718 = arith.index_cast %add3A_717 : i32 to index
            %get3A_719 = arith.constant 80 : index
            %get3A_720 = tpu.vector_load %arg5[%get3A_718, %get3A_719] {strides = array<i32>} : memref<800x128xf32, #tpu.memory_space<vmem>>, vector<16xf32>,
            %add3A_721 = arith.constant 14 : i32
            %add3A_722 = arith.addi %add3A_126, %add3A_721 : i32
            %get3A_723 = arith.index_cast %add3A_722 : i32 to index
            %get3A_724 = arith.constant 80 : index
            %get3A_725 = tpu.vector_load %arg5[%get3A_723, %get3A_724] {strides = array<i32>} : memref<800x128xf32, #tpu.memory_space<vmem>>, vector<16xf32>,
            %add3A_726 = arith.constant 15 : i32
            %add3A_727 = arith.addi %add3A_126, %add3A_726 : i32
            %get3A_728 = arith.index_cast %add3A_727 : i32 to index
            %get3A_729 = arith.constant 80 : index
            %get3A_730 = tpu.vector_load %arg5[%get3A_728, %get3A_729] {strides = array<i32>} : memref<800x128xf32, #tpu.memory_space<vmem>>, vector<16xf32>,
            %add3A_731 = arith.addf %get3A_655, %get3A_660 : vector<16xf32>
            %add3A_732 = arith.addf %get3A_665, %get3A_670 : vector<16xf32>
            %add3A_733 = arith.addf %get3A_675, %get3A_680 : vector<16xf32>
            %add3A_734 = arith.addf %get3A_685, %get3A_690 : vector<16xf32>
            %add3A_735 = arith.addf %get3A_695, %get3A_700 : vector<16xf32>
            %add3A_736 = arith.addf %get3A_705, %get3A_710 : vector<16xf32>
            %add3A_737 = arith.addf %get3A_715, %get3A_720 : vector<16xf32>
            %add3A_738 = arith.addf %get3A_725, %get3A_730 : vector<16xf32>
            %add3A_739 = arith.addf %add3A_731, %add3A_732 : vector<16xf32>
            %add3A_740 = arith.addf %add3A_733, %add3A_734 : vector<16xf32>
            %add3A_741 = arith.addf %add3A_735, %add3A_736 : vector<16xf32>
            %add3A_742 = arith.addf %add3A_737, %add3A_738 : vector<16xf32>
            %add3A_743 = arith.addf %add3A_739, %add3A_740 : vector<16xf32>
            %add3A_744 = arith.addf %add3A_741, %add3A_742 : vector<16xf32>
            %add3A_745 = arith.addf %add3A_743, %add3A_744 : vector<16xf32>
            %add3A_746 = arith.constant 80 : i32
            %add3A_747 = vector.broadcast %add3A_746 : i32 to vector<16xi32>
            %add3A_748 = arith.addi %iota3A, %add3A_747 : vector<16xi32>
            tpu.vector_store_idx %arg7[%get3A_128, %add3A_748], %add3A_745 {add = true} : memref<16x128xf32, #tpu.memory_space<vmem>>[vector<16xi32>, vector<16xi32>], vector<16xf32>,
            %add3A_749 = arith.constant 0 : i32
            %add3A_750 = arith.addi %add3A_126, %add3A_749 : i32
            %get3A_751 = arith.index_cast %add3A_750 : i32 to index
            %get3A_752 = arith.constant 96 : index
            %get3A_753 = tpu.vector_load %arg5[%get3A_751, %get3A_752] {strides = array<i32>} : memref<800x128xf32, #tpu.memory_space<vmem>>, vector<16xf32>,
            %add3A_754 = arith.constant 1 : i32
            %add3A_755 = arith.addi %add3A_126, %add3A_754 : i32
            %get3A_756 = arith.index_cast %add3A_755 : i32 to index
            %get3A_757 = arith.constant 96 : index
            %get3A_758 = tpu.vector_load %arg5[%get3A_756, %get3A_757] {strides = array<i32>} : memref<800x128xf32, #tpu.memory_space<vmem>>, vector<16xf32>,
            %add3A_759 = arith.constant 2 : i32
            %add3A_760 = arith.addi %add3A_126, %add3A_759 : i32
            %get3A_761 = arith.index_cast %add3A_760 : i32 to index
            %get3A_762 = arith.constant 96 : index
            %get3A_763 = tpu.vector_load %arg5[%get3A_761, %get3A_762] {strides = array<i32>} : memref<800x128xf32, #tpu.memory_space<vmem>>, vector<16xf32>,
            %add3A_764 = arith.constant 3 : i32
            %add3A_765 = arith.addi %add3A_126, %add3A_764 : i32
            %get3A_766 = arith.index_cast %add3A_765 : i32 to index
            %get3A_767 = arith.constant 96 : index
            %get3A_768 = tpu.vector_load %arg5[%get3A_766, %get3A_767] {strides = array<i32>} : memref<800x128xf32, #tpu.memory_space<vmem>>, vector<16xf32>,
            %add3A_769 = arith.constant 4 : i32
            %add3A_770 = arith.addi %add3A_126, %add3A_769 : i32
            %get3A_771 = arith.index_cast %add3A_770 : i32 to index
            %get3A_772 = arith.constant 96 : index
            %get3A_773 = tpu.vector_load %arg5[%get3A_771, %get3A_772] {strides = array<i32>} : memref<800x128xf32, #tpu.memory_space<vmem>>, vector<16xf32>,
            %add3A_774 = arith.constant 5 : i32
            %add3A_775 = arith.addi %add3A_126, %add3A_774 : i32
            %get3A_776 = arith.index_cast %add3A_775 : i32 to index
            %get3A_777 = arith.constant 96 : index
            %get3A_778 = tpu.vector_load %arg5[%get3A_776, %get3A_777] {strides = array<i32>} : memref<800x128xf32, #tpu.memory_space<vmem>>, vector<16xf32>,
            %add3A_779 = arith.constant 6 : i32
            %add3A_780 = arith.addi %add3A_126, %add3A_779 : i32
            %get3A_781 = arith.index_cast %add3A_780 : i32 to index
            %get3A_782 = arith.constant 96 : index
            %get3A_783 = tpu.vector_load %arg5[%get3A_781, %get3A_782] {strides = array<i32>} : memref<800x128xf32, #tpu.memory_space<vmem>>, vector<16xf32>,
            %add3A_784 = arith.constant 7 : i32
            %add3A_785 = arith.addi %add3A_126, %add3A_784 : i32
            %get3A_786 = arith.index_cast %add3A_785 : i32 to index
            %get3A_787 = arith.constant 96 : index
            %get3A_788 = tpu.vector_load %arg5[%get3A_786, %get3A_787] {strides = array<i32>} : memref<800x128xf32, #tpu.memory_space<vmem>>, vector<16xf32>,
            %add3A_789 = arith.constant 8 : i32
            %add3A_790 = arith.addi %add3A_126, %add3A_789 : i32
            %get3A_791 = arith.index_cast %add3A_790 : i32 to index
            %get3A_792 = arith.constant 96 : index
            %get3A_793 = tpu.vector_load %arg5[%get3A_791, %get3A_792] {strides = array<i32>} : memref<800x128xf32, #tpu.memory_space<vmem>>, vector<16xf32>,
            %add3A_794 = arith.constant 9 : i32
            %add3A_795 = arith.addi %add3A_126, %add3A_794 : i32
            %get3A_796 = arith.index_cast %add3A_795 : i32 to index
            %get3A_797 = arith.constant 96 : index
            %get3A_798 = tpu.vector_load %arg5[%get3A_796, %get3A_797] {strides = array<i32>} : memref<800x128xf32, #tpu.memory_space<vmem>>, vector<16xf32>,
            %add3A_799 = arith.constant 10 : i32
            %add3A_800 = arith.addi %add3A_126, %add3A_799 : i32
            %get3A_801 = arith.index_cast %add3A_800 : i32 to index
            %get3A_802 = arith.constant 96 : index
            %get3A_803 = tpu.vector_load %arg5[%get3A_801, %get3A_802] {strides = array<i32>} : memref<800x128xf32, #tpu.memory_space<vmem>>, vector<16xf32>,
            %add3A_804 = arith.constant 11 : i32
            %add3A_805 = arith.addi %add3A_126, %add3A_804 : i32
            %get3A_806 = arith.index_cast %add3A_805 : i32 to index
            %get3A_807 = arith.constant 96 : index
            %get3A_808 = tpu.vector_load %arg5[%get3A_806, %get3A_807] {strides = array<i32>} : memref<800x128xf32, #tpu.memory_space<vmem>>, vector<16xf32>,
            %add3A_809 = arith.constant 12 : i32
            %add3A_810 = arith.addi %add3A_126, %add3A_809 : i32
            %get3A_811 = arith.index_cast %add3A_810 : i32 to index
            %get3A_812 = arith.constant 96 : index
            %get3A_813 = tpu.vector_load %arg5[%get3A_811, %get3A_812] {strides = array<i32>} : memref<800x128xf32, #tpu.memory_space<vmem>>, vector<16xf32>,
            %add3A_814 = arith.constant 13 : i32
            %add3A_815 = arith.addi %add3A_126, %add3A_814 : i32
            %get3A_816 = arith.index_cast %add3A_815 : i32 to index
            %get3A_817 = arith.constant 96 : index
            %get3A_818 = tpu.vector_load %arg5[%get3A_816, %get3A_817] {strides = array<i32>} : memref<800x128xf32, #tpu.memory_space<vmem>>, vector<16xf32>,
            %add3A_819 = arith.constant 14 : i32
            %add3A_820 = arith.addi %add3A_126, %add3A_819 : i32
            %get3A_821 = arith.index_cast %add3A_820 : i32 to index
            %get3A_822 = arith.constant 96 : index
            %get3A_823 = tpu.vector_load %arg5[%get3A_821, %get3A_822] {strides = array<i32>} : memref<800x128xf32, #tpu.memory_space<vmem>>, vector<16xf32>,
            %add3A_824 = arith.constant 15 : i32
            %add3A_825 = arith.addi %add3A_126, %add3A_824 : i32
            %get3A_826 = arith.index_cast %add3A_825 : i32 to index
            %get3A_827 = arith.constant 96 : index
            %get3A_828 = tpu.vector_load %arg5[%get3A_826, %get3A_827] {strides = array<i32>} : memref<800x128xf32, #tpu.memory_space<vmem>>, vector<16xf32>,
            %add3A_829 = arith.addf %get3A_753, %get3A_758 : vector<16xf32>
            %add3A_830 = arith.addf %get3A_763, %get3A_768 : vector<16xf32>
            %add3A_831 = arith.addf %get3A_773, %get3A_778 : vector<16xf32>
            %add3A_832 = arith.addf %get3A_783, %get3A_788 : vector<16xf32>
            %add3A_833 = arith.addf %get3A_793, %get3A_798 : vector<16xf32>
            %add3A_834 = arith.addf %get3A_803, %get3A_808 : vector<16xf32>
            %add3A_835 = arith.addf %get3A_813, %get3A_818 : vector<16xf32>
            %add3A_836 = arith.addf %get3A_823, %get3A_828 : vector<16xf32>
            %add3A_837 = arith.addf %add3A_829, %add3A_830 : vector<16xf32>
            %add3A_838 = arith.addf %add3A_831, %add3A_832 : vector<16xf32>
            %add3A_839 = arith.addf %add3A_833, %add3A_834 : vector<16xf32>
            %add3A_840 = arith.addf %add3A_835, %add3A_836 : vector<16xf32>
            %add3A_841 = arith.addf %add3A_837, %add3A_838 : vector<16xf32>
            %add3A_842 = arith.addf %add3A_839, %add3A_840 : vector<16xf32>
            %add3A_843 = arith.addf %add3A_841, %add3A_842 : vector<16xf32>
            %add3A_844 = arith.constant 96 : i32
            %add3A_845 = vector.broadcast %add3A_844 : i32 to vector<16xi32>
            %add3A_846 = arith.addi %iota3A, %add3A_845 : vector<16xi32>
            tpu.vector_store_idx %arg7[%get3A_128, %add3A_846], %add3A_843 {add = true} : memref<16x128xf32, #tpu.memory_space<vmem>>[vector<16xi32>, vector<16xi32>], vector<16xf32>,
            %add3A_847 = arith.constant 0 : i32
            %add3A_848 = arith.addi %add3A_126, %add3A_847 : i32
            %get3A_849 = arith.index_cast %add3A_848 : i32 to index
            %get3A_850 = arith.constant 112 : index
            %get3A_851 = tpu.vector_load %arg5[%get3A_849, %get3A_850] {strides = array<i32>} : memref<800x128xf32, #tpu.memory_space<vmem>>, vector<16xf32>,
            %add3A_852 = arith.constant 1 : i32
            %add3A_853 = arith.addi %add3A_126, %add3A_852 : i32
            %get3A_854 = arith.index_cast %add3A_853 : i32 to index
            %get3A_855 = arith.constant 112 : index
            %get3A_856 = tpu.vector_load %arg5[%get3A_854, %get3A_855] {strides = array<i32>} : memref<800x128xf32, #tpu.memory_space<vmem>>, vector<16xf32>,
            %add3A_857 = arith.constant 2 : i32
            %add3A_858 = arith.addi %add3A_126, %add3A_857 : i32
            %get3A_859 = arith.index_cast %add3A_858 : i32 to index
            %get3A_860 = arith.constant 112 : index
            %get3A_861 = tpu.vector_load %arg5[%get3A_859, %get3A_860] {strides = array<i32>} : memref<800x128xf32, #tpu.memory_space<vmem>>, vector<16xf32>,
            %add3A_862 = arith.constant 3 : i32
            %add3A_863 = arith.addi %add3A_126, %add3A_862 : i32
            %get3A_864 = arith.index_cast %add3A_863 : i32 to index
            %get3A_865 = arith.constant 112 : index
            %get3A_866 = tpu.vector_load %arg5[%get3A_864, %get3A_865] {strides = array<i32>} : memref<800x128xf32, #tpu.memory_space<vmem>>, vector<16xf32>,
            %add3A_867 = arith.constant 4 : i32
            %add3A_868 = arith.addi %add3A_126, %add3A_867 : i32
            %get3A_869 = arith.index_cast %add3A_868 : i32 to index
            %get3A_870 = arith.constant 112 : index
            %get3A_871 = tpu.vector_load %arg5[%get3A_869, %get3A_870] {strides = array<i32>} : memref<800x128xf32, #tpu.memory_space<vmem>>, vector<16xf32>,
            %add3A_872 = arith.constant 5 : i32
            %add3A_873 = arith.addi %add3A_126, %add3A_872 : i32
            %get3A_874 = arith.index_cast %add3A_873 : i32 to index
            %get3A_875 = arith.constant 112 : index
            %get3A_876 = tpu.vector_load %arg5[%get3A_874, %get3A_875] {strides = array<i32>} : memref<800x128xf32, #tpu.memory_space<vmem>>, vector<16xf32>,
            %add3A_877 = arith.constant 6 : i32
            %add3A_878 = arith.addi %add3A_126, %add3A_877 : i32
            %get3A_879 = arith.index_cast %add3A_878 : i32 to index
            %get3A_880 = arith.constant 112 : index
            %get3A_881 = tpu.vector_load %arg5[%get3A_879, %get3A_880] {strides = array<i32>} : memref<800x128xf32, #tpu.memory_space<vmem>>, vector<16xf32>,
            %add3A_882 = arith.constant 7 : i32
            %add3A_883 = arith.addi %add3A_126, %add3A_882 : i32
            %get3A_884 = arith.index_cast %add3A_883 : i32 to index
            %get3A_885 = arith.constant 112 : index
            %get3A_886 = tpu.vector_load %arg5[%get3A_884, %get3A_885] {strides = array<i32>} : memref<800x128xf32, #tpu.memory_space<vmem>>, vector<16xf32>,
            %add3A_887 = arith.constant 8 : i32
            %add3A_888 = arith.addi %add3A_126, %add3A_887 : i32
            %get3A_889 = arith.index_cast %add3A_888 : i32 to index
            %get3A_890 = arith.constant 112 : index
            %get3A_891 = tpu.vector_load %arg5[%get3A_889, %get3A_890] {strides = array<i32>} : memref<800x128xf32, #tpu.memory_space<vmem>>, vector<16xf32>,
            %add3A_892 = arith.constant 9 : i32
            %add3A_893 = arith.addi %add3A_126, %add3A_892 : i32
            %get3A_894 = arith.index_cast %add3A_893 : i32 to index
            %get3A_895 = arith.constant 112 : index
            %get3A_896 = tpu.vector_load %arg5[%get3A_894, %get3A_895] {strides = array<i32>} : memref<800x128xf32, #tpu.memory_space<vmem>>, vector<16xf32>,
            %add3A_897 = arith.constant 10 : i32
            %add3A_898 = arith.addi %add3A_126, %add3A_897 : i32
            %get3A_899 = arith.index_cast %add3A_898 : i32 to index
            %get3A_900 = arith.constant 112 : index
            %get3A_901 = tpu.vector_load %arg5[%get3A_899, %get3A_900] {strides = array<i32>} : memref<800x128xf32, #tpu.memory_space<vmem>>, vector<16xf32>,
            %add3A_902 = arith.constant 11 : i32
            %add3A_903 = arith.addi %add3A_126, %add3A_902 : i32
            %get3A_904 = arith.index_cast %add3A_903 : i32 to index
            %get3A_905 = arith.constant 112 : index
            %get3A_906 = tpu.vector_load %arg5[%get3A_904, %get3A_905] {strides = array<i32>} : memref<800x128xf32, #tpu.memory_space<vmem>>, vector<16xf32>,
            %add3A_907 = arith.constant 12 : i32
            %add3A_908 = arith.addi %add3A_126, %add3A_907 : i32
            %get3A_909 = arith.index_cast %add3A_908 : i32 to index
            %get3A_910 = arith.constant 112 : index
            %get3A_911 = tpu.vector_load %arg5[%get3A_909, %get3A_910] {strides = array<i32>} : memref<800x128xf32, #tpu.memory_space<vmem>>, vector<16xf32>,
            %add3A_912 = arith.constant 13 : i32
            %add3A_913 = arith.addi %add3A_126, %add3A_912 : i32
            %get3A_914 = arith.index_cast %add3A_913 : i32 to index
            %get3A_915 = arith.constant 112 : index
            %get3A_916 = tpu.vector_load %arg5[%get3A_914, %get3A_915] {strides = array<i32>} : memref<800x128xf32, #tpu.memory_space<vmem>>, vector<16xf32>,
            %add3A_917 = arith.constant 14 : i32
            %add3A_918 = arith.addi %add3A_126, %add3A_917 : i32
            %get3A_919 = arith.index_cast %add3A_918 : i32 to index
            %get3A_920 = arith.constant 112 : index
            %get3A_921 = tpu.vector_load %arg5[%get3A_919, %get3A_920] {strides = array<i32>} : memref<800x128xf32, #tpu.memory_space<vmem>>, vector<16xf32>,
            %add3A_922 = arith.constant 15 : i32
            %add3A_923 = arith.addi %add3A_126, %add3A_922 : i32
            %get3A_924 = arith.index_cast %add3A_923 : i32 to index
            %get3A_925 = arith.constant 112 : index
            %get3A_926 = tpu.vector_load %arg5[%get3A_924, %get3A_925] {strides = array<i32>} : memref<800x128xf32, #tpu.memory_space<vmem>>, vector<16xf32>,
            %add3A_927 = arith.addf %get3A_851, %get3A_856 : vector<16xf32>
            %add3A_928 = arith.addf %get3A_861, %get3A_866 : vector<16xf32>
            %add3A_929 = arith.addf %get3A_871, %get3A_876 : vector<16xf32>
            %add3A_930 = arith.addf %get3A_881, %get3A_886 : vector<16xf32>
            %add3A_931 = arith.addf %get3A_891, %get3A_896 : vector<16xf32>
            %add3A_932 = arith.addf %get3A_901, %get3A_906 : vector<16xf32>
            %add3A_933 = arith.addf %get3A_911, %get3A_916 : vector<16xf32>
            %add3A_934 = arith.addf %get3A_921, %get3A_926 : vector<16xf32>
            %add3A_935 = arith.addf %add3A_927, %add3A_928 : vector<16xf32>
            %add3A_936 = arith.addf %add3A_929, %add3A_930 : vector<16xf32>
            %add3A_937 = arith.addf %add3A_931, %add3A_932 : vector<16xf32>
            %add3A_938 = arith.addf %add3A_933, %add3A_934 : vector<16xf32>
            %add3A_939 = arith.addf %add3A_935, %add3A_936 : vector<16xf32>
            %add3A_940 = arith.addf %add3A_937, %add3A_938 : vector<16xf32>
            %add3A_941 = arith.addf %add3A_939, %add3A_940 : vector<16xf32>
            %add3A_942 = arith.constant 112 : i32
            %add3A_943 = vector.broadcast %add3A_942 : i32 to vector<16xi32>
            %add3A_944 = arith.addi %iota3A, %add3A_943 : vector<16xi32>
            tpu.vector_store_idx %arg7[%get3A_128, %add3A_944], %add3A_941 {add = true} : memref<16x128xf32, #tpu.memory_space<vmem>>[vector<16xi32>, vector<16xi32>], vector<16xf32>,
          } else {
          }
          %not3A_155 = arith.constant true
          %not3A_156 = arith.xori %reduce_and3A_151, %not3A_155 : i1
          %convert_element_type3A_157 = arith.extui %not3A_156 : i1 to i32
          %cond3A_158 = arith.constant 0 : i32
          %cond3A_159 = arith.cmpi ne, %convert_element_type3A_157, %cond3A_158 : i32
          scf.if %cond3A_159 {
            %scan3A_161 = arith.constant 0 : i32
            %scan3A_162 = arith.constant 0 : i32
            %scan3A_163 = arith.constant 16 : i32
            %scan3A_164 = arith.addi %scan3A_162, %scan3A_163 : i32
            %scan3A_165 = arith.constant 1 : i32
            %scan3A_166 = scf.for %scan3A_168 = %scan3A_162 to %scan3A_164 step %scan3A_165 iter_args(%scan3A_169 = %scan3A_161) -> (i32)  : i32 {
              %broadcast_in_dim3A_170 = arith.constant 0 : i32
              %broadcast_in_dim3A_171 = vector.broadcast %broadcast_in_dim3A_170 : i32 to vector<16xi32>
              %add3A_172 = vector.broadcast %scan3A_168 : i32 to vector<16xi32>
              %add3A_173 = arith.addi %broadcast_in_dim3A_171, %add3A_172 : vector<16xi32>
              %lt3A_174 = arith.constant 0 : i32
              %lt3A_175 = vector.broadcast %lt3A_174 : i32 to vector<16xi32>
              %lt3A_176 = arith.cmpi slt, %add3A_173, %lt3A_175 : vector<16xi32>
              %add3A_177 = arith.constant 16 : i32
              %add3A_178 = vector.broadcast %add3A_177 : i32 to vector<16xi32>
              %add3A_179 = arith.addi %add3A_173, %add3A_178 : vector<16xi32>
              %select_n3A_180 = arith.select %lt3A_176, %add3A_179, %add3A_173 : vector<16xi1>, vector<16xi32>
              %broadcast_in_dim3A_181 = vector.shape_cast %select_n3A_180 : vector<16xi32> to vector<16x1xi32>
              %gather3A_182 = vector.shape_cast %broadcast_in_dim3A_181 : vector<16x1xi32> to vector<16xi32>
              %gather3A_183 = tpu.dynamic_gather %get3A_128[%gather3A_182] in [0] : vector<16xi32>, vector<16xi32> -> vector<16xi32>
              %add3A_184 = arith.addi %add3A_126, %scan3A_168 : i32
              %get3A_185 = arith.index_cast %add3A_184 : i32 to index
              %get3A_186 = arith.constant 0 : index
              %get3A_187 = tpu.vector_load %arg5[%get3A_185, %get3A_186] {strides = array<i32>} : memref<800x128xf32, #tpu.memory_space<vmem>>, vector<16xf32>,
              %add3A_188 = arith.constant 0 : i32
              %add3A_189 = vector.broadcast %add3A_188 : i32 to vector<16xi32>
              %add3A_190 = arith.addi %iota3A, %add3A_189 : vector<16xi32>
              tpu.vector_store_idx %arg7[%gather3A_183, %add3A_190], %get3A_187 {add = true} : memref<16x128xf32, #tpu.memory_space<vmem>>[vector<16xi32>, vector<16xi32>], vector<16xf32>,
              %add3A_191 = arith.addi %add3A_126, %scan3A_168 : i32
              %get3A_192 = arith.index_cast %add3A_191 : i32 to index
              %get3A_193 = arith.constant 16 : index
              %get3A_194 = tpu.vector_load %arg5[%get3A_192, %get3A_193] {strides = array<i32>} : memref<800x128xf32, #tpu.memory_space<vmem>>, vector<16xf32>,
              %add3A_195 = arith.constant 16 : i32
              %add3A_196 = vector.broadcast %add3A_195 : i32 to vector<16xi32>
              %add3A_197 = arith.addi %iota3A, %add3A_196 : vector<16xi32>
              tpu.vector_store_idx %arg7[%gather3A_183, %add3A_197], %get3A_194 {add = true} : memref<16x128xf32, #tpu.memory_space<vmem>>[vector<16xi32>, vector<16xi32>], vector<16xf32>,
              %add3A_198 = arith.addi %add3A_126, %scan3A_168 : i32
              %get3A_199 = arith.index_cast %add3A_198 : i32 to index
              %get3A_200 = arith.constant 32 : index
              %get3A_201 = tpu.vector_load %arg5[%get3A_199, %get3A_200] {strides = array<i32>} : memref<800x128xf32, #tpu.memory_space<vmem>>, vector<16xf32>,
              %add3A_202 = arith.constant 32 : i32
              %add3A_203 = vector.broadcast %add3A_202 : i32 to vector<16xi32>
              %add3A_204 = arith.addi %iota3A, %add3A_203 : vector<16xi32>
              tpu.vector_store_idx %arg7[%gather3A_183, %add3A_204], %get3A_201 {add = true} : memref<16x128xf32, #tpu.memory_space<vmem>>[vector<16xi32>, vector<16xi32>], vector<16xf32>,
              %add3A_205 = arith.addi %add3A_126, %scan3A_168 : i32
              %get3A_206 = arith.index_cast %add3A_205 : i32 to index
              %get3A_207 = arith.constant 48 : index
              %get3A_208 = tpu.vector_load %arg5[%get3A_206, %get3A_207] {strides = array<i32>} : memref<800x128xf32, #tpu.memory_space<vmem>>, vector<16xf32>,
              %add3A_209 = arith.constant 48 : i32
              %add3A_210 = vector.broadcast %add3A_209 : i32 to vector<16xi32>
              %add3A_211 = arith.addi %iota3A, %add3A_210 : vector<16xi32>
              tpu.vector_store_idx %arg7[%gather3A_183, %add3A_211], %get3A_208 {add = true} : memref<16x128xf32, #tpu.memory_space<vmem>>[vector<16xi32>, vector<16xi32>], vector<16xf32>,
              %add3A_212 = arith.addi %add3A_126, %scan3A_168 : i32
              %get3A_213 = arith.index_cast %add3A_212 : i32 to index
              %get3A_214 = arith.constant 64 : index
              %get3A_215 = tpu.vector_load %arg5[%get3A_213, %get3A_214] {strides = array<i32>} : memref<800x128xf32, #tpu.memory_space<vmem>>, vector<16xf32>,
              %add3A_216 = arith.constant 64 : i32
              %add3A_217 = vector.broadcast %add3A_216 : i32 to vector<16xi32>
              %add3A_218 = arith.addi %iota3A, %add3A_217 : vector<16xi32>
              tpu.vector_store_idx %arg7[%gather3A_183, %add3A_218], %get3A_215 {add = true} : memref<16x128xf32, #tpu.memory_space<vmem>>[vector<16xi32>, vector<16xi32>], vector<16xf32>,
              %add3A_219 = arith.addi %add3A_126, %scan3A_168 : i32
              %get3A_220 = arith.index_cast %add3A_219 : i32 to index
              %get3A_221 = arith.constant 80 : index
              %get3A_222 = tpu.vector_load %arg5[%get3A_220, %get3A_221] {strides = array<i32>} : memref<800x128xf32, #tpu.memory_space<vmem>>, vector<16xf32>,
              %add3A_223 = arith.constant 80 : i32
              %add3A_224 = vector.broadcast %add3A_223 : i32 to vector<16xi32>
              %add3A_225 = arith.addi %iota3A, %add3A_224 : vector<16xi32>
              tpu.vector_store_idx %arg7[%gather3A_183, %add3A_225], %get3A_222 {add = true} : memref<16x128xf32, #tpu.memory_space<vmem>>[vector<16xi32>, vector<16xi32>], vector<16xf32>,
              %add3A_226 = arith.addi %add3A_126, %scan3A_168 : i32
              %get3A_227 = arith.index_cast %add3A_226 : i32 to index
              %get3A_228 = arith.constant 96 : index
              %get3A_229 = tpu.vector_load %arg5[%get3A_227, %get3A_228] {strides = array<i32>} : memref<800x128xf32, #tpu.memory_space<vmem>>, vector<16xf32>,
              %add3A_230 = arith.constant 96 : i32
              %add3A_231 = vector.broadcast %add3A_230 : i32 to vector<16xi32>
              %add3A_232 = arith.addi %iota3A, %add3A_231 : vector<16xi32>
              tpu.vector_store_idx %arg7[%gather3A_183, %add3A_232], %get3A_229 {add = true} : memref<16x128xf32, #tpu.memory_space<vmem>>[vector<16xi32>, vector<16xi32>], vector<16xf32>,
              %add3A_233 = arith.addi %add3A_126, %scan3A_168 : i32
              %get3A_234 = arith.index_cast %add3A_233 : i32 to index
              %get3A_235 = arith.constant 112 : index
              %get3A_236 = tpu.vector_load %arg5[%get3A_234, %get3A_235] {strides = array<i32>} : memref<800x128xf32, #tpu.memory_space<vmem>>, vector<16xf32>,
              %add3A_237 = arith.constant 112 : i32
              %add3A_238 = vector.broadcast %add3A_237 : i32 to vector<16xi32>
              %add3A_239 = arith.addi %iota3A, %add3A_238 : vector<16xi32>
              tpu.vector_store_idx %arg7[%gather3A_183, %add3A_239], %get3A_236 {add = true} : memref<16x128xf32, #tpu.memory_space<vmem>>[vector<16xi32>, vector<16xi32>], vector<16xf32>,
              %scan3A_240 = arith.constant 0 : i32
              scf.yield %scan3A_240 : i32
            }
            %scan3A_167 = arith.constant 16 : i32
          } else {
          }
          %scan3A_160 = arith.constant 0 : i32
          scf.yield %scan3A_160 : i32
        }
        %scan3A_121 = arith.constant 25 : i32
      } else {
      }
      %while3A_114 = arith.constant 0 : i32
      scf.yield %while3A_114 : i32
    }
    %while3A_56 = arith.constant 1 : i32
    %while3A_57 = scf.for %while3A_58 = %while3A_53 to %while3A_49 step %while3A_56 iter_args(%while3A_59 = %while3A_55) -> (i32)  : i32 {
      %mul3A_60 = arith.constant 32 : i32
      %mul3A_61 = arith.muli %mul3A_60, %while3A_58 : i32
      %add3A_62 = arith.addi %add3A, %mul3A_61 : i32
      %rem3A_63 = arith.constant 2 : i32
      %rem3A_64 = arith.remsi %while3A_58, %rem3A_63 : i32
      %add3A_65 = arith.constant 32 : i32
      %add3A_66 = arith.addi %add3A_62, %add3A_65 : i32
      %lt3A = arith.constant 90 : i32
      %lt3A_67 = arith.cmpi slt, %add3A_66, %lt3A : i32
      %eq3A = arith.constant 0 : i32
      %eq3A_68 = arith.cmpi eq, %rem3A_64, %eq3A : i32
      %and3A_69 = arith.andi %lt3A_67, %eq3A_68 : i1
      %convert_element_type3A = arith.extui %and3A_69 : i1 to i32
      %cond3A = arith.constant 0 : i32
      %cond3A_70 = arith.cmpi ne, %convert_element_type3A, %cond3A : i32
      scf.if %cond3A_70 {
        %add3A_115 = arith.constant 32 : i32
        %add3A_116 = arith.addi %add3A_62, %add3A_115 : i32
        %mul3A_117 = arith.constant 400 : i32
        %mul3A_118 = arith.muli %add3A_116, %mul3A_117 : i32
        %dma_start3A_119 = arith.constant 400 : i32
        %dma_start3A_120 = arith.constant 0 : i32
        %dma_start3A_121 = tpu.memref_slice %arg5[%dma_start3A_119, %dma_start3A_120] : memref<800x128xf32, #tpu.memory_space<vmem>> -> memref<400x128xf32, #tpu.memory_space<vmem>>
        %dma_start3A_122 = arith.constant 0 : i32
        %dma_start3A_123 = tpu.memref_slice %arg2[%mul3A_118, %dma_start3A_122] : memref<100000x128xf32, #tpu.memory_space<hbm>> -> memref<400x128xf32, #tpu.memory_space<hbm>>
        %dma_start3A_124 = arith.constant 400 : i32
        %dma_start3A_125 = arith.constant 0 : i32
        %dma_start3A_126 = tpu.memref_slice %arg5[%dma_start3A_124, %dma_start3A_125] : memref<800x128xf32, #tpu.memory_space<vmem>> -> memref<400x128xf32, #tpu.memory_space<vmem>>
        %dma_start3A_127 = arith.constant 0 : i32
        %dma_start3A_128 = tpu.memref_slice %arg2[%mul3A_118, %dma_start3A_127] : memref<100000x128xf32, #tpu.memory_space<hbm>> -> memref<400x128xf32, #tpu.memory_space<hbm>>
        tpu.enqueue_dma source(%dma_start3A_128 : memref<400x128xf32, #tpu.memory_space<hbm>>) target(%dma_start3A_126 : memref<400x128xf32, #tpu.memory_space<vmem>>) target_semaphore(%arg9 : memref<!tpu.dma_semaphore, #tpu.memory_space<semaphore_mem>>)
        %mul3A_129 = arith.constant 400 : i32
        %mul3A_130 = arith.muli %add3A_116, %mul3A_129 : i32
        %dma_start3A_131 = arith.constant 400 : i32
        %dma_start3A_132 = tpu.memref_slice %arg6[%dma_start3A_131] : memref<800xi32, #tpu.memory_space<vmem>> -> memref<400xi32, #tpu.memory_space<vmem>>
        %dma_start3A_133 = tpu.memref_slice %arg3[%mul3A_130] : memref<100000xi32, #tpu.memory_space<hbm>> -> memref<400xi32, #tpu.memory_space<hbm>>
        %dma_start3A_134 = arith.constant 400 : i32
        %dma_start3A_135 = tpu.memref_slice %arg6[%dma_start3A_134] : memref<800xi32, #tpu.memory_space<vmem>> -> memref<400xi32, #tpu.memory_space<vmem>>
        %dma_start3A_136 = tpu.memref_slice %arg3[%mul3A_130] : memref<100000xi32, #tpu.memory_space<hbm>> -> memref<400xi32, #tpu.memory_space<hbm>>
        tpu.enqueue_dma source(%dma_start3A_136 : memref<400xi32, #tpu.memory_space<hbm>>) target(%dma_start3A_135 : memref<400xi32, #tpu.memory_space<vmem>>) target_semaphore(%arg9 : memref<!tpu.dma_semaphore, #tpu.memory_space<semaphore_mem>>)
      } else {
      }
      %eq3A_71 = arith.constant 1 : i32
      %eq3A_72 = arith.cmpi eq, %rem3A_64, %eq3A_71 : i32
      %and3A_73 = arith.andi %lt3A_67, %eq3A_72 : i1
      %convert_element_type3A_74 = arith.extui %and3A_73 : i1 to i32
      %cond3A_75 = arith.constant 0 : i32
      %cond3A_76 = arith.cmpi ne, %convert_element_type3A_74, %cond3A_75 : i32
      scf.if %cond3A_76 {
        %add3A_115 = arith.constant 32 : i32
        %add3A_116 = arith.addi %add3A_62, %add3A_115 : i32
        %mul3A_117 = arith.constant 400 : i32
        %mul3A_118 = arith.muli %add3A_116, %mul3A_117 : i32
        %dma_start3A_119 = arith.constant 0 : i32
        %dma_start3A_120 = arith.constant 0 : i32
        %dma_start3A_121 = tpu.memref_slice %arg5[%dma_start3A_119, %dma_start3A_120] : memref<800x128xf32, #tpu.memory_space<vmem>> -> memref<400x128xf32, #tpu.memory_space<vmem>>
        %dma_start3A_122 = arith.constant 0 : i32
        %dma_start3A_123 = tpu.memref_slice %arg2[%mul3A_118, %dma_start3A_122] : memref<100000x128xf32, #tpu.memory_space<hbm>> -> memref<400x128xf32, #tpu.memory_space<hbm>>
        %dma_start3A_124 = arith.constant 0 : i32
        %dma_start3A_125 = arith.constant 0 : i32
        %dma_start3A_126 = tpu.memref_slice %arg5[%dma_start3A_124, %dma_start3A_125] : memref<800x128xf32, #tpu.memory_space<vmem>> -> memref<400x128xf32, #tpu.memory_space<vmem>>
        %dma_start3A_127 = arith.constant 0 : i32
        %dma_start3A_128 = tpu.memref_slice %arg2[%mul3A_118, %dma_start3A_127] : memref<100000x128xf32, #tpu.memory_space<hbm>> -> memref<400x128xf32, #tpu.memory_space<hbm>>
        tpu.enqueue_dma source(%dma_start3A_128 : memref<400x128xf32, #tpu.memory_space<hbm>>) target(%dma_start3A_126 : memref<400x128xf32, #tpu.memory_space<vmem>>) target_semaphore(%arg8 : memref<!tpu.dma_semaphore, #tpu.memory_space<semaphore_mem>>)
        %mul3A_129 = arith.constant 400 : i32
        %mul3A_130 = arith.muli %add3A_116, %mul3A_129 : i32
        %dma_start3A_131 = arith.constant 0 : i32
        %dma_start3A_132 = tpu.memref_slice %arg6[%dma_start3A_131] : memref<800xi32, #tpu.memory_space<vmem>> -> memref<400xi32, #tpu.memory_space<vmem>>
        %dma_start3A_133 = tpu.memref_slice %arg3[%mul3A_130] : memref<100000xi32, #tpu.memory_space<hbm>> -> memref<400xi32, #tpu.memory_space<hbm>>
        %dma_start3A_134 = arith.constant 0 : i32
        %dma_start3A_135 = tpu.memref_slice %arg6[%dma_start3A_134] : memref<800xi32, #tpu.memory_space<vmem>> -> memref<400xi32, #tpu.memory_space<vmem>>
        %dma_start3A_136 = tpu.memref_slice %arg3[%mul3A_130] : memref<100000xi32, #tpu.memory_space<hbm>> -> memref<400xi32, #tpu.memory_space<hbm>>
        tpu.enqueue_dma source(%dma_start3A_136 : memref<400xi32, #tpu.memory_space<hbm>>) target(%dma_start3A_135 : memref<400xi32, #tpu.memory_space<vmem>>) target_semaphore(%arg8 : memref<!tpu.dma_semaphore, #tpu.memory_space<semaphore_mem>>)
      } else {
      }
      %eq3A_77 = arith.constant 0 : i32
      %eq3A_78 = arith.cmpi eq, %rem3A_64, %eq3A_77 : i32
      %convert_element_type3A_79 = arith.extui %eq3A_78 : i1 to i32
      %cond3A_80 = arith.constant 0 : i32
      %cond3A_81 = arith.cmpi ne, %convert_element_type3A_79, %cond3A_80 : i32
      scf.if %cond3A_81 {
        %mul3A_115 = arith.constant 400 : i32
        %mul3A_116 = arith.muli %add3A_62, %mul3A_115 : i32
        %dma_wait3A = arith.constant 0 : i32
        %dma_wait3A_117 = arith.constant 0 : i32
        %dma_wait3A_118 = tpu.memref_slice %arg5[%dma_wait3A, %dma_wait3A_117] : memref<800x128xf32, #tpu.memory_space<vmem>> -> memref<400x128xf32, #tpu.memory_space<vmem>>
        %dma_wait3A_119 = arith.constant 0 : i32
        %dma_wait3A_120 = tpu.memref_slice %arg2[%mul3A_116, %dma_wait3A_119] : memref<100000x128xf32, #tpu.memory_space<hbm>> -> memref<400x128xf32, #tpu.memory_space<hbm>>
        %dma_wait3A_121 = arith.constant 0 : i32
        %dma_wait3A_122 = arith.constant 0 : i32
        %dma_wait3A_123 = tpu.memref_slice %arg5[%dma_wait3A_121, %dma_wait3A_122] : memref<800x128xf32, #tpu.memory_space<vmem>> -> memref<400x128xf32, #tpu.memory_space<vmem>>
        %dma_wait3A_124 = arith.constant 0 : i32
        %dma_wait3A_125 = tpu.memref_slice %arg2[%mul3A_116, %dma_wait3A_124] : memref<100000x128xf32, #tpu.memory_space<hbm>> -> memref<400x128xf32, #tpu.memory_space<hbm>>
        tpu.wait_dma2 semaphore(%arg8 : memref<!tpu.dma_semaphore, #tpu.memory_space<semaphore_mem>>) src(%dma_wait3A_125 : memref<400x128xf32, #tpu.memory_space<hbm>>) dst(%dma_wait3A_123 : memref<400x128xf32, #tpu.memory_space<vmem>>)
        %mul3A_126 = arith.constant 400 : i32
        %mul3A_127 = arith.muli %add3A_62, %mul3A_126 : i32
        %dma_wait3A_128 = arith.constant 0 : i32
        %dma_wait3A_129 = tpu.memref_slice %arg6[%dma_wait3A_128] : memref<800xi32, #tpu.memory_space<vmem>> -> memref<400xi32, #tpu.memory_space<vmem>>
        %dma_wait3A_130 = tpu.memref_slice %arg3[%mul3A_127] : memref<100000xi32, #tpu.memory_space<hbm>> -> memref<400xi32, #tpu.memory_space<hbm>>
        %dma_wait3A_131 = arith.constant 0 : i32
        %dma_wait3A_132 = tpu.memref_slice %arg6[%dma_wait3A_131] : memref<800xi32, #tpu.memory_space<vmem>> -> memref<400xi32, #tpu.memory_space<vmem>>
        %dma_wait3A_133 = tpu.memref_slice %arg3[%mul3A_127] : memref<100000xi32, #tpu.memory_space<hbm>> -> memref<400xi32, #tpu.memory_space<hbm>>
        tpu.wait_dma2 semaphore(%arg8 : memref<!tpu.dma_semaphore, #tpu.memory_space<semaphore_mem>>) src(%dma_wait3A_133 : memref<400xi32, #tpu.memory_space<hbm>>) dst(%dma_wait3A_132 : memref<400xi32, #tpu.memory_space<vmem>>)
      } else {
      }
      %eq3A_82 = arith.constant 1 : i32
      %eq3A_83 = arith.cmpi eq, %rem3A_64, %eq3A_82 : i32
      %convert_element_type3A_84 = arith.extui %eq3A_83 : i1 to i32
      %cond3A_85 = arith.constant 0 : i32
      %cond3A_86 = arith.cmpi ne, %convert_element_type3A_84, %cond3A_85 : i32
      scf.if %cond3A_86 {
        %mul3A_115 = arith.constant 400 : i32
        %mul3A_116 = arith.muli %add3A_62, %mul3A_115 : i32
        %dma_wait3A = arith.constant 400 : i32
        %dma_wait3A_117 = arith.constant 0 : i32
        %dma_wait3A_118 = tpu.memref_slice %arg5[%dma_wait3A, %dma_wait3A_117] : memref<800x128xf32, #tpu.memory_space<vmem>> -> memref<400x128xf32, #tpu.memory_space<vmem>>
        %dma_wait3A_119 = arith.constant 0 : i32
        %dma_wait3A_120 = tpu.memref_slice %arg2[%mul3A_116, %dma_wait3A_119] : memref<100000x128xf32, #tpu.memory_space<hbm>> -> memref<400x128xf32, #tpu.memory_space<hbm>>
        %dma_wait3A_121 = arith.constant 400 : i32
        %dma_wait3A_122 = arith.constant 0 : i32
        %dma_wait3A_123 = tpu.memref_slice %arg5[%dma_wait3A_121, %dma_wait3A_122] : memref<800x128xf32, #tpu.memory_space<vmem>> -> memref<400x128xf32, #tpu.memory_space<vmem>>
        %dma_wait3A_124 = arith.constant 0 : i32
        %dma_wait3A_125 = tpu.memref_slice %arg2[%mul3A_116, %dma_wait3A_124] : memref<100000x128xf32, #tpu.memory_space<hbm>> -> memref<400x128xf32, #tpu.memory_space<hbm>>
        tpu.wait_dma2 semaphore(%arg9 : memref<!tpu.dma_semaphore, #tpu.memory_space<semaphore_mem>>) src(%dma_wait3A_125 : memref<400x128xf32, #tpu.memory_space<hbm>>) dst(%dma_wait3A_123 : memref<400x128xf32, #tpu.memory_space<vmem>>)
        %mul3A_126 = arith.constant 400 : i32
        %mul3A_127 = arith.muli %add3A_62, %mul3A_126 : i32
        %dma_wait3A_128 = arith.constant 400 : i32
        %dma_wait3A_129 = tpu.memref_slice %arg6[%dma_wait3A_128] : memref<800xi32, #tpu.memory_space<vmem>> -> memref<400xi32, #tpu.memory_space<vmem>>
        %dma_wait3A_130 = tpu.memref_slice %arg3[%mul3A_127] : memref<100000xi32, #tpu.memory_space<hbm>> -> memref<400xi32, #tpu.memory_space<hbm>>
        %dma_wait3A_131 = arith.constant 400 : i32
        %dma_wait3A_132 = tpu.memref_slice %arg6[%dma_wait3A_131] : memref<800xi32, #tpu.memory_space<vmem>> -> memref<400xi32, #tpu.memory_space<vmem>>
        %dma_wait3A_133 = tpu.memref_slice %arg3[%mul3A_127] : memref<100000xi32, #tpu.memory_space<hbm>> -> memref<400xi32, #tpu.memory_space<hbm>>
        tpu.wait_dma2 semaphore(%arg9 : memref<!tpu.dma_semaphore, #tpu.memory_space<semaphore_mem>>) src(%dma_wait3A_133 : memref<400xi32, #tpu.memory_space<hbm>>) dst(%dma_wait3A_132 : memref<400xi32, #tpu.memory_space<vmem>>)
      } else {
      }
      %mul3A_87 = arith.constant 400 : i32
      %mul3A_88 = arith.muli %rem3A_64, %mul3A_87 : i32
      %get3A = arith.index_cast %mul3A_88 : i32 to index
      %get3A_89 = tpu.vector_load %arg6[%get3A] {strides = array<i32>} : memref<800xi32, #tpu.memory_space<vmem>>, vector<16xi32>,
      %add3A_90 = arith.constant 400 : i32
      %add3A_91 = arith.addi %mul3A_88, %add3A_90 : i32
      %sub3A_92 = arith.constant 16 : i32
      %sub3A_93 = arith.subi %add3A_91, %sub3A_92 : i32
      %get3A_94 = arith.index_cast %sub3A_93 : i32 to index
      %get3A_95 = tpu.vector_load %arg6[%get3A_94] {strides = array<i32>} : memref<800xi32, #tpu.memory_space<vmem>>, vector<16xi32>,
      %eq3A_96 = arith.cmpi eq, %get3A_89, %get3A_95 : vector<16xi32>
      %reduce_and3A = arith.constant 1.000000e+00 : f32
      %reduce_and3A_97 = arith.constant 0.000000e+00 : f32
      %reduce_and3A_98 = vector.broadcast %reduce_and3A : f32 to vector<16xf32>
      %reduce_and3A_99 = vector.broadcast %reduce_and3A_97 : f32 to vector<16xf32>
      %reduce_and3A_100 = arith.select %eq3A_96, %reduce_and3A_98, %reduce_and3A_99 : vector<16xi1>, vector<16xf32>
      %reduce_and3A_101 = arith.constant true
      %reduce_and3A_102 = vector.broadcast %reduce_and3A_101 : i1 to vector<16xi1>
      %reduce_and3A_103 = tpu.scan <min>, %reduce_and3A_100 masked %reduce_and3A_102 : vector<16xf32>, vector<16xi1> -> vector<16xf32>
      %reduce_and3A_104 = vector.extract %reduce_and3A_103[15] : f32 from vector<16xf32>
      %reduce_and3A_105 = arith.constant 0.000000e+00 : f32
      %reduce_and3A_106 = arith.cmpf ogt, %reduce_and3A_104, %reduce_and3A_105 : f32
      %convert_element_type3A_107 = arith.extui %reduce_and3A_106 : i1 to i32
      %cond3A_108 = arith.constant 0 : i32
      %cond3A_109 = arith.cmpi ne, %convert_element_type3A_107, %cond3A_108 : i32
      scf.if %cond3A_109 {
        %broadcast_in_dim3A_115 = arith.constant 0.000000e+00 : f32
        %broadcast_in_dim3A_116 = vector.broadcast %broadcast_in_dim3A_115 : f32 to vector<16xf32>
        %broadcast_in_dim3A_117 = arith.constant 0.000000e+00 : f32
        %broadcast_in_dim3A_118 = vector.broadcast %broadcast_in_dim3A_117 : f32 to vector<16xf32>
        %broadcast_in_dim3A_119 = arith.constant 0.000000e+00 : f32
        %broadcast_in_dim3A_120 = vector.broadcast %broadcast_in_dim3A_119 : f32 to vector<16xf32>
        %broadcast_in_dim3A_121 = arith.constant 0.000000e+00 : f32
        %broadcast_in_dim3A_122 = vector.broadcast %broadcast_in_dim3A_121 : f32 to vector<16xf32>
        %broadcast_in_dim3A_123 = arith.constant 0.000000e+00 : f32
        %broadcast_in_dim3A_124 = vector.broadcast %broadcast_in_dim3A_123 : f32 to vector<16xf32>
        %broadcast_in_dim3A_125 = arith.constant 0.000000e+00 : f32
        %broadcast_in_dim3A_126 = vector.broadcast %broadcast_in_dim3A_125 : f32 to vector<16xf32>
        %broadcast_in_dim3A_127 = arith.constant 0.000000e+00 : f32
        %broadcast_in_dim3A_128 = vector.broadcast %broadcast_in_dim3A_127 : f32 to vector<16xf32>
        %broadcast_in_dim3A_129 = arith.constant 0.000000e+00 : f32
        %broadcast_in_dim3A_130 = vector.broadcast %broadcast_in_dim3A_129 : f32 to vector<16xf32>
        %scan3A_131 = arith.constant 0 : i32
        %scan3A_132 = arith.constant 25 : i32
        %scan3A_133 = arith.addi %scan3A_131, %scan3A_132 : i32
        %scan3A_134 = arith.constant 1 : i32
        %scan3A_135:8 = scf.for %scan3A_161 = %scan3A_131 to %scan3A_133 step %scan3A_134 iter_args(%scan3A_162 = %broadcast_in_dim3A_116, %scan3A_163 = %broadcast_in_dim3A_118, %scan3A_164 = %broadcast_in_dim3A_120, %scan3A_165 = %broadcast_in_dim3A_122, %scan3A_166 = %broadcast_in_dim3A_124, %scan3A_167 = %broadcast_in_dim3A_126, %scan3A_168 = %broadcast_in_dim3A_128, %scan3A_169 = %broadcast_in_dim3A_130) -> (vector<16xf32>, vector<16xf32>, vector<16xf32>, vector<16xf32>, vector<16xf32>, vector<16xf32>, vector<16xf32>, vector<16xf32>)  : i32 {
          %mul3A_170 = arith.constant 16 : i32
          %mul3A_171 = arith.muli %scan3A_161, %mul3A_170 : i32
          %add3A_172 = arith.addi %mul3A_88, %mul3A_171 : i32
          %add3A_173 = arith.constant 0 : i32
          %add3A_174 = arith.addi %add3A_172, %add3A_173 : i32
          %get3A_175 = arith.index_cast %add3A_174 : i32 to index
          %get3A_176 = arith.constant 0 : index
          %get3A_177 = tpu.vector_load %arg5[%get3A_175, %get3A_176] {strides = array<i32>} : memref<800x128xf32, #tpu.memory_space<vmem>>, vector<16xf32>,
          %add3A_178 = arith.constant 1 : i32
          %add3A_179 = arith.addi %add3A_172, %add3A_178 : i32
          %get3A_180 = arith.index_cast %add3A_179 : i32 to index
          %get3A_181 = arith.constant 0 : index
          %get3A_182 = tpu.vector_load %arg5[%get3A_180, %get3A_181] {strides = array<i32>} : memref<800x128xf32, #tpu.memory_space<vmem>>, vector<16xf32>,
          %add3A_183 = arith.constant 2 : i32
          %add3A_184 = arith.addi %add3A_172, %add3A_183 : i32
          %get3A_185 = arith.index_cast %add3A_184 : i32 to index
          %get3A_186 = arith.constant 0 : index
          %get3A_187 = tpu.vector_load %arg5[%get3A_185, %get3A_186] {strides = array<i32>} : memref<800x128xf32, #tpu.memory_space<vmem>>, vector<16xf32>,
          %add3A_188 = arith.constant 3 : i32
          %add3A_189 = arith.addi %add3A_172, %add3A_188 : i32
          %get3A_190 = arith.index_cast %add3A_189 : i32 to index
          %get3A_191 = arith.constant 0 : index
          %get3A_192 = tpu.vector_load %arg5[%get3A_190, %get3A_191] {strides = array<i32>} : memref<800x128xf32, #tpu.memory_space<vmem>>, vector<16xf32>,
          %add3A_193 = arith.constant 4 : i32
          %add3A_194 = arith.addi %add3A_172, %add3A_193 : i32
          %get3A_195 = arith.index_cast %add3A_194 : i32 to index
          %get3A_196 = arith.constant 0 : index
          %get3A_197 = tpu.vector_load %arg5[%get3A_195, %get3A_196] {strides = array<i32>} : memref<800x128xf32, #tpu.memory_space<vmem>>, vector<16xf32>,
          %add3A_198 = arith.constant 5 : i32
          %add3A_199 = arith.addi %add3A_172, %add3A_198 : i32
          %get3A_200 = arith.index_cast %add3A_199 : i32 to index
          %get3A_201 = arith.constant 0 : index
          %get3A_202 = tpu.vector_load %arg5[%get3A_200, %get3A_201] {strides = array<i32>} : memref<800x128xf32, #tpu.memory_space<vmem>>, vector<16xf32>,
          %add3A_203 = arith.constant 6 : i32
          %add3A_204 = arith.addi %add3A_172, %add3A_203 : i32
          %get3A_205 = arith.index_cast %add3A_204 : i32 to index
          %get3A_206 = arith.constant 0 : index
          %get3A_207 = tpu.vector_load %arg5[%get3A_205, %get3A_206] {strides = array<i32>} : memref<800x128xf32, #tpu.memory_space<vmem>>, vector<16xf32>,
          %add3A_208 = arith.constant 7 : i32
          %add3A_209 = arith.addi %add3A_172, %add3A_208 : i32
          %get3A_210 = arith.index_cast %add3A_209 : i32 to index
          %get3A_211 = arith.constant 0 : index
          %get3A_212 = tpu.vector_load %arg5[%get3A_210, %get3A_211] {strides = array<i32>} : memref<800x128xf32, #tpu.memory_space<vmem>>, vector<16xf32>,
          %add3A_213 = arith.constant 8 : i32
          %add3A_214 = arith.addi %add3A_172, %add3A_213 : i32
          %get3A_215 = arith.index_cast %add3A_214 : i32 to index
          %get3A_216 = arith.constant 0 : index
          %get3A_217 = tpu.vector_load %arg5[%get3A_215, %get3A_216] {strides = array<i32>} : memref<800x128xf32, #tpu.memory_space<vmem>>, vector<16xf32>,
          %add3A_218 = arith.constant 9 : i32
          %add3A_219 = arith.addi %add3A_172, %add3A_218 : i32
          %get3A_220 = arith.index_cast %add3A_219 : i32 to index
          %get3A_221 = arith.constant 0 : index
          %get3A_222 = tpu.vector_load %arg5[%get3A_220, %get3A_221] {strides = array<i32>} : memref<800x128xf32, #tpu.memory_space<vmem>>, vector<16xf32>,
          %add3A_223 = arith.constant 10 : i32
          %add3A_224 = arith.addi %add3A_172, %add3A_223 : i32
          %get3A_225 = arith.index_cast %add3A_224 : i32 to index
          %get3A_226 = arith.constant 0 : index
          %get3A_227 = tpu.vector_load %arg5[%get3A_225, %get3A_226] {strides = array<i32>} : memref<800x128xf32, #tpu.memory_space<vmem>>, vector<16xf32>,
          %add3A_228 = arith.constant 11 : i32
          %add3A_229 = arith.addi %add3A_172, %add3A_228 : i32
          %get3A_230 = arith.index_cast %add3A_229 : i32 to index
          %get3A_231 = arith.constant 0 : index
          %get3A_232 = tpu.vector_load %arg5[%get3A_230, %get3A_231] {strides = array<i32>} : memref<800x128xf32, #tpu.memory_space<vmem>>, vector<16xf32>,
          %add3A_233 = arith.constant 12 : i32
          %add3A_234 = arith.addi %add3A_172, %add3A_233 : i32
          %get3A_235 = arith.index_cast %add3A_234 : i32 to index
          %get3A_236 = arith.constant 0 : index
          %get3A_237 = tpu.vector_load %arg5[%get3A_235, %get3A_236] {strides = array<i32>} : memref<800x128xf32, #tpu.memory_space<vmem>>, vector<16xf32>,
          %add3A_238 = arith.constant 13 : i32
          %add3A_239 = arith.addi %add3A_172, %add3A_238 : i32
          %get3A_240 = arith.index_cast %add3A_239 : i32 to index
          %get3A_241 = arith.constant 0 : index
          %get3A_242 = tpu.vector_load %arg5[%get3A_240, %get3A_241] {strides = array<i32>} : memref<800x128xf32, #tpu.memory_space<vmem>>, vector<16xf32>,
          %add3A_243 = arith.constant 14 : i32
          %add3A_244 = arith.addi %add3A_172, %add3A_243 : i32
          %get3A_245 = arith.index_cast %add3A_244 : i32 to index
          %get3A_246 = arith.constant 0 : index
          %get3A_247 = tpu.vector_load %arg5[%get3A_245, %get3A_246] {strides = array<i32>} : memref<800x128xf32, #tpu.memory_space<vmem>>, vector<16xf32>,
          %add3A_248 = arith.constant 15 : i32
          %add3A_249 = arith.addi %add3A_172, %add3A_248 : i32
          %get3A_250 = arith.index_cast %add3A_249 : i32 to index
          %get3A_251 = arith.constant 0 : index
          %get3A_252 = tpu.vector_load %arg5[%get3A_250, %get3A_251] {strides = array<i32>} : memref<800x128xf32, #tpu.memory_space<vmem>>, vector<16xf32>,
          %add3A_253 = arith.addf %get3A_177, %get3A_182 : vector<16xf32>
          %add3A_254 = arith.addf %get3A_187, %get3A_192 : vector<16xf32>
          %add3A_255 = arith.addf %get3A_197, %get3A_202 : vector<16xf32>
          %add3A_256 = arith.addf %get3A_207, %get3A_212 : vector<16xf32>
          %add3A_257 = arith.addf %get3A_217, %get3A_222 : vector<16xf32>
          %add3A_258 = arith.addf %get3A_227, %get3A_232 : vector<16xf32>
          %add3A_259 = arith.addf %get3A_237, %get3A_242 : vector<16xf32>
          %add3A_260 = arith.addf %get3A_247, %get3A_252 : vector<16xf32>
          %add3A_261 = arith.addf %add3A_253, %add3A_254 : vector<16xf32>
          %add3A_262 = arith.addf %add3A_255, %add3A_256 : vector<16xf32>
          %add3A_263 = arith.addf %add3A_257, %add3A_258 : vector<16xf32>
          %add3A_264 = arith.addf %add3A_259, %add3A_260 : vector<16xf32>
          %add3A_265 = arith.addf %add3A_261, %add3A_262 : vector<16xf32>
          %add3A_266 = arith.addf %add3A_263, %add3A_264 : vector<16xf32>
          %add3A_267 = arith.addf %add3A_265, %add3A_266 : vector<16xf32>
          %add3A_268 = arith.addf %scan3A_162, %add3A_267 : vector<16xf32>
          %mul3A_269 = arith.constant 16 : i32
          %mul3A_270 = arith.muli %scan3A_161, %mul3A_269 : i32
          %add3A_271 = arith.addi %mul3A_88, %mul3A_270 : i32
          %add3A_272 = arith.constant 0 : i32
          %add3A_273 = arith.addi %add3A_271, %add3A_272 : i32
          %get3A_274 = arith.index_cast %add3A_273 : i32 to index
          %get3A_275 = arith.constant 16 : index
          %get3A_276 = tpu.vector_load %arg5[%get3A_274, %get3A_275] {strides = array<i32>} : memref<800x128xf32, #tpu.memory_space<vmem>>, vector<16xf32>,
          %add3A_277 = arith.constant 1 : i32
          %add3A_278 = arith.addi %add3A_271, %add3A_277 : i32
          %get3A_279 = arith.index_cast %add3A_278 : i32 to index
          %get3A_280 = arith.constant 16 : index
          %get3A_281 = tpu.vector_load %arg5[%get3A_279, %get3A_280] {strides = array<i32>} : memref<800x128xf32, #tpu.memory_space<vmem>>, vector<16xf32>,
          %add3A_282 = arith.constant 2 : i32
          %add3A_283 = arith.addi %add3A_271, %add3A_282 : i32
          %get3A_284 = arith.index_cast %add3A_283 : i32 to index
          %get3A_285 = arith.constant 16 : index
          %get3A_286 = tpu.vector_load %arg5[%get3A_284, %get3A_285] {strides = array<i32>} : memref<800x128xf32, #tpu.memory_space<vmem>>, vector<16xf32>,
          %add3A_287 = arith.constant 3 : i32
          %add3A_288 = arith.addi %add3A_271, %add3A_287 : i32
          %get3A_289 = arith.index_cast %add3A_288 : i32 to index
          %get3A_290 = arith.constant 16 : index
          %get3A_291 = tpu.vector_load %arg5[%get3A_289, %get3A_290] {strides = array<i32>} : memref<800x128xf32, #tpu.memory_space<vmem>>, vector<16xf32>,
          %add3A_292 = arith.constant 4 : i32
          %add3A_293 = arith.addi %add3A_271, %add3A_292 : i32
          %get3A_294 = arith.index_cast %add3A_293 : i32 to index
          %get3A_295 = arith.constant 16 : index
          %get3A_296 = tpu.vector_load %arg5[%get3A_294, %get3A_295] {strides = array<i32>} : memref<800x128xf32, #tpu.memory_space<vmem>>, vector<16xf32>,
          %add3A_297 = arith.constant 5 : i32
          %add3A_298 = arith.addi %add3A_271, %add3A_297 : i32
          %get3A_299 = arith.index_cast %add3A_298 : i32 to index
          %get3A_300 = arith.constant 16 : index
          %get3A_301 = tpu.vector_load %arg5[%get3A_299, %get3A_300] {strides = array<i32>} : memref<800x128xf32, #tpu.memory_space<vmem>>, vector<16xf32>,
          %add3A_302 = arith.constant 6 : i32
          %add3A_303 = arith.addi %add3A_271, %add3A_302 : i32
          %get3A_304 = arith.index_cast %add3A_303 : i32 to index
          %get3A_305 = arith.constant 16 : index
          %get3A_306 = tpu.vector_load %arg5[%get3A_304, %get3A_305] {strides = array<i32>} : memref<800x128xf32, #tpu.memory_space<vmem>>, vector<16xf32>,
          %add3A_307 = arith.constant 7 : i32
          %add3A_308 = arith.addi %add3A_271, %add3A_307 : i32
          %get3A_309 = arith.index_cast %add3A_308 : i32 to index
          %get3A_310 = arith.constant 16 : index
          %get3A_311 = tpu.vector_load %arg5[%get3A_309, %get3A_310] {strides = array<i32>} : memref<800x128xf32, #tpu.memory_space<vmem>>, vector<16xf32>,
          %add3A_312 = arith.constant 8 : i32
          %add3A_313 = arith.addi %add3A_271, %add3A_312 : i32
          %get3A_314 = arith.index_cast %add3A_313 : i32 to index
          %get3A_315 = arith.constant 16 : index
          %get3A_316 = tpu.vector_load %arg5[%get3A_314, %get3A_315] {strides = array<i32>} : memref<800x128xf32, #tpu.memory_space<vmem>>, vector<16xf32>,
          %add3A_317 = arith.constant 9 : i32
          %add3A_318 = arith.addi %add3A_271, %add3A_317 : i32
          %get3A_319 = arith.index_cast %add3A_318 : i32 to index
          %get3A_320 = arith.constant 16 : index
          %get3A_321 = tpu.vector_load %arg5[%get3A_319, %get3A_320] {strides = array<i32>} : memref<800x128xf32, #tpu.memory_space<vmem>>, vector<16xf32>,
          %add3A_322 = arith.constant 10 : i32
          %add3A_323 = arith.addi %add3A_271, %add3A_322 : i32
          %get3A_324 = arith.index_cast %add3A_323 : i32 to index
          %get3A_325 = arith.constant 16 : index
          %get3A_326 = tpu.vector_load %arg5[%get3A_324, %get3A_325] {strides = array<i32>} : memref<800x128xf32, #tpu.memory_space<vmem>>, vector<16xf32>,
          %add3A_327 = arith.constant 11 : i32
          %add3A_328 = arith.addi %add3A_271, %add3A_327 : i32
          %get3A_329 = arith.index_cast %add3A_328 : i32 to index
          %get3A_330 = arith.constant 16 : index
          %get3A_331 = tpu.vector_load %arg5[%get3A_329, %get3A_330] {strides = array<i32>} : memref<800x128xf32, #tpu.memory_space<vmem>>, vector<16xf32>,
          %add3A_332 = arith.constant 12 : i32
          %add3A_333 = arith.addi %add3A_271, %add3A_332 : i32
          %get3A_334 = arith.index_cast %add3A_333 : i32 to index
          %get3A_335 = arith.constant 16 : index
          %get3A_336 = tpu.vector_load %arg5[%get3A_334, %get3A_335] {strides = array<i32>} : memref<800x128xf32, #tpu.memory_space<vmem>>, vector<16xf32>,
          %add3A_337 = arith.constant 13 : i32
          %add3A_338 = arith.addi %add3A_271, %add3A_337 : i32
          %get3A_339 = arith.index_cast %add3A_338 : i32 to index
          %get3A_340 = arith.constant 16 : index
          %get3A_341 = tpu.vector_load %arg5[%get3A_339, %get3A_340] {strides = array<i32>} : memref<800x128xf32, #tpu.memory_space<vmem>>, vector<16xf32>,
          %add3A_342 = arith.constant 14 : i32
          %add3A_343 = arith.addi %add3A_271, %add3A_342 : i32
          %get3A_344 = arith.index_cast %add3A_343 : i32 to index
          %get3A_345 = arith.constant 16 : index
          %get3A_346 = tpu.vector_load %arg5[%get3A_344, %get3A_345] {strides = array<i32>} : memref<800x128xf32, #tpu.memory_space<vmem>>, vector<16xf32>,
          %add3A_347 = arith.constant 15 : i32
          %add3A_348 = arith.addi %add3A_271, %add3A_347 : i32
          %get3A_349 = arith.index_cast %add3A_348 : i32 to index
          %get3A_350 = arith.constant 16 : index
          %get3A_351 = tpu.vector_load %arg5[%get3A_349, %get3A_350] {strides = array<i32>} : memref<800x128xf32, #tpu.memory_space<vmem>>, vector<16xf32>,
          %add3A_352 = arith.addf %get3A_276, %get3A_281 : vector<16xf32>
          %add3A_353 = arith.addf %get3A_286, %get3A_291 : vector<16xf32>
          %add3A_354 = arith.addf %get3A_296, %get3A_301 : vector<16xf32>
          %add3A_355 = arith.addf %get3A_306, %get3A_311 : vector<16xf32>
          %add3A_356 = arith.addf %get3A_316, %get3A_321 : vector<16xf32>
          %add3A_357 = arith.addf %get3A_326, %get3A_331 : vector<16xf32>
          %add3A_358 = arith.addf %get3A_336, %get3A_341 : vector<16xf32>
          %add3A_359 = arith.addf %get3A_346, %get3A_351 : vector<16xf32>
          %add3A_360 = arith.addf %add3A_352, %add3A_353 : vector<16xf32>
          %add3A_361 = arith.addf %add3A_354, %add3A_355 : vector<16xf32>
          %add3A_362 = arith.addf %add3A_356, %add3A_357 : vector<16xf32>
          %add3A_363 = arith.addf %add3A_358, %add3A_359 : vector<16xf32>
          %add3A_364 = arith.addf %add3A_360, %add3A_361 : vector<16xf32>
          %add3A_365 = arith.addf %add3A_362, %add3A_363 : vector<16xf32>
          %add3A_366 = arith.addf %add3A_364, %add3A_365 : vector<16xf32>
          %add3A_367 = arith.addf %scan3A_163, %add3A_366 : vector<16xf32>
          %mul3A_368 = arith.constant 16 : i32
          %mul3A_369 = arith.muli %scan3A_161, %mul3A_368 : i32
          %add3A_370 = arith.addi %mul3A_88, %mul3A_369 : i32
          %add3A_371 = arith.constant 0 : i32
          %add3A_372 = arith.addi %add3A_370, %add3A_371 : i32
          %get3A_373 = arith.index_cast %add3A_372 : i32 to index
          %get3A_374 = arith.constant 32 : index
          %get3A_375 = tpu.vector_load %arg5[%get3A_373, %get3A_374] {strides = array<i32>} : memref<800x128xf32, #tpu.memory_space<vmem>>, vector<16xf32>,
          %add3A_376 = arith.constant 1 : i32
          %add3A_377 = arith.addi %add3A_370, %add3A_376 : i32
          %get3A_378 = arith.index_cast %add3A_377 : i32 to index
          %get3A_379 = arith.constant 32 : index
          %get3A_380 = tpu.vector_load %arg5[%get3A_378, %get3A_379] {strides = array<i32>} : memref<800x128xf32, #tpu.memory_space<vmem>>, vector<16xf32>,
          %add3A_381 = arith.constant 2 : i32
          %add3A_382 = arith.addi %add3A_370, %add3A_381 : i32
          %get3A_383 = arith.index_cast %add3A_382 : i32 to index
          %get3A_384 = arith.constant 32 : index
          %get3A_385 = tpu.vector_load %arg5[%get3A_383, %get3A_384] {strides = array<i32>} : memref<800x128xf32, #tpu.memory_space<vmem>>, vector<16xf32>,
          %add3A_386 = arith.constant 3 : i32
          %add3A_387 = arith.addi %add3A_370, %add3A_386 : i32
          %get3A_388 = arith.index_cast %add3A_387 : i32 to index
          %get3A_389 = arith.constant 32 : index
          %get3A_390 = tpu.vector_load %arg5[%get3A_388, %get3A_389] {strides = array<i32>} : memref<800x128xf32, #tpu.memory_space<vmem>>, vector<16xf32>,
          %add3A_391 = arith.constant 4 : i32
          %add3A_392 = arith.addi %add3A_370, %add3A_391 : i32
          %get3A_393 = arith.index_cast %add3A_392 : i32 to index
          %get3A_394 = arith.constant 32 : index
          %get3A_395 = tpu.vector_load %arg5[%get3A_393, %get3A_394] {strides = array<i32>} : memref<800x128xf32, #tpu.memory_space<vmem>>, vector<16xf32>,
          %add3A_396 = arith.constant 5 : i32
          %add3A_397 = arith.addi %add3A_370, %add3A_396 : i32
          %get3A_398 = arith.index_cast %add3A_397 : i32 to index
          %get3A_399 = arith.constant 32 : index
          %get3A_400 = tpu.vector_load %arg5[%get3A_398, %get3A_399] {strides = array<i32>} : memref<800x128xf32, #tpu.memory_space<vmem>>, vector<16xf32>,
          %add3A_401 = arith.constant 6 : i32
          %add3A_402 = arith.addi %add3A_370, %add3A_401 : i32
          %get3A_403 = arith.index_cast %add3A_402 : i32 to index
          %get3A_404 = arith.constant 32 : index
          %get3A_405 = tpu.vector_load %arg5[%get3A_403, %get3A_404] {strides = array<i32>} : memref<800x128xf32, #tpu.memory_space<vmem>>, vector<16xf32>,
          %add3A_406 = arith.constant 7 : i32
          %add3A_407 = arith.addi %add3A_370, %add3A_406 : i32
          %get3A_408 = arith.index_cast %add3A_407 : i32 to index
          %get3A_409 = arith.constant 32 : index
          %get3A_410 = tpu.vector_load %arg5[%get3A_408, %get3A_409] {strides = array<i32>} : memref<800x128xf32, #tpu.memory_space<vmem>>, vector<16xf32>,
          %add3A_411 = arith.constant 8 : i32
          %add3A_412 = arith.addi %add3A_370, %add3A_411 : i32
          %get3A_413 = arith.index_cast %add3A_412 : i32 to index
          %get3A_414 = arith.constant 32 : index
          %get3A_415 = tpu.vector_load %arg5[%get3A_413, %get3A_414] {strides = array<i32>} : memref<800x128xf32, #tpu.memory_space<vmem>>, vector<16xf32>,
          %add3A_416 = arith.constant 9 : i32
          %add3A_417 = arith.addi %add3A_370, %add3A_416 : i32
          %get3A_418 = arith.index_cast %add3A_417 : i32 to index
          %get3A_419 = arith.constant 32 : index
          %get3A_420 = tpu.vector_load %arg5[%get3A_418, %get3A_419] {strides = array<i32>} : memref<800x128xf32, #tpu.memory_space<vmem>>, vector<16xf32>,
          %add3A_421 = arith.constant 10 : i32
          %add3A_422 = arith.addi %add3A_370, %add3A_421 : i32
          %get3A_423 = arith.index_cast %add3A_422 : i32 to index
          %get3A_424 = arith.constant 32 : index
          %get3A_425 = tpu.vector_load %arg5[%get3A_423, %get3A_424] {strides = array<i32>} : memref<800x128xf32, #tpu.memory_space<vmem>>, vector<16xf32>,
          %add3A_426 = arith.constant 11 : i32
          %add3A_427 = arith.addi %add3A_370, %add3A_426 : i32
          %get3A_428 = arith.index_cast %add3A_427 : i32 to index
          %get3A_429 = arith.constant 32 : index
          %get3A_430 = tpu.vector_load %arg5[%get3A_428, %get3A_429] {strides = array<i32>} : memref<800x128xf32, #tpu.memory_space<vmem>>, vector<16xf32>,
          %add3A_431 = arith.constant 12 : i32
          %add3A_432 = arith.addi %add3A_370, %add3A_431 : i32
          %get3A_433 = arith.index_cast %add3A_432 : i32 to index
          %get3A_434 = arith.constant 32 : index
          %get3A_435 = tpu.vector_load %arg5[%get3A_433, %get3A_434] {strides = array<i32>} : memref<800x128xf32, #tpu.memory_space<vmem>>, vector<16xf32>,
          %add3A_436 = arith.constant 13 : i32
          %add3A_437 = arith.addi %add3A_370, %add3A_436 : i32
          %get3A_438 = arith.index_cast %add3A_437 : i32 to index
          %get3A_439 = arith.constant 32 : index
          %get3A_440 = tpu.vector_load %arg5[%get3A_438, %get3A_439] {strides = array<i32>} : memref<800x128xf32, #tpu.memory_space<vmem>>, vector<16xf32>,
          %add3A_441 = arith.constant 14 : i32
          %add3A_442 = arith.addi %add3A_370, %add3A_441 : i32
          %get3A_443 = arith.index_cast %add3A_442 : i32 to index
          %get3A_444 = arith.constant 32 : index
          %get3A_445 = tpu.vector_load %arg5[%get3A_443, %get3A_444] {strides = array<i32>} : memref<800x128xf32, #tpu.memory_space<vmem>>, vector<16xf32>,
          %add3A_446 = arith.constant 15 : i32
          %add3A_447 = arith.addi %add3A_370, %add3A_446 : i32
          %get3A_448 = arith.index_cast %add3A_447 : i32 to index
          %get3A_449 = arith.constant 32 : index
          %get3A_450 = tpu.vector_load %arg5[%get3A_448, %get3A_449] {strides = array<i32>} : memref<800x128xf32, #tpu.memory_space<vmem>>, vector<16xf32>,
          %add3A_451 = arith.addf %get3A_375, %get3A_380 : vector<16xf32>
          %add3A_452 = arith.addf %get3A_385, %get3A_390 : vector<16xf32>
          %add3A_453 = arith.addf %get3A_395, %get3A_400 : vector<16xf32>
          %add3A_454 = arith.addf %get3A_405, %get3A_410 : vector<16xf32>
          %add3A_455 = arith.addf %get3A_415, %get3A_420 : vector<16xf32>
          %add3A_456 = arith.addf %get3A_425, %get3A_430 : vector<16xf32>
          %add3A_457 = arith.addf %get3A_435, %get3A_440 : vector<16xf32>
          %add3A_458 = arith.addf %get3A_445, %get3A_450 : vector<16xf32>
          %add3A_459 = arith.addf %add3A_451, %add3A_452 : vector<16xf32>
          %add3A_460 = arith.addf %add3A_453, %add3A_454 : vector<16xf32>
          %add3A_461 = arith.addf %add3A_455, %add3A_456 : vector<16xf32>
          %add3A_462 = arith.addf %add3A_457, %add3A_458 : vector<16xf32>
          %add3A_463 = arith.addf %add3A_459, %add3A_460 : vector<16xf32>
          %add3A_464 = arith.addf %add3A_461, %add3A_462 : vector<16xf32>
          %add3A_465 = arith.addf %add3A_463, %add3A_464 : vector<16xf32>
          %add3A_466 = arith.addf %scan3A_164, %add3A_465 : vector<16xf32>
          %mul3A_467 = arith.constant 16 : i32
          %mul3A_468 = arith.muli %scan3A_161, %mul3A_467 : i32
          %add3A_469 = arith.addi %mul3A_88, %mul3A_468 : i32
          %add3A_470 = arith.constant 0 : i32
          %add3A_471 = arith.addi %add3A_469, %add3A_470 : i32
          %get3A_472 = arith.index_cast %add3A_471 : i32 to index
          %get3A_473 = arith.constant 48 : index
          %get3A_474 = tpu.vector_load %arg5[%get3A_472, %get3A_473] {strides = array<i32>} : memref<800x128xf32, #tpu.memory_space<vmem>>, vector<16xf32>,
          %add3A_475 = arith.constant 1 : i32
          %add3A_476 = arith.addi %add3A_469, %add3A_475 : i32
          %get3A_477 = arith.index_cast %add3A_476 : i32 to index
          %get3A_478 = arith.constant 48 : index
          %get3A_479 = tpu.vector_load %arg5[%get3A_477, %get3A_478] {strides = array<i32>} : memref<800x128xf32, #tpu.memory_space<vmem>>, vector<16xf32>,
          %add3A_480 = arith.constant 2 : i32
          %add3A_481 = arith.addi %add3A_469, %add3A_480 : i32
          %get3A_482 = arith.index_cast %add3A_481 : i32 to index
          %get3A_483 = arith.constant 48 : index
          %get3A_484 = tpu.vector_load %arg5[%get3A_482, %get3A_483] {strides = array<i32>} : memref<800x128xf32, #tpu.memory_space<vmem>>, vector<16xf32>,
          %add3A_485 = arith.constant 3 : i32
          %add3A_486 = arith.addi %add3A_469, %add3A_485 : i32
          %get3A_487 = arith.index_cast %add3A_486 : i32 to index
          %get3A_488 = arith.constant 48 : index
          %get3A_489 = tpu.vector_load %arg5[%get3A_487, %get3A_488] {strides = array<i32>} : memref<800x128xf32, #tpu.memory_space<vmem>>, vector<16xf32>,
          %add3A_490 = arith.constant 4 : i32
          %add3A_491 = arith.addi %add3A_469, %add3A_490 : i32
          %get3A_492 = arith.index_cast %add3A_491 : i32 to index
          %get3A_493 = arith.constant 48 : index
          %get3A_494 = tpu.vector_load %arg5[%get3A_492, %get3A_493] {strides = array<i32>} : memref<800x128xf32, #tpu.memory_space<vmem>>, vector<16xf32>,
          %add3A_495 = arith.constant 5 : i32
          %add3A_496 = arith.addi %add3A_469, %add3A_495 : i32
          %get3A_497 = arith.index_cast %add3A_496 : i32 to index
          %get3A_498 = arith.constant 48 : index
          %get3A_499 = tpu.vector_load %arg5[%get3A_497, %get3A_498] {strides = array<i32>} : memref<800x128xf32, #tpu.memory_space<vmem>>, vector<16xf32>,
          %add3A_500 = arith.constant 6 : i32
          %add3A_501 = arith.addi %add3A_469, %add3A_500 : i32
          %get3A_502 = arith.index_cast %add3A_501 : i32 to index
          %get3A_503 = arith.constant 48 : index
          %get3A_504 = tpu.vector_load %arg5[%get3A_502, %get3A_503] {strides = array<i32>} : memref<800x128xf32, #tpu.memory_space<vmem>>, vector<16xf32>,
          %add3A_505 = arith.constant 7 : i32
          %add3A_506 = arith.addi %add3A_469, %add3A_505 : i32
          %get3A_507 = arith.index_cast %add3A_506 : i32 to index
          %get3A_508 = arith.constant 48 : index
          %get3A_509 = tpu.vector_load %arg5[%get3A_507, %get3A_508] {strides = array<i32>} : memref<800x128xf32, #tpu.memory_space<vmem>>, vector<16xf32>,
          %add3A_510 = arith.constant 8 : i32
          %add3A_511 = arith.addi %add3A_469, %add3A_510 : i32
          %get3A_512 = arith.index_cast %add3A_511 : i32 to index
          %get3A_513 = arith.constant 48 : index
          %get3A_514 = tpu.vector_load %arg5[%get3A_512, %get3A_513] {strides = array<i32>} : memref<800x128xf32, #tpu.memory_space<vmem>>, vector<16xf32>,
          %add3A_515 = arith.constant 9 : i32
          %add3A_516 = arith.addi %add3A_469, %add3A_515 : i32
          %get3A_517 = arith.index_cast %add3A_516 : i32 to index
          %get3A_518 = arith.constant 48 : index
          %get3A_519 = tpu.vector_load %arg5[%get3A_517, %get3A_518] {strides = array<i32>} : memref<800x128xf32, #tpu.memory_space<vmem>>, vector<16xf32>,
          %add3A_520 = arith.constant 10 : i32
          %add3A_521 = arith.addi %add3A_469, %add3A_520 : i32
          %get3A_522 = arith.index_cast %add3A_521 : i32 to index
          %get3A_523 = arith.constant 48 : index
          %get3A_524 = tpu.vector_load %arg5[%get3A_522, %get3A_523] {strides = array<i32>} : memref<800x128xf32, #tpu.memory_space<vmem>>, vector<16xf32>,
          %add3A_525 = arith.constant 11 : i32
          %add3A_526 = arith.addi %add3A_469, %add3A_525 : i32
          %get3A_527 = arith.index_cast %add3A_526 : i32 to index
          %get3A_528 = arith.constant 48 : index
          %get3A_529 = tpu.vector_load %arg5[%get3A_527, %get3A_528] {strides = array<i32>} : memref<800x128xf32, #tpu.memory_space<vmem>>, vector<16xf32>,
          %add3A_530 = arith.constant 12 : i32
          %add3A_531 = arith.addi %add3A_469, %add3A_530 : i32
          %get3A_532 = arith.index_cast %add3A_531 : i32 to index
          %get3A_533 = arith.constant 48 : index
          %get3A_534 = tpu.vector_load %arg5[%get3A_532, %get3A_533] {strides = array<i32>} : memref<800x128xf32, #tpu.memory_space<vmem>>, vector<16xf32>,
          %add3A_535 = arith.constant 13 : i32
          %add3A_536 = arith.addi %add3A_469, %add3A_535 : i32
          %get3A_537 = arith.index_cast %add3A_536 : i32 to index
          %get3A_538 = arith.constant 48 : index
          %get3A_539 = tpu.vector_load %arg5[%get3A_537, %get3A_538] {strides = array<i32>} : memref<800x128xf32, #tpu.memory_space<vmem>>, vector<16xf32>,
          %add3A_540 = arith.constant 14 : i32
          %add3A_541 = arith.addi %add3A_469, %add3A_540 : i32
          %get3A_542 = arith.index_cast %add3A_541 : i32 to index
          %get3A_543 = arith.constant 48 : index
          %get3A_544 = tpu.vector_load %arg5[%get3A_542, %get3A_543] {strides = array<i32>} : memref<800x128xf32, #tpu.memory_space<vmem>>, vector<16xf32>,
          %add3A_545 = arith.constant 15 : i32
          %add3A_546 = arith.addi %add3A_469, %add3A_545 : i32
          %get3A_547 = arith.index_cast %add3A_546 : i32 to index
          %get3A_548 = arith.constant 48 : index
          %get3A_549 = tpu.vector_load %arg5[%get3A_547, %get3A_548] {strides = array<i32>} : memref<800x128xf32, #tpu.memory_space<vmem>>, vector<16xf32>,
          %add3A_550 = arith.addf %get3A_474, %get3A_479 : vector<16xf32>
          %add3A_551 = arith.addf %get3A_484, %get3A_489 : vector<16xf32>
          %add3A_552 = arith.addf %get3A_494, %get3A_499 : vector<16xf32>
          %add3A_553 = arith.addf %get3A_504, %get3A_509 : vector<16xf32>
          %add3A_554 = arith.addf %get3A_514, %get3A_519 : vector<16xf32>
          %add3A_555 = arith.addf %get3A_524, %get3A_529 : vector<16xf32>
          %add3A_556 = arith.addf %get3A_534, %get3A_539 : vector<16xf32>
          %add3A_557 = arith.addf %get3A_544, %get3A_549 : vector<16xf32>
          %add3A_558 = arith.addf %add3A_550, %add3A_551 : vector<16xf32>
          %add3A_559 = arith.addf %add3A_552, %add3A_553 : vector<16xf32>
          %add3A_560 = arith.addf %add3A_554, %add3A_555 : vector<16xf32>
          %add3A_561 = arith.addf %add3A_556, %add3A_557 : vector<16xf32>
          %add3A_562 = arith.addf %add3A_558, %add3A_559 : vector<16xf32>
          %add3A_563 = arith.addf %add3A_560, %add3A_561 : vector<16xf32>
          %add3A_564 = arith.addf %add3A_562, %add3A_563 : vector<16xf32>
          %add3A_565 = arith.addf %scan3A_165, %add3A_564 : vector<16xf32>
          %mul3A_566 = arith.constant 16 : i32
          %mul3A_567 = arith.muli %scan3A_161, %mul3A_566 : i32
          %add3A_568 = arith.addi %mul3A_88, %mul3A_567 : i32
          %add3A_569 = arith.constant 0 : i32
          %add3A_570 = arith.addi %add3A_568, %add3A_569 : i32
          %get3A_571 = arith.index_cast %add3A_570 : i32 to index
          %get3A_572 = arith.constant 64 : index
          %get3A_573 = tpu.vector_load %arg5[%get3A_571, %get3A_572] {strides = array<i32>} : memref<800x128xf32, #tpu.memory_space<vmem>>, vector<16xf32>,
          %add3A_574 = arith.constant 1 : i32
          %add3A_575 = arith.addi %add3A_568, %add3A_574 : i32
          %get3A_576 = arith.index_cast %add3A_575 : i32 to index
          %get3A_577 = arith.constant 64 : index
          %get3A_578 = tpu.vector_load %arg5[%get3A_576, %get3A_577] {strides = array<i32>} : memref<800x128xf32, #tpu.memory_space<vmem>>, vector<16xf32>,
          %add3A_579 = arith.constant 2 : i32
          %add3A_580 = arith.addi %add3A_568, %add3A_579 : i32
          %get3A_581 = arith.index_cast %add3A_580 : i32 to index
          %get3A_582 = arith.constant 64 : index
          %get3A_583 = tpu.vector_load %arg5[%get3A_581, %get3A_582] {strides = array<i32>} : memref<800x128xf32, #tpu.memory_space<vmem>>, vector<16xf32>,
          %add3A_584 = arith.constant 3 : i32
          %add3A_585 = arith.addi %add3A_568, %add3A_584 : i32
          %get3A_586 = arith.index_cast %add3A_585 : i32 to index
          %get3A_587 = arith.constant 64 : index
          %get3A_588 = tpu.vector_load %arg5[%get3A_586, %get3A_587] {strides = array<i32>} : memref<800x128xf32, #tpu.memory_space<vmem>>, vector<16xf32>,
          %add3A_589 = arith.constant 4 : i32
          %add3A_590 = arith.addi %add3A_568, %add3A_589 : i32
          %get3A_591 = arith.index_cast %add3A_590 : i32 to index
          %get3A_592 = arith.constant 64 : index
          %get3A_593 = tpu.vector_load %arg5[%get3A_591, %get3A_592] {strides = array<i32>} : memref<800x128xf32, #tpu.memory_space<vmem>>, vector<16xf32>,
          %add3A_594 = arith.constant 5 : i32
          %add3A_595 = arith.addi %add3A_568, %add3A_594 : i32
          %get3A_596 = arith.index_cast %add3A_595 : i32 to index
          %get3A_597 = arith.constant 64 : index
          %get3A_598 = tpu.vector_load %arg5[%get3A_596, %get3A_597] {strides = array<i32>} : memref<800x128xf32, #tpu.memory_space<vmem>>, vector<16xf32>,
          %add3A_599 = arith.constant 6 : i32
          %add3A_600 = arith.addi %add3A_568, %add3A_599 : i32
          %get3A_601 = arith.index_cast %add3A_600 : i32 to index
          %get3A_602 = arith.constant 64 : index
          %get3A_603 = tpu.vector_load %arg5[%get3A_601, %get3A_602] {strides = array<i32>} : memref<800x128xf32, #tpu.memory_space<vmem>>, vector<16xf32>,
          %add3A_604 = arith.constant 7 : i32
          %add3A_605 = arith.addi %add3A_568, %add3A_604 : i32
          %get3A_606 = arith.index_cast %add3A_605 : i32 to index
          %get3A_607 = arith.constant 64 : index
          %get3A_608 = tpu.vector_load %arg5[%get3A_606, %get3A_607] {strides = array<i32>} : memref<800x128xf32, #tpu.memory_space<vmem>>, vector<16xf32>,
          %add3A_609 = arith.constant 8 : i32
          %add3A_610 = arith.addi %add3A_568, %add3A_609 : i32
          %get3A_611 = arith.index_cast %add3A_610 : i32 to index
          %get3A_612 = arith.constant 64 : index
          %get3A_613 = tpu.vector_load %arg5[%get3A_611, %get3A_612] {strides = array<i32>} : memref<800x128xf32, #tpu.memory_space<vmem>>, vector<16xf32>,
          %add3A_614 = arith.constant 9 : i32
          %add3A_615 = arith.addi %add3A_568, %add3A_614 : i32
          %get3A_616 = arith.index_cast %add3A_615 : i32 to index
          %get3A_617 = arith.constant 64 : index
          %get3A_618 = tpu.vector_load %arg5[%get3A_616, %get3A_617] {strides = array<i32>} : memref<800x128xf32, #tpu.memory_space<vmem>>, vector<16xf32>,
          %add3A_619 = arith.constant 10 : i32
          %add3A_620 = arith.addi %add3A_568, %add3A_619 : i32
          %get3A_621 = arith.index_cast %add3A_620 : i32 to index
          %get3A_622 = arith.constant 64 : index
          %get3A_623 = tpu.vector_load %arg5[%get3A_621, %get3A_622] {strides = array<i32>} : memref<800x128xf32, #tpu.memory_space<vmem>>, vector<16xf32>,
          %add3A_624 = arith.constant 11 : i32
          %add3A_625 = arith.addi %add3A_568, %add3A_624 : i32
          %get3A_626 = arith.index_cast %add3A_625 : i32 to index
          %get3A_627 = arith.constant 64 : index
          %get3A_628 = tpu.vector_load %arg5[%get3A_626, %get3A_627] {strides = array<i32>} : memref<800x128xf32, #tpu.memory_space<vmem>>, vector<16xf32>,
          %add3A_629 = arith.constant 12 : i32
          %add3A_630 = arith.addi %add3A_568, %add3A_629 : i32
          %get3A_631 = arith.index_cast %add3A_630 : i32 to index
          %get3A_632 = arith.constant 64 : index
          %get3A_633 = tpu.vector_load %arg5[%get3A_631, %get3A_632] {strides = array<i32>} : memref<800x128xf32, #tpu.memory_space<vmem>>, vector<16xf32>,
          %add3A_634 = arith.constant 13 : i32
          %add3A_635 = arith.addi %add3A_568, %add3A_634 : i32
          %get3A_636 = arith.index_cast %add3A_635 : i32 to index
          %get3A_637 = arith.constant 64 : index
          %get3A_638 = tpu.vector_load %arg5[%get3A_636, %get3A_637] {strides = array<i32>} : memref<800x128xf32, #tpu.memory_space<vmem>>, vector<16xf32>,
          %add3A_639 = arith.constant 14 : i32
          %add3A_640 = arith.addi %add3A_568, %add3A_639 : i32
          %get3A_641 = arith.index_cast %add3A_640 : i32 to index
          %get3A_642 = arith.constant 64 : index
          %get3A_643 = tpu.vector_load %arg5[%get3A_641, %get3A_642] {strides = array<i32>} : memref<800x128xf32, #tpu.memory_space<vmem>>, vector<16xf32>,
          %add3A_644 = arith.constant 15 : i32
          %add3A_645 = arith.addi %add3A_568, %add3A_644 : i32
          %get3A_646 = arith.index_cast %add3A_645 : i32 to index
          %get3A_647 = arith.constant 64 : index
          %get3A_648 = tpu.vector_load %arg5[%get3A_646, %get3A_647] {strides = array<i32>} : memref<800x128xf32, #tpu.memory_space<vmem>>, vector<16xf32>,
          %add3A_649 = arith.addf %get3A_573, %get3A_578 : vector<16xf32>
          %add3A_650 = arith.addf %get3A_583, %get3A_588 : vector<16xf32>
          %add3A_651 = arith.addf %get3A_593, %get3A_598 : vector<16xf32>
          %add3A_652 = arith.addf %get3A_603, %get3A_608 : vector<16xf32>
          %add3A_653 = arith.addf %get3A_613, %get3A_618 : vector<16xf32>
          %add3A_654 = arith.addf %get3A_623, %get3A_628 : vector<16xf32>
          %add3A_655 = arith.addf %get3A_633, %get3A_638 : vector<16xf32>
          %add3A_656 = arith.addf %get3A_643, %get3A_648 : vector<16xf32>
          %add3A_657 = arith.addf %add3A_649, %add3A_650 : vector<16xf32>
          %add3A_658 = arith.addf %add3A_651, %add3A_652 : vector<16xf32>
          %add3A_659 = arith.addf %add3A_653, %add3A_654 : vector<16xf32>
          %add3A_660 = arith.addf %add3A_655, %add3A_656 : vector<16xf32>
          %add3A_661 = arith.addf %add3A_657, %add3A_658 : vector<16xf32>
          %add3A_662 = arith.addf %add3A_659, %add3A_660 : vector<16xf32>
          %add3A_663 = arith.addf %add3A_661, %add3A_662 : vector<16xf32>
          %add3A_664 = arith.addf %scan3A_166, %add3A_663 : vector<16xf32>
          %mul3A_665 = arith.constant 16 : i32
          %mul3A_666 = arith.muli %scan3A_161, %mul3A_665 : i32
          %add3A_667 = arith.addi %mul3A_88, %mul3A_666 : i32
          %add3A_668 = arith.constant 0 : i32
          %add3A_669 = arith.addi %add3A_667, %add3A_668 : i32
          %get3A_670 = arith.index_cast %add3A_669 : i32 to index
          %get3A_671 = arith.constant 80 : index
          %get3A_672 = tpu.vector_load %arg5[%get3A_670, %get3A_671] {strides = array<i32>} : memref<800x128xf32, #tpu.memory_space<vmem>>, vector<16xf32>,
          %add3A_673 = arith.constant 1 : i32
          %add3A_674 = arith.addi %add3A_667, %add3A_673 : i32
          %get3A_675 = arith.index_cast %add3A_674 : i32 to index
          %get3A_676 = arith.constant 80 : index
          %get3A_677 = tpu.vector_load %arg5[%get3A_675, %get3A_676] {strides = array<i32>} : memref<800x128xf32, #tpu.memory_space<vmem>>, vector<16xf32>,
          %add3A_678 = arith.constant 2 : i32
          %add3A_679 = arith.addi %add3A_667, %add3A_678 : i32
          %get3A_680 = arith.index_cast %add3A_679 : i32 to index
          %get3A_681 = arith.constant 80 : index
          %get3A_682 = tpu.vector_load %arg5[%get3A_680, %get3A_681] {strides = array<i32>} : memref<800x128xf32, #tpu.memory_space<vmem>>, vector<16xf32>,
          %add3A_683 = arith.constant 3 : i32
          %add3A_684 = arith.addi %add3A_667, %add3A_683 : i32
          %get3A_685 = arith.index_cast %add3A_684 : i32 to index
          %get3A_686 = arith.constant 80 : index
          %get3A_687 = tpu.vector_load %arg5[%get3A_685, %get3A_686] {strides = array<i32>} : memref<800x128xf32, #tpu.memory_space<vmem>>, vector<16xf32>,
          %add3A_688 = arith.constant 4 : i32
          %add3A_689 = arith.addi %add3A_667, %add3A_688 : i32
          %get3A_690 = arith.index_cast %add3A_689 : i32 to index
          %get3A_691 = arith.constant 80 : index
          %get3A_692 = tpu.vector_load %arg5[%get3A_690, %get3A_691] {strides = array<i32>} : memref<800x128xf32, #tpu.memory_space<vmem>>, vector<16xf32>,
          %add3A_693 = arith.constant 5 : i32
          %add3A_694 = arith.addi %add3A_667, %add3A_693 : i32
          %get3A_695 = arith.index_cast %add3A_694 : i32 to index
          %get3A_696 = arith.constant 80 : index
          %get3A_697 = tpu.vector_load %arg5[%get3A_695, %get3A_696] {strides = array<i32>} : memref<800x128xf32, #tpu.memory_space<vmem>>, vector<16xf32>,
          %add3A_698 = arith.constant 6 : i32
          %add3A_699 = arith.addi %add3A_667, %add3A_698 : i32
          %get3A_700 = arith.index_cast %add3A_699 : i32 to index
          %get3A_701 = arith.constant 80 : index
          %get3A_702 = tpu.vector_load %arg5[%get3A_700, %get3A_701] {strides = array<i32>} : memref<800x128xf32, #tpu.memory_space<vmem>>, vector<16xf32>,
          %add3A_703 = arith.constant 7 : i32
          %add3A_704 = arith.addi %add3A_667, %add3A_703 : i32
          %get3A_705 = arith.index_cast %add3A_704 : i32 to index
          %get3A_706 = arith.constant 80 : index
          %get3A_707 = tpu.vector_load %arg5[%get3A_705, %get3A_706] {strides = array<i32>} : memref<800x128xf32, #tpu.memory_space<vmem>>, vector<16xf32>,
          %add3A_708 = arith.constant 8 : i32
          %add3A_709 = arith.addi %add3A_667, %add3A_708 : i32
          %get3A_710 = arith.index_cast %add3A_709 : i32 to index
          %get3A_711 = arith.constant 80 : index
          %get3A_712 = tpu.vector_load %arg5[%get3A_710, %get3A_711] {strides = array<i32>} : memref<800x128xf32, #tpu.memory_space<vmem>>, vector<16xf32>,
          %add3A_713 = arith.constant 9 : i32
          %add3A_714 = arith.addi %add3A_667, %add3A_713 : i32
          %get3A_715 = arith.index_cast %add3A_714 : i32 to index
          %get3A_716 = arith.constant 80 : index
          %get3A_717 = tpu.vector_load %arg5[%get3A_715, %get3A_716] {strides = array<i32>} : memref<800x128xf32, #tpu.memory_space<vmem>>, vector<16xf32>,
          %add3A_718 = arith.constant 10 : i32
          %add3A_719 = arith.addi %add3A_667, %add3A_718 : i32
          %get3A_720 = arith.index_cast %add3A_719 : i32 to index
          %get3A_721 = arith.constant 80 : index
          %get3A_722 = tpu.vector_load %arg5[%get3A_720, %get3A_721] {strides = array<i32>} : memref<800x128xf32, #tpu.memory_space<vmem>>, vector<16xf32>,
          %add3A_723 = arith.constant 11 : i32
          %add3A_724 = arith.addi %add3A_667, %add3A_723 : i32
          %get3A_725 = arith.index_cast %add3A_724 : i32 to index
          %get3A_726 = arith.constant 80 : index
          %get3A_727 = tpu.vector_load %arg5[%get3A_725, %get3A_726] {strides = array<i32>} : memref<800x128xf32, #tpu.memory_space<vmem>>, vector<16xf32>,
          %add3A_728 = arith.constant 12 : i32
          %add3A_729 = arith.addi %add3A_667, %add3A_728 : i32
          %get3A_730 = arith.index_cast %add3A_729 : i32 to index
          %get3A_731 = arith.constant 80 : index
          %get3A_732 = tpu.vector_load %arg5[%get3A_730, %get3A_731] {strides = array<i32>} : memref<800x128xf32, #tpu.memory_space<vmem>>, vector<16xf32>,
          %add3A_733 = arith.constant 13 : i32
          %add3A_734 = arith.addi %add3A_667, %add3A_733 : i32
          %get3A_735 = arith.index_cast %add3A_734 : i32 to index
          %get3A_736 = arith.constant 80 : index
          %get3A_737 = tpu.vector_load %arg5[%get3A_735, %get3A_736] {strides = array<i32>} : memref<800x128xf32, #tpu.memory_space<vmem>>, vector<16xf32>,
          %add3A_738 = arith.constant 14 : i32
          %add3A_739 = arith.addi %add3A_667, %add3A_738 : i32
          %get3A_740 = arith.index_cast %add3A_739 : i32 to index
          %get3A_741 = arith.constant 80 : index
          %get3A_742 = tpu.vector_load %arg5[%get3A_740, %get3A_741] {strides = array<i32>} : memref<800x128xf32, #tpu.memory_space<vmem>>, vector<16xf32>,
          %add3A_743 = arith.constant 15 : i32
          %add3A_744 = arith.addi %add3A_667, %add3A_743 : i32
          %get3A_745 = arith.index_cast %add3A_744 : i32 to index
          %get3A_746 = arith.constant 80 : index
          %get3A_747 = tpu.vector_load %arg5[%get3A_745, %get3A_746] {strides = array<i32>} : memref<800x128xf32, #tpu.memory_space<vmem>>, vector<16xf32>,
          %add3A_748 = arith.addf %get3A_672, %get3A_677 : vector<16xf32>
          %add3A_749 = arith.addf %get3A_682, %get3A_687 : vector<16xf32>
          %add3A_750 = arith.addf %get3A_692, %get3A_697 : vector<16xf32>
          %add3A_751 = arith.addf %get3A_702, %get3A_707 : vector<16xf32>
          %add3A_752 = arith.addf %get3A_712, %get3A_717 : vector<16xf32>
          %add3A_753 = arith.addf %get3A_722, %get3A_727 : vector<16xf32>
          %add3A_754 = arith.addf %get3A_732, %get3A_737 : vector<16xf32>
          %add3A_755 = arith.addf %get3A_742, %get3A_747 : vector<16xf32>
          %add3A_756 = arith.addf %add3A_748, %add3A_749 : vector<16xf32>
          %add3A_757 = arith.addf %add3A_750, %add3A_751 : vector<16xf32>
          %add3A_758 = arith.addf %add3A_752, %add3A_753 : vector<16xf32>
          %add3A_759 = arith.addf %add3A_754, %add3A_755 : vector<16xf32>
          %add3A_760 = arith.addf %add3A_756, %add3A_757 : vector<16xf32>
          %add3A_761 = arith.addf %add3A_758, %add3A_759 : vector<16xf32>
          %add3A_762 = arith.addf %add3A_760, %add3A_761 : vector<16xf32>
          %add3A_763 = arith.addf %scan3A_167, %add3A_762 : vector<16xf32>
          %mul3A_764 = arith.constant 16 : i32
          %mul3A_765 = arith.muli %scan3A_161, %mul3A_764 : i32
          %add3A_766 = arith.addi %mul3A_88, %mul3A_765 : i32
          %add3A_767 = arith.constant 0 : i32
          %add3A_768 = arith.addi %add3A_766, %add3A_767 : i32
          %get3A_769 = arith.index_cast %add3A_768 : i32 to index
          %get3A_770 = arith.constant 96 : index
          %get3A_771 = tpu.vector_load %arg5[%get3A_769, %get3A_770] {strides = array<i32>} : memref<800x128xf32, #tpu.memory_space<vmem>>, vector<16xf32>,
          %add3A_772 = arith.constant 1 : i32
          %add3A_773 = arith.addi %add3A_766, %add3A_772 : i32
          %get3A_774 = arith.index_cast %add3A_773 : i32 to index
          %get3A_775 = arith.constant 96 : index
          %get3A_776 = tpu.vector_load %arg5[%get3A_774, %get3A_775] {strides = array<i32>} : memref<800x128xf32, #tpu.memory_space<vmem>>, vector<16xf32>,
          %add3A_777 = arith.constant 2 : i32
          %add3A_778 = arith.addi %add3A_766, %add3A_777 : i32
          %get3A_779 = arith.index_cast %add3A_778 : i32 to index
          %get3A_780 = arith.constant 96 : index
          %get3A_781 = tpu.vector_load %arg5[%get3A_779, %get3A_780] {strides = array<i32>} : memref<800x128xf32, #tpu.memory_space<vmem>>, vector<16xf32>,
          %add3A_782 = arith.constant 3 : i32
          %add3A_783 = arith.addi %add3A_766, %add3A_782 : i32
          %get3A_784 = arith.index_cast %add3A_783 : i32 to index
          %get3A_785 = arith.constant 96 : index
          %get3A_786 = tpu.vector_load %arg5[%get3A_784, %get3A_785] {strides = array<i32>} : memref<800x128xf32, #tpu.memory_space<vmem>>, vector<16xf32>,
          %add3A_787 = arith.constant 4 : i32
          %add3A_788 = arith.addi %add3A_766, %add3A_787 : i32
          %get3A_789 = arith.index_cast %add3A_788 : i32 to index
          %get3A_790 = arith.constant 96 : index
          %get3A_791 = tpu.vector_load %arg5[%get3A_789, %get3A_790] {strides = array<i32>} : memref<800x128xf32, #tpu.memory_space<vmem>>, vector<16xf32>,
          %add3A_792 = arith.constant 5 : i32
          %add3A_793 = arith.addi %add3A_766, %add3A_792 : i32
          %get3A_794 = arith.index_cast %add3A_793 : i32 to index
          %get3A_795 = arith.constant 96 : index
          %get3A_796 = tpu.vector_load %arg5[%get3A_794, %get3A_795] {strides = array<i32>} : memref<800x128xf32, #tpu.memory_space<vmem>>, vector<16xf32>,
          %add3A_797 = arith.constant 6 : i32
          %add3A_798 = arith.addi %add3A_766, %add3A_797 : i32
          %get3A_799 = arith.index_cast %add3A_798 : i32 to index
          %get3A_800 = arith.constant 96 : index
          %get3A_801 = tpu.vector_load %arg5[%get3A_799, %get3A_800] {strides = array<i32>} : memref<800x128xf32, #tpu.memory_space<vmem>>, vector<16xf32>,
          %add3A_802 = arith.constant 7 : i32
          %add3A_803 = arith.addi %add3A_766, %add3A_802 : i32
          %get3A_804 = arith.index_cast %add3A_803 : i32 to index
          %get3A_805 = arith.constant 96 : index
          %get3A_806 = tpu.vector_load %arg5[%get3A_804, %get3A_805] {strides = array<i32>} : memref<800x128xf32, #tpu.memory_space<vmem>>, vector<16xf32>,
          %add3A_807 = arith.constant 8 : i32
          %add3A_808 = arith.addi %add3A_766, %add3A_807 : i32
          %get3A_809 = arith.index_cast %add3A_808 : i32 to index
          %get3A_810 = arith.constant 96 : index
          %get3A_811 = tpu.vector_load %arg5[%get3A_809, %get3A_810] {strides = array<i32>} : memref<800x128xf32, #tpu.memory_space<vmem>>, vector<16xf32>,
          %add3A_812 = arith.constant 9 : i32
          %add3A_813 = arith.addi %add3A_766, %add3A_812 : i32
          %get3A_814 = arith.index_cast %add3A_813 : i32 to index
          %get3A_815 = arith.constant 96 : index
          %get3A_816 = tpu.vector_load %arg5[%get3A_814, %get3A_815] {strides = array<i32>} : memref<800x128xf32, #tpu.memory_space<vmem>>, vector<16xf32>,
          %add3A_817 = arith.constant 10 : i32
          %add3A_818 = arith.addi %add3A_766, %add3A_817 : i32
          %get3A_819 = arith.index_cast %add3A_818 : i32 to index
          %get3A_820 = arith.constant 96 : index
          %get3A_821 = tpu.vector_load %arg5[%get3A_819, %get3A_820] {strides = array<i32>} : memref<800x128xf32, #tpu.memory_space<vmem>>, vector<16xf32>,
          %add3A_822 = arith.constant 11 : i32
          %add3A_823 = arith.addi %add3A_766, %add3A_822 : i32
          %get3A_824 = arith.index_cast %add3A_823 : i32 to index
          %get3A_825 = arith.constant 96 : index
          %get3A_826 = tpu.vector_load %arg5[%get3A_824, %get3A_825] {strides = array<i32>} : memref<800x128xf32, #tpu.memory_space<vmem>>, vector<16xf32>,
          %add3A_827 = arith.constant 12 : i32
          %add3A_828 = arith.addi %add3A_766, %add3A_827 : i32
          %get3A_829 = arith.index_cast %add3A_828 : i32 to index
          %get3A_830 = arith.constant 96 : index
          %get3A_831 = tpu.vector_load %arg5[%get3A_829, %get3A_830] {strides = array<i32>} : memref<800x128xf32, #tpu.memory_space<vmem>>, vector<16xf32>,
          %add3A_832 = arith.constant 13 : i32
          %add3A_833 = arith.addi %add3A_766, %add3A_832 : i32
          %get3A_834 = arith.index_cast %add3A_833 : i32 to index
          %get3A_835 = arith.constant 96 : index
          %get3A_836 = tpu.vector_load %arg5[%get3A_834, %get3A_835] {strides = array<i32>} : memref<800x128xf32, #tpu.memory_space<vmem>>, vector<16xf32>,
          %add3A_837 = arith.constant 14 : i32
          %add3A_838 = arith.addi %add3A_766, %add3A_837 : i32
          %get3A_839 = arith.index_cast %add3A_838 : i32 to index
          %get3A_840 = arith.constant 96 : index
          %get3A_841 = tpu.vector_load %arg5[%get3A_839, %get3A_840] {strides = array<i32>} : memref<800x128xf32, #tpu.memory_space<vmem>>, vector<16xf32>,
          %add3A_842 = arith.constant 15 : i32
          %add3A_843 = arith.addi %add3A_766, %add3A_842 : i32
          %get3A_844 = arith.index_cast %add3A_843 : i32 to index
          %get3A_845 = arith.constant 96 : index
          %get3A_846 = tpu.vector_load %arg5[%get3A_844, %get3A_845] {strides = array<i32>} : memref<800x128xf32, #tpu.memory_space<vmem>>, vector<16xf32>,
          %add3A_847 = arith.addf %get3A_771, %get3A_776 : vector<16xf32>
          %add3A_848 = arith.addf %get3A_781, %get3A_786 : vector<16xf32>
          %add3A_849 = arith.addf %get3A_791, %get3A_796 : vector<16xf32>
          %add3A_850 = arith.addf %get3A_801, %get3A_806 : vector<16xf32>
          %add3A_851 = arith.addf %get3A_811, %get3A_816 : vector<16xf32>
          %add3A_852 = arith.addf %get3A_821, %get3A_826 : vector<16xf32>
          %add3A_853 = arith.addf %get3A_831, %get3A_836 : vector<16xf32>
          %add3A_854 = arith.addf %get3A_841, %get3A_846 : vector<16xf32>
          %add3A_855 = arith.addf %add3A_847, %add3A_848 : vector<16xf32>
          %add3A_856 = arith.addf %add3A_849, %add3A_850 : vector<16xf32>
          %add3A_857 = arith.addf %add3A_851, %add3A_852 : vector<16xf32>
          %add3A_858 = arith.addf %add3A_853, %add3A_854 : vector<16xf32>
          %add3A_859 = arith.addf %add3A_855, %add3A_856 : vector<16xf32>
          %add3A_860 = arith.addf %add3A_857, %add3A_858 : vector<16xf32>
          %add3A_861 = arith.addf %add3A_859, %add3A_860 : vector<16xf32>
          %add3A_862 = arith.addf %scan3A_168, %add3A_861 : vector<16xf32>
          %mul3A_863 = arith.constant 16 : i32
          %mul3A_864 = arith.muli %scan3A_161, %mul3A_863 : i32
          %add3A_865 = arith.addi %mul3A_88, %mul3A_864 : i32
          %add3A_866 = arith.constant 0 : i32
          %add3A_867 = arith.addi %add3A_865, %add3A_866 : i32
          %get3A_868 = arith.index_cast %add3A_867 : i32 to index
          %get3A_869 = arith.constant 112 : index
          %get3A_870 = tpu.vector_load %arg5[%get3A_868, %get3A_869] {strides = array<i32>} : memref<800x128xf32, #tpu.memory_space<vmem>>, vector<16xf32>,
          %add3A_871 = arith.constant 1 : i32
          %add3A_872 = arith.addi %add3A_865, %add3A_871 : i32
          %get3A_873 = arith.index_cast %add3A_872 : i32 to index
          %get3A_874 = arith.constant 112 : index
          %get3A_875 = tpu.vector_load %arg5[%get3A_873, %get3A_874] {strides = array<i32>} : memref<800x128xf32, #tpu.memory_space<vmem>>, vector<16xf32>,
          %add3A_876 = arith.constant 2 : i32
          %add3A_877 = arith.addi %add3A_865, %add3A_876 : i32
          %get3A_878 = arith.index_cast %add3A_877 : i32 to index
          %get3A_879 = arith.constant 112 : index
          %get3A_880 = tpu.vector_load %arg5[%get3A_878, %get3A_879] {strides = array<i32>} : memref<800x128xf32, #tpu.memory_space<vmem>>, vector<16xf32>,
          %add3A_881 = arith.constant 3 : i32
          %add3A_882 = arith.addi %add3A_865, %add3A_881 : i32
          %get3A_883 = arith.index_cast %add3A_882 : i32 to index
          %get3A_884 = arith.constant 112 : index
          %get3A_885 = tpu.vector_load %arg5[%get3A_883, %get3A_884] {strides = array<i32>} : memref<800x128xf32, #tpu.memory_space<vmem>>, vector<16xf32>,
          %add3A_886 = arith.constant 4 : i32
          %add3A_887 = arith.addi %add3A_865, %add3A_886 : i32
          %get3A_888 = arith.index_cast %add3A_887 : i32 to index
          %get3A_889 = arith.constant 112 : index
          %get3A_890 = tpu.vector_load %arg5[%get3A_888, %get3A_889] {strides = array<i32>} : memref<800x128xf32, #tpu.memory_space<vmem>>, vector<16xf32>,
          %add3A_891 = arith.constant 5 : i32
          %add3A_892 = arith.addi %add3A_865, %add3A_891 : i32
          %get3A_893 = arith.index_cast %add3A_892 : i32 to index
          %get3A_894 = arith.constant 112 : index
          %get3A_895 = tpu.vector_load %arg5[%get3A_893, %get3A_894] {strides = array<i32>} : memref<800x128xf32, #tpu.memory_space<vmem>>, vector<16xf32>,
          %add3A_896 = arith.constant 6 : i32
          %add3A_897 = arith.addi %add3A_865, %add3A_896 : i32
          %get3A_898 = arith.index_cast %add3A_897 : i32 to index
          %get3A_899 = arith.constant 112 : index
          %get3A_900 = tpu.vector_load %arg5[%get3A_898, %get3A_899] {strides = array<i32>} : memref<800x128xf32, #tpu.memory_space<vmem>>, vector<16xf32>,
          %add3A_901 = arith.constant 7 : i32
          %add3A_902 = arith.addi %add3A_865, %add3A_901 : i32
          %get3A_903 = arith.index_cast %add3A_902 : i32 to index
          %get3A_904 = arith.constant 112 : index
          %get3A_905 = tpu.vector_load %arg5[%get3A_903, %get3A_904] {strides = array<i32>} : memref<800x128xf32, #tpu.memory_space<vmem>>, vector<16xf32>,
          %add3A_906 = arith.constant 8 : i32
          %add3A_907 = arith.addi %add3A_865, %add3A_906 : i32
          %get3A_908 = arith.index_cast %add3A_907 : i32 to index
          %get3A_909 = arith.constant 112 : index
          %get3A_910 = tpu.vector_load %arg5[%get3A_908, %get3A_909] {strides = array<i32>} : memref<800x128xf32, #tpu.memory_space<vmem>>, vector<16xf32>,
          %add3A_911 = arith.constant 9 : i32
          %add3A_912 = arith.addi %add3A_865, %add3A_911 : i32
          %get3A_913 = arith.index_cast %add3A_912 : i32 to index
          %get3A_914 = arith.constant 112 : index
          %get3A_915 = tpu.vector_load %arg5[%get3A_913, %get3A_914] {strides = array<i32>} : memref<800x128xf32, #tpu.memory_space<vmem>>, vector<16xf32>,
          %add3A_916 = arith.constant 10 : i32
          %add3A_917 = arith.addi %add3A_865, %add3A_916 : i32
          %get3A_918 = arith.index_cast %add3A_917 : i32 to index
          %get3A_919 = arith.constant 112 : index
          %get3A_920 = tpu.vector_load %arg5[%get3A_918, %get3A_919] {strides = array<i32>} : memref<800x128xf32, #tpu.memory_space<vmem>>, vector<16xf32>,
          %add3A_921 = arith.constant 11 : i32
          %add3A_922 = arith.addi %add3A_865, %add3A_921 : i32
          %get3A_923 = arith.index_cast %add3A_922 : i32 to index
          %get3A_924 = arith.constant 112 : index
          %get3A_925 = tpu.vector_load %arg5[%get3A_923, %get3A_924] {strides = array<i32>} : memref<800x128xf32, #tpu.memory_space<vmem>>, vector<16xf32>,
          %add3A_926 = arith.constant 12 : i32
          %add3A_927 = arith.addi %add3A_865, %add3A_926 : i32
          %get3A_928 = arith.index_cast %add3A_927 : i32 to index
          %get3A_929 = arith.constant 112 : index
          %get3A_930 = tpu.vector_load %arg5[%get3A_928, %get3A_929] {strides = array<i32>} : memref<800x128xf32, #tpu.memory_space<vmem>>, vector<16xf32>,
          %add3A_931 = arith.constant 13 : i32
          %add3A_932 = arith.addi %add3A_865, %add3A_931 : i32
          %get3A_933 = arith.index_cast %add3A_932 : i32 to index
          %get3A_934 = arith.constant 112 : index
          %get3A_935 = tpu.vector_load %arg5[%get3A_933, %get3A_934] {strides = array<i32>} : memref<800x128xf32, #tpu.memory_space<vmem>>, vector<16xf32>,
          %add3A_936 = arith.constant 14 : i32
          %add3A_937 = arith.addi %add3A_865, %add3A_936 : i32
          %get3A_938 = arith.index_cast %add3A_937 : i32 to index
          %get3A_939 = arith.constant 112 : index
          %get3A_940 = tpu.vector_load %arg5[%get3A_938, %get3A_939] {strides = array<i32>} : memref<800x128xf32, #tpu.memory_space<vmem>>, vector<16xf32>,
          %add3A_941 = arith.constant 15 : i32
          %add3A_942 = arith.addi %add3A_865, %add3A_941 : i32
          %get3A_943 = arith.index_cast %add3A_942 : i32 to index
          %get3A_944 = arith.constant 112 : index
          %get3A_945 = tpu.vector_load %arg5[%get3A_943, %get3A_944] {strides = array<i32>} : memref<800x128xf32, #tpu.memory_space<vmem>>, vector<16xf32>,
          %add3A_946 = arith.addf %get3A_870, %get3A_875 : vector<16xf32>
          %add3A_947 = arith.addf %get3A_880, %get3A_885 : vector<16xf32>
          %add3A_948 = arith.addf %get3A_890, %get3A_895 : vector<16xf32>
          %add3A_949 = arith.addf %get3A_900, %get3A_905 : vector<16xf32>
          %add3A_950 = arith.addf %get3A_910, %get3A_915 : vector<16xf32>
          %add3A_951 = arith.addf %get3A_920, %get3A_925 : vector<16xf32>
          %add3A_952 = arith.addf %get3A_930, %get3A_935 : vector<16xf32>
          %add3A_953 = arith.addf %get3A_940, %get3A_945 : vector<16xf32>
          %add3A_954 = arith.addf %add3A_946, %add3A_947 : vector<16xf32>
          %add3A_955 = arith.addf %add3A_948, %add3A_949 : vector<16xf32>
          %add3A_956 = arith.addf %add3A_950, %add3A_951 : vector<16xf32>
          %add3A_957 = arith.addf %add3A_952, %add3A_953 : vector<16xf32>
          %add3A_958 = arith.addf %add3A_954, %add3A_955 : vector<16xf32>
          %add3A_959 = arith.addf %add3A_956, %add3A_957 : vector<16xf32>
          %add3A_960 = arith.addf %add3A_958, %add3A_959 : vector<16xf32>
          %add3A_961 = arith.addf %scan3A_169, %add3A_960 : vector<16xf32>
          scf.yield %add3A_268, %add3A_367, %add3A_466, %add3A_565, %add3A_664, %add3A_763, %add3A_862, %add3A_961 : vector<16xf32>, vector<16xf32>, vector<16xf32>, vector<16xf32>, vector<16xf32>, vector<16xf32>, vector<16xf32>, vector<16xf32>
        }
        %scan3A_136 = arith.constant 25 : i32
        %add3A_137 = arith.constant 0 : i32
        %add3A_138 = vector.broadcast %add3A_137 : i32 to vector<16xi32>
        %add3A_139 = arith.addi %iota3A, %add3A_138 : vector<16xi32>
        tpu.vector_store_idx %arg7[%get3A_89, %add3A_139], %scan3A_135#0 {add = true} : memref<16x128xf32, #tpu.memory_space<vmem>>[vector<16xi32>, vector<16xi32>], vector<16xf32>,
        %add3A_140 = arith.constant 16 : i32
        %add3A_141 = vector.broadcast %add3A_140 : i32 to vector<16xi32>
        %add3A_142 = arith.addi %iota3A, %add3A_141 : vector<16xi32>
        tpu.vector_store_idx %arg7[%get3A_89, %add3A_142], %scan3A_135#1 {add = true} : memref<16x128xf32, #tpu.memory_space<vmem>>[vector<16xi32>, vector<16xi32>], vector<16xf32>,
        %add3A_143 = arith.constant 32 : i32
        %add3A_144 = vector.broadcast %add3A_143 : i32 to vector<16xi32>
        %add3A_145 = arith.addi %iota3A, %add3A_144 : vector<16xi32>
        tpu.vector_store_idx %arg7[%get3A_89, %add3A_145], %scan3A_135#2 {add = true} : memref<16x128xf32, #tpu.memory_space<vmem>>[vector<16xi32>, vector<16xi32>], vector<16xf32>,
        %add3A_146 = arith.constant 48 : i32
        %add3A_147 = vector.broadcast %add3A_146 : i32 to vector<16xi32>
        %add3A_148 = arith.addi %iota3A, %add3A_147 : vector<16xi32>
        tpu.vector_store_idx %arg7[%get3A_89, %add3A_148], %scan3A_135#3 {add = true} : memref<16x128xf32, #tpu.memory_space<vmem>>[vector<16xi32>, vector<16xi32>], vector<16xf32>,
        %add3A_149 = arith.constant 64 : i32
        %add3A_150 = vector.broadcast %add3A_149 : i32 to vector<16xi32>
        %add3A_151 = arith.addi %iota3A, %add3A_150 : vector<16xi32>
        tpu.vector_store_idx %arg7[%get3A_89, %add3A_151], %scan3A_135#4 {add = true} : memref<16x128xf32, #tpu.memory_space<vmem>>[vector<16xi32>, vector<16xi32>], vector<16xf32>,
        %add3A_152 = arith.constant 80 : i32
        %add3A_153 = vector.broadcast %add3A_152 : i32 to vector<16xi32>
        %add3A_154 = arith.addi %iota3A, %add3A_153 : vector<16xi32>
        tpu.vector_store_idx %arg7[%get3A_89, %add3A_154], %scan3A_135#5 {add = true} : memref<16x128xf32, #tpu.memory_space<vmem>>[vector<16xi32>, vector<16xi32>], vector<16xf32>,
        %add3A_155 = arith.constant 96 : i32
        %add3A_156 = vector.broadcast %add3A_155 : i32 to vector<16xi32>
        %add3A_157 = arith.addi %iota3A, %add3A_156 : vector<16xi32>
        tpu.vector_store_idx %arg7[%get3A_89, %add3A_157], %scan3A_135#6 {add = true} : memref<16x128xf32, #tpu.memory_space<vmem>>[vector<16xi32>, vector<16xi32>], vector<16xf32>,
        %add3A_158 = arith.constant 112 : i32
        %add3A_159 = vector.broadcast %add3A_158 : i32 to vector<16xi32>
        %add3A_160 = arith.addi %iota3A, %add3A_159 : vector<16xi32>
        tpu.vector_store_idx %arg7[%get3A_89, %add3A_160], %scan3A_135#7 {add = true} : memref<16x128xf32, #tpu.memory_space<vmem>>[vector<16xi32>, vector<16xi32>], vector<16xf32>,
      } else {
      }
      %not3A = arith.constant true
      %not3A_110 = arith.xori %reduce_and3A_106, %not3A : i1
      %convert_element_type3A_111 = arith.extui %not3A_110 : i1 to i32
      %cond3A_112 = arith.constant 0 : i32
      %cond3A_113 = arith.cmpi ne, %convert_element_type3A_111, %cond3A_112 : i32
      scf.if %cond3A_113 {
        %scan3A_115 = arith.constant 0 : i32
        %scan3A_116 = arith.constant 0 : i32
        %scan3A_117 = arith.constant 25 : i32
        %scan3A_118 = arith.addi %scan3A_116, %scan3A_117 : i32
        %scan3A_119 = arith.constant 1 : i32
        %scan3A_120 = scf.for %scan3A_122 = %scan3A_116 to %scan3A_118 step %scan3A_119 iter_args(%scan3A_123 = %scan3A_115) -> (i32)  : i32 {
          %mul3A_124 = arith.constant 16 : i32
          %mul3A_125 = arith.muli %scan3A_122, %mul3A_124 : i32
          %add3A_126 = arith.addi %mul3A_88, %mul3A_125 : i32
          %get3A_127 = arith.index_cast %add3A_126 : i32 to index
          %get3A_128 = tpu.vector_load %arg6[%get3A_127] {strides = array<i32>} : memref<800xi32, #tpu.memory_space<vmem>>, vector<16xi32>,
          %broadcast_in_dim3A_129 = arith.constant 0 : i32
          %broadcast_in_dim3A_130 = vector.broadcast %broadcast_in_dim3A_129 : i32 to vector<16xi32>
          %lt3A_131 = arith.constant 0 : i32
          %lt3A_132 = vector.broadcast %lt3A_131 : i32 to vector<16xi32>
          %lt3A_133 = arith.cmpi slt, %broadcast_in_dim3A_130, %lt3A_132 : vector<16xi32>
          %add3A_134 = arith.constant 16 : i32
          %add3A_135 = vector.broadcast %add3A_134 : i32 to vector<16xi32>
          %add3A_136 = arith.addi %broadcast_in_dim3A_130, %add3A_135 : vector<16xi32>
          %select_n3A_137 = arith.select %lt3A_133, %add3A_136, %broadcast_in_dim3A_130 : vector<16xi1>, vector<16xi32>
          %broadcast_in_dim3A_138 = vector.shape_cast %select_n3A_137 : vector<16xi32> to vector<16x1xi32>
          %gather3A = vector.shape_cast %broadcast_in_dim3A_138 : vector<16x1xi32> to vector<16xi32>
          %gather3A_139 = tpu.dynamic_gather %get3A_128[%gather3A] in [0] : vector<16xi32>, vector<16xi32> -> vector<16xi32>
          %eq3A_140 = arith.cmpi eq, %get3A_128, %gather3A_139 : vector<16xi32>
          %reduce_and3A_141 = arith.constant 1.000000e+00 : f32
          %reduce_and3A_142 = arith.constant 0.000000e+00 : f32
          %reduce_and3A_143 = vector.broadcast %reduce_and3A_141 : f32 to vector<16xf32>
          %reduce_and3A_144 = vector.broadcast %reduce_and3A_142 : f32 to vector<16xf32>
          %reduce_and3A_145 = arith.select %eq3A_140, %reduce_and3A_143, %reduce_and3A_144 : vector<16xi1>, vector<16xf32>
          %reduce_and3A_146 = arith.constant true
          %reduce_and3A_147 = vector.broadcast %reduce_and3A_146 : i1 to vector<16xi1>
          %reduce_and3A_148 = tpu.scan <min>, %reduce_and3A_145 masked %reduce_and3A_147 : vector<16xf32>, vector<16xi1> -> vector<16xf32>
          %reduce_and3A_149 = vector.extract %reduce_and3A_148[15] : f32 from vector<16xf32>
          %reduce_and3A_150 = arith.constant 0.000000e+00 : f32
          %reduce_and3A_151 = arith.cmpf ogt, %reduce_and3A_149, %reduce_and3A_150 : f32
          %convert_element_type3A_152 = arith.extui %reduce_and3A_151 : i1 to i32
          %cond3A_153 = arith.constant 0 : i32
          %cond3A_154 = arith.cmpi ne, %convert_element_type3A_152, %cond3A_153 : i32
          scf.if %cond3A_154 {
            %add3A_161 = arith.constant 0 : i32
            %add3A_162 = arith.addi %add3A_126, %add3A_161 : i32
            %get3A_163 = arith.index_cast %add3A_162 : i32 to index
            %get3A_164 = arith.constant 0 : index
            %get3A_165 = tpu.vector_load %arg5[%get3A_163, %get3A_164] {strides = array<i32>} : memref<800x128xf32, #tpu.memory_space<vmem>>, vector<16xf32>,
            %add3A_166 = arith.constant 1 : i32
            %add3A_167 = arith.addi %add3A_126, %add3A_166 : i32
            %get3A_168 = arith.index_cast %add3A_167 : i32 to index
            %get3A_169 = arith.constant 0 : index
            %get3A_170 = tpu.vector_load %arg5[%get3A_168, %get3A_169] {strides = array<i32>} : memref<800x128xf32, #tpu.memory_space<vmem>>, vector<16xf32>,
            %add3A_171 = arith.constant 2 : i32
            %add3A_172 = arith.addi %add3A_126, %add3A_171 : i32
            %get3A_173 = arith.index_cast %add3A_172 : i32 to index
            %get3A_174 = arith.constant 0 : index
            %get3A_175 = tpu.vector_load %arg5[%get3A_173, %get3A_174] {strides = array<i32>} : memref<800x128xf32, #tpu.memory_space<vmem>>, vector<16xf32>,
            %add3A_176 = arith.constant 3 : i32
            %add3A_177 = arith.addi %add3A_126, %add3A_176 : i32
            %get3A_178 = arith.index_cast %add3A_177 : i32 to index
            %get3A_179 = arith.constant 0 : index
            %get3A_180 = tpu.vector_load %arg5[%get3A_178, %get3A_179] {strides = array<i32>} : memref<800x128xf32, #tpu.memory_space<vmem>>, vector<16xf32>,
            %add3A_181 = arith.constant 4 : i32
            %add3A_182 = arith.addi %add3A_126, %add3A_181 : i32
            %get3A_183 = arith.index_cast %add3A_182 : i32 to index
            %get3A_184 = arith.constant 0 : index
            %get3A_185 = tpu.vector_load %arg5[%get3A_183, %get3A_184] {strides = array<i32>} : memref<800x128xf32, #tpu.memory_space<vmem>>, vector<16xf32>,
            %add3A_186 = arith.constant 5 : i32
            %add3A_187 = arith.addi %add3A_126, %add3A_186 : i32
            %get3A_188 = arith.index_cast %add3A_187 : i32 to index
            %get3A_189 = arith.constant 0 : index
            %get3A_190 = tpu.vector_load %arg5[%get3A_188, %get3A_189] {strides = array<i32>} : memref<800x128xf32, #tpu.memory_space<vmem>>, vector<16xf32>,
            %add3A_191 = arith.constant 6 : i32
            %add3A_192 = arith.addi %add3A_126, %add3A_191 : i32
            %get3A_193 = arith.index_cast %add3A_192 : i32 to index
            %get3A_194 = arith.constant 0 : index
            %get3A_195 = tpu.vector_load %arg5[%get3A_193, %get3A_194] {strides = array<i32>} : memref<800x128xf32, #tpu.memory_space<vmem>>, vector<16xf32>,
            %add3A_196 = arith.constant 7 : i32
            %add3A_197 = arith.addi %add3A_126, %add3A_196 : i32
            %get3A_198 = arith.index_cast %add3A_197 : i32 to index
            %get3A_199 = arith.constant 0 : index
            %get3A_200 = tpu.vector_load %arg5[%get3A_198, %get3A_199] {strides = array<i32>} : memref<800x128xf32, #tpu.memory_space<vmem>>, vector<16xf32>,
            %add3A_201 = arith.constant 8 : i32
            %add3A_202 = arith.addi %add3A_126, %add3A_201 : i32
            %get3A_203 = arith.index_cast %add3A_202 : i32 to index
            %get3A_204 = arith.constant 0 : index
            %get3A_205 = tpu.vector_load %arg5[%get3A_203, %get3A_204] {strides = array<i32>} : memref<800x128xf32, #tpu.memory_space<vmem>>, vector<16xf32>,
            %add3A_206 = arith.constant 9 : i32
            %add3A_207 = arith.addi %add3A_126, %add3A_206 : i32
            %get3A_208 = arith.index_cast %add3A_207 : i32 to index
            %get3A_209 = arith.constant 0 : index
            %get3A_210 = tpu.vector_load %arg5[%get3A_208, %get3A_209] {strides = array<i32>} : memref<800x128xf32, #tpu.memory_space<vmem>>, vector<16xf32>,
            %add3A_211 = arith.constant 10 : i32
            %add3A_212 = arith.addi %add3A_126, %add3A_211 : i32
            %get3A_213 = arith.index_cast %add3A_212 : i32 to index
            %get3A_214 = arith.constant 0 : index
            %get3A_215 = tpu.vector_load %arg5[%get3A_213, %get3A_214] {strides = array<i32>} : memref<800x128xf32, #tpu.memory_space<vmem>>, vector<16xf32>,
            %add3A_216 = arith.constant 11 : i32
            %add3A_217 = arith.addi %add3A_126, %add3A_216 : i32
            %get3A_218 = arith.index_cast %add3A_217 : i32 to index
            %get3A_219 = arith.constant 0 : index
            %get3A_220 = tpu.vector_load %arg5[%get3A_218, %get3A_219] {strides = array<i32>} : memref<800x128xf32, #tpu.memory_space<vmem>>, vector<16xf32>,
            %add3A_221 = arith.constant 12 : i32
            %add3A_222 = arith.addi %add3A_126, %add3A_221 : i32
            %get3A_223 = arith.index_cast %add3A_222 : i32 to index
            %get3A_224 = arith.constant 0 : index
            %get3A_225 = tpu.vector_load %arg5[%get3A_223, %get3A_224] {strides = array<i32>} : memref<800x128xf32, #tpu.memory_space<vmem>>, vector<16xf32>,
            %add3A_226 = arith.constant 13 : i32
            %add3A_227 = arith.addi %add3A_126, %add3A_226 : i32
            %get3A_228 = arith.index_cast %add3A_227 : i32 to index
            %get3A_229 = arith.constant 0 : index
            %get3A_230 = tpu.vector_load %arg5[%get3A_228, %get3A_229] {strides = array<i32>} : memref<800x128xf32, #tpu.memory_space<vmem>>, vector<16xf32>,
            %add3A_231 = arith.constant 14 : i32
            %add3A_232 = arith.addi %add3A_126, %add3A_231 : i32
            %get3A_233 = arith.index_cast %add3A_232 : i32 to index
            %get3A_234 = arith.constant 0 : index
            %get3A_235 = tpu.vector_load %arg5[%get3A_233, %get3A_234] {strides = array<i32>} : memref<800x128xf32, #tpu.memory_space<vmem>>, vector<16xf32>,
            %add3A_236 = arith.constant 15 : i32
            %add3A_237 = arith.addi %add3A_126, %add3A_236 : i32
            %get3A_238 = arith.index_cast %add3A_237 : i32 to index
            %get3A_239 = arith.constant 0 : index
            %get3A_240 = tpu.vector_load %arg5[%get3A_238, %get3A_239] {strides = array<i32>} : memref<800x128xf32, #tpu.memory_space<vmem>>, vector<16xf32>,
            %add3A_241 = arith.addf %get3A_165, %get3A_170 : vector<16xf32>
            %add3A_242 = arith.addf %get3A_175, %get3A_180 : vector<16xf32>
            %add3A_243 = arith.addf %get3A_185, %get3A_190 : vector<16xf32>
            %add3A_244 = arith.addf %get3A_195, %get3A_200 : vector<16xf32>
            %add3A_245 = arith.addf %get3A_205, %get3A_210 : vector<16xf32>
            %add3A_246 = arith.addf %get3A_215, %get3A_220 : vector<16xf32>
            %add3A_247 = arith.addf %get3A_225, %get3A_230 : vector<16xf32>
            %add3A_248 = arith.addf %get3A_235, %get3A_240 : vector<16xf32>
            %add3A_249 = arith.addf %add3A_241, %add3A_242 : vector<16xf32>
            %add3A_250 = arith.addf %add3A_243, %add3A_244 : vector<16xf32>
            %add3A_251 = arith.addf %add3A_245, %add3A_246 : vector<16xf32>
            %add3A_252 = arith.addf %add3A_247, %add3A_248 : vector<16xf32>
            %add3A_253 = arith.addf %add3A_249, %add3A_250 : vector<16xf32>
            %add3A_254 = arith.addf %add3A_251, %add3A_252 : vector<16xf32>
            %add3A_255 = arith.addf %add3A_253, %add3A_254 : vector<16xf32>
            %add3A_256 = arith.constant 0 : i32
            %add3A_257 = vector.broadcast %add3A_256 : i32 to vector<16xi32>
            %add3A_258 = arith.addi %iota3A, %add3A_257 : vector<16xi32>
            tpu.vector_store_idx %arg7[%get3A_128, %add3A_258], %add3A_255 {add = true} : memref<16x128xf32, #tpu.memory_space<vmem>>[vector<16xi32>, vector<16xi32>], vector<16xf32>,
            %add3A_259 = arith.constant 0 : i32
            %add3A_260 = arith.addi %add3A_126, %add3A_259 : i32
            %get3A_261 = arith.index_cast %add3A_260 : i32 to index
            %get3A_262 = arith.constant 16 : index
            %get3A_263 = tpu.vector_load %arg5[%get3A_261, %get3A_262] {strides = array<i32>} : memref<800x128xf32, #tpu.memory_space<vmem>>, vector<16xf32>,
            %add3A_264 = arith.constant 1 : i32
            %add3A_265 = arith.addi %add3A_126, %add3A_264 : i32
            %get3A_266 = arith.index_cast %add3A_265 : i32 to index
            %get3A_267 = arith.constant 16 : index
            %get3A_268 = tpu.vector_load %arg5[%get3A_266, %get3A_267] {strides = array<i32>} : memref<800x128xf32, #tpu.memory_space<vmem>>, vector<16xf32>,
            %add3A_269 = arith.constant 2 : i32
            %add3A_270 = arith.addi %add3A_126, %add3A_269 : i32
            %get3A_271 = arith.index_cast %add3A_270 : i32 to index
            %get3A_272 = arith.constant 16 : index
            %get3A_273 = tpu.vector_load %arg5[%get3A_271, %get3A_272] {strides = array<i32>} : memref<800x128xf32, #tpu.memory_space<vmem>>, vector<16xf32>,
            %add3A_274 = arith.constant 3 : i32
            %add3A_275 = arith.addi %add3A_126, %add3A_274 : i32
            %get3A_276 = arith.index_cast %add3A_275 : i32 to index
            %get3A_277 = arith.constant 16 : index
            %get3A_278 = tpu.vector_load %arg5[%get3A_276, %get3A_277] {strides = array<i32>} : memref<800x128xf32, #tpu.memory_space<vmem>>, vector<16xf32>,
            %add3A_279 = arith.constant 4 : i32
            %add3A_280 = arith.addi %add3A_126, %add3A_279 : i32
            %get3A_281 = arith.index_cast %add3A_280 : i32 to index
            %get3A_282 = arith.constant 16 : index
            %get3A_283 = tpu.vector_load %arg5[%get3A_281, %get3A_282] {strides = array<i32>} : memref<800x128xf32, #tpu.memory_space<vmem>>, vector<16xf32>,
            %add3A_284 = arith.constant 5 : i32
            %add3A_285 = arith.addi %add3A_126, %add3A_284 : i32
            %get3A_286 = arith.index_cast %add3A_285 : i32 to index
            %get3A_287 = arith.constant 16 : index
            %get3A_288 = tpu.vector_load %arg5[%get3A_286, %get3A_287] {strides = array<i32>} : memref<800x128xf32, #tpu.memory_space<vmem>>, vector<16xf32>,
            %add3A_289 = arith.constant 6 : i32
            %add3A_290 = arith.addi %add3A_126, %add3A_289 : i32
            %get3A_291 = arith.index_cast %add3A_290 : i32 to index
            %get3A_292 = arith.constant 16 : index
            %get3A_293 = tpu.vector_load %arg5[%get3A_291, %get3A_292] {strides = array<i32>} : memref<800x128xf32, #tpu.memory_space<vmem>>, vector<16xf32>,
            %add3A_294 = arith.constant 7 : i32
            %add3A_295 = arith.addi %add3A_126, %add3A_294 : i32
            %get3A_296 = arith.index_cast %add3A_295 : i32 to index
            %get3A_297 = arith.constant 16 : index
            %get3A_298 = tpu.vector_load %arg5[%get3A_296, %get3A_297] {strides = array<i32>} : memref<800x128xf32, #tpu.memory_space<vmem>>, vector<16xf32>,
            %add3A_299 = arith.constant 8 : i32
            %add3A_300 = arith.addi %add3A_126, %add3A_299 : i32
            %get3A_301 = arith.index_cast %add3A_300 : i32 to index
            %get3A_302 = arith.constant 16 : index
            %get3A_303 = tpu.vector_load %arg5[%get3A_301, %get3A_302] {strides = array<i32>} : memref<800x128xf32, #tpu.memory_space<vmem>>, vector<16xf32>,
            %add3A_304 = arith.constant 9 : i32
            %add3A_305 = arith.addi %add3A_126, %add3A_304 : i32
            %get3A_306 = arith.index_cast %add3A_305 : i32 to index
            %get3A_307 = arith.constant 16 : index
            %get3A_308 = tpu.vector_load %arg5[%get3A_306, %get3A_307] {strides = array<i32>} : memref<800x128xf32, #tpu.memory_space<vmem>>, vector<16xf32>,
            %add3A_309 = arith.constant 10 : i32
            %add3A_310 = arith.addi %add3A_126, %add3A_309 : i32
            %get3A_311 = arith.index_cast %add3A_310 : i32 to index
            %get3A_312 = arith.constant 16 : index
            %get3A_313 = tpu.vector_load %arg5[%get3A_311, %get3A_312] {strides = array<i32>} : memref<800x128xf32, #tpu.memory_space<vmem>>, vector<16xf32>,
            %add3A_314 = arith.constant 11 : i32
            %add3A_315 = arith.addi %add3A_126, %add3A_314 : i32
            %get3A_316 = arith.index_cast %add3A_315 : i32 to index
            %get3A_317 = arith.constant 16 : index
            %get3A_318 = tpu.vector_load %arg5[%get3A_316, %get3A_317] {strides = array<i32>} : memref<800x128xf32, #tpu.memory_space<vmem>>, vector<16xf32>,
            %add3A_319 = arith.constant 12 : i32
            %add3A_320 = arith.addi %add3A_126, %add3A_319 : i32
            %get3A_321 = arith.index_cast %add3A_320 : i32 to index
            %get3A_322 = arith.constant 16 : index
            %get3A_323 = tpu.vector_load %arg5[%get3A_321, %get3A_322] {strides = array<i32>} : memref<800x128xf32, #tpu.memory_space<vmem>>, vector<16xf32>,
            %add3A_324 = arith.constant 13 : i32
            %add3A_325 = arith.addi %add3A_126, %add3A_324 : i32
            %get3A_326 = arith.index_cast %add3A_325 : i32 to index
            %get3A_327 = arith.constant 16 : index
            %get3A_328 = tpu.vector_load %arg5[%get3A_326, %get3A_327] {strides = array<i32>} : memref<800x128xf32, #tpu.memory_space<vmem>>, vector<16xf32>,
            %add3A_329 = arith.constant 14 : i32
            %add3A_330 = arith.addi %add3A_126, %add3A_329 : i32
            %get3A_331 = arith.index_cast %add3A_330 : i32 to index
            %get3A_332 = arith.constant 16 : index
            %get3A_333 = tpu.vector_load %arg5[%get3A_331, %get3A_332] {strides = array<i32>} : memref<800x128xf32, #tpu.memory_space<vmem>>, vector<16xf32>,
            %add3A_334 = arith.constant 15 : i32
            %add3A_335 = arith.addi %add3A_126, %add3A_334 : i32
            %get3A_336 = arith.index_cast %add3A_335 : i32 to index
            %get3A_337 = arith.constant 16 : index
            %get3A_338 = tpu.vector_load %arg5[%get3A_336, %get3A_337] {strides = array<i32>} : memref<800x128xf32, #tpu.memory_space<vmem>>, vector<16xf32>,
            %add3A_339 = arith.addf %get3A_263, %get3A_268 : vector<16xf32>
            %add3A_340 = arith.addf %get3A_273, %get3A_278 : vector<16xf32>
            %add3A_341 = arith.addf %get3A_283, %get3A_288 : vector<16xf32>
            %add3A_342 = arith.addf %get3A_293, %get3A_298 : vector<16xf32>
            %add3A_343 = arith.addf %get3A_303, %get3A_308 : vector<16xf32>
            %add3A_344 = arith.addf %get3A_313, %get3A_318 : vector<16xf32>
            %add3A_345 = arith.addf %get3A_323, %get3A_328 : vector<16xf32>
            %add3A_346 = arith.addf %get3A_333, %get3A_338 : vector<16xf32>
            %add3A_347 = arith.addf %add3A_339, %add3A_340 : vector<16xf32>
            %add3A_348 = arith.addf %add3A_341, %add3A_342 : vector<16xf32>
            %add3A_349 = arith.addf %add3A_343, %add3A_344 : vector<16xf32>
            %add3A_350 = arith.addf %add3A_345, %add3A_346 : vector<16xf32>
            %add3A_351 = arith.addf %add3A_347, %add3A_348 : vector<16xf32>
            %add3A_352 = arith.addf %add3A_349, %add3A_350 : vector<16xf32>
            %add3A_353 = arith.addf %add3A_351, %add3A_352 : vector<16xf32>
            %add3A_354 = arith.constant 16 : i32
            %add3A_355 = vector.broadcast %add3A_354 : i32 to vector<16xi32>
            %add3A_356 = arith.addi %iota3A, %add3A_355 : vector<16xi32>
            tpu.vector_store_idx %arg7[%get3A_128, %add3A_356], %add3A_353 {add = true} : memref<16x128xf32, #tpu.memory_space<vmem>>[vector<16xi32>, vector<16xi32>], vector<16xf32>,
            %add3A_357 = arith.constant 0 : i32
            %add3A_358 = arith.addi %add3A_126, %add3A_357 : i32
            %get3A_359 = arith.index_cast %add3A_358 : i32 to index
            %get3A_360 = arith.constant 32 : index
            %get3A_361 = tpu.vector_load %arg5[%get3A_359, %get3A_360] {strides = array<i32>} : memref<800x128xf32, #tpu.memory_space<vmem>>, vector<16xf32>,
            %add3A_362 = arith.constant 1 : i32
            %add3A_363 = arith.addi %add3A_126, %add3A_362 : i32
            %get3A_364 = arith.index_cast %add3A_363 : i32 to index
            %get3A_365 = arith.constant 32 : index
            %get3A_366 = tpu.vector_load %arg5[%get3A_364, %get3A_365] {strides = array<i32>} : memref<800x128xf32, #tpu.memory_space<vmem>>, vector<16xf32>,
            %add3A_367 = arith.constant 2 : i32
            %add3A_368 = arith.addi %add3A_126, %add3A_367 : i32
            %get3A_369 = arith.index_cast %add3A_368 : i32 to index
            %get3A_370 = arith.constant 32 : index
            %get3A_371 = tpu.vector_load %arg5[%get3A_369, %get3A_370] {strides = array<i32>} : memref<800x128xf32, #tpu.memory_space<vmem>>, vector<16xf32>,
            %add3A_372 = arith.constant 3 : i32
            %add3A_373 = arith.addi %add3A_126, %add3A_372 : i32
            %get3A_374 = arith.index_cast %add3A_373 : i32 to index
            %get3A_375 = arith.constant 32 : index
            %get3A_376 = tpu.vector_load %arg5[%get3A_374, %get3A_375] {strides = array<i32>} : memref<800x128xf32, #tpu.memory_space<vmem>>, vector<16xf32>,
            %add3A_377 = arith.constant 4 : i32
            %add3A_378 = arith.addi %add3A_126, %add3A_377 : i32
            %get3A_379 = arith.index_cast %add3A_378 : i32 to index
            %get3A_380 = arith.constant 32 : index
            %get3A_381 = tpu.vector_load %arg5[%get3A_379, %get3A_380] {strides = array<i32>} : memref<800x128xf32, #tpu.memory_space<vmem>>, vector<16xf32>,
            %add3A_382 = arith.constant 5 : i32
            %add3A_383 = arith.addi %add3A_126, %add3A_382 : i32
            %get3A_384 = arith.index_cast %add3A_383 : i32 to index
            %get3A_385 = arith.constant 32 : index
            %get3A_386 = tpu.vector_load %arg5[%get3A_384, %get3A_385] {strides = array<i32>} : memref<800x128xf32, #tpu.memory_space<vmem>>, vector<16xf32>,
            %add3A_387 = arith.constant 6 : i32
            %add3A_388 = arith.addi %add3A_126, %add3A_387 : i32
            %get3A_389 = arith.index_cast %add3A_388 : i32 to index
            %get3A_390 = arith.constant 32 : index
            %get3A_391 = tpu.vector_load %arg5[%get3A_389, %get3A_390] {strides = array<i32>} : memref<800x128xf32, #tpu.memory_space<vmem>>, vector<16xf32>,
            %add3A_392 = arith.constant 7 : i32
            %add3A_393 = arith.addi %add3A_126, %add3A_392 : i32
            %get3A_394 = arith.index_cast %add3A_393 : i32 to index
            %get3A_395 = arith.constant 32 : index
            %get3A_396 = tpu.vector_load %arg5[%get3A_394, %get3A_395] {strides = array<i32>} : memref<800x128xf32, #tpu.memory_space<vmem>>, vector<16xf32>,
            %add3A_397 = arith.constant 8 : i32
            %add3A_398 = arith.addi %add3A_126, %add3A_397 : i32
            %get3A_399 = arith.index_cast %add3A_398 : i32 to index
            %get3A_400 = arith.constant 32 : index
            %get3A_401 = tpu.vector_load %arg5[%get3A_399, %get3A_400] {strides = array<i32>} : memref<800x128xf32, #tpu.memory_space<vmem>>, vector<16xf32>,
            %add3A_402 = arith.constant 9 : i32
            %add3A_403 = arith.addi %add3A_126, %add3A_402 : i32
            %get3A_404 = arith.index_cast %add3A_403 : i32 to index
            %get3A_405 = arith.constant 32 : index
            %get3A_406 = tpu.vector_load %arg5[%get3A_404, %get3A_405] {strides = array<i32>} : memref<800x128xf32, #tpu.memory_space<vmem>>, vector<16xf32>,
            %add3A_407 = arith.constant 10 : i32
            %add3A_408 = arith.addi %add3A_126, %add3A_407 : i32
            %get3A_409 = arith.index_cast %add3A_408 : i32 to index
            %get3A_410 = arith.constant 32 : index
            %get3A_411 = tpu.vector_load %arg5[%get3A_409, %get3A_410] {strides = array<i32>} : memref<800x128xf32, #tpu.memory_space<vmem>>, vector<16xf32>,
            %add3A_412 = arith.constant 11 : i32
            %add3A_413 = arith.addi %add3A_126, %add3A_412 : i32
            %get3A_414 = arith.index_cast %add3A_413 : i32 to index
            %get3A_415 = arith.constant 32 : index
            %get3A_416 = tpu.vector_load %arg5[%get3A_414, %get3A_415] {strides = array<i32>} : memref<800x128xf32, #tpu.memory_space<vmem>>, vector<16xf32>,
            %add3A_417 = arith.constant 12 : i32
            %add3A_418 = arith.addi %add3A_126, %add3A_417 : i32
            %get3A_419 = arith.index_cast %add3A_418 : i32 to index
            %get3A_420 = arith.constant 32 : index
            %get3A_421 = tpu.vector_load %arg5[%get3A_419, %get3A_420] {strides = array<i32>} : memref<800x128xf32, #tpu.memory_space<vmem>>, vector<16xf32>,
            %add3A_422 = arith.constant 13 : i32
            %add3A_423 = arith.addi %add3A_126, %add3A_422 : i32
            %get3A_424 = arith.index_cast %add3A_423 : i32 to index
            %get3A_425 = arith.constant 32 : index
            %get3A_426 = tpu.vector_load %arg5[%get3A_424, %get3A_425] {strides = array<i32>} : memref<800x128xf32, #tpu.memory_space<vmem>>, vector<16xf32>,
            %add3A_427 = arith.constant 14 : i32
            %add3A_428 = arith.addi %add3A_126, %add3A_427 : i32
            %get3A_429 = arith.index_cast %add3A_428 : i32 to index
            %get3A_430 = arith.constant 32 : index
            %get3A_431 = tpu.vector_load %arg5[%get3A_429, %get3A_430] {strides = array<i32>} : memref<800x128xf32, #tpu.memory_space<vmem>>, vector<16xf32>,
            %add3A_432 = arith.constant 15 : i32
            %add3A_433 = arith.addi %add3A_126, %add3A_432 : i32
            %get3A_434 = arith.index_cast %add3A_433 : i32 to index
            %get3A_435 = arith.constant 32 : index
            %get3A_436 = tpu.vector_load %arg5[%get3A_434, %get3A_435] {strides = array<i32>} : memref<800x128xf32, #tpu.memory_space<vmem>>, vector<16xf32>,
            %add3A_437 = arith.addf %get3A_361, %get3A_366 : vector<16xf32>
            %add3A_438 = arith.addf %get3A_371, %get3A_376 : vector<16xf32>
            %add3A_439 = arith.addf %get3A_381, %get3A_386 : vector<16xf32>
            %add3A_440 = arith.addf %get3A_391, %get3A_396 : vector<16xf32>
            %add3A_441 = arith.addf %get3A_401, %get3A_406 : vector<16xf32>
            %add3A_442 = arith.addf %get3A_411, %get3A_416 : vector<16xf32>
            %add3A_443 = arith.addf %get3A_421, %get3A_426 : vector<16xf32>
            %add3A_444 = arith.addf %get3A_431, %get3A_436 : vector<16xf32>
            %add3A_445 = arith.addf %add3A_437, %add3A_438 : vector<16xf32>
            %add3A_446 = arith.addf %add3A_439, %add3A_440 : vector<16xf32>
            %add3A_447 = arith.addf %add3A_441, %add3A_442 : vector<16xf32>
            %add3A_448 = arith.addf %add3A_443, %add3A_444 : vector<16xf32>
            %add3A_449 = arith.addf %add3A_445, %add3A_446 : vector<16xf32>
            %add3A_450 = arith.addf %add3A_447, %add3A_448 : vector<16xf32>
            %add3A_451 = arith.addf %add3A_449, %add3A_450 : vector<16xf32>
            %add3A_452 = arith.constant 32 : i32
            %add3A_453 = vector.broadcast %add3A_452 : i32 to vector<16xi32>
            %add3A_454 = arith.addi %iota3A, %add3A_453 : vector<16xi32>
            tpu.vector_store_idx %arg7[%get3A_128, %add3A_454], %add3A_451 {add = true} : memref<16x128xf32, #tpu.memory_space<vmem>>[vector<16xi32>, vector<16xi32>], vector<16xf32>,
            %add3A_455 = arith.constant 0 : i32
            %add3A_456 = arith.addi %add3A_126, %add3A_455 : i32
            %get3A_457 = arith.index_cast %add3A_456 : i32 to index
            %get3A_458 = arith.constant 48 : index
            %get3A_459 = tpu.vector_load %arg5[%get3A_457, %get3A_458] {strides = array<i32>} : memref<800x128xf32, #tpu.memory_space<vmem>>, vector<16xf32>,
            %add3A_460 = arith.constant 1 : i32
            %add3A_461 = arith.addi %add3A_126, %add3A_460 : i32
            %get3A_462 = arith.index_cast %add3A_461 : i32 to index
            %get3A_463 = arith.constant 48 : index
            %get3A_464 = tpu.vector_load %arg5[%get3A_462, %get3A_463] {strides = array<i32>} : memref<800x128xf32, #tpu.memory_space<vmem>>, vector<16xf32>,
            %add3A_465 = arith.constant 2 : i32
            %add3A_466 = arith.addi %add3A_126, %add3A_465 : i32
            %get3A_467 = arith.index_cast %add3A_466 : i32 to index
            %get3A_468 = arith.constant 48 : index
            %get3A_469 = tpu.vector_load %arg5[%get3A_467, %get3A_468] {strides = array<i32>} : memref<800x128xf32, #tpu.memory_space<vmem>>, vector<16xf32>,
            %add3A_470 = arith.constant 3 : i32
            %add3A_471 = arith.addi %add3A_126, %add3A_470 : i32
            %get3A_472 = arith.index_cast %add3A_471 : i32 to index
            %get3A_473 = arith.constant 48 : index
            %get3A_474 = tpu.vector_load %arg5[%get3A_472, %get3A_473] {strides = array<i32>} : memref<800x128xf32, #tpu.memory_space<vmem>>, vector<16xf32>,
            %add3A_475 = arith.constant 4 : i32
            %add3A_476 = arith.addi %add3A_126, %add3A_475 : i32
            %get3A_477 = arith.index_cast %add3A_476 : i32 to index
            %get3A_478 = arith.constant 48 : index
            %get3A_479 = tpu.vector_load %arg5[%get3A_477, %get3A_478] {strides = array<i32>} : memref<800x128xf32, #tpu.memory_space<vmem>>, vector<16xf32>,
            %add3A_480 = arith.constant 5 : i32
            %add3A_481 = arith.addi %add3A_126, %add3A_480 : i32
            %get3A_482 = arith.index_cast %add3A_481 : i32 to index
            %get3A_483 = arith.constant 48 : index
            %get3A_484 = tpu.vector_load %arg5[%get3A_482, %get3A_483] {strides = array<i32>} : memref<800x128xf32, #tpu.memory_space<vmem>>, vector<16xf32>,
            %add3A_485 = arith.constant 6 : i32
            %add3A_486 = arith.addi %add3A_126, %add3A_485 : i32
            %get3A_487 = arith.index_cast %add3A_486 : i32 to index
            %get3A_488 = arith.constant 48 : index
            %get3A_489 = tpu.vector_load %arg5[%get3A_487, %get3A_488] {strides = array<i32>} : memref<800x128xf32, #tpu.memory_space<vmem>>, vector<16xf32>,
            %add3A_490 = arith.constant 7 : i32
            %add3A_491 = arith.addi %add3A_126, %add3A_490 : i32
            %get3A_492 = arith.index_cast %add3A_491 : i32 to index
            %get3A_493 = arith.constant 48 : index
            %get3A_494 = tpu.vector_load %arg5[%get3A_492, %get3A_493] {strides = array<i32>} : memref<800x128xf32, #tpu.memory_space<vmem>>, vector<16xf32>,
            %add3A_495 = arith.constant 8 : i32
            %add3A_496 = arith.addi %add3A_126, %add3A_495 : i32
            %get3A_497 = arith.index_cast %add3A_496 : i32 to index
            %get3A_498 = arith.constant 48 : index
            %get3A_499 = tpu.vector_load %arg5[%get3A_497, %get3A_498] {strides = array<i32>} : memref<800x128xf32, #tpu.memory_space<vmem>>, vector<16xf32>,
            %add3A_500 = arith.constant 9 : i32
            %add3A_501 = arith.addi %add3A_126, %add3A_500 : i32
            %get3A_502 = arith.index_cast %add3A_501 : i32 to index
            %get3A_503 = arith.constant 48 : index
            %get3A_504 = tpu.vector_load %arg5[%get3A_502, %get3A_503] {strides = array<i32>} : memref<800x128xf32, #tpu.memory_space<vmem>>, vector<16xf32>,
            %add3A_505 = arith.constant 10 : i32
            %add3A_506 = arith.addi %add3A_126, %add3A_505 : i32
            %get3A_507 = arith.index_cast %add3A_506 : i32 to index
            %get3A_508 = arith.constant 48 : index
            %get3A_509 = tpu.vector_load %arg5[%get3A_507, %get3A_508] {strides = array<i32>} : memref<800x128xf32, #tpu.memory_space<vmem>>, vector<16xf32>,
            %add3A_510 = arith.constant 11 : i32
            %add3A_511 = arith.addi %add3A_126, %add3A_510 : i32
            %get3A_512 = arith.index_cast %add3A_511 : i32 to index
            %get3A_513 = arith.constant 48 : index
            %get3A_514 = tpu.vector_load %arg5[%get3A_512, %get3A_513] {strides = array<i32>} : memref<800x128xf32, #tpu.memory_space<vmem>>, vector<16xf32>,
            %add3A_515 = arith.constant 12 : i32
            %add3A_516 = arith.addi %add3A_126, %add3A_515 : i32
            %get3A_517 = arith.index_cast %add3A_516 : i32 to index
            %get3A_518 = arith.constant 48 : index
            %get3A_519 = tpu.vector_load %arg5[%get3A_517, %get3A_518] {strides = array<i32>} : memref<800x128xf32, #tpu.memory_space<vmem>>, vector<16xf32>,
            %add3A_520 = arith.constant 13 : i32
            %add3A_521 = arith.addi %add3A_126, %add3A_520 : i32
            %get3A_522 = arith.index_cast %add3A_521 : i32 to index
            %get3A_523 = arith.constant 48 : index
            %get3A_524 = tpu.vector_load %arg5[%get3A_522, %get3A_523] {strides = array<i32>} : memref<800x128xf32, #tpu.memory_space<vmem>>, vector<16xf32>,
            %add3A_525 = arith.constant 14 : i32
            %add3A_526 = arith.addi %add3A_126, %add3A_525 : i32
            %get3A_527 = arith.index_cast %add3A_526 : i32 to index
            %get3A_528 = arith.constant 48 : index
            %get3A_529 = tpu.vector_load %arg5[%get3A_527, %get3A_528] {strides = array<i32>} : memref<800x128xf32, #tpu.memory_space<vmem>>, vector<16xf32>,
            %add3A_530 = arith.constant 15 : i32
            %add3A_531 = arith.addi %add3A_126, %add3A_530 : i32
            %get3A_532 = arith.index_cast %add3A_531 : i32 to index
            %get3A_533 = arith.constant 48 : index
            %get3A_534 = tpu.vector_load %arg5[%get3A_532, %get3A_533] {strides = array<i32>} : memref<800x128xf32, #tpu.memory_space<vmem>>, vector<16xf32>,
            %add3A_535 = arith.addf %get3A_459, %get3A_464 : vector<16xf32>
            %add3A_536 = arith.addf %get3A_469, %get3A_474 : vector<16xf32>
            %add3A_537 = arith.addf %get3A_479, %get3A_484 : vector<16xf32>
            %add3A_538 = arith.addf %get3A_489, %get3A_494 : vector<16xf32>
            %add3A_539 = arith.addf %get3A_499, %get3A_504 : vector<16xf32>
            %add3A_540 = arith.addf %get3A_509, %get3A_514 : vector<16xf32>
            %add3A_541 = arith.addf %get3A_519, %get3A_524 : vector<16xf32>
            %add3A_542 = arith.addf %get3A_529, %get3A_534 : vector<16xf32>
            %add3A_543 = arith.addf %add3A_535, %add3A_536 : vector<16xf32>
            %add3A_544 = arith.addf %add3A_537, %add3A_538 : vector<16xf32>
            %add3A_545 = arith.addf %add3A_539, %add3A_540 : vector<16xf32>
            %add3A_546 = arith.addf %add3A_541, %add3A_542 : vector<16xf32>
            %add3A_547 = arith.addf %add3A_543, %add3A_544 : vector<16xf32>
            %add3A_548 = arith.addf %add3A_545, %add3A_546 : vector<16xf32>
            %add3A_549 = arith.addf %add3A_547, %add3A_548 : vector<16xf32>
            %add3A_550 = arith.constant 48 : i32
            %add3A_551 = vector.broadcast %add3A_550 : i32 to vector<16xi32>
            %add3A_552 = arith.addi %iota3A, %add3A_551 : vector<16xi32>
            tpu.vector_store_idx %arg7[%get3A_128, %add3A_552], %add3A_549 {add = true} : memref<16x128xf32, #tpu.memory_space<vmem>>[vector<16xi32>, vector<16xi32>], vector<16xf32>,
            %add3A_553 = arith.constant 0 : i32
            %add3A_554 = arith.addi %add3A_126, %add3A_553 : i32
            %get3A_555 = arith.index_cast %add3A_554 : i32 to index
            %get3A_556 = arith.constant 64 : index
            %get3A_557 = tpu.vector_load %arg5[%get3A_555, %get3A_556] {strides = array<i32>} : memref<800x128xf32, #tpu.memory_space<vmem>>, vector<16xf32>,
            %add3A_558 = arith.constant 1 : i32
            %add3A_559 = arith.addi %add3A_126, %add3A_558 : i32
            %get3A_560 = arith.index_cast %add3A_559 : i32 to index
            %get3A_561 = arith.constant 64 : index
            %get3A_562 = tpu.vector_load %arg5[%get3A_560, %get3A_561] {strides = array<i32>} : memref<800x128xf32, #tpu.memory_space<vmem>>, vector<16xf32>,
            %add3A_563 = arith.constant 2 : i32
            %add3A_564 = arith.addi %add3A_126, %add3A_563 : i32
            %get3A_565 = arith.index_cast %add3A_564 : i32 to index
            %get3A_566 = arith.constant 64 : index
            %get3A_567 = tpu.vector_load %arg5[%get3A_565, %get3A_566] {strides = array<i32>} : memref<800x128xf32, #tpu.memory_space<vmem>>, vector<16xf32>,
            %add3A_568 = arith.constant 3 : i32
            %add3A_569 = arith.addi %add3A_126, %add3A_568 : i32
            %get3A_570 = arith.index_cast %add3A_569 : i32 to index
            %get3A_571 = arith.constant 64 : index
            %get3A_572 = tpu.vector_load %arg5[%get3A_570, %get3A_571] {strides = array<i32>} : memref<800x128xf32, #tpu.memory_space<vmem>>, vector<16xf32>,
            %add3A_573 = arith.constant 4 : i32
            %add3A_574 = arith.addi %add3A_126, %add3A_573 : i32
            %get3A_575 = arith.index_cast %add3A_574 : i32 to index
            %get3A_576 = arith.constant 64 : index
            %get3A_577 = tpu.vector_load %arg5[%get3A_575, %get3A_576] {strides = array<i32>} : memref<800x128xf32, #tpu.memory_space<vmem>>, vector<16xf32>,
            %add3A_578 = arith.constant 5 : i32
            %add3A_579 = arith.addi %add3A_126, %add3A_578 : i32
            %get3A_580 = arith.index_cast %add3A_579 : i32 to index
            %get3A_581 = arith.constant 64 : index
            %get3A_582 = tpu.vector_load %arg5[%get3A_580, %get3A_581] {strides = array<i32>} : memref<800x128xf32, #tpu.memory_space<vmem>>, vector<16xf32>,
            %add3A_583 = arith.constant 6 : i32
            %add3A_584 = arith.addi %add3A_126, %add3A_583 : i32
            %get3A_585 = arith.index_cast %add3A_584 : i32 to index
            %get3A_586 = arith.constant 64 : index
            %get3A_587 = tpu.vector_load %arg5[%get3A_585, %get3A_586] {strides = array<i32>} : memref<800x128xf32, #tpu.memory_space<vmem>>, vector<16xf32>,
            %add3A_588 = arith.constant 7 : i32
            %add3A_589 = arith.addi %add3A_126, %add3A_588 : i32
            %get3A_590 = arith.index_cast %add3A_589 : i32 to index
            %get3A_591 = arith.constant 64 : index
            %get3A_592 = tpu.vector_load %arg5[%get3A_590, %get3A_591] {strides = array<i32>} : memref<800x128xf32, #tpu.memory_space<vmem>>, vector<16xf32>,
            %add3A_593 = arith.constant 8 : i32
            %add3A_594 = arith.addi %add3A_126, %add3A_593 : i32
            %get3A_595 = arith.index_cast %add3A_594 : i32 to index
            %get3A_596 = arith.constant 64 : index
            %get3A_597 = tpu.vector_load %arg5[%get3A_595, %get3A_596] {strides = array<i32>} : memref<800x128xf32, #tpu.memory_space<vmem>>, vector<16xf32>,
            %add3A_598 = arith.constant 9 : i32
            %add3A_599 = arith.addi %add3A_126, %add3A_598 : i32
            %get3A_600 = arith.index_cast %add3A_599 : i32 to index
            %get3A_601 = arith.constant 64 : index
            %get3A_602 = tpu.vector_load %arg5[%get3A_600, %get3A_601] {strides = array<i32>} : memref<800x128xf32, #tpu.memory_space<vmem>>, vector<16xf32>,
            %add3A_603 = arith.constant 10 : i32
            %add3A_604 = arith.addi %add3A_126, %add3A_603 : i32
            %get3A_605 = arith.index_cast %add3A_604 : i32 to index
            %get3A_606 = arith.constant 64 : index
            %get3A_607 = tpu.vector_load %arg5[%get3A_605, %get3A_606] {strides = array<i32>} : memref<800x128xf32, #tpu.memory_space<vmem>>, vector<16xf32>,
            %add3A_608 = arith.constant 11 : i32
            %add3A_609 = arith.addi %add3A_126, %add3A_608 : i32
            %get3A_610 = arith.index_cast %add3A_609 : i32 to index
            %get3A_611 = arith.constant 64 : index
            %get3A_612 = tpu.vector_load %arg5[%get3A_610, %get3A_611] {strides = array<i32>} : memref<800x128xf32, #tpu.memory_space<vmem>>, vector<16xf32>,
            %add3A_613 = arith.constant 12 : i32
            %add3A_614 = arith.addi %add3A_126, %add3A_613 : i32
            %get3A_615 = arith.index_cast %add3A_614 : i32 to index
            %get3A_616 = arith.constant 64 : index
            %get3A_617 = tpu.vector_load %arg5[%get3A_615, %get3A_616] {strides = array<i32>} : memref<800x128xf32, #tpu.memory_space<vmem>>, vector<16xf32>,
            %add3A_618 = arith.constant 13 : i32
            %add3A_619 = arith.addi %add3A_126, %add3A_618 : i32
            %get3A_620 = arith.index_cast %add3A_619 : i32 to index
            %get3A_621 = arith.constant 64 : index
            %get3A_622 = tpu.vector_load %arg5[%get3A_620, %get3A_621] {strides = array<i32>} : memref<800x128xf32, #tpu.memory_space<vmem>>, vector<16xf32>,
            %add3A_623 = arith.constant 14 : i32
            %add3A_624 = arith.addi %add3A_126, %add3A_623 : i32
            %get3A_625 = arith.index_cast %add3A_624 : i32 to index
            %get3A_626 = arith.constant 64 : index
            %get3A_627 = tpu.vector_load %arg5[%get3A_625, %get3A_626] {strides = array<i32>} : memref<800x128xf32, #tpu.memory_space<vmem>>, vector<16xf32>,
            %add3A_628 = arith.constant 15 : i32
            %add3A_629 = arith.addi %add3A_126, %add3A_628 : i32
            %get3A_630 = arith.index_cast %add3A_629 : i32 to index
            %get3A_631 = arith.constant 64 : index
            %get3A_632 = tpu.vector_load %arg5[%get3A_630, %get3A_631] {strides = array<i32>} : memref<800x128xf32, #tpu.memory_space<vmem>>, vector<16xf32>,
            %add3A_633 = arith.addf %get3A_557, %get3A_562 : vector<16xf32>
            %add3A_634 = arith.addf %get3A_567, %get3A_572 : vector<16xf32>
            %add3A_635 = arith.addf %get3A_577, %get3A_582 : vector<16xf32>
            %add3A_636 = arith.addf %get3A_587, %get3A_592 : vector<16xf32>
            %add3A_637 = arith.addf %get3A_597, %get3A_602 : vector<16xf32>
            %add3A_638 = arith.addf %get3A_607, %get3A_612 : vector<16xf32>
            %add3A_639 = arith.addf %get3A_617, %get3A_622 : vector<16xf32>
            %add3A_640 = arith.addf %get3A_627, %get3A_632 : vector<16xf32>
            %add3A_641 = arith.addf %add3A_633, %add3A_634 : vector<16xf32>
            %add3A_642 = arith.addf %add3A_635, %add3A_636 : vector<16xf32>
            %add3A_643 = arith.addf %add3A_637, %add3A_638 : vector<16xf32>
            %add3A_644 = arith.addf %add3A_639, %add3A_640 : vector<16xf32>
            %add3A_645 = arith.addf %add3A_641, %add3A_642 : vector<16xf32>
            %add3A_646 = arith.addf %add3A_643, %add3A_644 : vector<16xf32>
            %add3A_647 = arith.addf %add3A_645, %add3A_646 : vector<16xf32>
            %add3A_648 = arith.constant 64 : i32
            %add3A_649 = vector.broadcast %add3A_648 : i32 to vector<16xi32>
            %add3A_650 = arith.addi %iota3A, %add3A_649 : vector<16xi32>
            tpu.vector_store_idx %arg7[%get3A_128, %add3A_650], %add3A_647 {add = true} : memref<16x128xf32, #tpu.memory_space<vmem>>[vector<16xi32>, vector<16xi32>], vector<16xf32>,
            %add3A_651 = arith.constant 0 : i32
            %add3A_652 = arith.addi %add3A_126, %add3A_651 : i32
            %get3A_653 = arith.index_cast %add3A_652 : i32 to index
            %get3A_654 = arith.constant 80 : index
            %get3A_655 = tpu.vector_load %arg5[%get3A_653, %get3A_654] {strides = array<i32>} : memref<800x128xf32, #tpu.memory_space<vmem>>, vector<16xf32>,
            %add3A_656 = arith.constant 1 : i32
            %add3A_657 = arith.addi %add3A_126, %add3A_656 : i32
            %get3A_658 = arith.index_cast %add3A_657 : i32 to index
            %get3A_659 = arith.constant 80 : index
            %get3A_660 = tpu.vector_load %arg5[%get3A_658, %get3A_659] {strides = array<i32>} : memref<800x128xf32, #tpu.memory_space<vmem>>, vector<16xf32>,
            %add3A_661 = arith.constant 2 : i32
            %add3A_662 = arith.addi %add3A_126, %add3A_661 : i32
            %get3A_663 = arith.index_cast %add3A_662 : i32 to index
            %get3A_664 = arith.constant 80 : index
            %get3A_665 = tpu.vector_load %arg5[%get3A_663, %get3A_664] {strides = array<i32>} : memref<800x128xf32, #tpu.memory_space<vmem>>, vector<16xf32>,
            %add3A_666 = arith.constant 3 : i32
            %add3A_667 = arith.addi %add3A_126, %add3A_666 : i32
            %get3A_668 = arith.index_cast %add3A_667 : i32 to index
            %get3A_669 = arith.constant 80 : index
            %get3A_670 = tpu.vector_load %arg5[%get3A_668, %get3A_669] {strides = array<i32>} : memref<800x128xf32, #tpu.memory_space<vmem>>, vector<16xf32>,
            %add3A_671 = arith.constant 4 : i32
            %add3A_672 = arith.addi %add3A_126, %add3A_671 : i32
            %get3A_673 = arith.index_cast %add3A_672 : i32 to index
            %get3A_674 = arith.constant 80 : index
            %get3A_675 = tpu.vector_load %arg5[%get3A_673, %get3A_674] {strides = array<i32>} : memref<800x128xf32, #tpu.memory_space<vmem>>, vector<16xf32>,
            %add3A_676 = arith.constant 5 : i32
            %add3A_677 = arith.addi %add3A_126, %add3A_676 : i32
            %get3A_678 = arith.index_cast %add3A_677 : i32 to index
            %get3A_679 = arith.constant 80 : index
            %get3A_680 = tpu.vector_load %arg5[%get3A_678, %get3A_679] {strides = array<i32>} : memref<800x128xf32, #tpu.memory_space<vmem>>, vector<16xf32>,
            %add3A_681 = arith.constant 6 : i32
            %add3A_682 = arith.addi %add3A_126, %add3A_681 : i32
            %get3A_683 = arith.index_cast %add3A_682 : i32 to index
            %get3A_684 = arith.constant 80 : index
            %get3A_685 = tpu.vector_load %arg5[%get3A_683, %get3A_684] {strides = array<i32>} : memref<800x128xf32, #tpu.memory_space<vmem>>, vector<16xf32>,
            %add3A_686 = arith.constant 7 : i32
            %add3A_687 = arith.addi %add3A_126, %add3A_686 : i32
            %get3A_688 = arith.index_cast %add3A_687 : i32 to index
            %get3A_689 = arith.constant 80 : index
            %get3A_690 = tpu.vector_load %arg5[%get3A_688, %get3A_689] {strides = array<i32>} : memref<800x128xf32, #tpu.memory_space<vmem>>, vector<16xf32>,
            %add3A_691 = arith.constant 8 : i32
            %add3A_692 = arith.addi %add3A_126, %add3A_691 : i32
            %get3A_693 = arith.index_cast %add3A_692 : i32 to index
            %get3A_694 = arith.constant 80 : index
            %get3A_695 = tpu.vector_load %arg5[%get3A_693, %get3A_694] {strides = array<i32>} : memref<800x128xf32, #tpu.memory_space<vmem>>, vector<16xf32>,
            %add3A_696 = arith.constant 9 : i32
            %add3A_697 = arith.addi %add3A_126, %add3A_696 : i32
            %get3A_698 = arith.index_cast %add3A_697 : i32 to index
            %get3A_699 = arith.constant 80 : index
            %get3A_700 = tpu.vector_load %arg5[%get3A_698, %get3A_699] {strides = array<i32>} : memref<800x128xf32, #tpu.memory_space<vmem>>, vector<16xf32>,
            %add3A_701 = arith.constant 10 : i32
            %add3A_702 = arith.addi %add3A_126, %add3A_701 : i32
            %get3A_703 = arith.index_cast %add3A_702 : i32 to index
            %get3A_704 = arith.constant 80 : index
            %get3A_705 = tpu.vector_load %arg5[%get3A_703, %get3A_704] {strides = array<i32>} : memref<800x128xf32, #tpu.memory_space<vmem>>, vector<16xf32>,
            %add3A_706 = arith.constant 11 : i32
            %add3A_707 = arith.addi %add3A_126, %add3A_706 : i32
            %get3A_708 = arith.index_cast %add3A_707 : i32 to index
            %get3A_709 = arith.constant 80 : index
            %get3A_710 = tpu.vector_load %arg5[%get3A_708, %get3A_709] {strides = array<i32>} : memref<800x128xf32, #tpu.memory_space<vmem>>, vector<16xf32>,
            %add3A_711 = arith.constant 12 : i32
            %add3A_712 = arith.addi %add3A_126, %add3A_711 : i32
            %get3A_713 = arith.index_cast %add3A_712 : i32 to index
            %get3A_714 = arith.constant 80 : index
            %get3A_715 = tpu.vector_load %arg5[%get3A_713, %get3A_714] {strides = array<i32>} : memref<800x128xf32, #tpu.memory_space<vmem>>, vector<16xf32>,
            %add3A_716 = arith.constant 13 : i32
            %add3A_717 = arith.addi %add3A_126, %add3A_716 : i32
            %get3A_718 = arith.index_cast %add3A_717 : i32 to index
            %get3A_719 = arith.constant 80 : index
            %get3A_720 = tpu.vector_load %arg5[%get3A_718, %get3A_719] {strides = array<i32>} : memref<800x128xf32, #tpu.memory_space<vmem>>, vector<16xf32>,
            %add3A_721 = arith.constant 14 : i32
            %add3A_722 = arith.addi %add3A_126, %add3A_721 : i32
            %get3A_723 = arith.index_cast %add3A_722 : i32 to index
            %get3A_724 = arith.constant 80 : index
            %get3A_725 = tpu.vector_load %arg5[%get3A_723, %get3A_724] {strides = array<i32>} : memref<800x128xf32, #tpu.memory_space<vmem>>, vector<16xf32>,
            %add3A_726 = arith.constant 15 : i32
            %add3A_727 = arith.addi %add3A_126, %add3A_726 : i32
            %get3A_728 = arith.index_cast %add3A_727 : i32 to index
            %get3A_729 = arith.constant 80 : index
            %get3A_730 = tpu.vector_load %arg5[%get3A_728, %get3A_729] {strides = array<i32>} : memref<800x128xf32, #tpu.memory_space<vmem>>, vector<16xf32>,
            %add3A_731 = arith.addf %get3A_655, %get3A_660 : vector<16xf32>
            %add3A_732 = arith.addf %get3A_665, %get3A_670 : vector<16xf32>
            %add3A_733 = arith.addf %get3A_675, %get3A_680 : vector<16xf32>
            %add3A_734 = arith.addf %get3A_685, %get3A_690 : vector<16xf32>
            %add3A_735 = arith.addf %get3A_695, %get3A_700 : vector<16xf32>
            %add3A_736 = arith.addf %get3A_705, %get3A_710 : vector<16xf32>
            %add3A_737 = arith.addf %get3A_715, %get3A_720 : vector<16xf32>
            %add3A_738 = arith.addf %get3A_725, %get3A_730 : vector<16xf32>
            %add3A_739 = arith.addf %add3A_731, %add3A_732 : vector<16xf32>
            %add3A_740 = arith.addf %add3A_733, %add3A_734 : vector<16xf32>
            %add3A_741 = arith.addf %add3A_735, %add3A_736 : vector<16xf32>
            %add3A_742 = arith.addf %add3A_737, %add3A_738 : vector<16xf32>
            %add3A_743 = arith.addf %add3A_739, %add3A_740 : vector<16xf32>
            %add3A_744 = arith.addf %add3A_741, %add3A_742 : vector<16xf32>
            %add3A_745 = arith.addf %add3A_743, %add3A_744 : vector<16xf32>
            %add3A_746 = arith.constant 80 : i32
            %add3A_747 = vector.broadcast %add3A_746 : i32 to vector<16xi32>
            %add3A_748 = arith.addi %iota3A, %add3A_747 : vector<16xi32>
            tpu.vector_store_idx %arg7[%get3A_128, %add3A_748], %add3A_745 {add = true} : memref<16x128xf32, #tpu.memory_space<vmem>>[vector<16xi32>, vector<16xi32>], vector<16xf32>,
            %add3A_749 = arith.constant 0 : i32
            %add3A_750 = arith.addi %add3A_126, %add3A_749 : i32
            %get3A_751 = arith.index_cast %add3A_750 : i32 to index
            %get3A_752 = arith.constant 96 : index
            %get3A_753 = tpu.vector_load %arg5[%get3A_751, %get3A_752] {strides = array<i32>} : memref<800x128xf32, #tpu.memory_space<vmem>>, vector<16xf32>,
            %add3A_754 = arith.constant 1 : i32
            %add3A_755 = arith.addi %add3A_126, %add3A_754 : i32
            %get3A_756 = arith.index_cast %add3A_755 : i32 to index
            %get3A_757 = arith.constant 96 : index
            %get3A_758 = tpu.vector_load %arg5[%get3A_756, %get3A_757] {strides = array<i32>} : memref<800x128xf32, #tpu.memory_space<vmem>>, vector<16xf32>,
            %add3A_759 = arith.constant 2 : i32
            %add3A_760 = arith.addi %add3A_126, %add3A_759 : i32
            %get3A_761 = arith.index_cast %add3A_760 : i32 to index
            %get3A_762 = arith.constant 96 : index
            %get3A_763 = tpu.vector_load %arg5[%get3A_761, %get3A_762] {strides = array<i32>} : memref<800x128xf32, #tpu.memory_space<vmem>>, vector<16xf32>,
            %add3A_764 = arith.constant 3 : i32
            %add3A_765 = arith.addi %add3A_126, %add3A_764 : i32
            %get3A_766 = arith.index_cast %add3A_765 : i32 to index
            %get3A_767 = arith.constant 96 : index
            %get3A_768 = tpu.vector_load %arg5[%get3A_766, %get3A_767] {strides = array<i32>} : memref<800x128xf32, #tpu.memory_space<vmem>>, vector<16xf32>,
            %add3A_769 = arith.constant 4 : i32
            %add3A_770 = arith.addi %add3A_126, %add3A_769 : i32
            %get3A_771 = arith.index_cast %add3A_770 : i32 to index
            %get3A_772 = arith.constant 96 : index
            %get3A_773 = tpu.vector_load %arg5[%get3A_771, %get3A_772] {strides = array<i32>} : memref<800x128xf32, #tpu.memory_space<vmem>>, vector<16xf32>,
            %add3A_774 = arith.constant 5 : i32
            %add3A_775 = arith.addi %add3A_126, %add3A_774 : i32
            %get3A_776 = arith.index_cast %add3A_775 : i32 to index
            %get3A_777 = arith.constant 96 : index
            %get3A_778 = tpu.vector_load %arg5[%get3A_776, %get3A_777] {strides = array<i32>} : memref<800x128xf32, #tpu.memory_space<vmem>>, vector<16xf32>,
            %add3A_779 = arith.constant 6 : i32
            %add3A_780 = arith.addi %add3A_126, %add3A_779 : i32
            %get3A_781 = arith.index_cast %add3A_780 : i32 to index
            %get3A_782 = arith.constant 96 : index
            %get3A_783 = tpu.vector_load %arg5[%get3A_781, %get3A_782] {strides = array<i32>} : memref<800x128xf32, #tpu.memory_space<vmem>>, vector<16xf32>,
            %add3A_784 = arith.constant 7 : i32
            %add3A_785 = arith.addi %add3A_126, %add3A_784 : i32
            %get3A_786 = arith.index_cast %add3A_785 : i32 to index
            %get3A_787 = arith.constant 96 : index
            %get3A_788 = tpu.vector_load %arg5[%get3A_786, %get3A_787] {strides = array<i32>} : memref<800x128xf32, #tpu.memory_space<vmem>>, vector<16xf32>,
            %add3A_789 = arith.constant 8 : i32
            %add3A_790 = arith.addi %add3A_126, %add3A_789 : i32
            %get3A_791 = arith.index_cast %add3A_790 : i32 to index
            %get3A_792 = arith.constant 96 : index
            %get3A_793 = tpu.vector_load %arg5[%get3A_791, %get3A_792] {strides = array<i32>} : memref<800x128xf32, #tpu.memory_space<vmem>>, vector<16xf32>,
            %add3A_794 = arith.constant 9 : i32
            %add3A_795 = arith.addi %add3A_126, %add3A_794 : i32
            %get3A_796 = arith.index_cast %add3A_795 : i32 to index
            %get3A_797 = arith.constant 96 : index
            %get3A_798 = tpu.vector_load %arg5[%get3A_796, %get3A_797] {strides = array<i32>} : memref<800x128xf32, #tpu.memory_space<vmem>>, vector<16xf32>,
            %add3A_799 = arith.constant 10 : i32
            %add3A_800 = arith.addi %add3A_126, %add3A_799 : i32
            %get3A_801 = arith.index_cast %add3A_800 : i32 to index
            %get3A_802 = arith.constant 96 : index
            %get3A_803 = tpu.vector_load %arg5[%get3A_801, %get3A_802] {strides = array<i32>} : memref<800x128xf32, #tpu.memory_space<vmem>>, vector<16xf32>,
            %add3A_804 = arith.constant 11 : i32
            %add3A_805 = arith.addi %add3A_126, %add3A_804 : i32
            %get3A_806 = arith.index_cast %add3A_805 : i32 to index
            %get3A_807 = arith.constant 96 : index
            %get3A_808 = tpu.vector_load %arg5[%get3A_806, %get3A_807] {strides = array<i32>} : memref<800x128xf32, #tpu.memory_space<vmem>>, vector<16xf32>,
            %add3A_809 = arith.constant 12 : i32
            %add3A_810 = arith.addi %add3A_126, %add3A_809 : i32
            %get3A_811 = arith.index_cast %add3A_810 : i32 to index
            %get3A_812 = arith.constant 96 : index
            %get3A_813 = tpu.vector_load %arg5[%get3A_811, %get3A_812] {strides = array<i32>} : memref<800x128xf32, #tpu.memory_space<vmem>>, vector<16xf32>,
            %add3A_814 = arith.constant 13 : i32
            %add3A_815 = arith.addi %add3A_126, %add3A_814 : i32
            %get3A_816 = arith.index_cast %add3A_815 : i32 to index
            %get3A_817 = arith.constant 96 : index
            %get3A_818 = tpu.vector_load %arg5[%get3A_816, %get3A_817] {strides = array<i32>} : memref<800x128xf32, #tpu.memory_space<vmem>>, vector<16xf32>,
            %add3A_819 = arith.constant 14 : i32
            %add3A_820 = arith.addi %add3A_126, %add3A_819 : i32
            %get3A_821 = arith.index_cast %add3A_820 : i32 to index
            %get3A_822 = arith.constant 96 : index
            %get3A_823 = tpu.vector_load %arg5[%get3A_821, %get3A_822] {strides = array<i32>} : memref<800x128xf32, #tpu.memory_space<vmem>>, vector<16xf32>,
            %add3A_824 = arith.constant 15 : i32
            %add3A_825 = arith.addi %add3A_126, %add3A_824 : i32
            %get3A_826 = arith.index_cast %add3A_825 : i32 to index
            %get3A_827 = arith.constant 96 : index
            %get3A_828 = tpu.vector_load %arg5[%get3A_826, %get3A_827] {strides = array<i32>} : memref<800x128xf32, #tpu.memory_space<vmem>>, vector<16xf32>,
            %add3A_829 = arith.addf %get3A_753, %get3A_758 : vector<16xf32>
            %add3A_830 = arith.addf %get3A_763, %get3A_768 : vector<16xf32>
            %add3A_831 = arith.addf %get3A_773, %get3A_778 : vector<16xf32>
            %add3A_832 = arith.addf %get3A_783, %get3A_788 : vector<16xf32>
            %add3A_833 = arith.addf %get3A_793, %get3A_798 : vector<16xf32>
            %add3A_834 = arith.addf %get3A_803, %get3A_808 : vector<16xf32>
            %add3A_835 = arith.addf %get3A_813, %get3A_818 : vector<16xf32>
            %add3A_836 = arith.addf %get3A_823, %get3A_828 : vector<16xf32>
            %add3A_837 = arith.addf %add3A_829, %add3A_830 : vector<16xf32>
            %add3A_838 = arith.addf %add3A_831, %add3A_832 : vector<16xf32>
            %add3A_839 = arith.addf %add3A_833, %add3A_834 : vector<16xf32>
            %add3A_840 = arith.addf %add3A_835, %add3A_836 : vector<16xf32>
            %add3A_841 = arith.addf %add3A_837, %add3A_838 : vector<16xf32>
            %add3A_842 = arith.addf %add3A_839, %add3A_840 : vector<16xf32>
            %add3A_843 = arith.addf %add3A_841, %add3A_842 : vector<16xf32>
            %add3A_844 = arith.constant 96 : i32
            %add3A_845 = vector.broadcast %add3A_844 : i32 to vector<16xi32>
            %add3A_846 = arith.addi %iota3A, %add3A_845 : vector<16xi32>
            tpu.vector_store_idx %arg7[%get3A_128, %add3A_846], %add3A_843 {add = true} : memref<16x128xf32, #tpu.memory_space<vmem>>[vector<16xi32>, vector<16xi32>], vector<16xf32>,
            %add3A_847 = arith.constant 0 : i32
            %add3A_848 = arith.addi %add3A_126, %add3A_847 : i32
            %get3A_849 = arith.index_cast %add3A_848 : i32 to index
            %get3A_850 = arith.constant 112 : index
            %get3A_851 = tpu.vector_load %arg5[%get3A_849, %get3A_850] {strides = array<i32>} : memref<800x128xf32, #tpu.memory_space<vmem>>, vector<16xf32>,
            %add3A_852 = arith.constant 1 : i32
            %add3A_853 = arith.addi %add3A_126, %add3A_852 : i32
            %get3A_854 = arith.index_cast %add3A_853 : i32 to index
            %get3A_855 = arith.constant 112 : index
            %get3A_856 = tpu.vector_load %arg5[%get3A_854, %get3A_855] {strides = array<i32>} : memref<800x128xf32, #tpu.memory_space<vmem>>, vector<16xf32>,
            %add3A_857 = arith.constant 2 : i32
            %add3A_858 = arith.addi %add3A_126, %add3A_857 : i32
            %get3A_859 = arith.index_cast %add3A_858 : i32 to index
            %get3A_860 = arith.constant 112 : index
            %get3A_861 = tpu.vector_load %arg5[%get3A_859, %get3A_860] {strides = array<i32>} : memref<800x128xf32, #tpu.memory_space<vmem>>, vector<16xf32>,
            %add3A_862 = arith.constant 3 : i32
            %add3A_863 = arith.addi %add3A_126, %add3A_862 : i32
            %get3A_864 = arith.index_cast %add3A_863 : i32 to index
            %get3A_865 = arith.constant 112 : index
            %get3A_866 = tpu.vector_load %arg5[%get3A_864, %get3A_865] {strides = array<i32>} : memref<800x128xf32, #tpu.memory_space<vmem>>, vector<16xf32>,
            %add3A_867 = arith.constant 4 : i32
            %add3A_868 = arith.addi %add3A_126, %add3A_867 : i32
            %get3A_869 = arith.index_cast %add3A_868 : i32 to index
            %get3A_870 = arith.constant 112 : index
            %get3A_871 = tpu.vector_load %arg5[%get3A_869, %get3A_870] {strides = array<i32>} : memref<800x128xf32, #tpu.memory_space<vmem>>, vector<16xf32>,
            %add3A_872 = arith.constant 5 : i32
            %add3A_873 = arith.addi %add3A_126, %add3A_872 : i32
            %get3A_874 = arith.index_cast %add3A_873 : i32 to index
            %get3A_875 = arith.constant 112 : index
            %get3A_876 = tpu.vector_load %arg5[%get3A_874, %get3A_875] {strides = array<i32>} : memref<800x128xf32, #tpu.memory_space<vmem>>, vector<16xf32>,
            %add3A_877 = arith.constant 6 : i32
            %add3A_878 = arith.addi %add3A_126, %add3A_877 : i32
            %get3A_879 = arith.index_cast %add3A_878 : i32 to index
            %get3A_880 = arith.constant 112 : index
            %get3A_881 = tpu.vector_load %arg5[%get3A_879, %get3A_880] {strides = array<i32>} : memref<800x128xf32, #tpu.memory_space<vmem>>, vector<16xf32>,
            %add3A_882 = arith.constant 7 : i32
            %add3A_883 = arith.addi %add3A_126, %add3A_882 : i32
            %get3A_884 = arith.index_cast %add3A_883 : i32 to index
            %get3A_885 = arith.constant 112 : index
            %get3A_886 = tpu.vector_load %arg5[%get3A_884, %get3A_885] {strides = array<i32>} : memref<800x128xf32, #tpu.memory_space<vmem>>, vector<16xf32>,
            %add3A_887 = arith.constant 8 : i32
            %add3A_888 = arith.addi %add3A_126, %add3A_887 : i32
            %get3A_889 = arith.index_cast %add3A_888 : i32 to index
            %get3A_890 = arith.constant 112 : index
            %get3A_891 = tpu.vector_load %arg5[%get3A_889, %get3A_890] {strides = array<i32>} : memref<800x128xf32, #tpu.memory_space<vmem>>, vector<16xf32>,
            %add3A_892 = arith.constant 9 : i32
            %add3A_893 = arith.addi %add3A_126, %add3A_892 : i32
            %get3A_894 = arith.index_cast %add3A_893 : i32 to index
            %get3A_895 = arith.constant 112 : index
            %get3A_896 = tpu.vector_load %arg5[%get3A_894, %get3A_895] {strides = array<i32>} : memref<800x128xf32, #tpu.memory_space<vmem>>, vector<16xf32>,
            %add3A_897 = arith.constant 10 : i32
            %add3A_898 = arith.addi %add3A_126, %add3A_897 : i32
            %get3A_899 = arith.index_cast %add3A_898 : i32 to index
            %get3A_900 = arith.constant 112 : index
            %get3A_901 = tpu.vector_load %arg5[%get3A_899, %get3A_900] {strides = array<i32>} : memref<800x128xf32, #tpu.memory_space<vmem>>, vector<16xf32>,
            %add3A_902 = arith.constant 11 : i32
            %add3A_903 = arith.addi %add3A_126, %add3A_902 : i32
            %get3A_904 = arith.index_cast %add3A_903 : i32 to index
            %get3A_905 = arith.constant 112 : index
            %get3A_906 = tpu.vector_load %arg5[%get3A_904, %get3A_905] {strides = array<i32>} : memref<800x128xf32, #tpu.memory_space<vmem>>, vector<16xf32>,
            %add3A_907 = arith.constant 12 : i32
            %add3A_908 = arith.addi %add3A_126, %add3A_907 : i32
            %get3A_909 = arith.index_cast %add3A_908 : i32 to index
            %get3A_910 = arith.constant 112 : index
            %get3A_911 = tpu.vector_load %arg5[%get3A_909, %get3A_910] {strides = array<i32>} : memref<800x128xf32, #tpu.memory_space<vmem>>, vector<16xf32>,
            %add3A_912 = arith.constant 13 : i32
            %add3A_913 = arith.addi %add3A_126, %add3A_912 : i32
            %get3A_914 = arith.index_cast %add3A_913 : i32 to index
            %get3A_915 = arith.constant 112 : index
            %get3A_916 = tpu.vector_load %arg5[%get3A_914, %get3A_915] {strides = array<i32>} : memref<800x128xf32, #tpu.memory_space<vmem>>, vector<16xf32>,
            %add3A_917 = arith.constant 14 : i32
            %add3A_918 = arith.addi %add3A_126, %add3A_917 : i32
            %get3A_919 = arith.index_cast %add3A_918 : i32 to index
            %get3A_920 = arith.constant 112 : index
            %get3A_921 = tpu.vector_load %arg5[%get3A_919, %get3A_920] {strides = array<i32>} : memref<800x128xf32, #tpu.memory_space<vmem>>, vector<16xf32>,
            %add3A_922 = arith.constant 15 : i32
            %add3A_923 = arith.addi %add3A_126, %add3A_922 : i32
            %get3A_924 = arith.index_cast %add3A_923 : i32 to index
            %get3A_925 = arith.constant 112 : index
            %get3A_926 = tpu.vector_load %arg5[%get3A_924, %get3A_925] {strides = array<i32>} : memref<800x128xf32, #tpu.memory_space<vmem>>, vector<16xf32>,
            %add3A_927 = arith.addf %get3A_851, %get3A_856 : vector<16xf32>
            %add3A_928 = arith.addf %get3A_861, %get3A_866 : vector<16xf32>
            %add3A_929 = arith.addf %get3A_871, %get3A_876 : vector<16xf32>
            %add3A_930 = arith.addf %get3A_881, %get3A_886 : vector<16xf32>
            %add3A_931 = arith.addf %get3A_891, %get3A_896 : vector<16xf32>
            %add3A_932 = arith.addf %get3A_901, %get3A_906 : vector<16xf32>
            %add3A_933 = arith.addf %get3A_911, %get3A_916 : vector<16xf32>
            %add3A_934 = arith.addf %get3A_921, %get3A_926 : vector<16xf32>
            %add3A_935 = arith.addf %add3A_927, %add3A_928 : vector<16xf32>
            %add3A_936 = arith.addf %add3A_929, %add3A_930 : vector<16xf32>
            %add3A_937 = arith.addf %add3A_931, %add3A_932 : vector<16xf32>
            %add3A_938 = arith.addf %add3A_933, %add3A_934 : vector<16xf32>
            %add3A_939 = arith.addf %add3A_935, %add3A_936 : vector<16xf32>
            %add3A_940 = arith.addf %add3A_937, %add3A_938 : vector<16xf32>
            %add3A_941 = arith.addf %add3A_939, %add3A_940 : vector<16xf32>
            %add3A_942 = arith.constant 112 : i32
            %add3A_943 = vector.broadcast %add3A_942 : i32 to vector<16xi32>
            %add3A_944 = arith.addi %iota3A, %add3A_943 : vector<16xi32>
            tpu.vector_store_idx %arg7[%get3A_128, %add3A_944], %add3A_941 {add = true} : memref<16x128xf32, #tpu.memory_space<vmem>>[vector<16xi32>, vector<16xi32>], vector<16xf32>,
          } else {
          }
          %not3A_155 = arith.constant true
          %not3A_156 = arith.xori %reduce_and3A_151, %not3A_155 : i1
          %convert_element_type3A_157 = arith.extui %not3A_156 : i1 to i32
          %cond3A_158 = arith.constant 0 : i32
          %cond3A_159 = arith.cmpi ne, %convert_element_type3A_157, %cond3A_158 : i32
          scf.if %cond3A_159 {
            %scan3A_161 = arith.constant 0 : i32
            %scan3A_162 = arith.constant 0 : i32
            %scan3A_163 = arith.constant 16 : i32
            %scan3A_164 = arith.addi %scan3A_162, %scan3A_163 : i32
            %scan3A_165 = arith.constant 1 : i32
            %scan3A_166 = scf.for %scan3A_168 = %scan3A_162 to %scan3A_164 step %scan3A_165 iter_args(%scan3A_169 = %scan3A_161) -> (i32)  : i32 {
              %broadcast_in_dim3A_170 = arith.constant 0 : i32
              %broadcast_in_dim3A_171 = vector.broadcast %broadcast_in_dim3A_170 : i32 to vector<16xi32>
              %add3A_172 = vector.broadcast %scan3A_168 : i32 to vector<16xi32>
              %add3A_173 = arith.addi %broadcast_in_dim3A_171, %add3A_172 : vector<16xi32>
              %lt3A_174 = arith.constant 0 : i32
              %lt3A_175 = vector.broadcast %lt3A_174 : i32 to vector<16xi32>
              %lt3A_176 = arith.cmpi slt, %add3A_173, %lt3A_175 : vector<16xi32>
              %add3A_177 = arith.constant 16 : i32
              %add3A_178 = vector.broadcast %add3A_177 : i32 to vector<16xi32>
              %add3A_179 = arith.addi %add3A_173, %add3A_178 : vector<16xi32>
              %select_n3A_180 = arith.select %lt3A_176, %add3A_179, %add3A_173 : vector<16xi1>, vector<16xi32>
              %broadcast_in_dim3A_181 = vector.shape_cast %select_n3A_180 : vector<16xi32> to vector<16x1xi32>
              %gather3A_182 = vector.shape_cast %broadcast_in_dim3A_181 : vector<16x1xi32> to vector<16xi32>
              %gather3A_183 = tpu.dynamic_gather %get3A_128[%gather3A_182] in [0] : vector<16xi32>, vector<16xi32> -> vector<16xi32>
              %add3A_184 = arith.addi %add3A_126, %scan3A_168 : i32
              %get3A_185 = arith.index_cast %add3A_184 : i32 to index
              %get3A_186 = arith.constant 0 : index
              %get3A_187 = tpu.vector_load %arg5[%get3A_185, %get3A_186] {strides = array<i32>} : memref<800x128xf32, #tpu.memory_space<vmem>>, vector<16xf32>,
              %add3A_188 = arith.constant 0 : i32
              %add3A_189 = vector.broadcast %add3A_188 : i32 to vector<16xi32>
              %add3A_190 = arith.addi %iota3A, %add3A_189 : vector<16xi32>
              tpu.vector_store_idx %arg7[%gather3A_183, %add3A_190], %get3A_187 {add = true} : memref<16x128xf32, #tpu.memory_space<vmem>>[vector<16xi32>, vector<16xi32>], vector<16xf32>,
              %add3A_191 = arith.addi %add3A_126, %scan3A_168 : i32
              %get3A_192 = arith.index_cast %add3A_191 : i32 to index
              %get3A_193 = arith.constant 16 : index
              %get3A_194 = tpu.vector_load %arg5[%get3A_192, %get3A_193] {strides = array<i32>} : memref<800x128xf32, #tpu.memory_space<vmem>>, vector<16xf32>,
              %add3A_195 = arith.constant 16 : i32
              %add3A_196 = vector.broadcast %add3A_195 : i32 to vector<16xi32>
              %add3A_197 = arith.addi %iota3A, %add3A_196 : vector<16xi32>
              tpu.vector_store_idx %arg7[%gather3A_183, %add3A_197], %get3A_194 {add = true} : memref<16x128xf32, #tpu.memory_space<vmem>>[vector<16xi32>, vector<16xi32>], vector<16xf32>,
              %add3A_198 = arith.addi %add3A_126, %scan3A_168 : i32
              %get3A_199 = arith.index_cast %add3A_198 : i32 to index
              %get3A_200 = arith.constant 32 : index
              %get3A_201 = tpu.vector_load %arg5[%get3A_199, %get3A_200] {strides = array<i32>} : memref<800x128xf32, #tpu.memory_space<vmem>>, vector<16xf32>,
              %add3A_202 = arith.constant 32 : i32
              %add3A_203 = vector.broadcast %add3A_202 : i32 to vector<16xi32>
              %add3A_204 = arith.addi %iota3A, %add3A_203 : vector<16xi32>
              tpu.vector_store_idx %arg7[%gather3A_183, %add3A_204], %get3A_201 {add = true} : memref<16x128xf32, #tpu.memory_space<vmem>>[vector<16xi32>, vector<16xi32>], vector<16xf32>,
              %add3A_205 = arith.addi %add3A_126, %scan3A_168 : i32
              %get3A_206 = arith.index_cast %add3A_205 : i32 to index
              %get3A_207 = arith.constant 48 : index
              %get3A_208 = tpu.vector_load %arg5[%get3A_206, %get3A_207] {strides = array<i32>} : memref<800x128xf32, #tpu.memory_space<vmem>>, vector<16xf32>,
              %add3A_209 = arith.constant 48 : i32
              %add3A_210 = vector.broadcast %add3A_209 : i32 to vector<16xi32>
              %add3A_211 = arith.addi %iota3A, %add3A_210 : vector<16xi32>
              tpu.vector_store_idx %arg7[%gather3A_183, %add3A_211], %get3A_208 {add = true} : memref<16x128xf32, #tpu.memory_space<vmem>>[vector<16xi32>, vector<16xi32>], vector<16xf32>,
              %add3A_212 = arith.addi %add3A_126, %scan3A_168 : i32
              %get3A_213 = arith.index_cast %add3A_212 : i32 to index
              %get3A_214 = arith.constant 64 : index
              %get3A_215 = tpu.vector_load %arg5[%get3A_213, %get3A_214] {strides = array<i32>} : memref<800x128xf32, #tpu.memory_space<vmem>>, vector<16xf32>,
              %add3A_216 = arith.constant 64 : i32
              %add3A_217 = vector.broadcast %add3A_216 : i32 to vector<16xi32>
              %add3A_218 = arith.addi %iota3A, %add3A_217 : vector<16xi32>
              tpu.vector_store_idx %arg7[%gather3A_183, %add3A_218], %get3A_215 {add = true} : memref<16x128xf32, #tpu.memory_space<vmem>>[vector<16xi32>, vector<16xi32>], vector<16xf32>,
              %add3A_219 = arith.addi %add3A_126, %scan3A_168 : i32
              %get3A_220 = arith.index_cast %add3A_219 : i32 to index
              %get3A_221 = arith.constant 80 : index
              %get3A_222 = tpu.vector_load %arg5[%get3A_220, %get3A_221] {strides = array<i32>} : memref<800x128xf32, #tpu.memory_space<vmem>>, vector<16xf32>,
              %add3A_223 = arith.constant 80 : i32
              %add3A_224 = vector.broadcast %add3A_223 : i32 to vector<16xi32>
              %add3A_225 = arith.addi %iota3A, %add3A_224 : vector<16xi32>
              tpu.vector_store_idx %arg7[%gather3A_183, %add3A_225], %get3A_222 {add = true} : memref<16x128xf32, #tpu.memory_space<vmem>>[vector<16xi32>, vector<16xi32>], vector<16xf32>,
              %add3A_226 = arith.addi %add3A_126, %scan3A_168 : i32
              %get3A_227 = arith.index_cast %add3A_226 : i32 to index
              %get3A_228 = arith.constant 96 : index
              %get3A_229 = tpu.vector_load %arg5[%get3A_227, %get3A_228] {strides = array<i32>} : memref<800x128xf32, #tpu.memory_space<vmem>>, vector<16xf32>,
              %add3A_230 = arith.constant 96 : i32
              %add3A_231 = vector.broadcast %add3A_230 : i32 to vector<16xi32>
              %add3A_232 = arith.addi %iota3A, %add3A_231 : vector<16xi32>
              tpu.vector_store_idx %arg7[%gather3A_183, %add3A_232], %get3A_229 {add = true} : memref<16x128xf32, #tpu.memory_space<vmem>>[vector<16xi32>, vector<16xi32>], vector<16xf32>,
              %add3A_233 = arith.addi %add3A_126, %scan3A_168 : i32
              %get3A_234 = arith.index_cast %add3A_233 : i32 to index
              %get3A_235 = arith.constant 112 : index
              %get3A_236 = tpu.vector_load %arg5[%get3A_234, %get3A_235] {strides = array<i32>} : memref<800x128xf32, #tpu.memory_space<vmem>>, vector<16xf32>,
              %add3A_237 = arith.constant 112 : i32
              %add3A_238 = vector.broadcast %add3A_237 : i32 to vector<16xi32>
              %add3A_239 = arith.addi %iota3A, %add3A_238 : vector<16xi32>
              tpu.vector_store_idx %arg7[%gather3A_183, %add3A_239], %get3A_236 {add = true} : memref<16x128xf32, #tpu.memory_space<vmem>>[vector<16xi32>, vector<16xi32>], vector<16xf32>,
              %scan3A_240 = arith.constant 0 : i32
              scf.yield %scan3A_240 : i32
            }
            %scan3A_167 = arith.constant 16 : i32
          } else {
          }
          %scan3A_160 = arith.constant 0 : i32
          scf.yield %scan3A_160 : i32
        }
        %scan3A_121 = arith.constant 25 : i32
      } else {
      }
      %while3A_114 = arith.constant 0 : i32
      scf.yield %while3A_114 : i32
    }
    "tpu.region"() ({
      %run_scoped3A = tpu.sem_alloc : memref<!tpu.dma_semaphore, #tpu.memory_space<semaphore_mem>>
      %dma_start3A_58 = arith.constant 0 : i32
      %dma_start3A_59 = arith.constant 0 : i32
      %dma_start3A_60 = tpu.memref_slice %arg4[%add3A, %dma_start3A_58, %dma_start3A_59] : memref<32x16x128xf32, #tpu.memory_space<hbm>> -> memref<1x16x128xf32, #tpu.memory_space<hbm>>
      %dma_start3A_61 = tpu.memref_squeeze %dma_start3A_60 : memref<1x16x128xf32, #tpu.memory_space<hbm>> -> memref<16x128xf32, #tpu.memory_space<hbm>>
      %dma_start3A_62 = arith.constant 0 : i32
      %dma_start3A_63 = arith.constant 0 : i32
      %dma_start3A_64 = tpu.memref_slice %arg4[%add3A, %dma_start3A_62, %dma_start3A_63] : memref<32x16x128xf32, #tpu.memory_space<hbm>> -> memref<1x16x128xf32, #tpu.memory_space<hbm>>
      %dma_start3A_65 = tpu.memref_squeeze %dma_start3A_64 : memref<1x16x128xf32, #tpu.memory_space<hbm>> -> memref<16x128xf32, #tpu.memory_space<hbm>>
      tpu.enqueue_dma source(%arg7 : memref<16x128xf32, #tpu.memory_space<vmem>>) target(%dma_start3A_65 : memref<16x128xf32, #tpu.memory_space<hbm>>) target_semaphore(%run_scoped3A : memref<!tpu.dma_semaphore, #tpu.memory_space<semaphore_mem>>)
      %dma_wait3A = arith.constant 0 : i32
      %dma_wait3A_66 = arith.constant 0 : i32
      %dma_wait3A_67 = tpu.memref_slice %arg4[%add3A, %dma_wait3A, %dma_wait3A_66] : memref<32x16x128xf32, #tpu.memory_space<hbm>> -> memref<1x16x128xf32, #tpu.memory_space<hbm>>
      %dma_wait3A_68 = tpu.memref_squeeze %dma_wait3A_67 : memref<1x16x128xf32, #tpu.memory_space<hbm>> -> memref<16x128xf32, #tpu.memory_space<hbm>>
      %dma_wait3A_69 = arith.constant 0 : i32
      %dma_wait3A_70 = arith.constant 0 : i32
      %dma_wait3A_71 = tpu.memref_slice %arg4[%add3A, %dma_wait3A_69, %dma_wait3A_70] : memref<32x16x128xf32, #tpu.memory_space<hbm>> -> memref<1x16x128xf32, #tpu.memory_space<hbm>>
      %dma_wait3A_72 = tpu.memref_squeeze %dma_wait3A_71 : memref<1x16x128xf32, #tpu.memory_space<hbm>> -> memref<16x128xf32, #tpu.memory_space<hbm>>
      tpu.wait_dma2 semaphore(%run_scoped3A : memref<!tpu.dma_semaphore, #tpu.memory_space<semaphore_mem>>) src(%arg7 : memref<16x128xf32, #tpu.memory_space<vmem>>) dst(%dma_wait3A_72 : memref<16x128xf32, #tpu.memory_space<hbm>>)
      tpu.yield
    }) : () -> ()
    return
  }
}

module attributes {stable_mosaic.version = 14 : i64} {
  func.func @body(%arg0: i32, %arg1: memref<1x1x4000xi32, #tpu.memory_space<vmem>>, %arg2: memref<4000x128xf32, #tpu.memory_space<vmem>>, %arg3: memref<16x128xf32, #tpu.memory_space<vmem>>) attributes {dimension_semantics = [#tpu.dimension_semantics<arbitrary>], iteration_bounds = array<i64: 16>, scalar_prefetch = 0 : i64, scratch_operands = 0 : i64, tpu.core_type = #tpu.core_type<tc>, window_params = [{transform_indices = @transform_0, window_bounds = array<i64: 1, 1, 4000>}, {transform_indices = @transform_1, window_bounds = array<i64: 4000, 128>}, {pipeline_mode = #tpu.pipeline_mode<synchronous>, transform_indices = @transform_2, window_bounds = array<i64: 16, 128>}]} {
    %eq3A = arith.constant 0 : i32
    %eq3A_0 = arith.cmpi eq, %arg0, %eq3A : i32
    %convert_element_type3A = arith.extui %eq3A_0 : i1 to i32
    %cond3A = arith.constant 0 : i32
    %cond3A_1 = arith.cmpi ne, %convert_element_type3A, %cond3A : i32
    scf.if %cond3A_1 {
      %broadcast_in_dim3A_19 = arith.constant 0.000000e+00 : f32
      %broadcast_in_dim3A_20 = vector.broadcast %broadcast_in_dim3A_19 : f32 to vector<16x128xf32>
      %swap3A_21 = arith.constant 0 : index
      %swap3A_22 = arith.constant 0 : index
      %swap3A_23 = vector.load %arg3[%swap3A_21, %swap3A_22] : memref<16x128xf32, #tpu.memory_space<vmem>>, vector<16x128xf32>
      tpu.vector_store %arg3[%swap3A_21, %swap3A_22], %broadcast_in_dim3A_20 {strides = array<i32>} : memref<16x128xf32, #tpu.memory_space<vmem>>, vector<16x128xf32>,
    } else {
    }
    %iota3A = tpu.iota {dimensions = array<i32: 0>} : vector<16x4000xi32>
    %get3A = arith.constant 0 : index
    %get3A_2 = arith.constant 0 : index
    %get3A_3 = arith.constant 0 : index
    %get3A_4 = vector.load %arg1[%get3A, %get3A_2, %get3A_3] : memref<1x1x4000xi32, #tpu.memory_space<vmem>>, vector<1x1x4000xi32>
    %get3A_5 = vector.shape_cast %get3A_4 : vector<1x1x4000xi32> to vector<4000xi32>
    %broadcast_in_dim3A = vector.shape_cast %get3A_5 : vector<4000xi32> to vector<1x4000xi32>
    %eq3A_6 = vector.broadcast %broadcast_in_dim3A : vector<1x4000xi32> to vector<16x4000xi32>
    %eq3A_7 = arith.cmpi eq, %eq3A_6, %iota3A : vector<16x4000xi32>
    %convert_element_type3A_8 = arith.extui %eq3A_7 : vector<16x4000xi1> to vector<16x4000xi32>
    %convert_element_type3A_9 = arith.sitofp %convert_element_type3A_8 : vector<16x4000xi32> to vector<16x4000xf32>
    %get3A_10 = arith.constant 0 : index
    %get3A_11 = arith.constant 0 : index
    %get3A_12 = vector.load %arg3[%get3A_10, %get3A_11] : memref<16x128xf32, #tpu.memory_space<vmem>>, vector<16x128xf32>
    %get3A_13 = arith.constant 0 : index
    %get3A_14 = arith.constant 0 : index
    %get3A_15 = vector.load %arg2[%get3A_13, %get3A_14] : memref<4000x128xf32, #tpu.memory_space<vmem>>, vector<4000x128xf32>
    %dot_general3A = arith.constant dense<0.000000e+00> : vector<16x128xf32>
    %dot_general3A_16 = tpu.matmul %convert_element_type3A_9, %get3A_15, %dot_general3A {dimension_numbers = #tpu.dot_dimension_numbers<[1], [0], [0], [1], [0, 0, 1, 1], [], []>, transpose_lhs_hint = false} : vector<16x4000xf32>, vector<4000x128xf32>, vector<16x128xf32> -> vector<16x128xf32>
    %add3A = arith.addf %get3A_12, %dot_general3A_16 : vector<16x128xf32>
    %swap3A = arith.constant 0 : index
    %swap3A_17 = arith.constant 0 : index
    %swap3A_18 = vector.load %arg3[%swap3A, %swap3A_17] : memref<16x128xf32, #tpu.memory_space<vmem>>, vector<16x128xf32>
    tpu.vector_store %arg3[%swap3A, %swap3A_17], %add3A {strides = array<i32>} : memref<16x128xf32, #tpu.memory_space<vmem>>, vector<16x128xf32>,
    return
  }
  func.func @transform_0(%arg0: i32) -> (i32, i32, i32) {
    %add3A = arith.constant 9 : i32
    %add3A_0 = arith.addi %add3A, %arg0 : i32
    %c0_i32 = arith.constant 0 : i32
    %c0_i32_1 = arith.constant 0 : i32
    %c0_i32_2 = arith.constant 0 : i32
    return %add3A_0, %c0_i32, %c0_i32_1 : i32, i32, i32
  }
  func.func @transform_1(%arg0: i32) -> (i32, i32) {
    %add3A = arith.constant 9 : i32
    %add3A_0 = arith.addi %add3A, %arg0 : i32
    %c0_i32 = arith.constant 0 : i32
    %c0_i32_1 = arith.constant 0 : i32
    return %add3A_0, %c0_i32 : i32, i32
  }
  func.func @transform_2(%arg0: i32) -> (i32, i32) {
    %c0_i32 = arith.constant 0 : i32
    %c0_i32_0 = arith.constant 0 : i32
    %c0_i32_1 = arith.constant 0 : i32
    return %c0_i32, %c0_i32_0 : i32, i32
  }
}

module attributes {stable_mosaic.version = 14 : i64} {
  func.func @body(%arg0: memref<32x16x128xf32, #tpu.memory_space<vmem>>, %arg1: memref<16x128xf32, #tpu.memory_space<vmem>>, %arg2: memref<4x128xf32, #tpu.memory_space<vmem>>, %arg3: memref<128x128xf32, #tpu.memory_space<vmem>>, %arg4: memref<128x128xf32, #tpu.memory_space<vmem>>, %arg5: memref<1x128xf32, #tpu.memory_space<vmem>>, %arg6: memref<64x128xf32, #tpu.memory_space<vmem>>) attributes {dimension_semantics = [], scalar_prefetch = 0 : i64, scratch_operands = 0 : i64, tpu.core_type = #tpu.core_type<tc>} {
    %get3A = arith.constant 0 : index
    %get3A_0 = arith.constant 0 : index
    %get3A_1 = arith.constant 0 : index
    %get3A_2 = vector.load %arg0[%get3A, %get3A_0, %get3A_1] : memref<32x16x128xf32, #tpu.memory_space<vmem>>, vector<32x16x128xf32>
    %reduce_sum3A = arith.constant dense<0.000000e+00> : vector<16x128xf32>
    %reduce_sum3A_3 = vector.multi_reduction <add>, %get3A_2, %reduce_sum3A [0] : vector<32x16x128xf32> to vector<16x128xf32>
    %get3A_4 = arith.constant 0 : index
    %get3A_5 = arith.constant 0 : index
    %get3A_6 = vector.load %arg1[%get3A_4, %get3A_5] : memref<16x128xf32, #tpu.memory_space<vmem>>, vector<16x128xf32>
    %add3A = arith.addf %reduce_sum3A_3, %get3A_6 : vector<16x128xf32>
    %get3A_7 = arith.constant 0 : index
    %get3A_8 = arith.constant 0 : index
    %get3A_9 = vector.load %arg3[%get3A_7, %get3A_8] : memref<128x128xf32, #tpu.memory_space<vmem>>, vector<128x128xf32>
    %dot_general3A = arith.constant dense<0.000000e+00> : vector<16x128xf32>
    %dot_general3A_10 = tpu.matmul %add3A, %get3A_9, %dot_general3A {dimension_numbers = #tpu.dot_dimension_numbers<[1], [1], [0], [0], [0, 0, 1, 0], [], []>, transpose_lhs_hint = false} : vector<16x128xf32>, vector<128x128xf32>, vector<16x128xf32> -> vector<16x128xf32>
    %get3A_11 = arith.constant 0 : index
    %get3A_12 = arith.constant 0 : index
    %get3A_13 = vector.load %arg2[%get3A_11, %get3A_12] : memref<4x128xf32, #tpu.memory_space<vmem>>, vector<4x128xf32>
    %get3A_14 = arith.constant 0 : index
    %get3A_15 = arith.constant 0 : index
    %get3A_16 = vector.load %arg4[%get3A_14, %get3A_15] : memref<128x128xf32, #tpu.memory_space<vmem>>, vector<128x128xf32>
    %dot_general3A_17 = arith.constant dense<0.000000e+00> : vector<4x128xf32>
    %dot_general3A_18 = tpu.matmul %get3A_13, %get3A_16, %dot_general3A_17 {dimension_numbers = #tpu.dot_dimension_numbers<[1], [1], [0], [0], [0, 0, 1, 0], [], []>, transpose_lhs_hint = false} : vector<4x128xf32>, vector<128x128xf32>, vector<4x128xf32> -> vector<4x128xf32>
    %broadcast_in_dim3A = vector.shape_cast %dot_general3A_10 : vector<16x128xf32> to vector<16x1x128xf32>
    %broadcast_in_dim3A_19 = vector.shape_cast %dot_general3A_18 : vector<4x128xf32> to vector<1x4x128xf32>
    %add3A_20 = vector.broadcast %broadcast_in_dim3A : vector<16x1x128xf32> to vector<16x4x128xf32>
    %add3A_21 = vector.broadcast %broadcast_in_dim3A_19 : vector<1x4x128xf32> to vector<16x4x128xf32>
    %add3A_22 = arith.addf %add3A_20, %add3A_21 : vector<16x4x128xf32>
    %get3A_23 = arith.constant 0 : index
    %get3A_24 = arith.constant 0 : index
    %get3A_25 = vector.load %arg5[%get3A_23, %get3A_24] : memref<1x128xf32, #tpu.memory_space<vmem>>, vector<1x128xf32>
    %broadcast_in_dim3A_26 = vector.shape_cast %get3A_25 : vector<1x128xf32> to vector<1x1x128xf32>
    %add3A_27 = vector.broadcast %broadcast_in_dim3A_26 : vector<1x1x128xf32> to vector<16x4x128xf32>
    %add3A_28 = arith.addf %add3A_22, %add3A_27 : vector<16x4x128xf32>
    %reshape3A = vector.shape_cast %add3A_28 : vector<16x4x128xf32> to vector<64x128xf32>
    %swap3A = arith.constant 0 : index
    %swap3A_29 = arith.constant 0 : index
    %swap3A_30 = vector.load %arg6[%swap3A, %swap3A_29] : memref<64x128xf32, #tpu.memory_space<vmem>>, vector<64x128xf32>
    tpu.vector_store %arg6[%swap3A, %swap3A_29], %reshape3A {strides = array<i32>} : memref<64x128xf32, #tpu.memory_space<vmem>>, vector<64x128xf32>,
    return
  }
}

</mosaic_0001>

<sc_bundles>
// kernel: kernel.5.cloned.1.call-start
scs
__scs_entry_jumppad:
0x0: {  	(pc) =	sbr.rel $0x88, $3  }
0x1: {  	(tag) =	ssettag $0x0;
	lr =	simm.s32 $0x1  }
0x2: {  	[smem:$0x3F9B] =	sst lr;
	_ =	strace $0xD0000000  }
0x3: {  	_ = 	snop  }
0x4: {  	_ = 	snop  }
0x5: {  	_ = 	snop  }
0x6: {  	_ = 	snop  }
0x7: {  	_ = 	snop  }
__scs_overlays_trampoline_lowered:
0x8: {  	[smem:$0x3FAA] =	sst s0  }
0x9: {  	[smem:$0x3FAB] =	sst s1  }
0xa: {  	[smem:$0x3FAC] =	sst s2  }
0xb: {  	[smem:$0x3FAD] =	sst s3  }
0xc: {  	[smem:$0x3FAE] =	sst s4  }
0xd: {  	[smem:$0x3FAF] =	sst s5  }
0xe: {  	[smem:$0x3FB0] =	sst s6  }
0xf: {  	[smem:$0x3FB1] =	sst s7  }
0x10: {  	[smem:$0x3FB2] =	sst s8  }
0x11: {  	[smem:$0x3FB3] =	sst s9;
	s0 =	simm.s32 @!p0 $0x0  }
0x12: {  	s1 =	sld [smem:$0x3F99];
	s0 =	simm.s32 @p0 $0x1  }
0x13: {  	[smem:$0x3FB4] =	sst s0;
	s0 =	simm.s32 @!p1 $0x0  }
0x14: {  	s2 =	sld [smem:$0x3F98];
	s0 =	simm.s32 @p1 $0x1  }
0x15: {  	[smem:$0x3FB5] =	sst s0;
	s0 =	simm.s32 @!p2 $0x0  }
0x16: {  	s3 =	sld [smem:$0x3FDB];
	s0 =	simm.s32 @p2 $0x1  }
0x17: {  	s4 =	simm.s32 $0x1BF5;
	[smem:$0x3FB7] =	sst s0  }
0x18: {  	s0 =	sld [smem:$0x3F9A];
	_ =	swait.ge [sflag:s4], $0x0  }
0x19: {  	s7 =	sld [smem:$0x3F9B]  }
0x1a: {  	s8 =	sadd.s32 $0xFFFFE003, lr  }
0x1b: {  	s9 =	sadd.s32 $0xFFFFFEF7, lr;
	s5 =	simm.s32 $0xFFFFFFFF;
	p2 =	slt.u32 s8, $0xFFFFF086  }
0x1c: {  	p1 =	slt.u32 s9, $0xF7A;
	s5 =	simm.s32 @!p2 $0x0  }
0x1d: {  	s5 =	simm.s32 @p1 $0x1;
	p0 =	seq.s32 s7, s2  }
0x1e: {  	s7 =	smul.u32 @!p0 $0xF7A, s2;
	p2 =	seq.s32 @!p0 s5, $0x0  }
0x1f: {  	s9 =	smul.u32 $0xF7A, s1;
	s8 =	simm.s32 @!p0 $0x1BF5;
	p2 =	por !p2, p0  }
0x20: {  	[sflag:s8] =	ssyncset.s32 @!p0 $0xFFFFF086;
	s6 =	sadd.s32 @!p0 s3, s7;
	s7 =	simm.s32 @!p0 $0x108  }
0x21: {  	s3 =	sadd.s32 s3, s9;
	s6 =	sadd.s32 @!p0 $0x88, s6;
	s7 =	simm.s32 @p2 $0x1082  }
0x22: {  	[simem:s7], [sflag:s8] =	dma.local @!p0 [hbm:s6], $0xF7A  }
0x23: {  	s9 =	sor.u32 $0xD0000000, s2;
	s6 =	simm.s32 $0x108;
	_ =	swait.ge @!p0 [sflag:s8], $0x0  }
0x24: {  	s3 =	sadd.s32 $0x88, s3;
	s6 =	simm.s32 @!p1 $0x1082;
	[sflag:s4] =	ssyncset.s32 $0xFFFFF086  }
0x25: {  	[simem:s6], [sflag:s4] =	dma.local [hbm:s3], $0xF7A  }
0x26: {  	[smem:$0x3F9B] =	sst s1;
	(tag) =	ssettag s2;
	_ =	strace s9  }
0x27: {  	s1 =	sld [smem:$0x3FAB]  }
0x28: {  	s2 =	sld [smem:$0x3FAC]  }
0x29: {  	s4 =	sld [smem:$0x3FAE]  }
0x2a: {  	p0 =	seq.s32 s5, $0x0;
	s5 =	sld [smem:$0x3FAF]  }
0x2b: {  	s6 =	sld [smem:$0x3FB0]  }
0x2c: {  	s7 =	sld [smem:$0x3FB1]  }
0x2d: {  	s3 =	simm.s32 $0x108;
	s8 =	sld [smem:$0x3FB2]  }
0x2e: {  	s3 =	simm.s32 @!p0 $0x1082;
	s9 =	sld [smem:$0x3FB3]  }
0x2f: {  	lr =	sadd.s32 s0, s3;
	s0 =	sld [smem:$0x3FAA]  }
0x30: {  	s3 =	sld [smem:$0x3FAD]  }
0x31: {  	[smem:$0x3FB6] =	sst s10  }
0x32: {  	s10 =	sld [smem:$0x3FB4];
	_ =	sdelay $0x3  }
0x33: {  	p0 =	seq.s32 s10, $0x1;
	s10 =	sld [smem:$0x3FB6];
	_ =	sdelay $0x3  }
0x34: {  	[smem:$0x3FB6] =	sst s10  }
0x35: {  	s10 =	sld [smem:$0x3FB5];
	_ =	sdelay $0x3  }
0x36: {  	p1 =	seq.s32 s10, $0x1;
	s10 =	sld [smem:$0x3FB6];
	_ =	sdelay $0x3  }
0x37: {  	[smem:$0x3FB6] =	sst s10  }
0x38: {  	s10 =	sld [smem:$0x3FB7]  }
0x39: {  	_ = 	snop;
	(pc) =	sbr.ind lr, $3  }
0x3a: {  	_ = 	snop  }
0x3b: {  	_ = 	snop  }
0x3c: {  	p2 =	seq.s32 s10, $0x1;
	s10 =	sld [smem:$0x3FB6]  }
0x3d: {  	_ =	shalt  }
0x3e: {  	_ =	shalt  }
0x3f: {  	_ =	shalt  }
0x40: {  	_ =	shalt  }
0x41: {  	_ =	shalt  }
0x42: {  	_ =	shalt  }
0x43: {  	_ =	shalt  }
0x44: {  	_ =	shalt  }
0x45: {  	_ =	shalt  }
0x46: {  	_ =	shalt  }
0x47: {  	_ =	shalt  }
0x48: {  	_ =	shalt  }
0x49: {  	_ =	shalt  }
0x4a: {  	_ =	shalt  }
0x4b: {  	_ =	shalt  }
0x4c: {  	_ =	shalt  }
0x4d: {  	_ =	shalt  }
0x4e: {  	_ =	shalt  }
0x4f: {  	_ =	shalt  }
0x50: {  	_ =	shalt  }
0x51: {  	_ =	shalt  }
0x52: {  	_ =	shalt  }
0x53: {  	_ =	shalt  }
0x54: {  	_ =	shalt  }
0x55: {  	_ =	shalt  }
0x56: {  	_ =	shalt  }
0x57: {  	_ =	shalt  }
0x58: {  	_ =	shalt  }
0x59: {  	_ =	shalt  }
0x5a: {  	_ =	shalt  }
0x5b: {  	_ =	shalt  }
0x5c: {  	_ =	shalt  }
0x5d: {  	_ =	shalt  }
0x5e: {  	_ =	shalt  }
0x5f: {  	_ =	shalt  }
0x60: {  	_ =	shalt  }
0x61: {  	_ =	shalt  }
0x62: {  	_ =	shalt  }
0x63: {  	_ =	shalt  }
0x64: {  	_ =	shalt  }
0x65: {  	_ =	shalt  }
0x66: {  	_ =	shalt  }
0x67: {  	_ =	shalt  }
0x68: {  	_ =	shalt  }
0x69: {  	_ =	shalt  }
0x6a: {  	_ =	shalt  }
0x6b: {  	_ =	shalt  }
0x6c: {  	_ =	shalt  }
0x6d: {  	_ =	shalt  }
0x6e: {  	_ =	shalt  }
0x6f: {  	_ =	shalt  }
0x70: {  	_ =	shalt  }
0x71: {  	_ =	shalt  }
0x72: {  	_ =	shalt  }
0x73: {  	_ =	shalt  }
0x74: {  	_ =	shalt  }
0x75: {  	_ =	shalt  }
0x76: {  	_ =	shalt  }
0x77: {  	_ =	shalt  }
0x78: {  	_ =	shalt  }
0x79: {  	_ =	shalt  }
0x7a: {  	_ =	shalt  }
0x7b: {  	_ =	shalt  }
0x7c: {  	_ =	shalt  }
0x7d: {  	_ =	shalt  }
0x7e: {  	_ =	shalt  }
0x7f: {  	_ =	shalt  }
0x80: {  	_ =	shalt  }
0x81: {  	_ =	shalt  }
0x82: {  	_ =	shalt  }
0x83: {  	_ =	shalt  }
0x84: {  	_ =	shalt  }
0x85: {  	_ =	shalt  }
0x86: {  	_ =	shalt  }
0x87: {  	_ =	shalt  }
.Lfunc_end0:
.L_simem_size_0:
called_computation_lowered:
.L_overlay_start_0:
0x88: {  	s2 =	sld [smem:$0x3FD9]  }
0x89: {  	s3 =	sld [smem:$0x3FFE];
	_ =	sdelay $0x1  }
0x8a: {  	s1 =	srdreg.scid  }
0x8b: {  	s0 =	sand.u32 $0x1, s1  }
0x8c: {  	s17 =	sshll.u32 s0, $0xA;
	s2 =	sadd.s32 s3, s2  }
0x8d: {  	s2 =	sadd.s32 s2, s17  }
0x8e: {  	[smem:$0x3FC2] =	sst s2  }
0x8f: {  	_ = 	snop  }
0x90: {  	s2 =	sld [smem:$0x3FC9]  }
0x91: {  	s18 =	sld [smem:$0x3FC8];
	(tm) =	ssettm $0x1  }
0x92: {  	s4 =	sld [smem:$0x3FFB];
	_ =	sdelay $0x3  }
0x93: {  	_ =	strace s4  }
0x94: {  	s4 =	sld [smem:$0x3FFC];
	_ =	sdelay $0x3  }
0x95: {  	_ =	strace s4  }
0x96: {  	s4 =	sld [smem:$0x3FFD];
	_ =	sdelay $0x3  }
0x97: {  	_ =	strace s4  }
0x98: {  	_ =	strace $0x8FFFFFFF  }
0x99: {  	s19 =	sld [smem:$0x3FDB];
	_ =	sdelay $0x1  }
0x9a: {  	s5 =	simm.s32 $_scs_section_size  }
0x9b: {  	s6 =	simm.s32 $_size__tile_overlayer_lowered;
	s7 =	simm.s32 $_tile_overlayer_lowered  }
0x9c: {  	s22 =	simm.s32 $0x1BFF;
	s21 =	sshll.u32 s7, $0x1;
	s4 =	sadd.s32 s5, s19  }
0x9d: {  	s8 =	simm.s32 $0x0;
	s20 =	sshll.u32 s6, $0x1;
	s6 =	sadd.s32 s21, s4  }
0x9e: {  	[timem:s8], [sflag:s22] =	dma.local [hbm:s6], s20  }
0x9f: {  	_ =	swait.ge [sflag:s22], s20  }
0xa0: {  	s5 =	ssub.s32 $0x0, s20;
	[sflag:s22] =	ssyncset.done $0x0  }
0xa1: {  	[sflag:s22] =	ssyncadd.s32 s5;
	_ =	sdelay $0x1  }
0xa2: {  	s23 =	simm.s32 $0x1B8B  }
0xa3: {  	_ =	swait.ge [sflag:s23], $0x1  }
0xa4: {  	[sflag:s23] =	ssyncset.done $0x0  }
0xa5: {  	s25 =	simm.s32 $0x1B8E;
	s24 =	sld [smem:$0x3FFE];
	[sflag:s23] =	ssyncadd.s32 $0xFFFFFFFF  }
0xa6: {  	s26 =	simm.s32 $execute0_lowered;
	[smem:$0x3FD2] =	sst s25  }
0xa7: {  	s6 =	sshll.u32 s26, $0x1;
	_ =	strace $0x80000046;
	[dreg:$0x1] =	wrdreg $0xFFFFFFFF  }
0xa8: {  	s28 =	simm.s32 $_size_execute0_lowered;
	s4 =	sadd.s32 s4, s6;
	[dreg:$0x0] =	wrdreg $0x0  }
0xa9: {  	s6 =	sshll.u32 s28, $0x1;
	[dreg:$0x2] =	wrdreg s4  }
0xaa: {  	[dreg:$0x3] =	wrdreg s6  }
0xab: {  	[dreg:$0x4] =	wrdreg $0xC0  }
0xac: {  	_ =	task [dreg:s8], $0x5FFFF  }
0xad: {  	[dreg:$0x1] =	wrdreg $0xFFFFFFFF  }
0xae: {  	[dreg:$0x0] =	wrdreg $0x60  }
0xaf: {  	[dreg:$0x2] =	wrdreg s2  }
0xb0: {  	[dreg:$0x3] =	wrdreg s18  }
0xb1: {  	[dreg:$0x4] =	wrdreg s24  }
0xb2: {  	[dreg:$0x5] =	wrdreg $0x9  }
0xb3: {  	_ =	task.clear_ibuf [dreg:s8], $0x6FFFF;
	_ =	strace $0x90000046  }
0xb4: {  	s29 =	simm.s32 $0x9;
	_ =	strace $0x80000048  }
0xb5: {  	_ =	swait.ge [sflag:s29], $0x1  }
0xb6: {  	[sflag:s29] =	ssyncadd.s32 $0xFFFFFFFF  }
0xb7: {  	_ =	strace $0x90000048  }
0xb8: {  	_ =	sfence  }
0xb9: {  	s30 =	sld [smem:$0x0];
	_ =	sdelay $0x2  }
0xba: {  	s31 =	sshll.u32 s1, $0xD;
	s1 =	sshrl.u32 s1, $0x2  }
0xbb: {  	s3 =	sand.u32 $0x4000, s31;
	s1 =	sadd.s32 s1, s30  }
0xbc: {  	s0 =	sor.u32 s3, s0;
	s1 =	sshll.u32 s1, $0x11  }
0xbd: {  	s0 =	sor.u32 s1, s0  }
0xbe: {  	s0 =	sadd.s32 $0x8F2B, s0  }
0xbf: {  	[sflag:s0] =	ssyncadd.remote.s32 $0x1  }
0xc0: {  	_ =	sfence.sel $0xFFFF  }
0xc1: {  	[dreg:$0x0] =	wrdreg $0xFFFFFFFF;
	(pc) =	sbr.abs _section_cstart, $3  }
0xc2: {  	[dreg:$0x1] =	wrdreg $0xFFFFFFFF  }
0xc3: {  	_ =	task.clear_ibuf [dreg:s8], $0x2FFFF;
	_ =	strace $0x9FFFFFFF  }
0xc4: {  	(tm) =	ssettm $0x7FFFFFFF  }
0xc5: {  	_ =	shalt  }
tec
execute0_lowered:
.L_overlay_start_1:
0x0: {  	(tag) =	ssettag $0x1  }
0x1: {  	s1 =	rddreg [dreg:$0x0]  }
0x2: {  	s3 =	rddreg [dreg:$0x1]  }
0x3: {  	s2 =	srdreg.scid;
	s0 =	stileid.u32  }
0x4: {  	s5 =	rddreg [dreg:$0x2];
	s6 =	sand.u32 $0x1, s2;
	s7 =	sshll.u32 s0, $0x1  }
0x5: {  	s4 =	simm.s32 $0x0;
	s12 =	simm.s32 $0x19380;
	s9 =	sor.u32 s6, s7  }
0x6: {  	s13 =	simm.s32 $0x3;
	s2 =	rddreg [dreg:$0x3];
	s7 =	smul.u32 $0x1900, s9  }
0x7: {  	s14 =	simm.s32 $0x0;
	[smem:$0x7FF] =	sst s4;
	s10 =	smul.u32 $0x32, s9  }
.Ltmp0:
0x8: {  	s6 =	ssub.s32 $0x2, s6;
	s8 =	sshll.u32 s9, $0x8;
	(pc) =	sbr.rel .LBB2_1-.Ltmp0, $4  }
0x9: {  	v0 =	vlaneseq.u32;
	_ =	strace $0x80000047;
	s31 =	sshrl.u32 s6, $0x1;
	s8 =	sadd.s32 s8, s5  }
0xa: {  	v1 =	vimm.f32 $0.0e+00;
	v27 =	vimm.s32 $0x0;
	v3 =	vor.u32 $0x10, v0;
	s11 =	ssub.s32 s6, s31;
	s5 =	sadd.s32 s1, s7;
	s6 =	sadd.s32 s3, s10  }
0xb: {  	v4 =	vor.u32 $0x20, v0;
	v5 =	vor.u32 $0x30, v0;
	v6 =	vor.u32 $0x40, v0;
	s7 =	sor.u32 $0x20, s9;
	s8 =	sadd.s32 $0x1200, s8;
	s9 =	ssub.s32 $0x59, s9  }
0xc: {  	v7 =	vor.u32 $0x50, v0;
	v8 =	vor.u32 $0x60, v0;
	v9 =	vor.u32 $0x70, v0;
	s10 =	smax.u32 s11, $0x1;
	s11 =	simm.s32 $0x19000;
	s9 =	sshrl.u32 s9, $0x5  }
.LBB2_16:
0xd: {  	s14 =	sadd.s32 $0x1, s14  }
0xe: {  	p0 =	sne.s32 s14, s10  }
.Ltmp1:
0xf: {  	_ = 	snop;
	(pc) =	sbr.rel @!p0 .LBB2_17-.Ltmp1, $4  }
0x10: {  	[hbm4b:s8+s4] =	stream.linear.scatter [tilespmem:s12], [sflag:$0x3], $0x800, $0x38;
	[tilespmem:$0x19B80] =	vst v63  }
0x11: {  	_ =	swait.ge [sflag:s13], $0x800  }
0x12: {  	[sflag:s13] =	ssyncset.done $0x0  }
0x13: {  	[sflag:s13] =	ssyncadd.s32 $0xFFFFF800  }
.LBB2_1:
0x14: {  	s15 =	simm.s32 $0x0;
	s16 =	simm.s32 $0x200  }
.LBB2_2:
0x15: {  	p0 =	sne.s32 s16, $0x1E00;
	[tilespmem:s15+$0x193F0] =	vst v1  }
0x16: {  	[tilespmem:s15+$0x19380] =	vst v1  }
0x17: {  	[tilespmem:s15+$0x19390] =	vst v1  }
.Ltmp2:
0x18: {  	[tilespmem:s15+$0x193A0] =	vst v1;
	(pc) =	sbr.rel @p0 .LBB2_2-.Ltmp2, $4  }
0x19: {  	[tilespmem:s15+$0x193B0] =	vst v1  }
0x1a: {  	[tilespmem:s15+$0x193C0] =	vst v1  }
0x1b: {  	[tilespmem:s15+$0x193D0] =	vst v1  }
0x1c: {  	[tilespmem:s15+$0x193E0] =	vst v1;
	s15 =	sshra.s32 s16, $0x2;
	s16 =	sadd.s32 $0x200, s16  }
0x1d: {  	[tilespmem:s15+$0x193F0] =	vst v1  }
0x1e: {  	[tilespmem:s15+$0x19380] =	vst v1  }
0x1f: {  	[tilespmem:s15+$0x19390] =	vst v1  }
0x20: {  	[tilespmem:s15+$0x193A0] =	vst v1  }
0x21: {  	[tilespmem:s15+$0x193B0] =	vst v1  }
0x22: {  	[tilespmem:s15+$0x193C0] =	vst v1  }
.Ltmp3:
0x23: {  	[tilespmem:s15+$0x193D0] =	vst v1;
	(pc) =	sbr.rel .LBB2_4-.Ltmp3, $4  }
0x24: {  	[tilespmem:s15+$0x193E0] =	vst v1;
	s15 =	simm.s32 $0x0  }
0x25: {  	[tilespmem:s15], [sflag:$0x1] =	stream.linear.gather [hbm4b:s5+s15], $0xC800, $0x38;
	[tilespmem:$0x19B80] =	vst v63  }
0x26: {  	p0 =	por $0x0, $0x0  }
0x27: {  	[tilespmem:s11], [sflag:$0x1] =	stream.linear.gather [hbm4b:s6+s15], $0x190, $0x38;
	[tilespmem:$0x19B80] =	vst v63  }
.LBB2_15:
0x28: {  	p1 =	sne.s32 s15, s9  }
.Ltmp4:
0x29: {  	_ = 	snop;
	(pc) =	sbr.rel @!p1 .LBB2_16-.Ltmp4, $3  }
0x2a: {  	_ =	sdelay $0x1  }
0x2b: {  	s16 =	sadd.s32 $0x1, s15  }
0x2c: {  	p0 =	por !p0, !p0;
	s15 =	smov.u32 s16  }
.LBB2_4:
0x2d: {  	s16 =	sshll.u32 s15, $0x5;
	s17 =	sand.u32 $0x1, s15  }
0x2e: {  	s16 =	sadd.s32 s16, s7;
	p1 =	seq.s32 s17, $0x1  }
0x2f: {  	p2 =	sgt.s32 @!p1 s16, $0x59  }
0x30: {  	p2 =	por p2, p1  }
0x31: {  	s18 =	smul.u32 @!p2 $0xC800, s16  }
0x32: {  	p3 =	sgt.s32 s16, $0x59  }
0x33: {  	p3 =	por !p1, p3;
	s19 =	smul.u32 @!p2 $0x190, s16;
	s18 =	sshrl.u32 @!p2 s18, $0x3  }
0x34: {  	s20 =	simm.s32 @!p2 $0x0;
	s21 =	simm.s32 @!p2 $0xC800;
	s18 =	sadd.s32 @!p2 s1, s18  }
0x35: {  	[tilespmem:s21], [sflag:$0x2] =	stream.linear.gather @!p2 [hbm4b:s18+s20], $0xC800, $0x38;
	[tilespmem:$0x19B80] =	vst v63  }
0x36: {  	s18 =	sshrl.u32 @!p2 s19, $0x3;
	s21 =	smul.u32 @!p3 $0xC800, s16  }
0x37: {  	s19 =	simm.s32 @!p2 $0x19190;
	s16 =	smul.u32 @!p3 $0x190, s16;
	s18 =	sadd.s32 @!p2 s3, s18  }
0x38: {  	[tilespmem:s19], [sflag:$0x2] =	stream.linear.gather @!p2 [hbm4b:s18+s20], $0x190, $0x38;
	[tilespmem:$0x19B80] =	vst v63  }
0x39: {  	s18 =	sshrl.u32 @!p3 s21, $0x3  }
0x3a: {  	s19 =	simm.s32 @!p3 $0x0;
	s16 =	sshrl.u32 @!p3 s16, $0x3;
	s18 =	sadd.s32 @!p3 s1, s18  }
0x3b: {  	[tilespmem:s19], [sflag:$0x1] =	stream.linear.gather @!p3 [hbm4b:s18+s19], $0xC800, $0x38;
	[tilespmem:$0x19B80] =	vst v63  }
0x3c: {  	p2 =	sne.s32 s17, $0x0;
	s16 =	sadd.s32 @!p3 s3, s16;
	s18 =	simm.s32 @!p3 $0x19000  }
0x3d: {  	[tilespmem:s18], [sflag:$0x1] =	stream.linear.gather @!p3 [hbm4b:s16+s19], $0x190, $0x38;
	[tilespmem:$0x19B80] =	vst v63  }
0x3e: {  	s16 =	simm.s32 @!p2 $0x1  }
0x3f: {  	_ =	swait.ge @!p2 [sflag:s16], $0xC800  }
0x40: {  	[sflag:s16] =	ssyncset.done @!p2 $0x0  }
0x41: {  	[sflag:s16] =	ssyncadd.s32 @!p2 $0xFFFF3800  }
0x42: {  	_ =	swait.ge @!p2 [sflag:s16], $0x190  }
0x43: {  	[sflag:s16] =	ssyncset.done @!p2 $0x0  }
0x44: {  	s18 =	simm.s32 @p1 $0x2;
	[sflag:s16] =	ssyncadd.s32 @!p2 $0xFFFFFE70  }
0x45: {  	_ =	swait.ge @p1 [sflag:s18], $0xC800  }
0x46: {  	[sflag:s18] =	ssyncset.done @p1 $0x0  }
0x47: {  	[sflag:s18] =	ssyncadd.s32 @p1 $0xFFFF3800  }
0x48: {  	_ =	swait.ge @p1 [sflag:s18], $0x190  }
0x49: {  	s16 =	smul.u32 $0x190, s17;
	[sflag:s18] =	ssyncset.done @p1 $0x0  }
0x4a: {  	[sflag:s18] =	ssyncadd.s32 @p1 $0xFFFFFE70  }
0x4b: {  	v2 =	vld [tilespmem:s16+$0x19000]  }
0x4c: {  	v10 =	vld [tilespmem:s16+$0x19180];
	_ =	sdelay $0x4  }
0x4d: {  	vm0 =	veq.s32 v2, v10;
	v10 =	vimm.f32 $0.0e+00  }
0x4e: {  	v12 =	vsel vm0, $0x3F800000, v10  }
0x4f: {  	(xrf0) =	vmin.scan.msk.f32 $0xffff, v12;
	_ =	sdelay $0x5  }
0x50: {  	v12, _, _ =	vpop (xrf0)  }
0x51: {  	(v2sf) =	vpush v12, $0xF;
	_ =	sdelay $0xe  }
0x52: {  	s31 =	spop (v2sf)  }
0x53: {  	p1 =	sgt.f32 s31, $0.0e+00  }
.Ltmp5:
0x54: {  	s17 =	simm.s32 $0x1;
	(pc) =	sbr.rel @p1 .LBB2_8-.Ltmp5, $3  }
0x55: {  	s17 =	simm.s32 @!p0 $0x0  }
0x56: {  	s17 =	smul.u32 $0x32000, s17;
	_ =	sdelay $0x1  }
0x57: {  	s17 =	sshrl.u32 s17, $0x2  }
.Ltmp6:
0x58: {  	(pc) =	sbr.rel .LBB2_6-.Ltmp6, $2  }
0x59: {  	_ =	sdelay $0x2  }
0x5a: {  	s17 =	sor.u32 $0x40, s17;
	v10 =	vmov s16;
	s18 =	simm.s32 $0x0  }
.LBB2_7:
0x5b: {  	s19 =	sshll.u32 s20, $0x7  }
0x5c: {  	s19 =	sand.u32 $0x3FFFFF80, s19  }
0x5d: {  	v2 =	vld [tilespmem:s19+$0x0]  }
0x5e: {  	v12 =	vld [tilespmem:s19+$0x80]  }
0x5f: {  	v13 =	vld [tilespmem:s19+$0x100]  }
0x60: {  	v14 =	vld [tilespmem:s19+$0x180]  }
0x61: {  	v15 =	vld [tilespmem:s19+$0x200]  }
0x62: {  	v16 =	vld [tilespmem:s19+$0x280]  }
0x63: {  	v17 =	vld [tilespmem:s19+$0x300]  }
0x64: {  	v18 =	vld [tilespmem:s19+$0x380]  }
0x65: {  	v19 =	vld [tilespmem:s19+$0x400]  }
0x66: {  	v20 =	vld [tilespmem:s19+$0x480]  }
0x67: {  	v21 =	vld [tilespmem:s19+$0x500]  }
0x68: {  	v22 =	vld [tilespmem:s19+$0x580]  }
0x69: {  	v23 =	vld [tilespmem:s19+$0x600]  }
0x6a: {  	v24 =	vld [tilespmem:s19+$0x680]  }
0x6b: {  	v25 =	vld [tilespmem:s19+$0x700]  }
0x6c: {  	v26 =	vld [tilespmem:s19+$0x780];
	_ =	sdelay $0x1  }
0x6d: {  	v2 =	vadd.f32 v12, v2;
	v36 =	vadd.f32 v14, v13  }
0x6e: {  	v37 =	vadd.f32 v16, v15;
	v38 =	vadd.f32 v18, v17  }
0x6f: {  	v39 =	vadd.f32 v20, v19;
	v40 =	vadd.f32 v22, v21  }
0x70: {  	v41 =	vadd.f32 v24, v23;
	v42 =	vadd.f32 v26, v25  }
0x71: {  	v2 =	vadd.f32 v36, v2;
	v43 =	vadd.f32 v38, v37  }
0x72: {  	v11 =	vshll.u32 v11, $0x7;
	v44 =	vadd.f32 v40, v39;
	v45 =	vadd.f32 v42, v41  }
0x73: {  	v46 =	vor.u32 v0, v11  }
0x74: {  	v2 =	vadd.f32 v43, v2;
	v47 =	vadd.f32 v45, v44;
	_ =	sdelay $0x1  }
0x75: {  	v2 =	vadd.f32 v47, v2;
	_ =	sdelay $0x1  }
0x76: {  	[tilespmem:v46+s12+$0x0] =	vst.idx.add.f32.msk $0xffff, v2  }
0x77: {  	v2 =	vld [tilespmem:s19+$0x10]  }
0x78: {  	v48 =	vld [tilespmem:s19+$0x90]  }
0x79: {  	v49 =	vld [tilespmem:s19+$0x110]  }
0x7a: {  	v50 =	vld [tilespmem:s19+$0x190]  }
0x7b: {  	v15 =	vld [tilespmem:s19+$0x210]  }
0x7c: {  	v51 =	vld [tilespmem:s19+$0x290]  }
0x7d: {  	v52 =	vld [tilespmem:s19+$0x310]  }
0x7e: {  	v53 =	vld [tilespmem:s19+$0x390]  }
0x7f: {  	v54 =	vld [tilespmem:s19+$0x410]  }
0x80: {  	v55 =	vld [tilespmem:s19+$0x490]  }
0x81: {  	v56 =	vld [tilespmem:s19+$0x510]  }
0x82: {  	v57 =	vld [tilespmem:s19+$0x590]  }
0x83: {  	v58 =	vld [tilespmem:s19+$0x610]  }
0x84: {  	v24 =	vld [tilespmem:s19+$0x690]  }
0x85: {  	v25 =	vld [tilespmem:s19+$0x710]  }
0x86: {  	v26 =	vld [tilespmem:s19+$0x790];
	_ =	sdelay $0x1  }
0x87: {  	v2 =	vadd.f32 v48, v2;
	v59 =	vadd.f32 v50, v49  }
0x88: {  	v60 =	vadd.f32 v51, v15;
	v61 =	vadd.f32 v53, v52  }
0x89: {  	v62 =	vadd.f32 v55, v54;
	v63 =	vadd.f32 v57, v56  }
0x8a: {  	v21 =	vadd.f32 v24, v58;
	v22 =	vadd.f32 v26, v25  }
0x8b: {  	v2 =	vadd.f32 v59, v2;
	v23 =	vadd.f32 v61, v60  }
0x8c: {  	v30 =	vadd.f32 v63, v62;
	v31 =	vadd.f32 v22, v21  }
0x8d: {  	v32 =	vor.u32 v3, v11  }
0x8e: {  	v2 =	vadd.f32 v23, v2;
	v33 =	vadd.f32 v31, v30;
	_ =	sdelay $0x1  }
0x8f: {  	v2 =	vadd.f32 v33, v2;
	_ =	sdelay $0x1  }
0x90: {  	[tilespmem:v32+s12+$0x0] =	vst.idx.add.f32.msk $0xffff, v2  }
0x91: {  	v2 =	vld [tilespmem:s19+$0x20]  }
0x92: {  	v34 =	vld [tilespmem:s19+$0xA0]  }
0x93: {  	v35 =	vld [tilespmem:s19+$0x120]  }
0x94: {  	v36 =	vld [tilespmem:s19+$0x1A0]  }
0x95: {  	v15 =	vld [tilespmem:s19+$0x220]  }
0x96: {  	v37 =	vld [tilespmem:s19+$0x2A0]  }
0x97: {  	v38 =	vld [tilespmem:s19+$0x320]  }
0x98: {  	v39 =	vld [tilespmem:s19+$0x3A0]  }
0x99: {  	v40 =	vld [tilespmem:s19+$0x420]  }
0x9a: {  	v41 =	vld [tilespmem:s19+$0x4A0]  }
0x9b: {  	v42 =	vld [tilespmem:s19+$0x520]  }
0x9c: {  	v43 =	vld [tilespmem:s19+$0x5A0]  }
0x9d: {  	v44 =	vld [tilespmem:s19+$0x620]  }
0x9e: {  	v24 =	vld [tilespmem:s19+$0x6A0]  }
0x9f: {  	v25 =	vld [tilespmem:s19+$0x720]  }
0xa0: {  	v26 =	vld [tilespmem:s19+$0x7A0];
	_ =	sdelay $0x1  }
0xa1: {  	v2 =	vadd.f32 v34, v2;
	v45 =	vadd.f32 v36, v35  }
0xa2: {  	v46 =	vadd.f32 v37, v15;
	v47 =	vadd.f32 v39, v38  }
0xa3: {  	v48 =	vadd.f32 v41, v40;
	v49 =	vadd.f32 v43, v42  }
0xa4: {  	v50 =	vadd.f32 v24, v44;
	v51 =	vadd.f32 v26, v25  }
0xa5: {  	v2 =	vadd.f32 v45, v2;
	v52 =	vadd.f32 v47, v46  }
0xa6: {  	v53 =	vadd.f32 v49, v48;
	v54 =	vadd.f32 v51, v50  }
0xa7: {  	v55 =	vor.u32 v4, v11  }
0xa8: {  	v2 =	vadd.f32 v52, v2;
	v56 =	vadd.f32 v54, v53;
	_ =	sdelay $0x1  }
0xa9: {  	v2 =	vadd.f32 v56, v2;
	_ =	sdelay $0x1  }
0xaa: {  	[tilespmem:v55+s12+$0x0] =	vst.idx.add.f32.msk $0xffff, v2  }
0xab: {  	v2 =	vld [tilespmem:s19+$0x30]  }
0xac: {  	v57 =	vld [tilespmem:s19+$0xB0]  }
0xad: {  	v58 =	vld [tilespmem:s19+$0x130]  }
0xae: {  	v59 =	vld [tilespmem:s19+$0x1B0]  }
0xaf: {  	v15 =	vld [tilespmem:s19+$0x230]  }
0xb0: {  	v60 =	vld [tilespmem:s19+$0x2B0]  }
0xb1: {  	v61 =	vld [tilespmem:s19+$0x330]  }
0xb2: {  	v62 =	vld [tilespmem:s19+$0x3B0]  }
0xb3: {  	v63 =	vld [tilespmem:s19+$0x430]  }
0xb4: {  	v30 =	vld [tilespmem:s19+$0x4B0]  }
0xb5: {  	v31 =	vld [tilespmem:s19+$0x530]  }
0xb6: {  	v32 =	vld [tilespmem:s19+$0x5B0]  }
0xb7: {  	v33 =	vld [tilespmem:s19+$0x630]  }
0xb8: {  	v24 =	vld [tilespmem:s19+$0x6B0]  }
0xb9: {  	v25 =	vld [tilespmem:s19+$0x730]  }
0xba: {  	v26 =	vld [tilespmem:s19+$0x7B0];
	_ =	sdelay $0x1  }
0xbb: {  	v2 =	vadd.f32 v57, v2;
	v34 =	vadd.f32 v59, v58  }
0xbc: {  	v35 =	vadd.f32 v60, v15;
	v36 =	vadd.f32 v62, v61  }
0xbd: {  	v37 =	vadd.f32 v30, v63;
	v38 =	vadd.f32 v32, v31  }
0xbe: {  	v39 =	vadd.f32 v24, v33;
	v40 =	vadd.f32 v26, v25  }
0xbf: {  	v2 =	vadd.f32 v34, v2;
	v41 =	vadd.f32 v36, v35  }
0xc0: {  	v42 =	vadd.f32 v38, v37;
	v43 =	vadd.f32 v40, v39  }
0xc1: {  	v44 =	vor.u32 v5, v11  }
0xc2: {  	v2 =	vadd.f32 v41, v2;
	v45 =	vadd.f32 v43, v42;
	_ =	sdelay $0x1  }
0xc3: {  	v2 =	vadd.f32 v45, v2;
	_ =	sdelay $0x1  }
0xc4: {  	[tilespmem:v44+s12+$0x0] =	vst.idx.add.f32.msk $0xffff, v2  }
0xc5: {  	v2 =	vld [tilespmem:s19+$0x40]  }
0xc6: {  	v46 =	vld [tilespmem:s19+$0xC0]  }
0xc7: {  	v47 =	vld [tilespmem:s19+$0x140]  }
0xc8: {  	v48 =	vld [tilespmem:s19+$0x1C0]  }
0xc9: {  	v15 =	vld [tilespmem:s19+$0x240]  }
0xca: {  	v49 =	vld [tilespmem:s19+$0x2C0]  }
0xcb: {  	v50 =	vld [tilespmem:s19+$0x340]  }
0xcc: {  	v51 =	vld [tilespmem:s19+$0x3C0]  }
0xcd: {  	v52 =	vld [tilespmem:s19+$0x440]  }
0xce: {  	v53 =	vld [tilespmem:s19+$0x4C0]  }
0xcf: {  	v54 =	vld [tilespmem:s19+$0x540]  }
0xd0: {  	v55 =	vld [tilespmem:s19+$0x5C0]  }
0xd1: {  	v56 =	vld [tilespmem:s19+$0x640]  }
0xd2: {  	v24 =	vld [tilespmem:s19+$0x6C0]  }
0xd3: {  	v25 =	vld [tilespmem:s19+$0x740]  }
0xd4: {  	v26 =	vld [tilespmem:s19+$0x7C0];
	_ =	sdelay $0x1  }
0xd5: {  	v2 =	vadd.f32 v46, v2;
	v57 =	vadd.f32 v48, v47  }
0xd6: {  	v58 =	vadd.f32 v49, v15;
	v59 =	vadd.f32 v51, v50  }
0xd7: {  	v60 =	vadd.f32 v53, v52;
	v61 =	vadd.f32 v55, v54  }
0xd8: {  	v62 =	vadd.f32 v24, v56;
	v63 =	vadd.f32 v26, v25  }
0xd9: {  	v2 =	vadd.f32 v57, v2;
	v19 =	vadd.f32 v59, v58  }
0xda: {  	v20 =	vadd.f32 v61, v60;
	v21 =	vadd.f32 v63, v62  }
0xdb: {  	v22 =	vor.u32 v6, v11  }
0xdc: {  	v2 =	vadd.f32 v19, v2;
	v23 =	vadd.f32 v21, v20;
	_ =	sdelay $0x1  }
0xdd: {  	v2 =	vadd.f32 v23, v2;
	_ =	sdelay $0x1  }
0xde: {  	[tilespmem:v22+s12+$0x0] =	vst.idx.add.f32.msk $0xffff, v2  }
0xdf: {  	v2 =	vld [tilespmem:s19+$0x50]  }
0xe0: {  	v30 =	vld [tilespmem:s19+$0xD0]  }
0xe1: {  	v31 =	vld [tilespmem:s19+$0x150]  }
0xe2: {  	v32 =	vld [tilespmem:s19+$0x1D0]  }
0xe3: {  	v15 =	vld [tilespmem:s19+$0x250]  }
0xe4: {  	v33 =	vld [tilespmem:s19+$0x2D0]  }
0xe5: {  	v34 =	vld [tilespmem:s19+$0x350]  }
0xe6: {  	v35 =	vld [tilespmem:s19+$0x3D0]  }
0xe7: {  	v36 =	vld [tilespmem:s19+$0x450]  }
0xe8: {  	v37 =	vld [tilespmem:s19+$0x4D0]  }
0xe9: {  	v38 =	vld [tilespmem:s19+$0x550]  }
0xea: {  	v39 =	vld [tilespmem:s19+$0x5D0]  }
0xeb: {  	v40 =	vld [tilespmem:s19+$0x650]  }
0xec: {  	v24 =	vld [tilespmem:s19+$0x6D0]  }
0xed: {  	v25 =	vld [tilespmem:s19+$0x750]  }
0xee: {  	v26 =	vld [tilespmem:s19+$0x7D0];
	_ =	sdelay $0x1  }
0xef: {  	v2 =	vadd.f32 v30, v2;
	v41 =	vadd.f32 v32, v31  }
0xf0: {  	v42 =	vadd.f32 v33, v15;
	v43 =	vadd.f32 v35, v34  }
0xf1: {  	v44 =	vadd.f32 v37, v36;
	v45 =	vadd.f32 v39, v38  }
0xf2: {  	v46 =	vadd.f32 v24, v40;
	v47 =	vadd.f32 v26, v25  }
0xf3: {  	v2 =	vadd.f32 v41, v2;
	v48 =	vadd.f32 v43, v42  }
0xf4: {  	v49 =	vadd.f32 v45, v44;
	v50 =	vadd.f32 v47, v46  }
0xf5: {  	v51 =	vor.u32 v7, v11  }
0xf6: {  	v2 =	vadd.f32 v48, v2;
	v52 =	vadd.f32 v50, v49;
	_ =	sdelay $0x1  }
0xf7: {  	v2 =	vadd.f32 v52, v2;
	_ =	sdelay $0x1  }
0xf8: {  	[tilespmem:v51+s12+$0x0] =	vst.idx.add.f32.msk $0xffff, v2  }
0xf9: {  	v2 =	vld [tilespmem:s19+$0x60]  }
0xfa: {  	v53 =	vld [tilespmem:s19+$0xE0]  }
0xfb: {  	v54 =	vld [tilespmem:s19+$0x160]  }
0xfc: {  	v55 =	vld [tilespmem:s19+$0x1E0]  }
0xfd: {  	v15 =	vld [tilespmem:s19+$0x260]  }
0xfe: {  	v56 =	vld [tilespmem:s19+$0x2E0]  }
0xff: {  	v57 =	vld [tilespmem:s19+$0x360]  }
0x100: {  	v58 =	vld [tilespmem:s19+$0x3E0]  }
0x101: {  	v59 =	vld [tilespmem:s19+$0x460]  }
0x102: {  	v60 =	vld [tilespmem:s19+$0x4E0]  }
0x103: {  	v61 =	vld [tilespmem:s19+$0x560]  }
0x104: {  	v62 =	vld [tilespmem:s19+$0x5E0]  }
0x105: {  	v63 =	vld [tilespmem:s19+$0x660]  }
0x106: {  	v24 =	vld [tilespmem:s19+$0x6E0]  }
0x107: {  	v25 =	vld [tilespmem:s19+$0x760]  }
0x108: {  	v26 =	vld [tilespmem:s19+$0x7E0];
	_ =	sdelay $0x1  }
0x109: {  	v2 =	vadd.f32 v53, v2;
	v30 =	vadd.f32 v55, v54  }
0x10a: {  	v31 =	vadd.f32 v56, v15;
	v32 =	vadd.f32 v58, v57  }
0x10b: {  	v33 =	vadd.f32 v60, v59;
	v34 =	vadd.f32 v62, v61  }
0x10c: {  	v35 =	vadd.f32 v24, v63;
	v36 =	vadd.f32 v26, v25  }
0x10d: {  	v2 =	vadd.f32 v30, v2;
	v37 =	vadd.f32 v32, v31  }
0x10e: {  	v38 =	vadd.f32 v34, v33;
	v39 =	vadd.f32 v36, v35  }
0x10f: {  	v40 =	vor.u32 v8, v11  }
0x110: {  	v2 =	vadd.f32 v37, v2;
	v41 =	vadd.f32 v39, v38;
	_ =	sdelay $0x1  }
0x111: {  	v2 =	vadd.f32 v41, v2;
	_ =	sdelay $0x1  }
0x112: {  	[tilespmem:v40+s12+$0x0] =	vst.idx.add.f32.msk $0xffff, v2  }
0x113: {  	v2 =	vld [tilespmem:s19+$0x70]  }
0x114: {  	v42 =	vld [tilespmem:s19+$0xF0]  }
0x115: {  	v43 =	vld [tilespmem:s19+$0x170]  }
0x116: {  	v44 =	vld [tilespmem:s19+$0x1F0]  }
0x117: {  	v15 =	vld [tilespmem:s19+$0x270]  }
0x118: {  	v45 =	vld [tilespmem:s19+$0x2F0]  }
0x119: {  	v46 =	vld [tilespmem:s19+$0x370]  }
0x11a: {  	v47 =	vld [tilespmem:s19+$0x3F0]  }
0x11b: {  	v48 =	vld [tilespmem:s19+$0x470]  }
0x11c: {  	v49 =	vld [tilespmem:s19+$0x4F0]  }
0x11d: {  	v50 =	vld [tilespmem:s19+$0x570]  }
0x11e: {  	v51 =	vld [tilespmem:s19+$0x5F0]  }
0x11f: {  	v52 =	vld [tilespmem:s19+$0x670]  }
0x120: {  	v24 =	vld [tilespmem:s19+$0x6F0]  }
0x121: {  	v25 =	vld [tilespmem:s19+$0x770]  }
0x122: {  	v26 =	vld [tilespmem:s19+$0x7F0];
	_ =	sdelay $0x1  }
0x123: {  	v2 =	vadd.f32 v42, v2;
	v53 =	vadd.f32 v44, v43  }
0x124: {  	v54 =	vadd.f32 v45, v15;
	v55 =	vadd.f32 v47, v46  }
0x125: {  	v56 =	vadd.f32 v49, v48;
	v57 =	vadd.f32 v51, v50  }
0x126: {  	v58 =	vadd.f32 v24, v52;
	v59 =	vadd.f32 v26, v25  }
0x127: {  	v2 =	vadd.f32 v53, v2;
	v60 =	vadd.f32 v55, v54  }
0x128: {  	v61 =	vadd.f32 v57, v56;
	v62 =	vadd.f32 v59, v58  }
0x129: {  	v11 =	vor.u32 v9, v11  }
0x12a: {  	v2 =	vadd.f32 v60, v2;
	v63 =	vadd.f32 v62, v61;
	_ =	sdelay $0x1  }
0x12b: {  	v2 =	vadd.f32 v63, v2;
	_ =	sdelay $0x1  }
0x12c: {  	[tilespmem:v11+s12+$0x0] =	vst.idx.add.f32.msk $0xffff, v2  }
.LBB2_14:
0x12d: {  	s18 =	sadd.s32 $0x1, s18  }
0x12e: {  	p1 =	sne.s32 s18, $0x19  }
.Ltmp7:
0x12f: {  	_ = 	snop;
	(pc) =	sbr.rel @!p1 .LBB2_15-.Ltmp7, $2  }
0x130: {  	_ =	sdelay $0x2  }
0x131: {  	s17 =	sadd.s32 $0x800, s17  }
.LBB2_6:
0x132: {  	_ =	sdelay $0x2  }
0x133: {  	s19 =	sshll.u32 s18, $0x4  }
0x134: {  	v11 =	vld.idx.msk [tilespmem:v10+s19+$0x19000 ss:$0x1], $0xffff;
	_ =	sdelay $0x4  }
0x135: {  	v2 =	vperm.xlane v11, v27;
	_ =	sdelay $0x1  }
0x136: {  	vm0 =	veq.s32 v11, v2  }
0x137: {  	v2 =	vsel vm0, $0x3F800000, v1  }
0x138: {  	(xrf0) =	vmin.scan.msk.f32 $0xffff, v2;
	_ =	sdelay $0x5  }
0x139: {  	v2, _, _ =	vpop (xrf0)  }
0x13a: {  	(v2sf) =	vpush v2, $0xF;
	_ =	sdelay $0xe  }
0x13b: {  	s20 =	spop (v2sf)  }
0x13c: {  	p1 =	sgt.f32 s20, $0.0e+00  }
.Ltmp8:
0x13d: {  	_ = 	snop;
	(pc) =	sbr.rel @p1 .LBB2_7-.Ltmp8, $2  }
0x13e: {  	_ =	sdelay $0x2  }
0x13f: {  	s20 =	sadd.s32 s16, s19;
	s19 =	simm.s32 $0x0  }
0x140: {  	v2 =	vmov s19  }
0x141: {  	v2 =	vperm.xlane v11, v2;
	_ =	sdelay $0x1  }
0x142: {  	v2 =	vshll.u32 v2, $0x7  }
0x143: {  	v12 =	vld [tilespmem:s17+$0xFFFFFFC0];
	v13 =	vor.u32 v0, v2;
	_ =	sdelay $0x4  }
0x144: {  	[tilespmem:v13+s12+$0x0] =	vst.idx.add.f32.msk $0xffff, v12  }
0x145: {  	v13 =	vor.u32 v3, v2;
	v12 =	vld [tilespmem:s17+$0xFFFFFFD0];
	_ =	sdelay $0x4  }
0x146: {  	[tilespmem:v13+s12+$0x0] =	vst.idx.add.f32.msk $0xffff, v12  }
0x147: {  	v13 =	vor.u32 v4, v2;
	v12 =	vld [tilespmem:s17+$0xFFFFFFE0];
	_ =	sdelay $0x4  }
0x148: {  	[tilespmem:v13+s12+$0x0] =	vst.idx.add.f32.msk $0xffff, v12  }
0x149: {  	v13 =	vor.u32 v5, v2;
	v12 =	vld [tilespmem:s17+$0xFFFFFFF0];
	_ =	sdelay $0x4  }
0x14a: {  	[tilespmem:v13+s12+$0x0] =	vst.idx.add.f32.msk $0xffff, v12  }
0x14b: {  	v13 =	vor.u32 v6, v2;
	v12 =	vld [tilespmem:s17+$0x0];
	_ =	sdelay $0x4  }
0x14c: {  	[tilespmem:v13+s12+$0x0] =	vst.idx.add.f32.msk $0xffff, v12  }
0x14d: {  	v13 =	vor.u32 v7, v2;
	v12 =	vld [tilespmem:s17+$0x10];
	_ =	sdelay $0x4  }
0x14e: {  	[tilespmem:v13+s12+$0x0] =	vst.idx.add.f32.msk $0xffff, v12  }
0x14f: {  	v13 =	vor.u32 v8, v2;
	v12 =	vld [tilespmem:s17+$0x20];
	_ =	sdelay $0x4  }
0x150: {  	[tilespmem:v13+s12+$0x0] =	vst.idx.add.f32.msk $0xffff, v12  }
0x151: {  	v13 =	vor.u32 v9, v2;
	v12 =	vld [tilespmem:s17+$0x30]  }
0x152: {  	s31 =	sadd.s32 $0x1, s19  }
0x153: {  	s19 =	smov.u32 s17;
	v14 =	vmov s31;
	s20 =	sadd.s32 $0x1, s31  }
.LBB2_12:
0x154: {  	p1 =	sne.s32 s20, $0xF;
	v2 =	vperm.xlane v11, v14;
	_ =	sdelay $0x1  }
0x155: {  	s19 =	sadd.s32 $0x80, s19;
	v2 =	vshll.u32 v2, $0x7;
	[tilespmem:v13+s12+$0x0] =	vst.idx.add.f32.msk $0xffff, v12  }
0x156: {  	v12 =	vld [tilespmem:s19+$0xFFFFFFC0];
	v13 =	vor.u32 v0, v2;
	_ =	sdelay $0x4  }
0x157: {  	[tilespmem:v13+s12+$0x0] =	vst.idx.add.f32.msk $0xffff, v12  }
0x158: {  	v13 =	vor.u32 v3, v2;
	v12 =	vld [tilespmem:s19+$0xFFFFFFD0];
	_ =	sdelay $0x4  }
0x159: {  	[tilespmem:v13+s12+$0x0] =	vst.idx.add.f32.msk $0xffff, v12  }
0x15a: {  	v13 =	vor.u32 v4, v2;
	v12 =	vld [tilespmem:s19+$0xFFFFFFE0];
	_ =	sdelay $0x4  }
0x15b: {  	[tilespmem:v13+s12+$0x0] =	vst.idx.add.f32.msk $0xffff, v12  }
0x15c: {  	v13 =	vor.u32 v5, v2;
	v12 =	vld [tilespmem:s19+$0xFFFFFFF0];
	_ =	sdelay $0x4  }
0x15d: {  	[tilespmem:v13+s12+$0x0] =	vst.idx.add.f32.msk $0xffff, v12  }
0x15e: {  	v13 =	vor.u32 v6, v2;
	v12 =	vld [tilespmem:s19+$0x0];
	_ =	sdelay $0x4  }
0x15f: {  	[tilespmem:v13+s12+$0x0] =	vst.idx.add.f32.msk $0xffff, v12  }
0x160: {  	v13 =	vor.u32 v7, v2;
	v12 =	vld [tilespmem:s19+$0x10];
	_ =	sdelay $0x4  }
0x161: {  	[tilespmem:v13+s12+$0x0] =	vst.idx.add.f32.msk $0xffff, v12  }
0x162: {  	v13 =	vor.u32 v8, v2;
	v12 =	vld [tilespmem:s19+$0x20];
	_ =	sdelay $0x3  }
.Ltmp9:
0x163: {  	(pc) =	sbr.rel @p1 .LBB2_12-.Ltmp9, $3  }
0x164: {  	[tilespmem:v13+s12+$0x0] =	vst.idx.add.f32.msk $0xffff, v12  }
0x165: {  	v13 =	vor.u32 v9, v2;
	v12 =	vld [tilespmem:s19+$0x30];
	_ =	sdelay $0x1  }
0x166: {  	v14 =	vmov s20;
	s20 =	sadd.s32 $0x1, s20  }
0x167: {  	_ =	sdelay $0x1  }
0x168: {  	v2 =	vperm.xlane v11, v14;
	_ =	sdelay $0x1  }
0x169: {  	s19 =	sadd.s32 $0x80, s19;
	v2 =	vshll.u32 v2, $0x7;
	[tilespmem:v13+s12+$0x0] =	vst.idx.add.f32.msk $0xffff, v12  }
0x16a: {  	v11 =	vld [tilespmem:s19+$0xFFFFFFC0];
	v57 =	vor.u32 v0, v2;
	_ =	sdelay $0x4  }
0x16b: {  	[tilespmem:v57+s12+$0x0] =	vst.idx.add.f32.msk $0xffff, v11  }
0x16c: {  	v58 =	vor.u32 v3, v2;
	v11 =	vld [tilespmem:s19+$0xFFFFFFD0];
	_ =	sdelay $0x4  }
0x16d: {  	[tilespmem:v58+s12+$0x0] =	vst.idx.add.f32.msk $0xffff, v11  }
0x16e: {  	v59 =	vor.u32 v4, v2;
	v11 =	vld [tilespmem:s19+$0xFFFFFFE0];
	_ =	sdelay $0x4  }
0x16f: {  	[tilespmem:v59+s12+$0x0] =	vst.idx.add.f32.msk $0xffff, v11  }
0x170: {  	v60 =	vor.u32 v5, v2;
	v11 =	vld [tilespmem:s19+$0xFFFFFFF0];
	_ =	sdelay $0x4  }
0x171: {  	[tilespmem:v60+s12+$0x0] =	vst.idx.add.f32.msk $0xffff, v11  }
0x172: {  	v61 =	vor.u32 v6, v2;
	v11 =	vld [tilespmem:s19+$0x0];
	_ =	sdelay $0x4  }
0x173: {  	[tilespmem:v61+s12+$0x0] =	vst.idx.add.f32.msk $0xffff, v11  }
0x174: {  	v62 =	vor.u32 v7, v2;
	v11 =	vld [tilespmem:s19+$0x10];
	_ =	sdelay $0x4  }
0x175: {  	[tilespmem:v62+s12+$0x0] =	vst.idx.add.f32.msk $0xffff, v11  }
0x176: {  	v63 =	vor.u32 v8, v2;
	v11 =	vld [tilespmem:s19+$0x20];
	_ =	sdelay $0x4  }
0x177: {  	[tilespmem:v63+s12+$0x0] =	vst.idx.add.f32.msk $0xffff, v11  }
0x178: {  	v2 =	vor.u32 v9, v2;
	v11 =	vld [tilespmem:s19+$0x30]  }
.Ltmp10:
0x179: {  	_ = 	snop;
	(pc) =	sbr.rel .LBB2_14-.Ltmp10, $2  }
0x17a: {  	_ =	sdelay $0x2  }
0x17b: {  	[tilespmem:v2+s12+$0x0] =	vst.idx.add.f32.msk $0xffff, v11  }
.LBB2_8:
0x17c: {  	s16 =	sor.u32 $0x400, s17  }
0x17d: {  	v14 =	vmov s16;
	_ =	sdelay $0x3  }
0x17e: {  	s16 =	simm.s32 $0x0  }
0x17f: {  	v20 =	vld.idx.msk [tilespmem:v14+s16+$0xFFFFFC70 ss:$0x1], $0xffff  }
0x180: {  	v21 =	vld.idx.msk [tilespmem:v14+s16+$0xFFFFFCF0 ss:$0x1], $0xffff  }
0x181: {  	v22 =	vld.idx.msk [tilespmem:v14+s16+$0xFFFFFD70 ss:$0x1], $0xffff  }
0x182: {  	v23 =	vld.idx.msk [tilespmem:v14+s16+$0xFFFFFDF0 ss:$0x1], $0xffff  }
0x183: {  	v24 =	vld.idx.msk [tilespmem:v14+s16+$0xFFFFFE70 ss:$0x1], $0xffff  }
0x184: {  	v25 =	vld.idx.msk [tilespmem:v14+s16+$0xFFFFFEF0 ss:$0x1], $0xffff  }
0x185: {  	v26 =	vld.idx.msk [tilespmem:v14+s16+$0xFFFFFF70 ss:$0x1], $0xffff  }
0x186: {  	v27 =	vld.idx.msk [tilespmem:v14+s16+$0xFFFFFFF0 ss:$0x1], $0xffff  }
0x187: {  	v28 =	vld.idx.msk [tilespmem:v14+s16+$0x70 ss:$0x1], $0xffff  }
0x188: {  	v29 =	vld.idx.msk [tilespmem:v14+s16+$0xF0 ss:$0x1], $0xffff  }
0x189: {  	v30 =	vld.idx.msk [tilespmem:v14+s16+$0x170 ss:$0x1], $0xffff  }
0x18a: {  	v31 =	vld.idx.msk [tilespmem:v14+s16+$0x1F0 ss:$0x1], $0xffff  }
0x18b: {  	v19 =	vimm.f32 $0.0e+00;
	v32 =	vld.idx.msk [tilespmem:v14+s16+$0x270 ss:$0x1], $0xffff  }
0x18c: {  	v18 =	vimm.f32 $0.0e+00;
	v17 =	vimm.f32 $0.0e+00;
	v16 =	vimm.f32 $0.0e+00;
	v33 =	vld.idx.msk [tilespmem:v14+s16+$0x2F0 ss:$0x1], $0xffff  }
0x18d: {  	[tilespmem:$0x1FFF0] =	vst v2;
	s17 =	simm.s32 $0x2000;
	v15 =	vimm.f32 $0.0e+00;
	v13 =	vimm.f32 $0.0e+00;
	v12 =	vimm.f32 $0.0e+00;
	v34 =	vld.idx.msk [tilespmem:v14+s16+$0x370 ss:$0x1], $0xffff  }
.LBB2_9:
0x18e: {  	p1 =	sne.s32 s17, $0x30000;
	v35 =	vld.idx.msk [tilespmem:v14+s16+$0x3F0 ss:$0x1], $0xffff  }
0x18f: {  	v36 =	vld.idx.msk [tilespmem:v14+s16+$0xFFFFFC00 ss:$0x1], $0xffff  }
0x190: {  	v37 =	vld.idx.msk [tilespmem:v14+s16+$0xFFFFFC80 ss:$0x1], $0xffff  }
0x191: {  	v20 =	vadd.f32 v21, v20;
	v21 =	vadd.f32 v23, v22;
	v38 =	vld.idx.msk [tilespmem:v14+s16+$0xFFFFFD00 ss:$0x1], $0xffff  }
0x192: {  	v23 =	vadd.f32 v25, v24;
	v24 =	vadd.f32 v27, v26;
	v22 =	vld.idx.msk [tilespmem:v14+s16+$0xFFFFFD80 ss:$0x1], $0xffff  }
0x193: {  	v26 =	vadd.f32 v29, v28;
	v27 =	vadd.f32 v31, v30;
	v25 =	vld.idx.msk [tilespmem:v14+s16+$0xFFFFFE00 ss:$0x1], $0xffff  }
0x194: {  	v29 =	vadd.f32 v33, v32;
	v30 =	vadd.f32 v35, v34;
	v28 =	vld.idx.msk [tilespmem:v14+s16+$0xFFFFFE80 ss:$0x1], $0xffff  }
0x195: {  	v20 =	vadd.f32 v21, v20;
	v21 =	vadd.f32 v24, v23;
	v31 =	vld.idx.msk [tilespmem:v14+s16+$0xFFFFFF00 ss:$0x1], $0xffff  }
0x196: {  	v24 =	vadd.f32 v27, v26;
	v26 =	vadd.f32 v30, v29;
	v23 =	vld.idx.msk [tilespmem:v14+s16+$0xFFFFFF80 ss:$0x1], $0xffff  }
0x197: {  	v29 =	vadd.f32 v37, v36;
	v27 =	vld.idx.msk [tilespmem:v14+s16+$0x0 ss:$0x1], $0xffff  }
0x198: {  	v20 =	vadd.f32 v21, v20;
	v21 =	vadd.f32 v26, v24;
	v30 =	vld.idx.msk [tilespmem:v14+s16+$0x80 ss:$0x1], $0xffff  }
0x199: {  	v22 =	vadd.f32 v22, v38;
	v24 =	vld.idx.msk [tilespmem:v14+s16+$0x100 ss:$0x1], $0xffff  }
0x19a: {  	v25 =	vadd.f32 v28, v25;
	v20 =	vadd.f32 v21, v20;
	v26 =	vld.idx.msk [tilespmem:v14+s16+$0x180 ss:$0x1], $0xffff  }
0x19b: {  	v22 =	vadd.f32 v22, v29;
	v21 =	vld.idx.msk [tilespmem:v14+s16+$0x200 ss:$0x1], $0xffff  }
0x19c: {  	v23 =	vadd.f32 v23, v31;
	v10 =	vadd.f32 v20, v10;
	v28 =	vld.idx.msk [tilespmem:v14+s16+$0x280 ss:$0x1], $0xffff  }
0x19d: {  	v20 =	vld.idx.msk [tilespmem:v14+s16+$0x300 ss:$0x1], $0xffff  }
0x19e: {  	v27 =	vadd.f32 v30, v27;
	v23 =	vadd.f32 v23, v25;
	v29 =	vld.idx.msk [tilespmem:v14+s16+$0x380 ss:$0x1], $0xffff  }
0x19f: {  	v25 =	vld.idx.msk [tilespmem:v14+s16+$0xFFFFFC10 ss:$0x1], $0xffff  }
0x1a0: {  	v24 =	vadd.f32 v26, v24;
	v22 =	vadd.f32 v23, v22;
	v23 =	vld.idx.msk [tilespmem:v14+s16+$0xFFFFFC90 ss:$0x1], $0xffff  }
0x1a1: {  	v26 =	vld.idx.msk [tilespmem:v14+s16+$0xFFFFFD10 ss:$0x1], $0xffff  }
0x1a2: {  	v21 =	vadd.f32 v28, v21;
	v24 =	vadd.f32 v24, v27;
	v27 =	vld.idx.msk [tilespmem:v14+s16+$0xFFFFFD90 ss:$0x1], $0xffff  }
0x1a3: {  	v28 =	vld.idx.msk [tilespmem:v14+s16+$0xFFFFFE10 ss:$0x1], $0xffff  }
0x1a4: {  	v20 =	vadd.f32 v29, v20;
	v29 =	vld.idx.msk [tilespmem:v14+s16+$0xFFFFFE90 ss:$0x1], $0xffff  }
0x1a5: {  	v30 =	vld.idx.msk [tilespmem:v14+s16+$0xFFFFFF10 ss:$0x1], $0xffff  }
0x1a6: {  	v20 =	vadd.f32 v20, v21;
	v23 =	vadd.f32 v23, v25;
	v21 =	vld.idx.msk [tilespmem:v14+s16+$0xFFFFFF90 ss:$0x1], $0xffff  }
0x1a7: {  	v25 =	vld.idx.msk [tilespmem:v14+s16+$0x10 ss:$0x1], $0xffff  }
0x1a8: {  	v20 =	vadd.f32 v20, v24;
	v26 =	vadd.f32 v27, v26;
	v24 =	vld.idx.msk [tilespmem:v14+s16+$0x90 ss:$0x1], $0xffff  }
0x1a9: {  	v27 =	vld.idx.msk [tilespmem:v14+s16+$0x110 ss:$0x1], $0xffff  }
0x1aa: {  	v28 =	vadd.f32 v29, v28;
	v23 =	vadd.f32 v26, v23;
	v31 =	vld.idx.msk [tilespmem:v14+s16+$0x190 ss:$0x1], $0xffff  }
0x1ab: {  	v20 =	vadd.f32 v20, v22;
	v22 =	vld.idx.msk [tilespmem:v14+s16+$0x210 ss:$0x1], $0xffff  }
0x1ac: {  	v21 =	vadd.f32 v21, v30;
	v26 =	vld.idx.msk [tilespmem:v14+s16+$0x290 ss:$0x1], $0xffff  }
0x1ad: {  	v19 =	vadd.f32 v20, v19;
	v20 =	vld.idx.msk [tilespmem:v14+s16+$0x310 ss:$0x1], $0xffff  }
0x1ae: {  	v24 =	vadd.f32 v24, v25;
	v21 =	vadd.f32 v21, v28;
	v29 =	vld.idx.msk [tilespmem:v14+s16+$0x390 ss:$0x1], $0xffff  }
0x1af: {  	v25 =	vld.idx.msk [tilespmem:v14+s16+$0xFFFFFC20 ss:$0x1], $0xffff  }
0x1b0: {  	v27 =	vadd.f32 v31, v27;
	v21 =	vadd.f32 v21, v23;
	v23 =	vld.idx.msk [tilespmem:v14+s16+$0xFFFFFCA0 ss:$0x1], $0xffff  }
0x1b1: {  	v28 =	vld.idx.msk [tilespmem:v14+s16+$0xFFFFFD20 ss:$0x1], $0xffff  }
0x1b2: {  	v22 =	vadd.f32 v26, v22;
	v24 =	vadd.f32 v27, v24;
	v26 =	vld.idx.msk [tilespmem:v14+s16+$0xFFFFFDA0 ss:$0x1], $0xffff  }
0x1b3: {  	v27 =	vld.idx.msk [tilespmem:v14+s16+$0xFFFFFE20 ss:$0x1], $0xffff  }
0x1b4: {  	v20 =	vadd.f32 v29, v20;
	v29 =	vld.idx.msk [tilespmem:v14+s16+$0xFFFFFEA0 ss:$0x1], $0xffff  }
0x1b5: {  	v30 =	vld.idx.msk [tilespmem:v14+s16+$0xFFFFFF20 ss:$0x1], $0xffff  }
0x1b6: {  	v20 =	vadd.f32 v20, v22;
	v23 =	vadd.f32 v23, v25;
	v22 =	vld.idx.msk [tilespmem:v14+s16+$0xFFFFFFA0 ss:$0x1], $0xffff  }
0x1b7: {  	v25 =	vld.idx.msk [tilespmem:v14+s16+$0x20 ss:$0x1], $0xffff  }
0x1b8: {  	v20 =	vadd.f32 v20, v24;
	v26 =	vadd.f32 v26, v28;
	v24 =	vld.idx.msk [tilespmem:v14+s16+$0xA0 ss:$0x1], $0xffff  }
0x1b9: {  	v28 =	vld.idx.msk [tilespmem:v14+s16+$0x120 ss:$0x1], $0xffff  }
0x1ba: {  	v27 =	vadd.f32 v29, v27;
	v23 =	vadd.f32 v26, v23;
	v31 =	vld.idx.msk [tilespmem:v14+s16+$0x1A0 ss:$0x1], $0xffff  }
0x1bb: {  	v20 =	vadd.f32 v20, v21;
	v21 =	vld.idx.msk [tilespmem:v14+s16+$0x220 ss:$0x1], $0xffff  }
0x1bc: {  	v22 =	vadd.f32 v22, v30;
	v26 =	vld.idx.msk [tilespmem:v14+s16+$0x2A0 ss:$0x1], $0xffff  }
0x1bd: {  	v18 =	vadd.f32 v20, v18;
	v20 =	vld.idx.msk [tilespmem:v14+s16+$0x320 ss:$0x1], $0xffff  }
0x1be: {  	v24 =	vadd.f32 v24, v25;
	v22 =	vadd.f32 v22, v27;
	v29 =	vld.idx.msk [tilespmem:v14+s16+$0x3A0 ss:$0x1], $0xffff  }
0x1bf: {  	v25 =	vld.idx.msk [tilespmem:v14+s16+$0xFFFFFC30 ss:$0x1], $0xffff  }
0x1c0: {  	v27 =	vadd.f32 v31, v28;
	v22 =	vadd.f32 v22, v23;
	v23 =	vld.idx.msk [tilespmem:v14+s16+$0xFFFFFCB0 ss:$0x1], $0xffff  }
0x1c1: {  	v28 =	vld.idx.msk [tilespmem:v14+s16+$0xFFFFFD30 ss:$0x1], $0xffff  }
0x1c2: {  	v21 =	vadd.f32 v26, v21;
	v24 =	vadd.f32 v27, v24;
	v26 =	vld.idx.msk [tilespmem:v14+s16+$0xFFFFFDB0 ss:$0x1], $0xffff  }
0x1c3: {  	v27 =	vld.idx.msk [tilespmem:v14+s16+$0xFFFFFE30 ss:$0x1], $0xffff  }
0x1c4: {  	v20 =	vadd.f32 v29, v20;
	v29 =	vld.idx.msk [tilespmem:v14+s16+$0xFFFFFEB0 ss:$0x1], $0xffff  }
0x1c5: {  	v30 =	vld.idx.msk [tilespmem:v14+s16+$0xFFFFFF30 ss:$0x1], $0xffff  }
0x1c6: {  	v20 =	vadd.f32 v20, v21;
	v23 =	vadd.f32 v23, v25;
	v21 =	vld.idx.msk [tilespmem:v14+s16+$0xFFFFFFB0 ss:$0x1], $0xffff  }
0x1c7: {  	v25 =	vld.idx.msk [tilespmem:v14+s16+$0x30 ss:$0x1], $0xffff  }
0x1c8: {  	v20 =	vadd.f32 v20, v24;
	v26 =	vadd.f32 v26, v28;
	v24 =	vld.idx.msk [tilespmem:v14+s16+$0xB0 ss:$0x1], $0xffff  }
0x1c9: {  	v28 =	vld.idx.msk [tilespmem:v14+s16+$0x130 ss:$0x1], $0xffff  }
0x1ca: {  	v27 =	vadd.f32 v29, v27;
	v23 =	vadd.f32 v26, v23;
	v31 =	vld.idx.msk [tilespmem:v14+s16+$0x1B0 ss:$0x1], $0xffff  }
0x1cb: {  	v20 =	vadd.f32 v20, v22;
	v22 =	vld.idx.msk [tilespmem:v14+s16+$0x230 ss:$0x1], $0xffff  }
0x1cc: {  	v21 =	vadd.f32 v21, v30;
	v26 =	vld.idx.msk [tilespmem:v14+s16+$0x2B0 ss:$0x1], $0xffff  }
0x1cd: {  	v17 =	vadd.f32 v20, v17;
	v20 =	vld.idx.msk [tilespmem:v14+s16+$0x330 ss:$0x1], $0xffff  }
0x1ce: {  	v24 =	vadd.f32 v24, v25;
	v21 =	vadd.f32 v21, v27;
	v29 =	vld.idx.msk [tilespmem:v14+s16+$0x3B0 ss:$0x1], $0xffff  }
0x1cf: {  	v25 =	vld.idx.msk [tilespmem:v14+s16+$0xFFFFFC40 ss:$0x1], $0xffff  }
0x1d0: {  	v27 =	vadd.f32 v31, v28;
	v21 =	vadd.f32 v21, v23;
	v23 =	vld.idx.msk [tilespmem:v14+s16+$0xFFFFFCC0 ss:$0x1], $0xffff  }
0x1d1: {  	v28 =	vld.idx.msk [tilespmem:v14+s16+$0xFFFFFD40 ss:$0x1], $0xffff  }
0x1d2: {  	v22 =	vadd.f32 v26, v22;
	v24 =	vadd.f32 v27, v24;
	v26 =	vld.idx.msk [tilespmem:v14+s16+$0xFFFFFDC0 ss:$0x1], $0xffff  }
0x1d3: {  	v27 =	vld.idx.msk [tilespmem:v14+s16+$0xFFFFFE40 ss:$0x1], $0xffff  }
0x1d4: {  	v20 =	vadd.f32 v29, v20;
	v29 =	vld.idx.msk [tilespmem:v14+s16+$0xFFFFFEC0 ss:$0x1], $0xffff  }
0x1d5: {  	v30 =	vld.idx.msk [tilespmem:v14+s16+$0xFFFFFF40 ss:$0x1], $0xffff  }
0x1d6: {  	v20 =	vadd.f32 v20, v22;
	v23 =	vadd.f32 v23, v25;
	v22 =	vld.idx.msk [tilespmem:v14+s16+$0xFFFFFFC0 ss:$0x1], $0xffff  }
0x1d7: {  	v25 =	vld.idx.msk [tilespmem:v14+s16+$0x40 ss:$0x1], $0xffff  }
0x1d8: {  	v20 =	vadd.f32 v20, v24;
	v26 =	vadd.f32 v26, v28;
	v24 =	vld.idx.msk [tilespmem:v14+s16+$0xC0 ss:$0x1], $0xffff  }
0x1d9: {  	v28 =	vld.idx.msk [tilespmem:v14+s16+$0x140 ss:$0x1], $0xffff  }
0x1da: {  	v27 =	vadd.f32 v29, v27;
	v23 =	vadd.f32 v26, v23;
	v31 =	vld.idx.msk [tilespmem:v14+s16+$0x1C0 ss:$0x1], $0xffff  }
0x1db: {  	v20 =	vadd.f32 v20, v21;
	v21 =	vld.idx.msk [tilespmem:v14+s16+$0x240 ss:$0x1], $0xffff  }
0x1dc: {  	v22 =	vadd.f32 v22, v30;
	v26 =	vld.idx.msk [tilespmem:v14+s16+$0x2C0 ss:$0x1], $0xffff  }
0x1dd: {  	v16 =	vadd.f32 v20, v16;
	v20 =	vld.idx.msk [tilespmem:v14+s16+$0x340 ss:$0x1], $0xffff  }
0x1de: {  	v24 =	vadd.f32 v24, v25;
	v22 =	vadd.f32 v22, v27;
	v29 =	vld.idx.msk [tilespmem:v14+s16+$0x3C0 ss:$0x1], $0xffff  }
0x1df: {  	v25 =	vld.idx.msk [tilespmem:v14+s16+$0xFFFFFC50 ss:$0x1], $0xffff  }
0x1e0: {  	v27 =	vadd.f32 v31, v28;
	v22 =	vadd.f32 v22, v23;
	v23 =	vld.idx.msk [tilespmem:v14+s16+$0xFFFFFCD0 ss:$0x1], $0xffff  }
0x1e1: {  	v28 =	vld.idx.msk [tilespmem:v14+s16+$0xFFFFFD50 ss:$0x1], $0xffff  }
0x1e2: {  	v21 =	vadd.f32 v26, v21;
	v24 =	vadd.f32 v27, v24;
	v26 =	vld.idx.msk [tilespmem:v14+s16+$0xFFFFFDD0 ss:$0x1], $0xffff  }
0x1e3: {  	v27 =	vld.idx.msk [tilespmem:v14+s16+$0xFFFFFE50 ss:$0x1], $0xffff  }
0x1e4: {  	v20 =	vadd.f32 v29, v20;
	v29 =	vld.idx.msk [tilespmem:v14+s16+$0xFFFFFED0 ss:$0x1], $0xffff  }
0x1e5: {  	v30 =	vld.idx.msk [tilespmem:v14+s16+$0xFFFFFF50 ss:$0x1], $0xffff  }
0x1e6: {  	v20 =	vadd.f32 v20, v21;
	v23 =	vadd.f32 v23, v25;
	v21 =	vld.idx.msk [tilespmem:v14+s16+$0xFFFFFFD0 ss:$0x1], $0xffff  }
0x1e7: {  	v25 =	vld.idx.msk [tilespmem:v14+s16+$0x50 ss:$0x1], $0xffff  }
0x1e8: {  	v20 =	vadd.f32 v20, v24;
	v26 =	vadd.f32 v26, v28;
	v24 =	vld.idx.msk [tilespmem:v14+s16+$0xD0 ss:$0x1], $0xffff  }
0x1e9: {  	v28 =	vld.idx.msk [tilespmem:v14+s16+$0x150 ss:$0x1], $0xffff  }
0x1ea: {  	v27 =	vadd.f32 v29, v27;
	v23 =	vadd.f32 v26, v23;
	v31 =	vld.idx.msk [tilespmem:v14+s16+$0x1D0 ss:$0x1], $0xffff  }
0x1eb: {  	v20 =	vadd.f32 v20, v22;
	v22 =	vld.idx.msk [tilespmem:v14+s16+$0x250 ss:$0x1], $0xffff  }
0x1ec: {  	v21 =	vadd.f32 v21, v30;
	v26 =	vld.idx.msk [tilespmem:v14+s16+$0x2D0 ss:$0x1], $0xffff  }
0x1ed: {  	v15 =	vadd.f32 v20, v15;
	v20 =	vld.idx.msk [tilespmem:v14+s16+$0x350 ss:$0x1], $0xffff  }
0x1ee: {  	v24 =	vadd.f32 v24, v25;
	v21 =	vadd.f32 v21, v27;
	v29 =	vld.idx.msk [tilespmem:v14+s16+$0x3D0 ss:$0x1], $0xffff  }
0x1ef: {  	v25 =	vld.idx.msk [tilespmem:v14+s16+$0xFFFFFC60 ss:$0x1], $0xffff  }
0x1f0: {  	v27 =	vadd.f32 v31, v28;
	v21 =	vadd.f32 v21, v23;
	v23 =	vld.idx.msk [tilespmem:v14+s16+$0xFFFFFCE0 ss:$0x1], $0xffff  }
0x1f1: {  	v28 =	vld.idx.msk [tilespmem:v14+s16+$0xFFFFFD60 ss:$0x1], $0xffff  }
0x1f2: {  	v22 =	vadd.f32 v26, v22;
	v24 =	vadd.f32 v27, v24;
	v26 =	vld.idx.msk [tilespmem:v14+s16+$0xFFFFFDE0 ss:$0x1], $0xffff  }
0x1f3: {  	v27 =	vld.idx.msk [tilespmem:v14+s16+$0xFFFFFE60 ss:$0x1], $0xffff  }
0x1f4: {  	v20 =	vadd.f32 v29, v20;
	v29 =	vld.idx.msk [tilespmem:v14+s16+$0xFFFFFEE0 ss:$0x1], $0xffff  }
0x1f5: {  	v30 =	vld.idx.msk [tilespmem:v14+s16+$0xFFFFFF60 ss:$0x1], $0xffff  }
0x1f6: {  	v20 =	vadd.f32 v20, v22;
	v23 =	vadd.f32 v23, v25;
	v22 =	vld.idx.msk [tilespmem:v14+s16+$0xFFFFFFE0 ss:$0x1], $0xffff  }
0x1f7: {  	v25 =	vld.idx.msk [tilespmem:v14+s16+$0x60 ss:$0x1], $0xffff  }
0x1f8: {  	v20 =	vadd.f32 v20, v24;
	v26 =	vadd.f32 v26, v28;
	v24 =	vld.idx.msk [tilespmem:v14+s16+$0xE0 ss:$0x1], $0xffff  }
0x1f9: {  	v28 =	vld.idx.msk [tilespmem:v14+s16+$0x160 ss:$0x1], $0xffff  }
0x1fa: {  	v27 =	vadd.f32 v29, v27;
	v23 =	vadd.f32 v26, v23;
	v31 =	vld.idx.msk [tilespmem:v14+s16+$0x1E0 ss:$0x1], $0xffff  }
0x1fb: {  	v20 =	vadd.f32 v20, v21;
	v26 =	vld.idx.msk [tilespmem:v14+s16+$0x260 ss:$0x1], $0xffff  }
0x1fc: {  	v21 =	vadd.f32 v22, v30;
	v29 =	vld.idx.msk [tilespmem:v14+s16+$0x2E0 ss:$0x1], $0xffff  }
0x1fd: {  	v13 =	vadd.f32 v20, v13;
	v30 =	vld.idx.msk [tilespmem:v14+s16+$0x360 ss:$0x1], $0xffff  }
0x1fe: {  	v24 =	vadd.f32 v24, v25;
	v22 =	vadd.f32 v21, v27;
	v32 =	vld.idx.msk [tilespmem:v14+s16+$0x3E0 ss:$0x1], $0xffff;
	s16 =	sshra.s32 s17, $0x2  }
0x1ff: {  	v20 =	vld.idx.msk [tilespmem:v14+s16+$0xFFFFFC70 ss:$0x1], $0xffff  }
0x200: {  	v25 =	vadd.f32 v31, v28;
	v33 =	vadd.f32 v22, v23;
	v21 =	vld.idx.msk [tilespmem:v14+s16+$0xFFFFFCF0 ss:$0x1], $0xffff  }
0x201: {  	v22 =	vld.idx.msk [tilespmem:v14+s16+$0xFFFFFD70 ss:$0x1], $0xffff  }
0x202: {  	v28 =	vadd.f32 v29, v26;
	v31 =	vadd.f32 v25, v24;
	v23 =	vld.idx.msk [tilespmem:v14+s16+$0xFFFFFDF0 ss:$0x1], $0xffff  }
0x203: {  	v24 =	vld.idx.msk [tilespmem:v14+s16+$0xFFFFFE70 ss:$0x1], $0xffff  }
0x204: {  	v29 =	vadd.f32 v32, v30;
	v25 =	vld.idx.msk [tilespmem:v14+s16+$0xFFFFFEF0 ss:$0x1], $0xffff  }
0x205: {  	v26 =	vld.idx.msk [tilespmem:v14+s16+$0xFFFFFF70 ss:$0x1], $0xffff  }
0x206: {  	v30 =	vadd.f32 v29, v28;
	v27 =	vld.idx.msk [tilespmem:v14+s16+$0xFFFFFFF0 ss:$0x1], $0xffff  }
0x207: {  	v28 =	vld.idx.msk [tilespmem:v14+s16+$0x70 ss:$0x1], $0xffff  }
0x208: {  	v32 =	vadd.f32 v30, v31;
	v29 =	vld.idx.msk [tilespmem:v14+s16+$0xF0 ss:$0x1], $0xffff  }
.Ltmp11:
0x209: {  	v30 =	vld.idx.msk [tilespmem:v14+s16+$0x170 ss:$0x1], $0xffff;
	(pc) =	sbr.rel @p1 .LBB2_9-.Ltmp11, $4  }
0x20a: {  	v34 =	vadd.f32 v32, v33;
	v31 =	vld.idx.msk [tilespmem:v14+s16+$0x1F0 ss:$0x1], $0xffff  }
0x20b: {  	v32 =	vld.idx.msk [tilespmem:v14+s16+$0x270 ss:$0x1], $0xffff  }
0x20c: {  	v12 =	vadd.f32 v34, v12;
	v33 =	vld.idx.msk [tilespmem:v14+s16+$0x2F0 ss:$0x1], $0xffff  }
0x20d: {  	s17 =	sadd.s32 $0x2000, s17;
	v34 =	vld.idx.msk [tilespmem:v14+s16+$0x370 ss:$0x1], $0xffff  }
0x20e: {  	_ =	sdelay $0x3  }
0x20f: {  	v11 =	vld.idx.msk [tilespmem:v14+s16+$0xFFFFFC20 ss:$0x1], $0xffff;
	_ =	sdelay $0x4  }
0x210: {  	[tilespmem:$0x1FE40] =	vst v11;
	v11 =	vld.idx.msk [tilespmem:v14+s16+$0xFFFFFCA0 ss:$0x1], $0xffff;
	_ =	sdelay $0x4  }
0x211: {  	[tilespmem:$0x1FE50] =	vst v11;
	v11 =	vld.idx.msk [tilespmem:v14+s16+$0xFFFFFD20 ss:$0x1], $0xffff;
	_ =	sdelay $0x4  }
0x212: {  	[tilespmem:$0x1FE60] =	vst v11;
	v11 =	vld.idx.msk [tilespmem:v14+s16+$0xFFFFFDA0 ss:$0x1], $0xffff;
	_ =	sdelay $0x4  }
0x213: {  	[tilespmem:$0x1FE70] =	vst v11;
	v11 =	vld.idx.msk [tilespmem:v14+s16+$0xFFFFFE20 ss:$0x1], $0xffff;
	_ =	sdelay $0x4  }
0x214: {  	[tilespmem:$0x1FE80] =	vst v11;
	v11 =	vld.idx.msk [tilespmem:v14+s16+$0xFFFFFEA0 ss:$0x1], $0xffff;
	_ =	sdelay $0x4  }
0x215: {  	[tilespmem:$0x1FE90] =	vst v11;
	v11 =	vld.idx.msk [tilespmem:v14+s16+$0xFFFFFF20 ss:$0x1], $0xffff;
	_ =	sdelay $0x4  }
0x216: {  	[tilespmem:$0x1FEA0] =	vst v11;
	v11 =	vld.idx.msk [tilespmem:v14+s16+$0xFFFFFFA0 ss:$0x1], $0xffff;
	_ =	sdelay $0x4  }
0x217: {  	[tilespmem:$0x1FEB0] =	vst v11;
	v11 =	vld.idx.msk [tilespmem:v14+s16+$0x20 ss:$0x1], $0xffff;
	_ =	sdelay $0x4  }
0x218: {  	[tilespmem:$0x1FEC0] =	vst v11;
	v11 =	vld.idx.msk [tilespmem:v14+s16+$0xA0 ss:$0x1], $0xffff;
	_ =	sdelay $0x4  }
0x219: {  	[tilespmem:$0x1FED0] =	vst v11;
	v11 =	vld.idx.msk [tilespmem:v14+s16+$0x120 ss:$0x1], $0xffff;
	_ =	sdelay $0x4  }
0x21a: {  	[tilespmem:$0x1FEE0] =	vst v11;
	v11 =	vld.idx.msk [tilespmem:v14+s16+$0x1A0 ss:$0x1], $0xffff;
	_ =	sdelay $0x4  }
0x21b: {  	[tilespmem:$0x1FEF0] =	vst v11;
	v11 =	vld.idx.msk [tilespmem:v14+s16+$0x220 ss:$0x1], $0xffff  }
0x21c: {  	v35 =	vld.idx.msk [tilespmem:v14+s16+$0x3F0 ss:$0x1], $0xffff  }
0x21d: {  	v36 =	vld.idx.msk [tilespmem:v14+s16+$0xFFFFFC00 ss:$0x1], $0xffff  }
0x21e: {  	v37 =	vld.idx.msk [tilespmem:v14+s16+$0xFFFFFC80 ss:$0x1], $0xffff  }
0x21f: {  	v38 =	vld.idx.msk [tilespmem:v14+s16+$0xFFFFFD00 ss:$0x1], $0xffff  }
0x220: {  	[tilespmem:$0x1FF00] =	vst v11;
	v11 =	vld.idx.msk [tilespmem:v14+s16+$0x2A0 ss:$0x1], $0xffff  }
0x221: {  	v39 =	vld.idx.msk [tilespmem:v14+s16+$0xFFFFFD80 ss:$0x1], $0xffff  }
0x222: {  	v40 =	vld.idx.msk [tilespmem:v14+s16+$0xFFFFFE00 ss:$0x1], $0xffff  }
0x223: {  	v41 =	vld.idx.msk [tilespmem:v14+s16+$0xFFFFFE80 ss:$0x1], $0xffff  }
0x224: {  	v42 =	vld.idx.msk [tilespmem:v14+s16+$0xFFFFFF00 ss:$0x1], $0xffff  }
0x225: {  	[tilespmem:$0x1FF10] =	vst v11;
	v11 =	vld.idx.msk [tilespmem:v14+s16+$0x320 ss:$0x1], $0xffff  }
0x226: {  	v43 =	vld.idx.msk [tilespmem:v14+s16+$0xFFFFFF80 ss:$0x1], $0xffff  }
0x227: {  	v44 =	vld.idx.msk [tilespmem:v14+s16+$0x0 ss:$0x1], $0xffff  }
0x228: {  	v45 =	vld.idx.msk [tilespmem:v14+s16+$0x80 ss:$0x1], $0xffff  }
0x229: {  	v46 =	vld.idx.msk [tilespmem:v14+s16+$0x100 ss:$0x1], $0xffff  }
0x22a: {  	[tilespmem:$0x1FF20] =	vst v11;
	v11 =	vld.idx.msk [tilespmem:v14+s16+$0x3A0 ss:$0x1], $0xffff  }
0x22b: {  	v47 =	vld.idx.msk [tilespmem:v14+s16+$0x180 ss:$0x1], $0xffff  }
0x22c: {  	v48 =	vld.idx.msk [tilespmem:v14+s16+$0x200 ss:$0x1], $0xffff  }
0x22d: {  	v49 =	vld.idx.msk [tilespmem:v14+s16+$0x280 ss:$0x1], $0xffff  }
0x22e: {  	v50 =	vld.idx.msk [tilespmem:v14+s16+$0x300 ss:$0x1], $0xffff  }
0x22f: {  	[tilespmem:$0x1FF30] =	vst v11;
	v11 =	vld.idx.msk [tilespmem:v14+s16+$0xFFFFFC30 ss:$0x1], $0xffff  }
0x230: {  	v51 =	vld.idx.msk [tilespmem:v14+s16+$0x380 ss:$0x1], $0xffff  }
0x231: {  	v52 =	vld.idx.msk [tilespmem:v14+s16+$0xFFFFFC10 ss:$0x1], $0xffff  }
0x232: {  	v53 =	vld.idx.msk [tilespmem:v14+s16+$0xFFFFFC90 ss:$0x1], $0xffff  }
0x233: {  	v54 =	vld.idx.msk [tilespmem:v14+s16+$0xFFFFFD10 ss:$0x1], $0xffff  }
0x234: {  	[tilespmem:$0x1FF40] =	vst v11;
	v11 =	vld.idx.msk [tilespmem:v14+s16+$0xFFFFFCB0 ss:$0x1], $0xffff  }
0x235: {  	v55 =	vld.idx.msk [tilespmem:v14+s16+$0xFFFFFD90 ss:$0x1], $0xffff  }
0x236: {  	v56 =	vld.idx.msk [tilespmem:v14+s16+$0xFFFFFE10 ss:$0x1], $0xffff  }
0x237: {  	v57 =	vld.idx.msk [tilespmem:v14+s16+$0xFFFFFE90 ss:$0x1], $0xffff  }
0x238: {  	v58 =	vld.idx.msk [tilespmem:v14+s16+$0xFFFFFF10 ss:$0x1], $0xffff  }
0x239: {  	[tilespmem:$0x1FF50] =	vst v11;
	v11 =	vld.idx.msk [tilespmem:v14+s16+$0xFFFFFD30 ss:$0x1], $0xffff  }
0x23a: {  	v59 =	vld.idx.msk [tilespmem:v14+s16+$0xFFFFFF90 ss:$0x1], $0xffff  }
0x23b: {  	v60 =	vld.idx.msk [tilespmem:v14+s16+$0x10 ss:$0x1], $0xffff  }
0x23c: {  	v61 =	vld.idx.msk [tilespmem:v14+s16+$0x90 ss:$0x1], $0xffff  }
0x23d: {  	v2 =	vld.idx.msk [tilespmem:v14+s16+$0x110 ss:$0x1], $0xffff  }
0x23e: {  	[tilespmem:$0x1FF60] =	vst v11;
	v11 =	vld.idx.msk [tilespmem:v14+s16+$0xFFFFFDB0 ss:$0x1], $0xffff  }
0x23f: {  	v63 =	vld.idx.msk [tilespmem:v14+s16+$0x190 ss:$0x1], $0xffff  }
0x240: {  	v62 =	vld.idx.msk [tilespmem:v14+s16+$0x290 ss:$0x1], $0xffff  }
0x241: {  	v20 =	vadd.f32 v21, v20;
	v21 =	vld.idx.msk [tilespmem:v14+s16+$0x1B0 ss:$0x1], $0xffff  }
0x242: {  	v22 =	vadd.f32 v23, v22;
	v23 =	vadd.f32 v25, v24;
	v24 =	vld.idx.msk [tilespmem:v14+s16+$0x230 ss:$0x1], $0xffff  }
0x243: {  	[tilespmem:$0x1FF70] =	vst v11;
	v11 =	vld.idx.msk [tilespmem:v14+s16+$0xFFFFFE30 ss:$0x1], $0xffff  }
0x244: {  	v25 =	vadd.f32 v27, v26;
	v27 =	vld.idx.msk [tilespmem:v14+s16+$0x2B0 ss:$0x1], $0xffff  }
0x245: {  	v26 =	vadd.f32 v29, v28;
	v28 =	vadd.f32 v31, v30;
	v30 =	vld.idx.msk [tilespmem:v14+s16+$0x330 ss:$0x1], $0xffff  }
0x246: {  	v29 =	vadd.f32 v33, v32;
	v32 =	vld.idx.msk [tilespmem:v14+s16+$0x3B0 ss:$0x1], $0xffff  }
0x247: {  	[tilespmem:$0x1FE10] =	vst v2;
	v2 =	vld.idx.msk [tilespmem:v14+s16+$0x210 ss:$0x1], $0xffff  }
0x248: {  	[tilespmem:$0x1FF80] =	vst v11;
	v11 =	vld.idx.msk [tilespmem:v14+s16+$0xFFFFFEB0 ss:$0x1], $0xffff  }
0x249: {  	v31 =	vadd.f32 v35, v34;
	v35 =	vadd.f32 v25, v23;
	v25 =	vld.idx.msk [tilespmem:v14+s16+$0xFFFFFC40 ss:$0x1], $0xffff  }
0x24a: {  	v23 =	vadd.f32 v28, v26;
	v28 =	vadd.f32 v37, v36;
	v37 =	vld.idx.msk [tilespmem:v14+s16+$0xFFFFFE40 ss:$0x1], $0xffff  }
0x24b: {  	v39 =	vadd.f32 v39, v38;
	v38 =	vld.idx.msk [tilespmem:v14+s16+$0xFFFFFEC0 ss:$0x1], $0xffff  }
0x24c: {  	v34 =	vld.idx.msk [tilespmem:v14+s16+$0x40 ss:$0x1], $0xffff  }
0x24d: {  	[tilespmem:$0x1FF90] =	vst v11;
	v11 =	vld.idx.msk [tilespmem:v14+s16+$0xFFFFFF30 ss:$0x1], $0xffff  }
0x24e: {  	v41 =	vadd.f32 v41, v40;
	v40 =	vld.idx.msk [tilespmem:v14+s16+$0xC0 ss:$0x1], $0xffff  }
0x24f: {  	v43 =	vadd.f32 v43, v42;
	v42 =	vld.idx.msk [tilespmem:v14+s16+$0x140 ss:$0x1], $0xffff  }
0x250: {  	v45 =	vadd.f32 v45, v44;
	v44 =	vld.idx.msk [tilespmem:v14+s16+$0x240 ss:$0x1], $0xffff  }
0x251: {  	v26 =	vadd.f32 v31, v29;
	v29 =	vld.idx.msk [tilespmem:v14+s16+$0xFFFFFCC0 ss:$0x1], $0xffff  }
0x252: {  	v20 =	vadd.f32 v22, v20;
	[tilespmem:$0x1FFA0] =	vst v11;
	v11 =	vld.idx.msk [tilespmem:v14+s16+$0xFFFFFFB0 ss:$0x1], $0xffff  }
0x253: {  	v31 =	vld.idx.msk [tilespmem:v14+s16+$0xFFFFFD40 ss:$0x1], $0xffff  }
0x254: {  	v20 =	vadd.f32 v35, v20;
	v35 =	vld.idx.msk [tilespmem:v14+s16+$0xFFFFFDC0 ss:$0x1], $0xffff  }
0x255: {  	v33 =	vadd.f32 v43, v41;
	v41 =	vld.idx.msk [tilespmem:v14+s16+$0xFFFFFF40 ss:$0x1], $0xffff  }
0x256: {  	v48 =	vadd.f32 v49, v48;
	v49 =	vadd.f32 v51, v50;
	v43 =	vld.idx.msk [tilespmem:v14+s16+$0x1C0 ss:$0x1], $0xffff  }
0x257: {  	[tilespmem:$0x1FFB0] =	vst v11;
	v11 =	vld.idx.msk [tilespmem:v14+s16+$0x30 ss:$0x1], $0xffff  }
0x258: {  	v51 =	vadd.f32 v49, v48;
	v48 =	vld.idx.msk [tilespmem:v14+s16+$0xFFFFFD50 ss:$0x1], $0xffff  }
0x259: {  	v49 =	vld.idx.msk [tilespmem:v14+s16+$0xFFFFFDD0 ss:$0x1], $0xffff  }
0x25a: {  	v24 =	vadd.f32 v27, v24;
	v27 =	vadd.f32 v32, v30;
	v30 =	vld.idx.msk [tilespmem:v14+s16+$0x350 ss:$0x1], $0xffff  }
0x25b: {  	v32 =	vld.idx.msk [tilespmem:v14+s16+$0x3D0 ss:$0x1], $0xffff  }
0x25c: {  	v47 =	vadd.f32 v47, v46;
	v28 =	vadd.f32 v39, v28;
	[tilespmem:$0x1FFC0] =	vst v11;
	v11 =	vld.idx.msk [tilespmem:v14+s16+$0xB0 ss:$0x1], $0xffff  }
0x25d: {  	v22 =	vadd.f32 v26, v23;
	v26 =	vld.idx.msk [tilespmem:v14+s16+$0xFFFFFFC0 ss:$0x1], $0xffff  }
0x25e: {  	v50 =	vadd.f32 v33, v28;
	v28 =	vadd.f32 v47, v45;
	v45 =	vld.idx.msk [tilespmem:v14+s16+$0x2C0 ss:$0x1], $0xffff  }
0x25f: {  	v47 =	vld.idx.msk [tilespmem:v14+s16+$0xFFFFFCD0 ss:$0x1], $0xffff  }
0x260: {  	[tilespmem:$0x1FE20] =	vst v2;
	v2 =	vld.idx.msk [tilespmem:v14+s16+$0x310 ss:$0x1], $0xffff  }
0x261: {  	[tilespmem:$0x1FFD0] =	vst v11;
	v11 =	vld.idx.msk [tilespmem:v14+s16+$0x130 ss:$0x1], $0xffff  }
0x262: {  	v28 =	vadd.f32 v51, v28;
	v51 =	vld [tilespmem:$0x1FE50]  }
0x263: {  	v25 =	vadd.f32 v29, v25;
	v29 =	vld.idx.msk [tilespmem:v14+s16+$0xFFFFFCE0 ss:$0x1], $0xffff  }
0x264: {  	v23 =	vadd.f32 v28, v50;
	v50 =	vld [tilespmem:$0x1FE40]  }
0x265: {  	v26 =	vadd.f32 v26, v41;
	v41 =	vadd.f32 v40, v34;
	v34 =	vld.idx.msk [tilespmem:v14+s16+$0xFFFFFE60 ss:$0x1], $0xffff  }
0x266: {  	[tilespmem:$0x1FFE0] =	vst v11;
	v11 =	vld [tilespmem:$0x1FE10]  }
0x267: {  	[tilespmem:$0x1FE30] =	vst v2;
	v2 =	vld.idx.msk [tilespmem:v14+s16+$0x390 ss:$0x1], $0xffff  }
0x268: {  	v53 =	vadd.f32 v53, v52;
	v55 =	vadd.f32 v55, v54;
	v52 =	vld [tilespmem:$0x1FE60]  }
0x269: {  	v39 =	vadd.f32 v51, v50;
	v50 =	vld.idx.msk [tilespmem:v14+s16+$0xFFFFFE50 ss:$0x1], $0xffff  }
0x26a: {  	v36 =	vadd.f32 v55, v53;
	v53 =	vld [tilespmem:$0x1FE70]  }
0x26b: {  	v28 =	vadd.f32 v61, v60;
	v61 =	vadd.f32 v63, v11;
	v11 =	vld [tilespmem:$0x1FE20]  }
0x26c: {  	v55 =	vld [tilespmem:$0x1FEA0]  }
0x26d: {  	v57 =	vadd.f32 v57, v56;
	v56 =	vld [tilespmem:$0x1FEB0]  }
0x26e: {  	v51 =	vld.idx.msk [tilespmem:v14+s16+$0xFFFFFED0 ss:$0x1], $0xffff  }
0x26f: {  	v59 =	vadd.f32 v59, v58;
	v54 =	vld [tilespmem:$0x1FE90]  }
0x270: {  	v46 =	vadd.f32 v53, v52;
	v62 =	vadd.f32 v62, v11;
	v11 =	vld [tilespmem:$0x1FE30]  }
0x271: {  	v33 =	vadd.f32 v59, v57;
	v57 =	vld [tilespmem:$0x1FEC0]  }
0x272: {  	v39 =	vadd.f32 v46, v39;
	v46 =	vadd.f32 v56, v55;
	v55 =	vld.idx.msk [tilespmem:v14+s16+$0xD0 ss:$0x1], $0xffff  }
0x273: {  	v56 =	vld.idx.msk [tilespmem:v14+s16+$0x150 ss:$0x1], $0xffff  }
0x274: {  	v58 =	vld [tilespmem:$0x1FED0]  }
0x275: {  	v59 =	vld [tilespmem:$0x1FEE0];
	v2 =	vadd.f32 v2, v11  }
0x276: {  	v60 =	vld [tilespmem:$0x1FEF0]  }
0x277: {  	v28 =	vadd.f32 v61, v28;
	v61 =	vld [tilespmem:$0x1FF00];
	v2 =	vadd.f32 v2, v62  }
0x278: {  	v62 =	vld [tilespmem:$0x1FF10]  }
0x279: {  	v2 =	vadd.f32 v2, v28;
	v28 =	vld [tilespmem:$0x1FE80]  }
0x27a: {  	v19 =	vadd.f32 v23, v19;
	v23 =	vadd.f32 v58, v57;
	v57 =	vld [tilespmem:$0x1FF30]  }
0x27b: {  	v63 =	vadd.f32 v33, v36;
	v33 =	vld.idx.msk [tilespmem:v14+s16+$0x3C0 ss:$0x1], $0xffff  }
0x27c: {  	v36 =	vld.idx.msk [tilespmem:v14+s16+$0xFFFFFC50 ss:$0x1], $0xffff  }
0x27d: {  	v2 =	vadd.f32 v2, v63;
	v63 =	vld [tilespmem:$0x1FF20]  }
0x27e: {  	v52 =	vadd.f32 v62, v61;
	v61 =	vld [tilespmem:$0x1FF60];
	v28 =	vadd.f32 v54, v28  }
0x27f: {  	v62 =	vld [tilespmem:$0x1FF70]  }
0x280: {  	v28 =	vadd.f32 v46, v28;
	v46 =	vadd.f32 v60, v59;
	v59 =	vld [tilespmem:$0x1FF40]  }
0x281: {  	v60 =	vld [tilespmem:$0x1FF50]  }
0x282: {  	v11 =	vld.idx.msk [tilespmem:v14+s16+$0x340 ss:$0x1], $0xffff;
	v53 =	vadd.f32 v57, v63  }
0x283: {  	v63 =	vld [tilespmem:$0x1FF80]  }
0x284: {  	v58 =	vadd.f32 v53, v52;
	v53 =	vadd.f32 v62, v61;
	v61 =	vld [tilespmem:$0x1FFA0]  }
0x285: {  	v62 =	vld [tilespmem:$0x1FFB0]  }
0x286: {  	v52 =	vadd.f32 v60, v59;
	v60 =	vld [tilespmem:$0x1FF90]  }
0x287: {  	v54 =	vld.idx.msk [tilespmem:v14+s16+$0xFFFFFF50 ss:$0x1], $0xffff  }
0x288: {  	v2 =	vadd.f32 v2, v18;
	v57 =	vld.idx.msk [tilespmem:v14+s16+$0x1D0 ss:$0x1], $0xffff  }
0x289: {  	v18 =	vadd.f32 v28, v39;
	v28 =	vld.idx.msk [tilespmem:v14+s16+$0xFFFFFFD0 ss:$0x1], $0xffff;
	v23 =	vadd.f32 v46, v23  }
0x28a: {  	v52 =	vadd.f32 v53, v52;
	v53 =	vadd.f32 v62, v61;
	v61 =	vld [tilespmem:$0x1FFE0]  }
0x28b: {  	v23 =	vadd.f32 v58, v23;
	v39 =	vadd.f32 v60, v63;
	v63 =	vld [tilespmem:$0x1FFC0]  }
0x28c: {  	v60 =	vld [tilespmem:$0x1FFD0]  }
0x28d: {  	v46 =	vld.idx.msk [tilespmem:v14+s16+$0x50 ss:$0x1], $0xffff;
	v18 =	vadd.f32 v23, v18  }
0x28e: {  	v11 =	vadd.f32 v33, v11;
	v58 =	vld.idx.msk [tilespmem:v14+s16+$0x250 ss:$0x1], $0xffff;
	v39 =	vadd.f32 v53, v39  }
0x28f: {  	v59 =	vld.idx.msk [tilespmem:v14+s16+$0xFFFFFF60 ss:$0x1], $0xffff;
	v28 =	vadd.f32 v28, v54;
	v17 =	vadd.f32 v18, v17  }
0x290: {  	v54 =	vld.idx.msk [tilespmem:v14+s16+$0x3E0 ss:$0x1], $0xffff;
	v21 =	vadd.f32 v21, v61;
	v62 =	vadd.f32 v39, v52  }
0x291: {  	v53 =	vld.idx.msk [tilespmem:v14+s16+$0x2D0 ss:$0x1], $0xffff;
	v39 =	vadd.f32 v38, v37;
	v23 =	vadd.f32 v60, v63  }
0x292: {  	v61 =	vld.idx.msk [tilespmem:v14+s16+$0xFFFFFFE0 ss:$0x1], $0xffff;
	v52 =	vadd.f32 v45, v44;
	v44 =	vadd.f32 v51, v50  }
0x293: {  	v45 =	vld.idx.msk [tilespmem:v14+s16+$0x160 ss:$0x1], $0xffff;
	v63 =	vadd.f32 v27, v24;
	v21 =	vadd.f32 v21, v23  }
0x294: {  	v50 =	vld.idx.msk [tilespmem:v14+s16+$0x2E0 ss:$0x1], $0xffff;
	v27 =	vadd.f32 v35, v31;
	v23 =	vadd.f32 v26, v39  }
0x295: {  	v24 =	vld.idx.msk [tilespmem:v14+s16+$0xFFFFFC60 ss:$0x1], $0xffff;
	v26 =	vadd.f32 v43, v42;
	v21 =	vadd.f32 v63, v21  }
0x296: {  	v31 =	vld.idx.msk [tilespmem:v14+s16+$0xFFFFFD60 ss:$0x1], $0xffff;
	v11 =	vadd.f32 v11, v52;
	v25 =	vadd.f32 v27, v25  }
0x297: {  	v35 =	vld.idx.msk [tilespmem:v14+s16+$0xFFFFFEE0 ss:$0x1], $0xffff;
	v18 =	vadd.f32 v21, v62;
	v21 =	vadd.f32 v26, v41  }
0x298: {  	v52 =	vld.idx.msk [tilespmem:v14+s16+$0x360 ss:$0x1], $0xffff;
	v60 =	vadd.f32 v23, v25;
	v62 =	vadd.f32 v49, v48  }
0x299: {  	v27 =	vld.idx.msk [tilespmem:v14+s16+$0xFFFFFDE0 ss:$0x1], $0xffff;
	v48 =	vadd.f32 v55, v46;
	v11 =	vadd.f32 v11, v21  }
0x29a: {  	v25 =	vld.idx.msk [tilespmem:v14+s16+$0x60 ss:$0x1], $0xffff;
	v21 =	vadd.f32 v28, v44;
	v28 =	vadd.f32 v57, v56  }
0x29b: {  	v30 =	vadd.f32 v32, v30;
	v51 =	vadd.f32 v53, v58;
	v63 =	vld.idx.msk [tilespmem:v14+s16+$0xE0 ss:$0x1], $0xffff  }
0x29c: {  	v16 =	vadd.f32 v18, v16;
	v18 =	vadd.f32 v28, v48;
	v28 =	vld [tilespmem:$0x1FFF0]  }
0x29d: {  	v23 =	vadd.f32 v61, v59;
	v26 =	vadd.f32 v47, v36;
	v47 =	vld.idx.msk [tilespmem:v14+s16+$0x1E0 ss:$0x1], $0xffff  }
0x29e: {  	v24 =	vadd.f32 v29, v24;
	v49 =	vld.idx.msk [tilespmem:v14+s16+$0x260 ss:$0x1], $0xffff;
	v55 =	vadd.f32 v30, v51  }
0x29f: {  	v14 =	vadd.f32 v54, v52;
	v26 =	vadd.f32 v62, v26  }
0x2a0: {  	v25 =	vadd.f32 v63, v25;
	v11 =	vadd.f32 v11, v60  }
0x2a1: {  	v53 =	vadd.f32 v21, v26;
	v26 =	vadd.f32 v27, v31;
	v28 =	vshll.u32 v28, $0x7  }
0x2a2: {  	v27 =	vadd.f32 v35, v34;
	v29 =	vadd.f32 v47, v45;
	v56 =	vor.u32 v0, v28  }
0x2a3: {  	v57 =	vadd.f32 v50, v49;
	v11 =	vadd.f32 v11, v15;
	v58 =	vor.u32 v3, v28  }
0x2a4: {  	v24 =	vadd.f32 v26, v24;
	v23 =	vadd.f32 v23, v27;
	v26 =	vor.u32 v4, v28  }
0x2a5: {  	v25 =	vadd.f32 v29, v25;
	v14 =	vadd.f32 v14, v57;
	v27 =	vor.u32 v5, v28  }
0x2a6: {  	v18 =	vadd.f32 v55, v18;
	v59 =	vadd.f32 v23, v24;
	v60 =	vor.u32 v6, v28  }
0x2a7: {  	v14 =	vadd.f32 v14, v25;
	v61 =	vor.u32 v7, v28;
	[tilespmem:v56+s12+$0x0] =	vst.idx.add.f32.msk $0xffff, v19  }
0x2a8: {  	v15 =	vadd.f32 v18, v53;
	[tilespmem:v58+s12+$0x0] =	vst.idx.add.f32.msk $0xffff, v2;
	v2 =	vor.u32 v8, v28  }
0x2a9: {  	v62 =	vor.u32 v9, v28;
	v14 =	vadd.f32 v14, v59;
	[tilespmem:v26+s12+$0x0] =	vst.idx.add.f32.msk $0xffff, v17  }
.Ltmp12:
0x2aa: {  	v63 =	vadd.f32 v22, v20;
	v13 =	vadd.f32 v15, v13;
	[tilespmem:v27+s12+$0x0] =	vst.idx.add.f32.msk $0xffff, v16;
	(pc) =	sbr.rel .LBB2_15-.Ltmp12, $4  }
0x2ab: {  	v12 =	vadd.f32 v14, v12;
	[tilespmem:v60+s12+$0x0] =	vst.idx.add.f32.msk $0xffff, v11  }
0x2ac: {  	v10 =	vadd.f32 v63, v10;
	[tilespmem:v61+s12+$0x0] =	vst.idx.add.f32.msk $0xffff, v13  }
0x2ad: {  	[tilespmem:v2+s12+$0x0] =	vst.idx.add.f32.msk $0xffff, v12  }
0x2ae: {  	v27 =	vimm.s32 $0x0;
	[tilespmem:v62+s12+$0x0] =	vst.idx.add.f32.msk $0xffff, v10  }
.LBB2_17:
0x2af: {  	_ =	sfence.sel $0x180000  }
0x2b0: {  	[bflag:$0x0] =	sbarrier.arrive $0xFFFF  }
0x2b1: {  	p0 =	sne.s32 s0, $0x0;
	_ =	strace $0x90000047  }
0x2b2: {  	s0 =	sadd.s32 @!p0 $0x100000, s2;
	[bflag:$0x2] =	sbarrier.arrive $0xFFFF  }
0x2b3: {  	[sflag:s0] =	ssyncadd.tile.s32 @!p0 $0x1;
	_ =	shalt  }
.Lfunc_end2:
_tile_overlayer_lowered:
.L_overlay_start_2:
0x2b4: {  	(tag) =	ssettag $0x2  }
0x2b5: {  	s0 =	rddreg [dreg:$0x0];
	s2 =	stileid.u32  }
0x2b6: {  	s1 =	rddreg [dreg:$0x1];
	p0 =	sne.s32 s2, $0x0  }
0x2b7: {  	s3 =	rddreg [dreg:$0x2];
	[bflag:$0x3] =	sbarrier.arrive $0xFFFF;
	s2 =	simm.s32 @!p0 $0x1C03  }
0x2b8: {  	[timem:s3], [sflag:s2] =	dma.local @!p0 [hbm:s0], s1  }
0x2b9: {  	s0 =	simm.s32 @!p0 $0x3  }
0x2ba: {  	_ =	swait.ge @!p0 [sflag:s0], s1  }
0x2bb: {  	s1 =	ssub.s32 @!p0 $0x0, s1;
	[sflag:s0] =	ssyncset.done @!p0 $0x0  }
0x2bc: {  	[sflag:s0] =	ssyncadd.s32 @!p0 s1  }
0x2bd: {  	[bflag:$0x3] =	sbarrier.arrive $0xFFFF  }
0x2be: {  	_ =	shalt  }

</sc_bundles>
